<compile_context>
chip_gen: v7x
topology: tpu7x:2x2x1
jax: 0.10.2.dev20260603
libtpu: 0.0.44.dev20260713+nightly
codegen_flags: <defaults>
</compile_context>

<pallas_src>
import functools

import jax
import jax.numpy as jnp
from jax import lax
from jax.experimental import pallas as pl
from jax.experimental.pallas import tpu as pltpu
from jax.experimental.pallas import tpu_sc as plsc

N = 10000
E = 320000
D_IN = 128
D_HID = 256
D_OUT = 128

NC, NS = 2, 16
CHUNK = 128
CHUNK_G = 64
SLOTS = 2
N_ACC = 10112
ROWS_PER_TILE = N_ACC // NS

RND_S_BIG, N_BIG_S = 40, 2
RND_S = 39
RND_G_BIG, N_BIG_G = 79, 4
RND_G = 78


def _sc_mesh():
    return plsc.VectorSubcoreMesh(core_axis_name="c", subcore_axis_name="s")


def _tile_plan(c, s, rounds_small, rounds_big, n_big, edges_per_round):
    w = c * NS + s
    extra = rounds_big - rounds_small
    nb = jnp.minimum(w, n_big)
    base = (w * rounds_small + nb * extra) * edges_per_round
    rounds = jnp.where(w < n_big, rounds_big, rounds_small)
    return base, rounds


_SC_OUT = (jax.ShapeDtypeStruct((NC, N_ACC, D_IN), jnp.float32),
           jax.ShapeDtypeStruct((NC, N_ACC, 16), jnp.float32))


def _sage_sc(x, e_flat, zeros, zeros16):

    @functools.partial(
        pl.kernel,
        out_type=_SC_OUT,
        mesh=_sc_mesh(),
        compiler_params=pltpu.CompilerParams(use_tc_tiling_on_sc=False),
        scratch_types=[
            pltpu.VMEM_SHARED((N_ACC, D_IN), jnp.float32),
            pltpu.VMEM_SHARED((N_ACC, 16), jnp.float32),
            pltpu.VMEM((SLOTS, CHUNK), jnp.int32),
            pltpu.VMEM((SLOTS, CHUNK), jnp.int32),
            pltpu.VMEM((SLOTS, CHUNK, D_IN), jnp.float32),
            pltpu.VMEM((CHUNK, 16), jnp.float32),
            pltpu.SemaphoreType.DMA((SLOTS,)),
            pltpu.SemaphoreType.DMA((SLOTS,)),
            pltpu.SemaphoreType.DMA((SLOTS,)),
            pltpu.SemaphoreType.DMA((SLOTS,)),
        ],
    )
    def k(x_hbm, e_hbm, zero_hbm, zero16_hbm, out_hbm, cnt_hbm,
          acc, acc2, src_v, dst_v, rows_v, ones_v, sem_i, sem_g, sem_s,
          sem_c):
        c = lax.axis_index("c")
        s = lax.axis_index("s")
        row0 = s * ROWS_PER_TILE
        pltpu.sync_copy(zero_hbm.at[pl.ds(row0, ROWS_PER_TILE)],
                        acc.at[pl.ds(row0, ROWS_PER_TILE)])
        pltpu.sync_copy(zero16_hbm.at[pl.ds(row0, ROWS_PER_TILE)],
                        acc2.at[pl.ds(row0, ROWS_PER_TILE)])

        @pl.loop(0, CHUNK)
        def _(i):
            ones_v[i, :] = jnp.full((16,), 1.0, jnp.float32)

        plsc.subcore_barrier()
        tile_base, rounds = _tile_plan(c, s, RND_S, RND_S_BIG, N_BIG_S,
                                       SLOTS * CHUNK)

        def idx_descs(X, base):
            return (pltpu.make_async_copy(
                        e_hbm.at[pl.ds(base, CHUNK)], src_v.at[X],
                        sem_i.at[X]),
                    pltpu.make_async_copy(
                        e_hbm.at[pl.ds(E + base, CHUNK)], dst_v.at[X],
                        sem_i.at[X]))

        def gather_desc(X):
            return pltpu.make_async_copy(
                x_hbm.at[src_v.at[X]], rows_v.at[X], sem_g.at[X])

        def scatter_start(X):
            pltpu.async_copy(
                rows_v.at[X], acc.at[dst_v.at[X]], sem_s.at[X], add=True)
            pltpu.async_copy(
                ones_v, acc2.at[dst_v.at[X]], sem_c.at[X], add=True)

        def scatter_wait(X):
            pltpu.make_async_copy(
                rows_v.at[X], acc.at[dst_v.at[X]], sem_s.at[X]).wait()
            pltpu.make_async_copy(
                ones_v, acc2.at[dst_v.at[X]], sem_c.at[X]).wait()

        @pl.loop(0, rounds)
        def _(j):
            base0 = tile_base + j * (SLOTS * CHUNK)
            for X in range(SLOTS):
                @pl.when(j > 0)
                def _():
                    scatter_wait(X)
                d1, d2 = idx_descs(X, base0 + X * CHUNK)
                d1.start()
                d2.start()
            for X in range(SLOTS):
                d1, d2 = idx_descs(X, base0 + X * CHUNK)
                d1.wait()
                d2.wait()
                gather_desc(X).start()
            for X in range(SLOTS):
                gather_desc(X).wait()
                scatter_start(X)

        for X in range(SLOTS):
            scatter_wait(X)
        plsc.subcore_barrier()
        pltpu.sync_copy(acc.at[pl.ds(row0, ROWS_PER_TILE)],
                        out_hbm.at[c].at[pl.ds(row0, ROWS_PER_TILE)])
        pltpu.sync_copy(acc2.at[pl.ds(row0, ROWS_PER_TILE)],
                        cnt_hbm.at[c].at[pl.ds(row0, ROWS_PER_TILE)])

    return k(x, e_flat, zeros, zeros16)


def _gat_sc(hw, e_flat, aux, zeros, zeros16):

    @functools.partial(
        pl.kernel,
        out_type=_SC_OUT,
        mesh=_sc_mesh(),
        compiler_params=pltpu.CompilerParams(
            use_tc_tiling_on_sc=False, needs_layout_passes=False),
        scratch_types=[
            pltpu.VMEM_SHARED((N_ACC, D_OUT), jnp.float32),
            pltpu.VMEM_SHARED((N_ACC, 16), jnp.float32),
            pltpu.VMEM((SLOTS, CHUNK_G), jnp.int32),
            pltpu.VMEM((SLOTS, CHUNK_G), jnp.int32),
            pltpu.VMEM((SLOTS, CHUNK_G, D_OUT), jnp.float32),
            pltpu.VMEM((SLOTS, CHUNK_G, 16), jnp.float32),
            pltpu.VMEM((SLOTS, CHUNK_G), jnp.float32),
            pltpu.VMEM((N_ACC,), jnp.float32),
            pltpu.VMEM((N_ACC,), jnp.float32),
            pltpu.SemaphoreType.DMA((SLOTS,)),
            pltpu.SemaphoreType.DMA((SLOTS,)),
            pltpu.SemaphoreType.DMA((SLOTS,)),
            pltpu.SemaphoreType.DMA((SLOTS,)),
        ],
    )
    def k(hw_hbm, e_hbm, aux_hbm, zero_hbm, zero16_hbm, out_hbm, den_hbm,
          acc, acc2, src_v, dst_v, rows_v, exrow_v, ex_v, asrc_v, adst_v,
          sem_i, sem_g, sem_s, sem_c):
        c = lax.axis_index("c")
        s = lax.axis_index("s")
        row0 = s * ROWS_PER_TILE
        pltpu.sync_copy(zero_hbm.at[pl.ds(row0, ROWS_PER_TILE)],
                        acc.at[pl.ds(row0, ROWS_PER_TILE)])
        pltpu.sync_copy(zero16_hbm.at[pl.ds(row0, ROWS_PER_TILE)],
                        acc2.at[pl.ds(row0, ROWS_PER_TILE)])
        pltpu.sync_copy(aux_hbm.at[0], asrc_v)
        pltpu.sync_copy(aux_hbm.at[1], adst_v)
        plsc.subcore_barrier()
        tile_base, rounds = _tile_plan(c, s, RND_G, RND_G_BIG, N_BIG_G,
                                       SLOTS * CHUNK_G)

        def idx_descs(X, base):
            return (pltpu.make_async_copy(
                        e_hbm.at[pl.ds(base, CHUNK_G)], src_v.at[X],
                        sem_i.at[X]),
                    pltpu.make_async_copy(
                        e_hbm.at[pl.ds(E + base, CHUNK_G)], dst_v.at[X],
                        sem_i.at[X]))

        def gather_desc(X):
            return pltpu.make_async_copy(
                hw_hbm.at[src_v.at[X]], rows_v.at[X], sem_g.at[X])

        def scatter_start(X):
            pltpu.async_copy(
                rows_v.at[X], acc.at[dst_v.at[X]], sem_s.at[X], add=True)
            pltpu.async_copy(
                exrow_v.at[X], acc2.at[dst_v.at[X]], sem_c.at[X], add=True)

        def scatter_wait(X):
            pltpu.make_async_copy(
                rows_v.at[X], acc.at[dst_v.at[X]], sem_s.at[X]).wait()
            pltpu.make_async_copy(
                exrow_v.at[X], acc2.at[dst_v.at[X]], sem_c.at[X]).wait()

        @pl.loop(0, rounds)
        def _(j):
            base0 = tile_base + j * (SLOTS * CHUNK_G)
            for X in range(SLOTS):
                @pl.when(j > 0)
                def _():
                    scatter_wait(X)
                d1, d2 = idx_descs(X, base0 + X * CHUNK_G)
                d1.start()
                d2.start()
            for X in range(SLOTS):
                d1, d2 = idx_descs(X, base0 + X * CHUNK_G)
                d1.wait()
                d2.wait()
                gather_desc(X).start()
                for g in range(CHUNK_G // 16):
                    si = src_v[X, pl.ds(g * 16, 16)]
                    di = dst_v[X, pl.ds(g * 16, 16)]
                    av = plsc.load_gather(asrc_v, [si])
                    bv = plsc.load_gather(adst_v, [di])
                    e = av + bv
                    e = jnp.maximum(e, e * 0.2)
                    ex_v[X, pl.ds(g * 16, 16)] = jnp.exp(e)
            for X in range(SLOTS):
                gather_desc(X).wait()

                @plsc.parallel_loop(0, CHUNK_G, 1, unroll=4)
                def _(i):
                    spl = plsc.load_gather(
                        ex_v.at[X], [jnp.full((16,), i, jnp.int32)])
                    for cg in range(D_OUT // 16):
                        rows_v[X, i, pl.ds(cg * 16, 16)] = (
                            rows_v[X, i, pl.ds(cg * 16, 16)] * spl)
                    exrow_v[X, i, :] = spl

                scatter_start(X)

        for X in range(SLOTS):
            scatter_wait(X)
        plsc.subcore_barrier()
        pltpu.sync_copy(acc.at[pl.ds(row0, ROWS_PER_TILE)],
                        out_hbm.at[c].at[pl.ds(row0, ROWS_PER_TILE)])
        pltpu.sync_copy(acc2.at[pl.ds(row0, ROWS_PER_TILE)],
                        den_hbm.at[c].at[pl.ds(row0, ROWS_PER_TILE)])

    return k(hw, e_flat, aux, zeros, zeros16)


BR = 1024


def _tc_a(p, p2, x, w_1, b_s, w_2, a_s, a_d, b_lin):
    def body(p0_r, p1_r, c0_r, c1_r, x_r, w1_r, bs_r, w2_r, as_r, ad_r,
             blin_r, hw_r, skip_r, aux_r):
        agg = p0_r[...] + p1_r[...]
        cnt = c0_r[:, 0:1] + c1_r[:, 0:1]
        mean = agg / jnp.maximum(cnt, 1.0)
        lhs = jnp.concatenate([mean, x_r[...]], axis=1)
        h = jnp.dot(lhs, w1_r[...]) + bs_r[...]
        h = jnp.maximum(h, 0.0)
        hs = jnp.dot(h, w2_r[...])
        hw = hs[:, :D_OUT]
        skip_r[...] = hs[:, D_OUT:] + blin_r[...]
        av = lax.dot_general(as_r[...], hw, (((1,), (1,)), ((), ())))
        dv = lax.dot_general(ad_r[...], hw, (((1,), (1,)), ((), ())))
        hw_r[...] = hw
        aux_r[...] = jnp.concatenate(
            [av, dv, jnp.zeros((14, BR), jnp.float32)], axis=0)

    full = lambda shp: pl.BlockSpec(shp, lambda i: (0,) * len(shp))
    return pl.pallas_call(
        body,
        grid=(pl.cdiv(N, BR),),
        in_specs=[
            pl.BlockSpec((None, BR, D_IN), lambda i: (0, i, 0)),
            pl.BlockSpec((None, BR, D_IN), lambda i: (1, i, 0)),
            pl.BlockSpec((None, BR, 16), lambda i: (0, i, 0)),
            pl.BlockSpec((None, BR, 16), lambda i: (1, i, 0)),
            pl.BlockSpec((BR, D_IN), lambda i: (i, 0)),
            full((2 * D_IN, D_HID)),
            full((1, D_HID)),
            full((D_HID, 2 * D_OUT)),
            full((1, D_OUT)),
            full((1, D_OUT)),
            full((1, D_OUT)),
        ],
        out_specs=[
            pl.BlockSpec((BR, D_OUT), lambda i: (i, 0)),
            pl.BlockSpec((BR, D_OUT), lambda i: (i, 0)),
            pl.BlockSpec((16, BR), lambda i: (0, i)),
        ],
        out_shape=[
            jax.ShapeDtypeStruct((N, D_OUT), jnp.float32),
            jax.ShapeDtypeStruct((N, D_OUT), jnp.float32),
            jax.ShapeDtypeStruct((16, N_ACC), jnp.float32),
        ],
    )(p, p, p2, p2, x, w_1, b_s, w_2, a_s, a_d, b_lin)


def _tc_b(q, q2, skip, b_g):
    def body(q0_r, q1_r, d0_r, d1_r, skip_r, bg_r, out_r):
        s = q0_r[...] + q1_r[...]
        denom = jnp.maximum(d0_r[:, 0:1] + d1_r[:, 0:1], 1e-16)
        out_r[...] = s / denom + bg_r[...] + skip_r[...]

    return pl.pallas_call(
        body,
        grid=(pl.cdiv(N, BR),),
        in_specs=[
            pl.BlockSpec((None, BR, D_OUT), lambda i: (0, i, 0)),
            pl.BlockSpec((None, BR, D_OUT), lambda i: (1, i, 0)),
            pl.BlockSpec((None, BR, 16), lambda i: (0, i, 0)),
            pl.BlockSpec((None, BR, 16), lambda i: (1, i, 0)),
            pl.BlockSpec((BR, D_OUT), lambda i: (i, 0)),
            pl.BlockSpec((1, D_OUT), lambda i: (0, 0)),
        ],
        out_specs=pl.BlockSpec((BR, D_OUT), lambda i: (i, 0)),
        out_shape=jax.ShapeDtypeStruct((N, D_OUT), jnp.float32),
    )(q, q, q2, q2, skip, b_g)


def kernel(x, edge_index, W_sage_l, W_sage_r, b_sage, W_gat, att_src,
           att_dst, b_gat, W_lin, b_lin):
    e_flat = edge_index.astype(jnp.int32).reshape(2 * E)
    zeros = jnp.zeros((N_ACC, D_IN), jnp.float32)
    zeros16 = jnp.zeros((N_ACC, 16), jnp.float32)
    w_1 = jnp.concatenate([W_sage_l, W_sage_r], axis=0)
    w_2 = jnp.concatenate([W_gat, W_lin], axis=1)

    p, p2 = _sage_sc(x, e_flat, zeros, zeros16)
    hw, skip, aux = _tc_a(
        p, p2, x, w_1, b_sage.reshape(1, -1), w_2,
        att_src.reshape(1, -1), att_dst.reshape(1, -1),
        b_lin.reshape(1, -1))
    q, q2 = _gat_sc(hw, e_flat, aux, zeros, zeros16)
    out = _tc_b(q, q2, skip, b_gat.reshape(1, -1))
    return out

# --- scband reference (transcript-rebuilt; emitter-appended) ---
"""Pipeline reference for scband-gnn-36026185678939 (READ-ONLY COPY).

The authoritative reference and input builder live on the scoring server;
editing this copy changes nothing except your own understanding.
"""

import jax, jax.numpy as jnp
import numpy as np

N_NODES = 10000
N_EDGES = 320000
D_IN = 128
D_HID = 256
D_OUT = 128

def setup_inputs(seed: int = 0) -> dict:
    key = jax.random.key(seed)
    ks = jax.random.split(key, 12)
    x = jax.random.normal(ks[0], (N_NODES, D_IN), dtype=jnp.float32)
    edge_index = jax.random.randint(ks[1], (2, N_EDGES), 0, N_NODES, dtype=jnp.int64)
    # SAGEConv params: lin_l applied to aggregated neighbors, lin_r to root
    W_sage_l = jax.random.normal(ks[2], (D_IN, D_HID), dtype=jnp.float32) * 0.05
    W_sage_r = jax.random.normal(ks[3], (D_IN, D_HID), dtype=jnp.float32) * 0.05
    b_sage = jax.random.normal(ks[4], (D_HID,), dtype=jnp.float32) * 0.05
    # GATConv params (heads=1, add_self_loops=False)
    W_gat = jax.random.normal(ks[5], (D_HID, D_OUT), dtype=jnp.float32) * 0.05
    att_src = jax.random.normal(ks[6], (D_OUT,), dtype=jnp.float32) * 0.05
    att_dst = jax.random.normal(ks[7], (D_OUT,), dtype=jnp.float32) * 0.05
    b_gat = jax.random.normal(ks[8], (D_OUT,), dtype=jnp.float32) * 0.05
    # Linear lin2
    W_lin = jax.random.normal(ks[9], (D_HID, D_OUT), dtype=jnp.float32) * 0.05
    b_lin = jax.random.normal(ks[10], (D_OUT,), dtype=jnp.float32) * 0.05
    return {"x": x, "edge_index": edge_index, "W_sage_l": W_sage_l, "W_sage_r": W_sage_r, "b_sage": b_sage, "W_gat": W_gat, "att_src": att_src, "att_dst": att_dst, "b_gat": b_gat, "W_lin": W_lin, "b_lin": b_lin}

def reference(x, edge_index, W_sage_l, W_sage_r, b_sage, W_gat, att_src, att_dst, b_gat, W_lin, b_lin):
    src = edge_index[0]
    dst = edge_index[1]
    N = x.shape[0]
    # --- SAGEConv (mean aggregation) ---
    msg = x[src]
    agg = jax.ops.segment_sum(msg, dst, num_segments=N)
    cnt = jax.ops.segment_sum(jnp.ones((src.shape[0],), dtype=x.dtype), dst, num_segments=N)
    mean_agg = agg / jnp.maximum(cnt, 1.0)[:, None]
    h = mean_agg @ W_sage_l + x @ W_sage_r + b_sage
    h = jax.nn.relu(h)
    # --- GATConv (heads=1, no self loops) ---
    hw = h @ W_gat
    a_src = hw @ att_src
    a_dst = hw @ att_dst
    e = jax.nn.leaky_relu(a_src[src] + a_dst[dst], negative_slope=0.2)
    e_max = jax.ops.segment_max(e, dst, num_segments=N)
    e_max = jnp.where(jnp.isfinite(e_max), e_max, 0.0)
    ex = jnp.exp(e - e_max[dst])
    denom = jax.ops.segment_sum(ex, dst, num_segments=N)
    alpha = ex / jnp.maximum(denom[dst], 1e-16)
    out_gat = jax.ops.segment_sum(hw[src] * alpha[:, None], dst, num_segments=N) + b_gat
    # --- lin2 skip ---
    out = out_gat + (h @ W_lin + b_lin)
    return out

if __name__ == "__main__":
    import jax
    _d = setup_inputs()
    print(jax.jit(kernel)(*tuple(_d.values())))

</pallas_src>

<mosaic_0001>
#map = affine_map<(d0, d1) -> (0, 0)>
#map1 = affine_map<(d0, d1) -> (0)>
#map2 = affine_map<(d0, d1) -> (0, 0, 0)>
module attributes {stable_mosaic.version = 14 : i64} {
  func.func @k(%arg0: i32, %arg1: i32, %arg2: memref<10000x128xf32, #tpu.memory_space<hbm>>, %arg3: memref<640000xi32, #tpu.memory_space<hbm>>, %arg4: memref<16x10112xf32, #tpu.memory_space<hbm>>, %arg5: memref<10112x128xf32, #tpu.memory_space<hbm>>, %arg6: memref<10112x16xf32, #tpu.memory_space<hbm>>, %arg7: memref<2x10112x128xf32, #tpu.memory_space<hbm>>, %arg8: memref<2x10112x16xf32, #tpu.memory_space<hbm>>, %arg9: memref<10112x128xf32, #tpu.memory_space<vmem_shared>>, %arg10: memref<10112x16xf32, #tpu.memory_space<vmem_shared>>, %arg11: memref<2x64xi32, #tpu.memory_space<vmem>>, %arg12: memref<2x64xi32, #tpu.memory_space<vmem>>, %arg13: memref<2x64x128xf32, #tpu.memory_space<vmem>>, %arg14: memref<2x64x16xf32, #tpu.memory_space<vmem>>, %arg15: memref<2x64xf32, #tpu.memory_space<vmem>>, %arg16: memref<10112xf32, #tpu.memory_space<vmem>>, %arg17: memref<10112xf32, #tpu.memory_space<vmem>>, %arg18: memref<2x!tpu.dma_semaphore, #tpu.memory_space<semaphore_mem>>, %arg19: memref<2x!tpu.dma_semaphore, #tpu.memory_space<semaphore_mem>>, %arg20: memref<2x!tpu.dma_semaphore, #tpu.memory_space<semaphore_mem>>, %arg21: memref<2x!tpu.dma_semaphore, #tpu.memory_space<semaphore_mem>>) attributes {dimension_semantics = [#tpu.dimension_semantics<core_parallel>, #tpu.dimension_semantics<subcore_parallel>], iteration_bounds = array<i64: 2, 16>, scalar_prefetch = 0 : i64, scratch_operands = 13 : i64, tpu.core_type = #tpu.core_type<sc_vector_subcore>, window_params = [{transform_indices = #map}, {transform_indices = #map1}, {transform_indices = #map}, {transform_indices = #map}, {transform_indices = #map}, {transform_indices = #map2}, {transform_indices = #map2}]} {
    %mul3A = arith.constant 632 : i32
    %mul3A_0 = arith.muli %arg1, %mul3A : i32
    "tpu.region"() ({
      %run_scoped3A_90 = tpu.sem_alloc : memref<!tpu.dma_semaphore, #tpu.memory_space<semaphore_mem>>
      %dma_start3A = arith.constant 0 : i32
      %dma_start3A_91 = tpu.memref_slice %arg9[%mul3A_0, %dma_start3A] : memref<10112x128xf32, #tpu.memory_space<vmem_shared>> -> memref<632x128xf32, #tpu.memory_space<vmem_shared>>
      %dma_start3A_92 = arith.constant 0 : i32
      %dma_start3A_93 = tpu.memref_slice %arg5[%mul3A_0, %dma_start3A_92] : memref<10112x128xf32, #tpu.memory_space<hbm>> -> memref<632x128xf32, #tpu.memory_space<hbm>>
      tpu.enqueue_dma source(%dma_start3A_93 : memref<632x128xf32, #tpu.memory_space<hbm>>) target(%dma_start3A_91 : memref<632x128xf32, #tpu.memory_space<vmem_shared>>) target_semaphore(%run_scoped3A_90 : memref<!tpu.dma_semaphore, #tpu.memory_space<semaphore_mem>>)
      %dma_wait3A_94 = arith.constant 0 : i32
      %dma_wait3A_95 = tpu.memref_slice %arg9[%mul3A_0, %dma_wait3A_94] : memref<10112x128xf32, #tpu.memory_space<vmem_shared>> -> memref<632x128xf32, #tpu.memory_space<vmem_shared>>
      %dma_wait3A_96 = arith.constant 0 : i32
      %dma_wait3A_97 = tpu.memref_slice %arg5[%mul3A_0, %dma_wait3A_96] : memref<10112x128xf32, #tpu.memory_space<hbm>> -> memref<632x128xf32, #tpu.memory_space<hbm>>
      tpu.wait_dma2 semaphore(%run_scoped3A_90 : memref<!tpu.dma_semaphore, #tpu.memory_space<semaphore_mem>>) src(%dma_wait3A_97 : memref<632x128xf32, #tpu.memory_space<hbm>>) dst(%dma_wait3A_95 : memref<632x128xf32, #tpu.memory_space<vmem_shared>>)
      tpu.yield
    }) : () -> ()
    "tpu.region"() ({
      %run_scoped3A_90 = tpu.sem_alloc : memref<!tpu.dma_semaphore, #tpu.memory_space<semaphore_mem>>
      %dma_start3A = arith.constant 0 : i32
      %dma_start3A_91 = tpu.memref_slice %arg10[%mul3A_0, %dma_start3A] : memref<10112x16xf32, #tpu.memory_space<vmem_shared>> -> memref<632x16xf32, #tpu.memory_space<vmem_shared>>
      %dma_start3A_92 = arith.constant 0 : i32
      %dma_start3A_93 = tpu.memref_slice %arg6[%mul3A_0, %dma_start3A_92] : memref<10112x16xf32, #tpu.memory_space<hbm>> -> memref<632x16xf32, #tpu.memory_space<hbm>>
      tpu.enqueue_dma source(%dma_start3A_93 : memref<632x16xf32, #tpu.memory_space<hbm>>) target(%dma_start3A_91 : memref<632x16xf32, #tpu.memory_space<vmem_shared>>) target_semaphore(%run_scoped3A_90 : memref<!tpu.dma_semaphore, #tpu.memory_space<semaphore_mem>>)
      %dma_wait3A_94 = arith.constant 0 : i32
      %dma_wait3A_95 = tpu.memref_slice %arg10[%mul3A_0, %dma_wait3A_94] : memref<10112x16xf32, #tpu.memory_space<vmem_shared>> -> memref<632x16xf32, #tpu.memory_space<vmem_shared>>
      %dma_wait3A_96 = arith.constant 0 : i32
      %dma_wait3A_97 = tpu.memref_slice %arg6[%mul3A_0, %dma_wait3A_96] : memref<10112x16xf32, #tpu.memory_space<hbm>> -> memref<632x16xf32, #tpu.memory_space<hbm>>
      tpu.wait_dma2 semaphore(%run_scoped3A_90 : memref<!tpu.dma_semaphore, #tpu.memory_space<semaphore_mem>>) src(%dma_wait3A_97 : memref<632x16xf32, #tpu.memory_space<hbm>>) dst(%dma_wait3A_95 : memref<632x16xf32, #tpu.memory_space<vmem_shared>>)
      tpu.yield
    }) : () -> ()
    %run_scoped3A = arith.constant 0 : i32
    "tpu.region"() ({
      %run_scoped3A_90 = tpu.sem_alloc : memref<!tpu.dma_semaphore, #tpu.memory_space<semaphore_mem>>
      %dma_start3A = arith.constant 0 : i32
      %dma_start3A_91 = tpu.memref_slice %arg4[%run_scoped3A, %dma_start3A] : memref<16x10112xf32, #tpu.memory_space<hbm>> -> memref<1x10112xf32, #tpu.memory_space<hbm>>
      %dma_start3A_92 = tpu.memref_squeeze %dma_start3A_91 : memref<1x10112xf32, #tpu.memory_space<hbm>> -> memref<10112xf32, #tpu.memory_space<hbm>>
      %dma_start3A_93 = arith.constant 0 : i32
      %dma_start3A_94 = tpu.memref_slice %arg4[%run_scoped3A, %dma_start3A_93] : memref<16x10112xf32, #tpu.memory_space<hbm>> -> memref<1x10112xf32, #tpu.memory_space<hbm>>
      %dma_start3A_95 = tpu.memref_squeeze %dma_start3A_94 : memref<1x10112xf32, #tpu.memory_space<hbm>> -> memref<10112xf32, #tpu.memory_space<hbm>>
      tpu.enqueue_dma source(%dma_start3A_95 : memref<10112xf32, #tpu.memory_space<hbm>>) target(%arg16 : memref<10112xf32, #tpu.memory_space<vmem>>) target_semaphore(%run_scoped3A_90 : memref<!tpu.dma_semaphore, #tpu.memory_space<semaphore_mem>>)
      %dma_wait3A_96 = arith.constant 0 : i32
      %dma_wait3A_97 = tpu.memref_slice %arg4[%run_scoped3A, %dma_wait3A_96] : memref<16x10112xf32, #tpu.memory_space<hbm>> -> memref<1x10112xf32, #tpu.memory_space<hbm>>
      %dma_wait3A_98 = tpu.memref_squeeze %dma_wait3A_97 : memref<1x10112xf32, #tpu.memory_space<hbm>> -> memref<10112xf32, #tpu.memory_space<hbm>>
      %dma_wait3A_99 = arith.constant 0 : i32
      %dma_wait3A_100 = tpu.memref_slice %arg4[%run_scoped3A, %dma_wait3A_99] : memref<16x10112xf32, #tpu.memory_space<hbm>> -> memref<1x10112xf32, #tpu.memory_space<hbm>>
      %dma_wait3A_101 = tpu.memref_squeeze %dma_wait3A_100 : memref<1x10112xf32, #tpu.memory_space<hbm>> -> memref<10112xf32, #tpu.memory_space<hbm>>
      tpu.wait_dma2 semaphore(%run_scoped3A_90 : memref<!tpu.dma_semaphore, #tpu.memory_space<semaphore_mem>>) src(%dma_wait3A_101 : memref<10112xf32, #tpu.memory_space<hbm>>) dst(%arg16 : memref<10112xf32, #tpu.memory_space<vmem>>)
      tpu.yield
    }) : () -> ()
    %run_scoped3A_1 = arith.constant 1 : i32
    "tpu.region"() ({
      %run_scoped3A_90 = tpu.sem_alloc : memref<!tpu.dma_semaphore, #tpu.memory_space<semaphore_mem>>
      %dma_start3A = arith.constant 0 : i32
      %dma_start3A_91 = tpu.memref_slice %arg4[%run_scoped3A_1, %dma_start3A] : memref<16x10112xf32, #tpu.memory_space<hbm>> -> memref<1x10112xf32, #tpu.memory_space<hbm>>
      %dma_start3A_92 = tpu.memref_squeeze %dma_start3A_91 : memref<1x10112xf32, #tpu.memory_space<hbm>> -> memref<10112xf32, #tpu.memory_space<hbm>>
      %dma_start3A_93 = arith.constant 0 : i32
      %dma_start3A_94 = tpu.memref_slice %arg4[%run_scoped3A_1, %dma_start3A_93] : memref<16x10112xf32, #tpu.memory_space<hbm>> -> memref<1x10112xf32, #tpu.memory_space<hbm>>
      %dma_start3A_95 = tpu.memref_squeeze %dma_start3A_94 : memref<1x10112xf32, #tpu.memory_space<hbm>> -> memref<10112xf32, #tpu.memory_space<hbm>>
      tpu.enqueue_dma source(%dma_start3A_95 : memref<10112xf32, #tpu.memory_space<hbm>>) target(%arg17 : memref<10112xf32, #tpu.memory_space<vmem>>) target_semaphore(%run_scoped3A_90 : memref<!tpu.dma_semaphore, #tpu.memory_space<semaphore_mem>>)
      %dma_wait3A_96 = arith.constant 0 : i32
      %dma_wait3A_97 = tpu.memref_slice %arg4[%run_scoped3A_1, %dma_wait3A_96] : memref<16x10112xf32, #tpu.memory_space<hbm>> -> memref<1x10112xf32, #tpu.memory_space<hbm>>
      %dma_wait3A_98 = tpu.memref_squeeze %dma_wait3A_97 : memref<1x10112xf32, #tpu.memory_space<hbm>> -> memref<10112xf32, #tpu.memory_space<hbm>>
      %dma_wait3A_99 = arith.constant 0 : i32
      %dma_wait3A_100 = tpu.memref_slice %arg4[%run_scoped3A_1, %dma_wait3A_99] : memref<16x10112xf32, #tpu.memory_space<hbm>> -> memref<1x10112xf32, #tpu.memory_space<hbm>>
      %dma_wait3A_101 = tpu.memref_squeeze %dma_wait3A_100 : memref<1x10112xf32, #tpu.memory_space<hbm>> -> memref<10112xf32, #tpu.memory_space<hbm>>
      tpu.wait_dma2 semaphore(%run_scoped3A_90 : memref<!tpu.dma_semaphore, #tpu.memory_space<semaphore_mem>>) src(%dma_wait3A_101 : memref<10112xf32, #tpu.memory_space<hbm>>) dst(%arg17 : memref<10112xf32, #tpu.memory_space<vmem>>)
      tpu.yield
    }) : () -> ()
    %barrier3A = arith.constant 0 : index
    tpu.barrier barrier_id(%barrier3A)
    %mul3A_2 = arith.constant 16 : i32
    %mul3A_3 = arith.muli %arg0, %mul3A_2 : i32
    %add3A = arith.addi %mul3A_3, %arg1 : i32
    %min3A = arith.constant 4 : i32
    %min3A_4 = arith.minsi %add3A, %min3A : i32
    %mul3A_5 = arith.constant 78 : i32
    %mul3A_6 = arith.muli %add3A, %mul3A_5 : i32
    %mul3A_7 = arith.constant 1 : i32
    %mul3A_8 = arith.muli %min3A_4, %mul3A_7 : i32
    %add3A_9 = arith.addi %mul3A_6, %mul3A_8 : i32
    %mul3A_10 = arith.constant 128 : i32
    %mul3A_11 = arith.muli %add3A_9, %mul3A_10 : i32
    %lt3A = arith.constant 4 : i32
    %lt3A_12 = arith.cmpi slt, %add3A, %lt3A : i32
    %jit3A = arith.constant 79 : i32
    %jit3A_13 = arith.constant 78 : i32
    %select_n3A = arith.select %lt3A_12, %jit3A, %jit3A_13 : i32
    %sub3A = arith.constant 0 : i32
    %sub3A_14 = arith.subi %select_n3A, %sub3A : i32
    %sub3A_15 = arith.constant 1 : i32
    %sub3A_16 = arith.constant 1 : i32
    %sub3A_17 = arith.subi %sub3A_15, %sub3A_16 : i32
    %add3A_18 = arith.addi %sub3A_14, %sub3A_17 : i32
    %div3A = arith.constant 1 : i32
    %div3A_19 = arith.divsi %add3A_18, %div3A : i32
    %while3A = arith.constant 1 : i32
    %while3A_20 = arith.constant 0 : i32
    %while3A_21 = arith.constant 0 : i32
    %while3A_22 = arith.subi %div3A_19, %while3A_21 : i32
    %while3A_23 = arith.addi %while3A_21, %while3A_22 : i32
    %while3A_24 = arith.constant 1 : i32
    %while3A_25 = arith.divsi %while3A_22, %while3A_24 : i32
    %while3A_26 = arith.muli %while3A_25, %while3A_24 : i32
    %while3A_27 = arith.addi %while3A_21, %while3A_26 : i32
    %while3A_28 = arith.constant 1 : i32
    scf.for %while3A_90 = %while3A_21 to %while3A_27 step %while3A_28  : i32 {
      %mul3A_91 = arith.muli %while3A_90, %while3A : i32
      %add3A_92 = arith.addi %while3A_20, %mul3A_91 : i32
      %mul3A_93 = arith.constant 128 : i32
      %mul3A_94 = arith.muli %add3A_92, %mul3A_93 : i32
      %add3A_95 = arith.addi %mul3A_11, %mul3A_94 : i32
      %gt3A = arith.constant 0 : i32
      %gt3A_96 = arith.cmpi sgt, %add3A_92, %gt3A : i32
      %convert_element_type3A = arith.extui %gt3A_96 : i1 to i32
      %cond3A = arith.constant 0 : i32
      %cond3A_97 = arith.cmpi ne, %convert_element_type3A, %cond3A : i32
      scf.if %cond3A_97 {
        %dma_wait3A_494 = arith.constant 0 : i32
        %dma_wait3A_495 = arith.constant 0 : i32
        %dma_wait3A_496 = arith.constant 0 : i32
        %dma_wait3A_497 = arith.constant 0 : i32
        %dma_wait3A_498 = arith.constant 0 : i32
        %dma_wait3A_499 = tpu.memref_slice %arg13[%dma_wait3A_494, %dma_wait3A_497, %dma_wait3A_498] : memref<2x64x128xf32, #tpu.memory_space<vmem>> -> memref<1x64x128xf32, #tpu.memory_space<vmem>>
        %dma_wait3A_500 = tpu.memref_squeeze %dma_wait3A_499 : memref<1x64x128xf32, #tpu.memory_space<vmem>> -> memref<64x128xf32, #tpu.memory_space<vmem>>
        %dma_wait3A_501 = arith.constant 0 : i32
        %dma_wait3A_502 = tpu.memref_slice %arg12[%dma_wait3A_495, %dma_wait3A_501] : memref<2x64xi32, #tpu.memory_space<vmem>> -> memref<1x64xi32, #tpu.memory_space<vmem>>
        %dma_wait3A_503 = tpu.memref_squeeze %dma_wait3A_502 : memref<1x64xi32, #tpu.memory_space<vmem>> -> memref<64xi32, #tpu.memory_space<vmem>>
        %dma_wait3A_504 = arith.constant 0 : i32
        %dma_wait3A_505 = arith.constant 0 : i32
        %dma_wait3A_506 = tpu.memref_slice %arg9[%dma_wait3A_504, %dma_wait3A_505] : memref<10112x128xf32, #tpu.memory_space<vmem_shared>> -> memref<10112x128xf32, #tpu.memory_space<vmem_shared>>
        %dma_wait3A_507 = tpu.memref_slice %arg20[%dma_wait3A_496] : memref<2x!tpu.dma_semaphore, #tpu.memory_space<semaphore_mem>> -> memref<1x!tpu.dma_semaphore, #tpu.memory_space<semaphore_mem>>
        %dma_wait3A_508 = tpu.memref_squeeze %dma_wait3A_507 : memref<1x!tpu.dma_semaphore, #tpu.memory_space<semaphore_mem>> -> memref<!tpu.dma_semaphore, #tpu.memory_space<semaphore_mem>>
        tpu.wait_indirect_dma semaphore(%dma_wait3A_508 : memref<!tpu.dma_semaphore, #tpu.memory_space<semaphore_mem>>) src(%dma_wait3A_500 : memref<64x128xf32, #tpu.memory_space<vmem>>) dst(%dma_wait3A_506 : memref<10112x128xf32, #tpu.memory_space<vmem_shared>>)
        %dma_wait3A_509 = arith.constant 0 : i32
        %dma_wait3A_510 = arith.constant 0 : i32
        %dma_wait3A_511 = arith.constant 0 : i32
        %dma_wait3A_512 = arith.constant 0 : i32
        %dma_wait3A_513 = arith.constant 0 : i32
        %dma_wait3A_514 = tpu.memref_slice %arg14[%dma_wait3A_509, %dma_wait3A_512, %dma_wait3A_513] : memref<2x64x16xf32, #tpu.memory_space<vmem>> -> memref<1x64x16xf32, #tpu.memory_space<vmem>>
        %dma_wait3A_515 = tpu.memref_squeeze %dma_wait3A_514 : memref<1x64x16xf32, #tpu.memory_space<vmem>> -> memref<64x16xf32, #tpu.memory_space<vmem>>
        %dma_wait3A_516 = arith.constant 0 : i32
        %dma_wait3A_517 = tpu.memref_slice %arg12[%dma_wait3A_510, %dma_wait3A_516] : memref<2x64xi32, #tpu.memory_space<vmem>> -> memref<1x64xi32, #tpu.memory_space<vmem>>
        %dma_wait3A_518 = tpu.memref_squeeze %dma_wait3A_517 : memref<1x64xi32, #tpu.memory_space<vmem>> -> memref<64xi32, #tpu.memory_space<vmem>>
        %dma_wait3A_519 = arith.constant 0 : i32
        %dma_wait3A_520 = arith.constant 0 : i32
        %dma_wait3A_521 = tpu.memref_slice %arg10[%dma_wait3A_519, %dma_wait3A_520] : memref<10112x16xf32, #tpu.memory_space<vmem_shared>> -> memref<10112x16xf32, #tpu.memory_space<vmem_shared>>
        %dma_wait3A_522 = tpu.memref_slice %arg21[%dma_wait3A_511] : memref<2x!tpu.dma_semaphore, #tpu.memory_space<semaphore_mem>> -> memref<1x!tpu.dma_semaphore, #tpu.memory_space<semaphore_mem>>
        %dma_wait3A_523 = tpu.memref_squeeze %dma_wait3A_522 : memref<1x!tpu.dma_semaphore, #tpu.memory_space<semaphore_mem>> -> memref<!tpu.dma_semaphore, #tpu.memory_space<semaphore_mem>>
        tpu.wait_indirect_dma semaphore(%dma_wait3A_523 : memref<!tpu.dma_semaphore, #tpu.memory_space<semaphore_mem>>) src(%dma_wait3A_515 : memref<64x16xf32, #tpu.memory_space<vmem>>) dst(%dma_wait3A_521 : memref<10112x16xf32, #tpu.memory_space<vmem_shared>>)
      } else {
      }
      %add3A_98 = arith.constant 0 : i32
      %add3A_99 = arith.addi %add3A_95, %add3A_98 : i32
      %add3A_100 = arith.constant 320000 : i32
      %add3A_101 = arith.addi %add3A_100, %add3A_99 : i32
      %dma_start3A = arith.constant 0 : i32
      %dma_start3A_102 = arith.constant 0 : i32
      %dma_start3A_103 = arith.constant 0 : i32
      %dma_start3A_104 = tpu.memref_slice %arg11[%dma_start3A, %dma_start3A_103] : memref<2x64xi32, #tpu.memory_space<vmem>> -> memref<1x64xi32, #tpu.memory_space<vmem>>
      %dma_start3A_105 = tpu.memref_squeeze %dma_start3A_104 : memref<1x64xi32, #tpu.memory_space<vmem>> -> memref<64xi32, #tpu.memory_space<vmem>>
      %dma_start3A_106 = tpu.memref_slice %arg3[%add3A_99] : memref<640000xi32, #tpu.memory_space<hbm>> -> memref<64xi32, #tpu.memory_space<hbm>>
      %dma_start3A_107 = tpu.memref_slice %arg18[%dma_start3A_102] : memref<2x!tpu.dma_semaphore, #tpu.memory_space<semaphore_mem>> -> memref<1x!tpu.dma_semaphore, #tpu.memory_space<semaphore_mem>>
      %dma_start3A_108 = tpu.memref_squeeze %dma_start3A_107 : memref<1x!tpu.dma_semaphore, #tpu.memory_space<semaphore_mem>> -> memref<!tpu.dma_semaphore, #tpu.memory_space<semaphore_mem>>
      %dma_start3A_109 = arith.constant 0 : i32
      %dma_start3A_110 = tpu.memref_slice %arg11[%dma_start3A, %dma_start3A_109] : memref<2x64xi32, #tpu.memory_space<vmem>> -> memref<1x64xi32, #tpu.memory_space<vmem>>
      %dma_start3A_111 = tpu.memref_squeeze %dma_start3A_110 : memref<1x64xi32, #tpu.memory_space<vmem>> -> memref<64xi32, #tpu.memory_space<vmem>>
      %dma_start3A_112 = tpu.memref_slice %arg3[%add3A_99] : memref<640000xi32, #tpu.memory_space<hbm>> -> memref<64xi32, #tpu.memory_space<hbm>>
      tpu.enqueue_dma source(%dma_start3A_112 : memref<64xi32, #tpu.memory_space<hbm>>) target(%dma_start3A_111 : memref<64xi32, #tpu.memory_space<vmem>>) target_semaphore(%dma_start3A_108 : memref<!tpu.dma_semaphore, #tpu.memory_space<semaphore_mem>>)
      %dma_start3A_113 = arith.constant 0 : i32
      %dma_start3A_114 = arith.constant 0 : i32
      %dma_start3A_115 = arith.constant 0 : i32
      %dma_start3A_116 = tpu.memref_slice %arg12[%dma_start3A_113, %dma_start3A_115] : memref<2x64xi32, #tpu.memory_space<vmem>> -> memref<1x64xi32, #tpu.memory_space<vmem>>
      %dma_start3A_117 = tpu.memref_squeeze %dma_start3A_116 : memref<1x64xi32, #tpu.memory_space<vmem>> -> memref<64xi32, #tpu.memory_space<vmem>>
      %dma_start3A_118 = tpu.memref_slice %arg3[%add3A_101] : memref<640000xi32, #tpu.memory_space<hbm>> -> memref<64xi32, #tpu.memory_space<hbm>>
      %dma_start3A_119 = tpu.memref_slice %arg18[%dma_start3A_114] : memref<2x!tpu.dma_semaphore, #tpu.memory_space<semaphore_mem>> -> memref<1x!tpu.dma_semaphore, #tpu.memory_space<semaphore_mem>>
      %dma_start3A_120 = tpu.memref_squeeze %dma_start3A_119 : memref<1x!tpu.dma_semaphore, #tpu.memory_space<semaphore_mem>> -> memref<!tpu.dma_semaphore, #tpu.memory_space<semaphore_mem>>
      %dma_start3A_121 = arith.constant 0 : i32
      %dma_start3A_122 = tpu.memref_slice %arg12[%dma_start3A_113, %dma_start3A_121] : memref<2x64xi32, #tpu.memory_space<vmem>> -> memref<1x64xi32, #tpu.memory_space<vmem>>
      %dma_start3A_123 = tpu.memref_squeeze %dma_start3A_122 : memref<1x64xi32, #tpu.memory_space<vmem>> -> memref<64xi32, #tpu.memory_space<vmem>>
      %dma_start3A_124 = tpu.memref_slice %arg3[%add3A_101] : memref<640000xi32, #tpu.memory_space<hbm>> -> memref<64xi32, #tpu.memory_space<hbm>>
      tpu.enqueue_dma source(%dma_start3A_124 : memref<64xi32, #tpu.memory_space<hbm>>) target(%dma_start3A_123 : memref<64xi32, #tpu.memory_space<vmem>>) target_semaphore(%dma_start3A_120 : memref<!tpu.dma_semaphore, #tpu.memory_space<semaphore_mem>>)
      %gt3A_125 = arith.constant 0 : i32
      %gt3A_126 = arith.cmpi sgt, %add3A_92, %gt3A_125 : i32
      %convert_element_type3A_127 = arith.extui %gt3A_126 : i1 to i32
      %cond3A_128 = arith.constant 0 : i32
      %cond3A_129 = arith.cmpi ne, %convert_element_type3A_127, %cond3A_128 : i32
      scf.if %cond3A_129 {
        %dma_wait3A_494 = arith.constant 1 : i32
        %dma_wait3A_495 = arith.constant 1 : i32
        %dma_wait3A_496 = arith.constant 1 : i32
        %dma_wait3A_497 = arith.constant 0 : i32
        %dma_wait3A_498 = arith.constant 0 : i32
        %dma_wait3A_499 = tpu.memref_slice %arg13[%dma_wait3A_494, %dma_wait3A_497, %dma_wait3A_498] : memref<2x64x128xf32, #tpu.memory_space<vmem>> -> memref<1x64x128xf32, #tpu.memory_space<vmem>>
        %dma_wait3A_500 = tpu.memref_squeeze %dma_wait3A_499 : memref<1x64x128xf32, #tpu.memory_space<vmem>> -> memref<64x128xf32, #tpu.memory_space<vmem>>
        %dma_wait3A_501 = arith.constant 0 : i32
        %dma_wait3A_502 = tpu.memref_slice %arg12[%dma_wait3A_495, %dma_wait3A_501] : memref<2x64xi32, #tpu.memory_space<vmem>> -> memref<1x64xi32, #tpu.memory_space<vmem>>
        %dma_wait3A_503 = tpu.memref_squeeze %dma_wait3A_502 : memref<1x64xi32, #tpu.memory_space<vmem>> -> memref<64xi32, #tpu.memory_space<vmem>>
        %dma_wait3A_504 = arith.constant 0 : i32
        %dma_wait3A_505 = arith.constant 0 : i32
        %dma_wait3A_506 = tpu.memref_slice %arg9[%dma_wait3A_504, %dma_wait3A_505] : memref<10112x128xf32, #tpu.memory_space<vmem_shared>> -> memref<10112x128xf32, #tpu.memory_space<vmem_shared>>
        %dma_wait3A_507 = tpu.memref_slice %arg20[%dma_wait3A_496] : memref<2x!tpu.dma_semaphore, #tpu.memory_space<semaphore_mem>> -> memref<1x!tpu.dma_semaphore, #tpu.memory_space<semaphore_mem>>
        %dma_wait3A_508 = tpu.memref_squeeze %dma_wait3A_507 : memref<1x!tpu.dma_semaphore, #tpu.memory_space<semaphore_mem>> -> memref<!tpu.dma_semaphore, #tpu.memory_space<semaphore_mem>>
        tpu.wait_indirect_dma semaphore(%dma_wait3A_508 : memref<!tpu.dma_semaphore, #tpu.memory_space<semaphore_mem>>) src(%dma_wait3A_500 : memref<64x128xf32, #tpu.memory_space<vmem>>) dst(%dma_wait3A_506 : memref<10112x128xf32, #tpu.memory_space<vmem_shared>>)
        %dma_wait3A_509 = arith.constant 1 : i32
        %dma_wait3A_510 = arith.constant 1 : i32
        %dma_wait3A_511 = arith.constant 1 : i32
        %dma_wait3A_512 = arith.constant 0 : i32
        %dma_wait3A_513 = arith.constant 0 : i32
        %dma_wait3A_514 = tpu.memref_slice %arg14[%dma_wait3A_509, %dma_wait3A_512, %dma_wait3A_513] : memref<2x64x16xf32, #tpu.memory_space<vmem>> -> memref<1x64x16xf32, #tpu.memory_space<vmem>>
        %dma_wait3A_515 = tpu.memref_squeeze %dma_wait3A_514 : memref<1x64x16xf32, #tpu.memory_space<vmem>> -> memref<64x16xf32, #tpu.memory_space<vmem>>
        %dma_wait3A_516 = arith.constant 0 : i32
        %dma_wait3A_517 = tpu.memref_slice %arg12[%dma_wait3A_510, %dma_wait3A_516] : memref<2x64xi32, #tpu.memory_space<vmem>> -> memref<1x64xi32, #tpu.memory_space<vmem>>
        %dma_wait3A_518 = tpu.memref_squeeze %dma_wait3A_517 : memref<1x64xi32, #tpu.memory_space<vmem>> -> memref<64xi32, #tpu.memory_space<vmem>>
        %dma_wait3A_519 = arith.constant 0 : i32
        %dma_wait3A_520 = arith.constant 0 : i32
        %dma_wait3A_521 = tpu.memref_slice %arg10[%dma_wait3A_519, %dma_wait3A_520] : memref<10112x16xf32, #tpu.memory_space<vmem_shared>> -> memref<10112x16xf32, #tpu.memory_space<vmem_shared>>
        %dma_wait3A_522 = tpu.memref_slice %arg21[%dma_wait3A_511] : memref<2x!tpu.dma_semaphore, #tpu.memory_space<semaphore_mem>> -> memref<1x!tpu.dma_semaphore, #tpu.memory_space<semaphore_mem>>
        %dma_wait3A_523 = tpu.memref_squeeze %dma_wait3A_522 : memref<1x!tpu.dma_semaphore, #tpu.memory_space<semaphore_mem>> -> memref<!tpu.dma_semaphore, #tpu.memory_space<semaphore_mem>>
        tpu.wait_indirect_dma semaphore(%dma_wait3A_523 : memref<!tpu.dma_semaphore, #tpu.memory_space<semaphore_mem>>) src(%dma_wait3A_515 : memref<64x16xf32, #tpu.memory_space<vmem>>) dst(%dma_wait3A_521 : memref<10112x16xf32, #tpu.memory_space<vmem_shared>>)
      } else {
      }
      %add3A_130 = arith.constant 64 : i32
      %add3A_131 = arith.addi %add3A_95, %add3A_130 : i32
      %add3A_132 = arith.constant 320000 : i32
      %add3A_133 = arith.addi %add3A_132, %add3A_131 : i32
      %dma_start3A_134 = arith.constant 1 : i32
      %dma_start3A_135 = arith.constant 1 : i32
      %dma_start3A_136 = arith.constant 0 : i32
      %dma_start3A_137 = tpu.memref_slice %arg11[%dma_start3A_134, %dma_start3A_136] : memref<2x64xi32, #tpu.memory_space<vmem>> -> memref<1x64xi32, #tpu.memory_space<vmem>>
      %dma_start3A_138 = tpu.memref_squeeze %dma_start3A_137 : memref<1x64xi32, #tpu.memory_space<vmem>> -> memref<64xi32, #tpu.memory_space<vmem>>
      %dma_start3A_139 = tpu.memref_slice %arg3[%add3A_131] : memref<640000xi32, #tpu.memory_space<hbm>> -> memref<64xi32, #tpu.memory_space<hbm>>
      %dma_start3A_140 = tpu.memref_slice %arg18[%dma_start3A_135] : memref<2x!tpu.dma_semaphore, #tpu.memory_space<semaphore_mem>> -> memref<1x!tpu.dma_semaphore, #tpu.memory_space<semaphore_mem>>
      %dma_start3A_141 = tpu.memref_squeeze %dma_start3A_140 : memref<1x!tpu.dma_semaphore, #tpu.memory_space<semaphore_mem>> -> memref<!tpu.dma_semaphore, #tpu.memory_space<semaphore_mem>>
      %dma_start3A_142 = arith.constant 0 : i32
      %dma_start3A_143 = tpu.memref_slice %arg11[%dma_start3A_134, %dma_start3A_142] : memref<2x64xi32, #tpu.memory_space<vmem>> -> memref<1x64xi32, #tpu.memory_space<vmem>>
      %dma_start3A_144 = tpu.memref_squeeze %dma_start3A_143 : memref<1x64xi32, #tpu.memory_space<vmem>> -> memref<64xi32, #tpu.memory_space<vmem>>
      %dma_start3A_145 = tpu.memref_slice %arg3[%add3A_131] : memref<640000xi32, #tpu.memory_space<hbm>> -> memref<64xi32, #tpu.memory_space<hbm>>
      tpu.enqueue_dma source(%dma_start3A_145 : memref<64xi32, #tpu.memory_space<hbm>>) target(%dma_start3A_144 : memref<64xi32, #tpu.memory_space<vmem>>) target_semaphore(%dma_start3A_141 : memref<!tpu.dma_semaphore, #tpu.memory_space<semaphore_mem>>)
      %dma_start3A_146 = arith.constant 1 : i32
      %dma_start3A_147 = arith.constant 1 : i32
      %dma_start3A_148 = arith.constant 0 : i32
      %dma_start3A_149 = tpu.memref_slice %arg12[%dma_start3A_146, %dma_start3A_148] : memref<2x64xi32, #tpu.memory_space<vmem>> -> memref<1x64xi32, #tpu.memory_space<vmem>>
      %dma_start3A_150 = tpu.memref_squeeze %dma_start3A_149 : memref<1x64xi32, #tpu.memory_space<vmem>> -> memref<64xi32, #tpu.memory_space<vmem>>
      %dma_start3A_151 = tpu.memref_slice %arg3[%add3A_133] : memref<640000xi32, #tpu.memory_space<hbm>> -> memref<64xi32, #tpu.memory_space<hbm>>
      %dma_start3A_152 = tpu.memref_slice %arg18[%dma_start3A_147] : memref<2x!tpu.dma_semaphore, #tpu.memory_space<semaphore_mem>> -> memref<1x!tpu.dma_semaphore, #tpu.memory_space<semaphore_mem>>
      %dma_start3A_153 = tpu.memref_squeeze %dma_start3A_152 : memref<1x!tpu.dma_semaphore, #tpu.memory_space<semaphore_mem>> -> memref<!tpu.dma_semaphore, #tpu.memory_space<semaphore_mem>>
      %dma_start3A_154 = arith.constant 0 : i32
      %dma_start3A_155 = tpu.memref_slice %arg12[%dma_start3A_146, %dma_start3A_154] : memref<2x64xi32, #tpu.memory_space<vmem>> -> memref<1x64xi32, #tpu.memory_space<vmem>>
      %dma_start3A_156 = tpu.memref_squeeze %dma_start3A_155 : memref<1x64xi32, #tpu.memory_space<vmem>> -> memref<64xi32, #tpu.memory_space<vmem>>
      %dma_start3A_157 = tpu.memref_slice %arg3[%add3A_133] : memref<640000xi32, #tpu.memory_space<hbm>> -> memref<64xi32, #tpu.memory_space<hbm>>
      tpu.enqueue_dma source(%dma_start3A_157 : memref<64xi32, #tpu.memory_space<hbm>>) target(%dma_start3A_156 : memref<64xi32, #tpu.memory_space<vmem>>) target_semaphore(%dma_start3A_153 : memref<!tpu.dma_semaphore, #tpu.memory_space<semaphore_mem>>)
      %add3A_158 = arith.constant 0 : i32
      %add3A_159 = arith.addi %add3A_95, %add3A_158 : i32
      %add3A_160 = arith.constant 320000 : i32
      %add3A_161 = arith.addi %add3A_160, %add3A_159 : i32
      %dma_wait3A_162 = arith.constant 0 : i32
      %dma_wait3A_163 = arith.constant 0 : i32
      %dma_wait3A_164 = arith.constant 0 : i32
      %dma_wait3A_165 = tpu.memref_slice %arg11[%dma_wait3A_162, %dma_wait3A_164] : memref<2x64xi32, #tpu.memory_space<vmem>> -> memref<1x64xi32, #tpu.memory_space<vmem>>
      %dma_wait3A_166 = tpu.memref_squeeze %dma_wait3A_165 : memref<1x64xi32, #tpu.memory_space<vmem>> -> memref<64xi32, #tpu.memory_space<vmem>>
      %dma_wait3A_167 = tpu.memref_slice %arg3[%add3A_159] : memref<640000xi32, #tpu.memory_space<hbm>> -> memref<64xi32, #tpu.memory_space<hbm>>
      %dma_wait3A_168 = tpu.memref_slice %arg18[%dma_wait3A_163] : memref<2x!tpu.dma_semaphore, #tpu.memory_space<semaphore_mem>> -> memref<1x!tpu.dma_semaphore, #tpu.memory_space<semaphore_mem>>
      %dma_wait3A_169 = tpu.memref_squeeze %dma_wait3A_168 : memref<1x!tpu.dma_semaphore, #tpu.memory_space<semaphore_mem>> -> memref<!tpu.dma_semaphore, #tpu.memory_space<semaphore_mem>>
      %dma_wait3A_170 = arith.constant 0 : i32
      %dma_wait3A_171 = tpu.memref_slice %arg11[%dma_wait3A_162, %dma_wait3A_170] : memref<2x64xi32, #tpu.memory_space<vmem>> -> memref<1x64xi32, #tpu.memory_space<vmem>>
      %dma_wait3A_172 = tpu.memref_squeeze %dma_wait3A_171 : memref<1x64xi32, #tpu.memory_space<vmem>> -> memref<64xi32, #tpu.memory_space<vmem>>
      %dma_wait3A_173 = tpu.memref_slice %arg3[%add3A_159] : memref<640000xi32, #tpu.memory_space<hbm>> -> memref<64xi32, #tpu.memory_space<hbm>>
      tpu.wait_dma2 semaphore(%dma_wait3A_169 : memref<!tpu.dma_semaphore, #tpu.memory_space<semaphore_mem>>) src(%dma_wait3A_173 : memref<64xi32, #tpu.memory_space<hbm>>) dst(%dma_wait3A_172 : memref<64xi32, #tpu.memory_space<vmem>>)
      %dma_wait3A_174 = arith.constant 0 : i32
      %dma_wait3A_175 = arith.constant 0 : i32
      %dma_wait3A_176 = arith.constant 0 : i32
      %dma_wait3A_177 = tpu.memref_slice %arg12[%dma_wait3A_174, %dma_wait3A_176] : memref<2x64xi32, #tpu.memory_space<vmem>> -> memref<1x64xi32, #tpu.memory_space<vmem>>
      %dma_wait3A_178 = tpu.memref_squeeze %dma_wait3A_177 : memref<1x64xi32, #tpu.memory_space<vmem>> -> memref<64xi32, #tpu.memory_space<vmem>>
      %dma_wait3A_179 = tpu.memref_slice %arg3[%add3A_161] : memref<640000xi32, #tpu.memory_space<hbm>> -> memref<64xi32, #tpu.memory_space<hbm>>
      %dma_wait3A_180 = tpu.memref_slice %arg18[%dma_wait3A_175] : memref<2x!tpu.dma_semaphore, #tpu.memory_space<semaphore_mem>> -> memref<1x!tpu.dma_semaphore, #tpu.memory_space<semaphore_mem>>
      %dma_wait3A_181 = tpu.memref_squeeze %dma_wait3A_180 : memref<1x!tpu.dma_semaphore, #tpu.memory_space<semaphore_mem>> -> memref<!tpu.dma_semaphore, #tpu.memory_space<semaphore_mem>>
      %dma_wait3A_182 = arith.constant 0 : i32
      %dma_wait3A_183 = tpu.memref_slice %arg12[%dma_wait3A_174, %dma_wait3A_182] : memref<2x64xi32, #tpu.memory_space<vmem>> -> memref<1x64xi32, #tpu.memory_space<vmem>>
      %dma_wait3A_184 = tpu.memref_squeeze %dma_wait3A_183 : memref<1x64xi32, #tpu.memory_space<vmem>> -> memref<64xi32, #tpu.memory_space<vmem>>
      %dma_wait3A_185 = tpu.memref_slice %arg3[%add3A_161] : memref<640000xi32, #tpu.memory_space<hbm>> -> memref<64xi32, #tpu.memory_space<hbm>>
      tpu.wait_dma2 semaphore(%dma_wait3A_181 : memref<!tpu.dma_semaphore, #tpu.memory_space<semaphore_mem>>) src(%dma_wait3A_185 : memref<64xi32, #tpu.memory_space<hbm>>) dst(%dma_wait3A_184 : memref<64xi32, #tpu.memory_space<vmem>>)
      %dma_start3A_186 = arith.constant 0 : i32
      %dma_start3A_187 = arith.constant 0 : i32
      %dma_start3A_188 = arith.constant 0 : i32
      %dma_start3A_189 = arith.constant 0 : i32
      %dma_start3A_190 = arith.constant 0 : i32
      %dma_start3A_191 = tpu.memref_slice %arg13[%dma_start3A_187, %dma_start3A_189, %dma_start3A_190] : memref<2x64x128xf32, #tpu.memory_space<vmem>> -> memref<1x64x128xf32, #tpu.memory_space<vmem>>
      %dma_start3A_192 = tpu.memref_squeeze %dma_start3A_191 : memref<1x64x128xf32, #tpu.memory_space<vmem>> -> memref<64x128xf32, #tpu.memory_space<vmem>>
      %dma_start3A_193 = arith.constant 0 : i32
      %dma_start3A_194 = tpu.memref_slice %arg11[%dma_start3A_186, %dma_start3A_193] : memref<2x64xi32, #tpu.memory_space<vmem>> -> memref<1x64xi32, #tpu.memory_space<vmem>>
      %dma_start3A_195 = tpu.memref_squeeze %dma_start3A_194 : memref<1x64xi32, #tpu.memory_space<vmem>> -> memref<64xi32, #tpu.memory_space<vmem>>
      %dma_start3A_196 = arith.constant 0 : i32
      %dma_start3A_197 = arith.constant 0 : i32
      %dma_start3A_198 = tpu.memref_slice %arg2[%dma_start3A_196, %dma_start3A_197] : memref<10000x128xf32, #tpu.memory_space<hbm>> -> memref<10000x128xf32, #tpu.memory_space<hbm>>
      %dma_start3A_199 = tpu.memref_slice %arg19[%dma_start3A_188] : memref<2x!tpu.dma_semaphore, #tpu.memory_space<semaphore_mem>> -> memref<1x!tpu.dma_semaphore, #tpu.memory_space<semaphore_mem>>
      %dma_start3A_200 = tpu.memref_squeeze %dma_start3A_199 : memref<1x!tpu.dma_semaphore, #tpu.memory_space<semaphore_mem>> -> memref<!tpu.dma_semaphore, #tpu.memory_space<semaphore_mem>>
      tpu.enqueue_indirect_dma source(%dma_start3A_198 : memref<10000x128xf32, #tpu.memory_space<hbm>>) target(%dma_start3A_192 : memref<64x128xf32, #tpu.memory_space<vmem>>) offsets(%dma_start3A_195 : memref<64xi32, #tpu.memory_space<vmem>>) semaphore(%dma_start3A_200 : memref<!tpu.dma_semaphore, #tpu.memory_space<semaphore_mem>>)
      %get3A = arith.constant 0 : i32
      %get3A_201 = arith.index_cast %get3A : i32 to index
      %get3A_202 = arith.constant 0 : index
      %get3A_203 = tpu.vector_load %arg11[%get3A_201, %get3A_202] {strides = array<i32>} : memref<2x64xi32, #tpu.memory_space<vmem>>, vector<16xi32>,
      %get3A_204 = arith.constant 0 : i32
      %get3A_205 = arith.index_cast %get3A_204 : i32 to index
      %get3A_206 = arith.constant 0 : index
      %get3A_207 = tpu.vector_load %arg12[%get3A_205, %get3A_206] {strides = array<i32>} : memref<2x64xi32, #tpu.memory_space<vmem>>, vector<16xi32>,
      %gather3A = tpu.vector_load_idx %arg16[%get3A_203] : memref<10112xf32, #tpu.memory_space<vmem>>[vector<16xi32>], vector<16xf32>,
      %gather3A_208 = tpu.vector_load_idx %arg17[%get3A_207] : memref<10112xf32, #tpu.memory_space<vmem>>[vector<16xi32>], vector<16xf32>,
      %add3A_209 = arith.addf %gather3A, %gather3A_208 : vector<16xf32>
      %mul3A_210 = arith.constant 2.000000e-01 : f32
      %mul3A_211 = vector.broadcast %mul3A_210 : f32 to vector<16xf32>
      %mul3A_212 = arith.mulf %add3A_209, %mul3A_211 : vector<16xf32>
      %max3A = arith.maximumf %add3A_209, %mul3A_212 : vector<16xf32>
      %exp3A = math.exp %max3A : vector<16xf32>
      %swap3A = arith.constant 0 : i32
      %swap3A_213 = arith.index_cast %swap3A : i32 to index
      %swap3A_214 = arith.constant 0 : index
      %swap3A_215 = tpu.vector_load %arg15[%swap3A_213, %swap3A_214] {strides = array<i32>} : memref<2x64xf32, #tpu.memory_space<vmem>>, vector<16xf32>,
      tpu.vector_store %arg15[%swap3A_213, %swap3A_214], %exp3A {strides = array<i32>} : memref<2x64xf32, #tpu.memory_space<vmem>>, vector<16xf32>,
      %get3A_216 = arith.constant 0 : i32
      %get3A_217 = arith.index_cast %get3A_216 : i32 to index
      %get3A_218 = arith.constant 16 : index
      %get3A_219 = tpu.vector_load %arg11[%get3A_217, %get3A_218] {strides = array<i32>} : memref<2x64xi32, #tpu.memory_space<vmem>>, vector<16xi32>,
      %get3A_220 = arith.constant 0 : i32
      %get3A_221 = arith.index_cast %get3A_220 : i32 to index
      %get3A_222 = arith.constant 16 : index
      %get3A_223 = tpu.vector_load %arg12[%get3A_221, %get3A_222] {strides = array<i32>} : memref<2x64xi32, #tpu.memory_space<vmem>>, vector<16xi32>,
      %gather3A_224 = tpu.vector_load_idx %arg16[%get3A_219] : memref<10112xf32, #tpu.memory_space<vmem>>[vector<16xi32>], vector<16xf32>,
      %gather3A_225 = tpu.vector_load_idx %arg17[%get3A_223] : memref<10112xf32, #tpu.memory_space<vmem>>[vector<16xi32>], vector<16xf32>,
      %add3A_226 = arith.addf %gather3A_224, %gather3A_225 : vector<16xf32>
      %mul3A_227 = arith.constant 2.000000e-01 : f32
      %mul3A_228 = vector.broadcast %mul3A_227 : f32 to vector<16xf32>
      %mul3A_229 = arith.mulf %add3A_226, %mul3A_228 : vector<16xf32>
      %max3A_230 = arith.maximumf %add3A_226, %mul3A_229 : vector<16xf32>
      %exp3A_231 = math.exp %max3A_230 : vector<16xf32>
      %swap3A_232 = arith.constant 0 : i32
      %swap3A_233 = arith.index_cast %swap3A_232 : i32 to index
      %swap3A_234 = arith.constant 16 : index
      %swap3A_235 = tpu.vector_load %arg15[%swap3A_233, %swap3A_234] {strides = array<i32>} : memref<2x64xf32, #tpu.memory_space<vmem>>, vector<16xf32>,
      tpu.vector_store %arg15[%swap3A_233, %swap3A_234], %exp3A_231 {strides = array<i32>} : memref<2x64xf32, #tpu.memory_space<vmem>>, vector<16xf32>,
      %get3A_236 = arith.constant 0 : i32
      %get3A_237 = arith.index_cast %get3A_236 : i32 to index
      %get3A_238 = arith.constant 32 : index
      %get3A_239 = tpu.vector_load %arg11[%get3A_237, %get3A_238] {strides = array<i32>} : memref<2x64xi32, #tpu.memory_space<vmem>>, vector<16xi32>,
      %get3A_240 = arith.constant 0 : i32
      %get3A_241 = arith.index_cast %get3A_240 : i32 to index
      %get3A_242 = arith.constant 32 : index
      %get3A_243 = tpu.vector_load %arg12[%get3A_241, %get3A_242] {strides = array<i32>} : memref<2x64xi32, #tpu.memory_space<vmem>>, vector<16xi32>,
      %gather3A_244 = tpu.vector_load_idx %arg16[%get3A_239] : memref<10112xf32, #tpu.memory_space<vmem>>[vector<16xi32>], vector<16xf32>,
      %gather3A_245 = tpu.vector_load_idx %arg17[%get3A_243] : memref<10112xf32, #tpu.memory_space<vmem>>[vector<16xi32>], vector<16xf32>,
      %add3A_246 = arith.addf %gather3A_244, %gather3A_245 : vector<16xf32>
      %mul3A_247 = arith.constant 2.000000e-01 : f32
      %mul3A_248 = vector.broadcast %mul3A_247 : f32 to vector<16xf32>
      %mul3A_249 = arith.mulf %add3A_246, %mul3A_248 : vector<16xf32>
      %max3A_250 = arith.maximumf %add3A_246, %mul3A_249 : vector<16xf32>
      %exp3A_251 = math.exp %max3A_250 : vector<16xf32>
      %swap3A_252 = arith.constant 0 : i32
      %swap3A_253 = arith.index_cast %swap3A_252 : i32 to index
      %swap3A_254 = arith.constant 32 : index
      %swap3A_255 = tpu.vector_load %arg15[%swap3A_253, %swap3A_254] {strides = array<i32>} : memref<2x64xf32, #tpu.memory_space<vmem>>, vector<16xf32>,
      tpu.vector_store %arg15[%swap3A_253, %swap3A_254], %exp3A_251 {strides = array<i32>} : memref<2x64xf32, #tpu.memory_space<vmem>>, vector<16xf32>,
      %get3A_256 = arith.constant 0 : i32
      %get3A_257 = arith.index_cast %get3A_256 : i32 to index
      %get3A_258 = arith.constant 48 : index
      %get3A_259 = tpu.vector_load %arg11[%get3A_257, %get3A_258] {strides = array<i32>} : memref<2x64xi32, #tpu.memory_space<vmem>>, vector<16xi32>,
      %get3A_260 = arith.constant 0 : i32
      %get3A_261 = arith.index_cast %get3A_260 : i32 to index
      %get3A_262 = arith.constant 48 : index
      %get3A_263 = tpu.vector_load %arg12[%get3A_261, %get3A_262] {strides = array<i32>} : memref<2x64xi32, #tpu.memory_space<vmem>>, vector<16xi32>,
      %gather3A_264 = tpu.vector_load_idx %arg16[%get3A_259] : memref<10112xf32, #tpu.memory_space<vmem>>[vector<16xi32>], vector<16xf32>,
      %gather3A_265 = tpu.vector_load_idx %arg17[%get3A_263] : memref<10112xf32, #tpu.memory_space<vmem>>[vector<16xi32>], vector<16xf32>,
      %add3A_266 = arith.addf %gather3A_264, %gather3A_265 : vector<16xf32>
      %mul3A_267 = arith.constant 2.000000e-01 : f32
      %mul3A_268 = vector.broadcast %mul3A_267 : f32 to vector<16xf32>
      %mul3A_269 = arith.mulf %add3A_266, %mul3A_268 : vector<16xf32>
      %max3A_270 = arith.maximumf %add3A_266, %mul3A_269 : vector<16xf32>
      %exp3A_271 = math.exp %max3A_270 : vector<16xf32>
      %swap3A_272 = arith.constant 0 : i32
      %swap3A_273 = arith.index_cast %swap3A_272 : i32 to index
      %swap3A_274 = arith.constant 48 : index
      %swap3A_275 = tpu.vector_load %arg15[%swap3A_273, %swap3A_274] {strides = array<i32>} : memref<2x64xf32, #tpu.memory_space<vmem>>, vector<16xf32>,
      tpu.vector_store %arg15[%swap3A_273, %swap3A_274], %exp3A_271 {strides = array<i32>} : memref<2x64xf32, #tpu.memory_space<vmem>>, vector<16xf32>,
      %add3A_276 = arith.constant 64 : i32
      %add3A_277 = arith.addi %add3A_95, %add3A_276 : i32
      %add3A_278 = arith.constant 320000 : i32
      %add3A_279 = arith.addi %add3A_278, %add3A_277 : i32
      %dma_wait3A_280 = arith.constant 1 : i32
      %dma_wait3A_281 = arith.constant 1 : i32
      %dma_wait3A_282 = arith.constant 0 : i32
      %dma_wait3A_283 = tpu.memref_slice %arg11[%dma_wait3A_280, %dma_wait3A_282] : memref<2x64xi32, #tpu.memory_space<vmem>> -> memref<1x64xi32, #tpu.memory_space<vmem>>
      %dma_wait3A_284 = tpu.memref_squeeze %dma_wait3A_283 : memref<1x64xi32, #tpu.memory_space<vmem>> -> memref<64xi32, #tpu.memory_space<vmem>>
      %dma_wait3A_285 = tpu.memref_slice %arg3[%add3A_277] : memref<640000xi32, #tpu.memory_space<hbm>> -> memref<64xi32, #tpu.memory_space<hbm>>
      %dma_wait3A_286 = tpu.memref_slice %arg18[%dma_wait3A_281] : memref<2x!tpu.dma_semaphore, #tpu.memory_space<semaphore_mem>> -> memref<1x!tpu.dma_semaphore, #tpu.memory_space<semaphore_mem>>
      %dma_wait3A_287 = tpu.memref_squeeze %dma_wait3A_286 : memref<1x!tpu.dma_semaphore, #tpu.memory_space<semaphore_mem>> -> memref<!tpu.dma_semaphore, #tpu.memory_space<semaphore_mem>>
      %dma_wait3A_288 = arith.constant 0 : i32
      %dma_wait3A_289 = tpu.memref_slice %arg11[%dma_wait3A_280, %dma_wait3A_288] : memref<2x64xi32, #tpu.memory_space<vmem>> -> memref<1x64xi32, #tpu.memory_space<vmem>>
      %dma_wait3A_290 = tpu.memref_squeeze %dma_wait3A_289 : memref<1x64xi32, #tpu.memory_space<vmem>> -> memref<64xi32, #tpu.memory_space<vmem>>
      %dma_wait3A_291 = tpu.memref_slice %arg3[%add3A_277] : memref<640000xi32, #tpu.memory_space<hbm>> -> memref<64xi32, #tpu.memory_space<hbm>>
      tpu.wait_dma2 semaphore(%dma_wait3A_287 : memref<!tpu.dma_semaphore, #tpu.memory_space<semaphore_mem>>) src(%dma_wait3A_291 : memref<64xi32, #tpu.memory_space<hbm>>) dst(%dma_wait3A_290 : memref<64xi32, #tpu.memory_space<vmem>>)
      %dma_wait3A_292 = arith.constant 1 : i32
      %dma_wait3A_293 = arith.constant 1 : i32
      %dma_wait3A_294 = arith.constant 0 : i32
      %dma_wait3A_295 = tpu.memref_slice %arg12[%dma_wait3A_292, %dma_wait3A_294] : memref<2x64xi32, #tpu.memory_space<vmem>> -> memref<1x64xi32, #tpu.memory_space<vmem>>
      %dma_wait3A_296 = tpu.memref_squeeze %dma_wait3A_295 : memref<1x64xi32, #tpu.memory_space<vmem>> -> memref<64xi32, #tpu.memory_space<vmem>>
      %dma_wait3A_297 = tpu.memref_slice %arg3[%add3A_279] : memref<640000xi32, #tpu.memory_space<hbm>> -> memref<64xi32, #tpu.memory_space<hbm>>
      %dma_wait3A_298 = tpu.memref_slice %arg18[%dma_wait3A_293] : memref<2x!tpu.dma_semaphore, #tpu.memory_space<semaphore_mem>> -> memref<1x!tpu.dma_semaphore, #tpu.memory_space<semaphore_mem>>
      %dma_wait3A_299 = tpu.memref_squeeze %dma_wait3A_298 : memref<1x!tpu.dma_semaphore, #tpu.memory_space<semaphore_mem>> -> memref<!tpu.dma_semaphore, #tpu.memory_space<semaphore_mem>>
      %dma_wait3A_300 = arith.constant 0 : i32
      %dma_wait3A_301 = tpu.memref_slice %arg12[%dma_wait3A_292, %dma_wait3A_300] : memref<2x64xi32, #tpu.memory_space<vmem>> -> memref<1x64xi32, #tpu.memory_space<vmem>>
      %dma_wait3A_302 = tpu.memref_squeeze %dma_wait3A_301 : memref<1x64xi32, #tpu.memory_space<vmem>> -> memref<64xi32, #tpu.memory_space<vmem>>
      %dma_wait3A_303 = tpu.memref_slice %arg3[%add3A_279] : memref<640000xi32, #tpu.memory_space<hbm>> -> memref<64xi32, #tpu.memory_space<hbm>>
      tpu.wait_dma2 semaphore(%dma_wait3A_299 : memref<!tpu.dma_semaphore, #tpu.memory_space<semaphore_mem>>) src(%dma_wait3A_303 : memref<64xi32, #tpu.memory_space<hbm>>) dst(%dma_wait3A_302 : memref<64xi32, #tpu.memory_space<vmem>>)
      %dma_start3A_304 = arith.constant 1 : i32
      %dma_start3A_305 = arith.constant 1 : i32
      %dma_start3A_306 = arith.constant 1 : i32
      %dma_start3A_307 = arith.constant 0 : i32
      %dma_start3A_308 = arith.constant 0 : i32
      %dma_start3A_309 = tpu.memref_slice %arg13[%dma_start3A_305, %dma_start3A_307, %dma_start3A_308] : memref<2x64x128xf32, #tpu.memory_space<vmem>> -> memref<1x64x128xf32, #tpu.memory_space<vmem>>
      %dma_start3A_310 = tpu.memref_squeeze %dma_start3A_309 : memref<1x64x128xf32, #tpu.memory_space<vmem>> -> memref<64x128xf32, #tpu.memory_space<vmem>>
      %dma_start3A_311 = arith.constant 0 : i32
      %dma_start3A_312 = tpu.memref_slice %arg11[%dma_start3A_304, %dma_start3A_311] : memref<2x64xi32, #tpu.memory_space<vmem>> -> memref<1x64xi32, #tpu.memory_space<vmem>>
      %dma_start3A_313 = tpu.memref_squeeze %dma_start3A_312 : memref<1x64xi32, #tpu.memory_space<vmem>> -> memref<64xi32, #tpu.memory_space<vmem>>
      %dma_start3A_314 = arith.constant 0 : i32
      %dma_start3A_315 = arith.constant 0 : i32
      %dma_start3A_316 = tpu.memref_slice %arg2[%dma_start3A_314, %dma_start3A_315] : memref<10000x128xf32, #tpu.memory_space<hbm>> -> memref<10000x128xf32, #tpu.memory_space<hbm>>
      %dma_start3A_317 = tpu.memref_slice %arg19[%dma_start3A_306] : memref<2x!tpu.dma_semaphore, #tpu.memory_space<semaphore_mem>> -> memref<1x!tpu.dma_semaphore, #tpu.memory_space<semaphore_mem>>
      %dma_start3A_318 = tpu.memref_squeeze %dma_start3A_317 : memref<1x!tpu.dma_semaphore, #tpu.memory_space<semaphore_mem>> -> memref<!tpu.dma_semaphore, #tpu.memory_space<semaphore_mem>>
      tpu.enqueue_indirect_dma source(%dma_start3A_316 : memref<10000x128xf32, #tpu.memory_space<hbm>>) target(%dma_start3A_310 : memref<64x128xf32, #tpu.memory_space<vmem>>) offsets(%dma_start3A_313 : memref<64xi32, #tpu.memory_space<vmem>>) semaphore(%dma_start3A_318 : memref<!tpu.dma_semaphore, #tpu.memory_space<semaphore_mem>>)
      %get3A_319 = arith.constant 1 : i32
      %get3A_320 = arith.index_cast %get3A_319 : i32 to index
      %get3A_321 = arith.constant 0 : index
      %get3A_322 = tpu.vector_load %arg11[%get3A_320, %get3A_321] {strides = array<i32>} : memref<2x64xi32, #tpu.memory_space<vmem>>, vector<16xi32>,
      %get3A_323 = arith.constant 1 : i32
      %get3A_324 = arith.index_cast %get3A_323 : i32 to index
      %get3A_325 = arith.constant 0 : index
      %get3A_326 = tpu.vector_load %arg12[%get3A_324, %get3A_325] {strides = array<i32>} : memref<2x64xi32, #tpu.memory_space<vmem>>, vector<16xi32>,
      %gather3A_327 = tpu.vector_load_idx %arg16[%get3A_322] : memref<10112xf32, #tpu.memory_space<vmem>>[vector<16xi32>], vector<16xf32>,
      %gather3A_328 = tpu.vector_load_idx %arg17[%get3A_326] : memref<10112xf32, #tpu.memory_space<vmem>>[vector<16xi32>], vector<16xf32>,
      %add3A_329 = arith.addf %gather3A_327, %gather3A_328 : vector<16xf32>
      %mul3A_330 = arith.constant 2.000000e-01 : f32
      %mul3A_331 = vector.broadcast %mul3A_330 : f32 to vector<16xf32>
      %mul3A_332 = arith.mulf %add3A_329, %mul3A_331 : vector<16xf32>
      %max3A_333 = arith.maximumf %add3A_329, %mul3A_332 : vector<16xf32>
      %exp3A_334 = math.exp %max3A_333 : vector<16xf32>
      %swap3A_335 = arith.constant 1 : i32
      %swap3A_336 = arith.index_cast %swap3A_335 : i32 to index
      %swap3A_337 = arith.constant 0 : index
      %swap3A_338 = tpu.vector_load %arg15[%swap3A_336, %swap3A_337] {strides = array<i32>} : memref<2x64xf32, #tpu.memory_space<vmem>>, vector<16xf32>,
      tpu.vector_store %arg15[%swap3A_336, %swap3A_337], %exp3A_334 {strides = array<i32>} : memref<2x64xf32, #tpu.memory_space<vmem>>, vector<16xf32>,
      %get3A_339 = arith.constant 1 : i32
      %get3A_340 = arith.index_cast %get3A_339 : i32 to index
      %get3A_341 = arith.constant 16 : index
      %get3A_342 = tpu.vector_load %arg11[%get3A_340, %get3A_341] {strides = array<i32>} : memref<2x64xi32, #tpu.memory_space<vmem>>, vector<16xi32>,
      %get3A_343 = arith.constant 1 : i32
      %get3A_344 = arith.index_cast %get3A_343 : i32 to index
      %get3A_345 = arith.constant 16 : index
      %get3A_346 = tpu.vector_load %arg12[%get3A_344, %get3A_345] {strides = array<i32>} : memref<2x64xi32, #tpu.memory_space<vmem>>, vector<16xi32>,
      %gather3A_347 = tpu.vector_load_idx %arg16[%get3A_342] : memref<10112xf32, #tpu.memory_space<vmem>>[vector<16xi32>], vector<16xf32>,
      %gather3A_348 = tpu.vector_load_idx %arg17[%get3A_346] : memref<10112xf32, #tpu.memory_space<vmem>>[vector<16xi32>], vector<16xf32>,
      %add3A_349 = arith.addf %gather3A_347, %gather3A_348 : vector<16xf32>
      %mul3A_350 = arith.constant 2.000000e-01 : f32
      %mul3A_351 = vector.broadcast %mul3A_350 : f32 to vector<16xf32>
      %mul3A_352 = arith.mulf %add3A_349, %mul3A_351 : vector<16xf32>
      %max3A_353 = arith.maximumf %add3A_349, %mul3A_352 : vector<16xf32>
      %exp3A_354 = math.exp %max3A_353 : vector<16xf32>
      %swap3A_355 = arith.constant 1 : i32
      %swap3A_356 = arith.index_cast %swap3A_355 : i32 to index
      %swap3A_357 = arith.constant 16 : index
      %swap3A_358 = tpu.vector_load %arg15[%swap3A_356, %swap3A_357] {strides = array<i32>} : memref<2x64xf32, #tpu.memory_space<vmem>>, vector<16xf32>,
      tpu.vector_store %arg15[%swap3A_356, %swap3A_357], %exp3A_354 {strides = array<i32>} : memref<2x64xf32, #tpu.memory_space<vmem>>, vector<16xf32>,
      %get3A_359 = arith.constant 1 : i32
      %get3A_360 = arith.index_cast %get3A_359 : i32 to index
      %get3A_361 = arith.constant 32 : index
      %get3A_362 = tpu.vector_load %arg11[%get3A_360, %get3A_361] {strides = array<i32>} : memref<2x64xi32, #tpu.memory_space<vmem>>, vector<16xi32>,
      %get3A_363 = arith.constant 1 : i32
      %get3A_364 = arith.index_cast %get3A_363 : i32 to index
      %get3A_365 = arith.constant 32 : index
      %get3A_366 = tpu.vector_load %arg12[%get3A_364, %get3A_365] {strides = array<i32>} : memref<2x64xi32, #tpu.memory_space<vmem>>, vector<16xi32>,
      %gather3A_367 = tpu.vector_load_idx %arg16[%get3A_362] : memref<10112xf32, #tpu.memory_space<vmem>>[vector<16xi32>], vector<16xf32>,
      %gather3A_368 = tpu.vector_load_idx %arg17[%get3A_366] : memref<10112xf32, #tpu.memory_space<vmem>>[vector<16xi32>], vector<16xf32>,
      %add3A_369 = arith.addf %gather3A_367, %gather3A_368 : vector<16xf32>
      %mul3A_370 = arith.constant 2.000000e-01 : f32
      %mul3A_371 = vector.broadcast %mul3A_370 : f32 to vector<16xf32>
      %mul3A_372 = arith.mulf %add3A_369, %mul3A_371 : vector<16xf32>
      %max3A_373 = arith.maximumf %add3A_369, %mul3A_372 : vector<16xf32>
      %exp3A_374 = math.exp %max3A_373 : vector<16xf32>
      %swap3A_375 = arith.constant 1 : i32
      %swap3A_376 = arith.index_cast %swap3A_375 : i32 to index
      %swap3A_377 = arith.constant 32 : index
      %swap3A_378 = tpu.vector_load %arg15[%swap3A_376, %swap3A_377] {strides = array<i32>} : memref<2x64xf32, #tpu.memory_space<vmem>>, vector<16xf32>,
      tpu.vector_store %arg15[%swap3A_376, %swap3A_377], %exp3A_374 {strides = array<i32>} : memref<2x64xf32, #tpu.memory_space<vmem>>, vector<16xf32>,
      %get3A_379 = arith.constant 1 : i32
      %get3A_380 = arith.index_cast %get3A_379 : i32 to index
      %get3A_381 = arith.constant 48 : index
      %get3A_382 = tpu.vector_load %arg11[%get3A_380, %get3A_381] {strides = array<i32>} : memref<2x64xi32, #tpu.memory_space<vmem>>, vector<16xi32>,
      %get3A_383 = arith.constant 1 : i32
      %get3A_384 = arith.index_cast %get3A_383 : i32 to index
      %get3A_385 = arith.constant 48 : index
      %get3A_386 = tpu.vector_load %arg12[%get3A_384, %get3A_385] {strides = array<i32>} : memref<2x64xi32, #tpu.memory_space<vmem>>, vector<16xi32>,
      %gather3A_387 = tpu.vector_load_idx %arg16[%get3A_382] : memref<10112xf32, #tpu.memory_space<vmem>>[vector<16xi32>], vector<16xf32>,
      %gather3A_388 = tpu.vector_load_idx %arg17[%get3A_386] : memref<10112xf32, #tpu.memory_space<vmem>>[vector<16xi32>], vector<16xf32>,
      %add3A_389 = arith.addf %gather3A_387, %gather3A_388 : vector<16xf32>
      %mul3A_390 = arith.constant 2.000000e-01 : f32
      %mul3A_391 = vector.broadcast %mul3A_390 : f32 to vector<16xf32>
      %mul3A_392 = arith.mulf %add3A_389, %mul3A_391 : vector<16xf32>
      %max3A_393 = arith.maximumf %add3A_389, %mul3A_392 : vector<16xf32>
      %exp3A_394 = math.exp %max3A_393 : vector<16xf32>
      %swap3A_395 = arith.constant 1 : i32
      %swap3A_396 = arith.index_cast %swap3A_395 : i32 to index
      %swap3A_397 = arith.constant 48 : index
      %swap3A_398 = tpu.vector_load %arg15[%swap3A_396, %swap3A_397] {strides = array<i32>} : memref<2x64xf32, #tpu.memory_space<vmem>>, vector<16xf32>,
      tpu.vector_store %arg15[%swap3A_396, %swap3A_397], %exp3A_394 {strides = array<i32>} : memref<2x64xf32, #tpu.memory_space<vmem>>, vector<16xf32>,
      %dma_wait3A_399 = arith.constant 0 : i32
      %dma_wait3A_400 = arith.constant 0 : i32
      %dma_wait3A_401 = arith.constant 0 : i32
      %dma_wait3A_402 = arith.constant 0 : i32
      %dma_wait3A_403 = arith.constant 0 : i32
      %dma_wait3A_404 = tpu.memref_slice %arg13[%dma_wait3A_400, %dma_wait3A_402, %dma_wait3A_403] : memref<2x64x128xf32, #tpu.memory_space<vmem>> -> memref<1x64x128xf32, #tpu.memory_space<vmem>>
      %dma_wait3A_405 = tpu.memref_squeeze %dma_wait3A_404 : memref<1x64x128xf32, #tpu.memory_space<vmem>> -> memref<64x128xf32, #tpu.memory_space<vmem>>
      %dma_wait3A_406 = arith.constant 0 : i32
      %dma_wait3A_407 = tpu.memref_slice %arg11[%dma_wait3A_399, %dma_wait3A_406] : memref<2x64xi32, #tpu.memory_space<vmem>> -> memref<1x64xi32, #tpu.memory_space<vmem>>
      %dma_wait3A_408 = tpu.memref_squeeze %dma_wait3A_407 : memref<1x64xi32, #tpu.memory_space<vmem>> -> memref<64xi32, #tpu.memory_space<vmem>>
      %dma_wait3A_409 = arith.constant 0 : i32
      %dma_wait3A_410 = arith.constant 0 : i32
      %dma_wait3A_411 = tpu.memref_slice %arg2[%dma_wait3A_409, %dma_wait3A_410] : memref<10000x128xf32, #tpu.memory_space<hbm>> -> memref<10000x128xf32, #tpu.memory_space<hbm>>
      %dma_wait3A_412 = tpu.memref_slice %arg19[%dma_wait3A_401] : memref<2x!tpu.dma_semaphore, #tpu.memory_space<semaphore_mem>> -> memref<1x!tpu.dma_semaphore, #tpu.memory_space<semaphore_mem>>
      %dma_wait3A_413 = tpu.memref_squeeze %dma_wait3A_412 : memref<1x!tpu.dma_semaphore, #tpu.memory_space<semaphore_mem>> -> memref<!tpu.dma_semaphore, #tpu.memory_space<semaphore_mem>>
      tpu.wait_indirect_dma semaphore(%dma_wait3A_413 : memref<!tpu.dma_semaphore, #tpu.memory_space<semaphore_mem>>) src(%dma_wait3A_411 : memref<10000x128xf32, #tpu.memory_space<hbm>>) dst(%dma_wait3A_405 : memref<64x128xf32, #tpu.memory_space<vmem>>)
      %parallel_loop3A = arith.constant 0 : i32
      %parallel_loop3A_414 = arith.constant 64 : i32
      %parallel_loop3A_415 = arith.constant 1 : i32
      scf.for %parallel_loop3A_494 = %parallel_loop3A to %parallel_loop3A_414 step %parallel_loop3A_415  : i32 {
        %parallel_loop3A_495 = vector.broadcast %parallel_loop3A_494 : i32 to vector<16xi32>
        %parallel_loop3A_496 = arith.constant 0 : i32
        %parallel_loop3A_497 = arith.constant 0 : i32
        %parallel_loop3A_498 = tpu.memref_slice %arg15[%parallel_loop3A_496, %parallel_loop3A_497] : memref<2x64xf32, #tpu.memory_space<vmem>> -> memref<1x64xf32, #tpu.memory_space<vmem>>
        %parallel_loop3A_499 = tpu.memref_squeeze %parallel_loop3A_498 : memref<1x64xf32, #tpu.memory_space<vmem>> -> memref<64xf32, #tpu.memory_space<vmem>>
        %parallel_loop3A_500 = tpu.vector_load_idx %parallel_loop3A_499[%parallel_loop3A_495] : memref<64xf32, #tpu.memory_space<vmem>>[vector<16xi32>], vector<16xf32>,
        %parallel_loop3A_501 = arith.constant 0 : i32
        %parallel_loop3A_502 = arith.index_cast %parallel_loop3A_501 : i32 to index
        %parallel_loop3A_503 = arith.index_cast %parallel_loop3A_494 : i32 to index
        %parallel_loop3A_504 = arith.constant 0 : index
        %parallel_loop3A_505 = tpu.vector_load %arg13[%parallel_loop3A_502, %parallel_loop3A_503, %parallel_loop3A_504] {strides = array<i32>} : memref<2x64x128xf32, #tpu.memory_space<vmem>>, vector<16xf32>,
        %parallel_loop3A_506 = arith.mulf %parallel_loop3A_505, %parallel_loop3A_500 : vector<16xf32>
        %parallel_loop3A_507 = arith.constant 0 : i32
        %parallel_loop3A_508 = arith.index_cast %parallel_loop3A_507 : i32 to index
        %parallel_loop3A_509 = arith.index_cast %parallel_loop3A_494 : i32 to index
        %parallel_loop3A_510 = arith.constant 0 : index
        %parallel_loop3A_511 = tpu.vector_load %arg13[%parallel_loop3A_508, %parallel_loop3A_509, %parallel_loop3A_510] {strides = array<i32>} : memref<2x64x128xf32, #tpu.memory_space<vmem>>, vector<16xf32>,
        tpu.vector_store %arg13[%parallel_loop3A_508, %parallel_loop3A_509, %parallel_loop3A_510], %parallel_loop3A_506 {strides = array<i32>} : memref<2x64x128xf32, #tpu.memory_space<vmem>>, vector<16xf32>,
        %parallel_loop3A_512 = arith.constant 0 : i32
        %parallel_loop3A_513 = arith.index_cast %parallel_loop3A_512 : i32 to index
        %parallel_loop3A_514 = arith.index_cast %parallel_loop3A_494 : i32 to index
        %parallel_loop3A_515 = arith.constant 16 : index
        %parallel_loop3A_516 = tpu.vector_load %arg13[%parallel_loop3A_513, %parallel_loop3A_514, %parallel_loop3A_515] {strides = array<i32>} : memref<2x64x128xf32, #tpu.memory_space<vmem>>, vector<16xf32>,
        %parallel_loop3A_517 = arith.mulf %parallel_loop3A_516, %parallel_loop3A_500 : vector<16xf32>
        %parallel_loop3A_518 = arith.constant 0 : i32
        %parallel_loop3A_519 = arith.index_cast %parallel_loop3A_518 : i32 to index
        %parallel_loop3A_520 = arith.index_cast %parallel_loop3A_494 : i32 to index
        %parallel_loop3A_521 = arith.constant 16 : index
        %parallel_loop3A_522 = tpu.vector_load %arg13[%parallel_loop3A_519, %parallel_loop3A_520, %parallel_loop3A_521] {strides = array<i32>} : memref<2x64x128xf32, #tpu.memory_space<vmem>>, vector<16xf32>,
        tpu.vector_store %arg13[%parallel_loop3A_519, %parallel_loop3A_520, %parallel_loop3A_521], %parallel_loop3A_517 {strides = array<i32>} : memref<2x64x128xf32, #tpu.memory_space<vmem>>, vector<16xf32>,
        %parallel_loop3A_523 = arith.constant 0 : i32
        %parallel_loop3A_524 = arith.index_cast %parallel_loop3A_523 : i32 to index
        %parallel_loop3A_525 = arith.index_cast %parallel_loop3A_494 : i32 to index
        %parallel_loop3A_526 = arith.constant 32 : index
        %parallel_loop3A_527 = tpu.vector_load %arg13[%parallel_loop3A_524, %parallel_loop3A_525, %parallel_loop3A_526] {strides = array<i32>} : memref<2x64x128xf32, #tpu.memory_space<vmem>>, vector<16xf32>,
        %parallel_loop3A_528 = arith.mulf %parallel_loop3A_527, %parallel_loop3A_500 : vector<16xf32>
        %parallel_loop3A_529 = arith.constant 0 : i32
        %parallel_loop3A_530 = arith.index_cast %parallel_loop3A_529 : i32 to index
        %parallel_loop3A_531 = arith.index_cast %parallel_loop3A_494 : i32 to index
        %parallel_loop3A_532 = arith.constant 32 : index
        %parallel_loop3A_533 = tpu.vector_load %arg13[%parallel_loop3A_530, %parallel_loop3A_531, %parallel_loop3A_532] {strides = array<i32>} : memref<2x64x128xf32, #tpu.memory_space<vmem>>, vector<16xf32>,
        tpu.vector_store %arg13[%parallel_loop3A_530, %parallel_loop3A_531, %parallel_loop3A_532], %parallel_loop3A_528 {strides = array<i32>} : memref<2x64x128xf32, #tpu.memory_space<vmem>>, vector<16xf32>,
        %parallel_loop3A_534 = arith.constant 0 : i32
        %parallel_loop3A_535 = arith.index_cast %parallel_loop3A_534 : i32 to index
        %parallel_loop3A_536 = arith.index_cast %parallel_loop3A_494 : i32 to index
        %parallel_loop3A_537 = arith.constant 48 : index
        %parallel_loop3A_538 = tpu.vector_load %arg13[%parallel_loop3A_535, %parallel_loop3A_536, %parallel_loop3A_537] {strides = array<i32>} : memref<2x64x128xf32, #tpu.memory_space<vmem>>, vector<16xf32>,
        %parallel_loop3A_539 = arith.mulf %parallel_loop3A_538, %parallel_loop3A_500 : vector<16xf32>
        %parallel_loop3A_540 = arith.constant 0 : i32
        %parallel_loop3A_541 = arith.index_cast %parallel_loop3A_540 : i32 to index
        %parallel_loop3A_542 = arith.index_cast %parallel_loop3A_494 : i32 to index
        %parallel_loop3A_543 = arith.constant 48 : index
        %parallel_loop3A_544 = tpu.vector_load %arg13[%parallel_loop3A_541, %parallel_loop3A_542, %parallel_loop3A_543] {strides = array<i32>} : memref<2x64x128xf32, #tpu.memory_space<vmem>>, vector<16xf32>,
        tpu.vector_store %arg13[%parallel_loop3A_541, %parallel_loop3A_542, %parallel_loop3A_543], %parallel_loop3A_539 {strides = array<i32>} : memref<2x64x128xf32, #tpu.memory_space<vmem>>, vector<16xf32>,
        %parallel_loop3A_545 = arith.constant 0 : i32
        %parallel_loop3A_546 = arith.index_cast %parallel_loop3A_545 : i32 to index
        %parallel_loop3A_547 = arith.index_cast %parallel_loop3A_494 : i32 to index
        %parallel_loop3A_548 = arith.constant 64 : index
        %parallel_loop3A_549 = tpu.vector_load %arg13[%parallel_loop3A_546, %parallel_loop3A_547, %parallel_loop3A_548] {strides = array<i32>} : memref<2x64x128xf32, #tpu.memory_space<vmem>>, vector<16xf32>,
        %parallel_loop3A_550 = arith.mulf %parallel_loop3A_549, %parallel_loop3A_500 : vector<16xf32>
        %parallel_loop3A_551 = arith.constant 0 : i32
        %parallel_loop3A_552 = arith.index_cast %parallel_loop3A_551 : i32 to index
        %parallel_loop3A_553 = arith.index_cast %parallel_loop3A_494 : i32 to index
        %parallel_loop3A_554 = arith.constant 64 : index
        %parallel_loop3A_555 = tpu.vector_load %arg13[%parallel_loop3A_552, %parallel_loop3A_553, %parallel_loop3A_554] {strides = array<i32>} : memref<2x64x128xf32, #tpu.memory_space<vmem>>, vector<16xf32>,
        tpu.vector_store %arg13[%parallel_loop3A_552, %parallel_loop3A_553, %parallel_loop3A_554], %parallel_loop3A_550 {strides = array<i32>} : memref<2x64x128xf32, #tpu.memory_space<vmem>>, vector<16xf32>,
        %parallel_loop3A_556 = arith.constant 0 : i32
        %parallel_loop3A_557 = arith.index_cast %parallel_loop3A_556 : i32 to index
        %parallel_loop3A_558 = arith.index_cast %parallel_loop3A_494 : i32 to index
        %parallel_loop3A_559 = arith.constant 80 : index
        %parallel_loop3A_560 = tpu.vector_load %arg13[%parallel_loop3A_557, %parallel_loop3A_558, %parallel_loop3A_559] {strides = array<i32>} : memref<2x64x128xf32, #tpu.memory_space<vmem>>, vector<16xf32>,
        %parallel_loop3A_561 = arith.mulf %parallel_loop3A_560, %parallel_loop3A_500 : vector<16xf32>
        %parallel_loop3A_562 = arith.constant 0 : i32
        %parallel_loop3A_563 = arith.index_cast %parallel_loop3A_562 : i32 to index
        %parallel_loop3A_564 = arith.index_cast %parallel_loop3A_494 : i32 to index
        %parallel_loop3A_565 = arith.constant 80 : index
        %parallel_loop3A_566 = tpu.vector_load %arg13[%parallel_loop3A_563, %parallel_loop3A_564, %parallel_loop3A_565] {strides = array<i32>} : memref<2x64x128xf32, #tpu.memory_space<vmem>>, vector<16xf32>,
        tpu.vector_store %arg13[%parallel_loop3A_563, %parallel_loop3A_564, %parallel_loop3A_565], %parallel_loop3A_561 {strides = array<i32>} : memref<2x64x128xf32, #tpu.memory_space<vmem>>, vector<16xf32>,
        %parallel_loop3A_567 = arith.constant 0 : i32
        %parallel_loop3A_568 = arith.index_cast %parallel_loop3A_567 : i32 to index
        %parallel_loop3A_569 = arith.index_cast %parallel_loop3A_494 : i32 to index
        %parallel_loop3A_570 = arith.constant 96 : index
        %parallel_loop3A_571 = tpu.vector_load %arg13[%parallel_loop3A_568, %parallel_loop3A_569, %parallel_loop3A_570] {strides = array<i32>} : memref<2x64x128xf32, #tpu.memory_space<vmem>>, vector<16xf32>,
        %parallel_loop3A_572 = arith.mulf %parallel_loop3A_571, %parallel_loop3A_500 : vector<16xf32>
        %parallel_loop3A_573 = arith.constant 0 : i32
        %parallel_loop3A_574 = arith.index_cast %parallel_loop3A_573 : i32 to index
        %parallel_loop3A_575 = arith.index_cast %parallel_loop3A_494 : i32 to index
        %parallel_loop3A_576 = arith.constant 96 : index
        %parallel_loop3A_577 = tpu.vector_load %arg13[%parallel_loop3A_574, %parallel_loop3A_575, %parallel_loop3A_576] {strides = array<i32>} : memref<2x64x128xf32, #tpu.memory_space<vmem>>, vector<16xf32>,
        tpu.vector_store %arg13[%parallel_loop3A_574, %parallel_loop3A_575, %parallel_loop3A_576], %parallel_loop3A_572 {strides = array<i32>} : memref<2x64x128xf32, #tpu.memory_space<vmem>>, vector<16xf32>,
        %parallel_loop3A_578 = arith.constant 0 : i32
        %parallel_loop3A_579 = arith.index_cast %parallel_loop3A_578 : i32 to index
        %parallel_loop3A_580 = arith.index_cast %parallel_loop3A_494 : i32 to index
        %parallel_loop3A_581 = arith.constant 112 : index
        %parallel_loop3A_582 = tpu.vector_load %arg13[%parallel_loop3A_579, %parallel_loop3A_580, %parallel_loop3A_581] {strides = array<i32>} : memref<2x64x128xf32, #tpu.memory_space<vmem>>, vector<16xf32>,
        %parallel_loop3A_583 = arith.mulf %parallel_loop3A_582, %parallel_loop3A_500 : vector<16xf32>
        %parallel_loop3A_584 = arith.constant 0 : i32
        %parallel_loop3A_585 = arith.index_cast %parallel_loop3A_584 : i32 to index
        %parallel_loop3A_586 = arith.index_cast %parallel_loop3A_494 : i32 to index
        %parallel_loop3A_587 = arith.constant 112 : index
        %parallel_loop3A_588 = tpu.vector_load %arg13[%parallel_loop3A_585, %parallel_loop3A_586, %parallel_loop3A_587] {strides = array<i32>} : memref<2x64x128xf32, #tpu.memory_space<vmem>>, vector<16xf32>,
        tpu.vector_store %arg13[%parallel_loop3A_585, %parallel_loop3A_586, %parallel_loop3A_587], %parallel_loop3A_583 {strides = array<i32>} : memref<2x64x128xf32, #tpu.memory_space<vmem>>, vector<16xf32>,
        %parallel_loop3A_589 = arith.constant 0 : i32
        %parallel_loop3A_590 = arith.index_cast %parallel_loop3A_589 : i32 to index
        %parallel_loop3A_591 = arith.index_cast %parallel_loop3A_494 : i32 to index
        %parallel_loop3A_592 = arith.constant 0 : index
        %parallel_loop3A_593 = tpu.vector_load %arg14[%parallel_loop3A_590, %parallel_loop3A_591, %parallel_loop3A_592] {strides = array<i32>} : memref<2x64x16xf32, #tpu.memory_space<vmem>>, vector<16xf32>,
        tpu.vector_store %arg14[%parallel_loop3A_590, %parallel_loop3A_591, %parallel_loop3A_592], %parallel_loop3A_500 {strides = array<i32>} : memref<2x64x16xf32, #tpu.memory_space<vmem>>, vector<16xf32>,
      } {sc.loop_unroll_factor = 4 : i64, sc.parallel_access}
      %dma_start3A_416 = arith.constant 0 : i32
      %dma_start3A_417 = arith.constant 0 : i32
      %dma_start3A_418 = arith.constant 0 : i32
      %dma_start3A_419 = arith.constant 0 : i32
      %dma_start3A_420 = arith.constant 0 : i32
      %dma_start3A_421 = tpu.memref_slice %arg13[%dma_start3A_416, %dma_start3A_419, %dma_start3A_420] : memref<2x64x128xf32, #tpu.memory_space<vmem>> -> memref<1x64x128xf32, #tpu.memory_space<vmem>>
      %dma_start3A_422 = tpu.memref_squeeze %dma_start3A_421 : memref<1x64x128xf32, #tpu.memory_space<vmem>> -> memref<64x128xf32, #tpu.memory_space<vmem>>
      %dma_start3A_423 = arith.constant 0 : i32
      %dma_start3A_424 = tpu.memref_slice %arg12[%dma_start3A_417, %dma_start3A_423] : memref<2x64xi32, #tpu.memory_space<vmem>> -> memref<1x64xi32, #tpu.memory_space<vmem>>
      %dma_start3A_425 = tpu.memref_squeeze %dma_start3A_424 : memref<1x64xi32, #tpu.memory_space<vmem>> -> memref<64xi32, #tpu.memory_space<vmem>>
      %dma_start3A_426 = arith.constant 0 : i32
      %dma_start3A_427 = arith.constant 0 : i32
      %dma_start3A_428 = tpu.memref_slice %arg9[%dma_start3A_426, %dma_start3A_427] : memref<10112x128xf32, #tpu.memory_space<vmem_shared>> -> memref<10112x128xf32, #tpu.memory_space<vmem_shared>>
      %dma_start3A_429 = tpu.memref_slice %arg20[%dma_start3A_418] : memref<2x!tpu.dma_semaphore, #tpu.memory_space<semaphore_mem>> -> memref<1x!tpu.dma_semaphore, #tpu.memory_space<semaphore_mem>>
      %dma_start3A_430 = tpu.memref_squeeze %dma_start3A_429 : memref<1x!tpu.dma_semaphore, #tpu.memory_space<semaphore_mem>> -> memref<!tpu.dma_semaphore, #tpu.memory_space<semaphore_mem>>
      tpu.enqueue_indirect_dma source(%dma_start3A_422 : memref<64x128xf32, #tpu.memory_space<vmem>>) target(%dma_start3A_428 : memref<10112x128xf32, #tpu.memory_space<vmem_shared>>) offsets(%dma_start3A_425 : memref<64xi32, #tpu.memory_space<vmem>>) semaphore(%dma_start3A_430 : memref<!tpu.dma_semaphore, #tpu.memory_space<semaphore_mem>>) {add = true}
      %dma_start3A_431 = arith.constant 0 : i32
      %dma_start3A_432 = arith.constant 0 : i32
      %dma_start3A_433 = arith.constant 0 : i32
      %dma_start3A_434 = arith.constant 0 : i32
      %dma_start3A_435 = arith.constant 0 : i32
      %dma_start3A_436 = tpu.memref_slice %arg14[%dma_start3A_431, %dma_start3A_434, %dma_start3A_435] : memref<2x64x16xf32, #tpu.memory_space<vmem>> -> memref<1x64x16xf32, #tpu.memory_space<vmem>>
      %dma_start3A_437 = tpu.memref_squeeze %dma_start3A_436 : memref<1x64x16xf32, #tpu.memory_space<vmem>> -> memref<64x16xf32, #tpu.memory_space<vmem>>
      %dma_start3A_438 = arith.constant 0 : i32
      %dma_start3A_439 = tpu.memref_slice %arg12[%dma_start3A_432, %dma_start3A_438] : memref<2x64xi32, #tpu.memory_space<vmem>> -> memref<1x64xi32, #tpu.memory_space<vmem>>
      %dma_start3A_440 = tpu.memref_squeeze %dma_start3A_439 : memref<1x64xi32, #tpu.memory_space<vmem>> -> memref<64xi32, #tpu.memory_space<vmem>>
      %dma_start3A_441 = arith.constant 0 : i32
      %dma_start3A_442 = arith.constant 0 : i32
      %dma_start3A_443 = tpu.memref_slice %arg10[%dma_start3A_441, %dma_start3A_442] : memref<10112x16xf32, #tpu.memory_space<vmem_shared>> -> memref<10112x16xf32, #tpu.memory_space<vmem_shared>>
      %dma_start3A_444 = tpu.memref_slice %arg21[%dma_start3A_433] : memref<2x!tpu.dma_semaphore, #tpu.memory_space<semaphore_mem>> -> memref<1x!tpu.dma_semaphore, #tpu.memory_space<semaphore_mem>>
      %dma_start3A_445 = tpu.memref_squeeze %dma_start3A_444 : memref<1x!tpu.dma_semaphore, #tpu.memory_space<semaphore_mem>> -> memref<!tpu.dma_semaphore, #tpu.memory_space<semaphore_mem>>
      tpu.enqueue_indirect_dma source(%dma_start3A_437 : memref<64x16xf32, #tpu.memory_space<vmem>>) target(%dma_start3A_443 : memref<10112x16xf32, #tpu.memory_space<vmem_shared>>) offsets(%dma_start3A_440 : memref<64xi32, #tpu.memory_space<vmem>>) semaphore(%dma_start3A_445 : memref<!tpu.dma_semaphore, #tpu.memory_space<semaphore_mem>>) {add = true}
      %dma_wait3A_446 = arith.constant 1 : i32
      %dma_wait3A_447 = arith.constant 1 : i32
      %dma_wait3A_448 = arith.constant 1 : i32
      %dma_wait3A_449 = arith.constant 0 : i32
      %dma_wait3A_450 = arith.constant 0 : i32
      %dma_wait3A_451 = tpu.memref_slice %arg13[%dma_wait3A_447, %dma_wait3A_449, %dma_wait3A_450] : memref<2x64x128xf32, #tpu.memory_space<vmem>> -> memref<1x64x128xf32, #tpu.memory_space<vmem>>
      %dma_wait3A_452 = tpu.memref_squeeze %dma_wait3A_451 : memref<1x64x128xf32, #tpu.memory_space<vmem>> -> memref<64x128xf32, #tpu.memory_space<vmem>>
      %dma_wait3A_453 = arith.constant 0 : i32
      %dma_wait3A_454 = tpu.memref_slice %arg11[%dma_wait3A_446, %dma_wait3A_453] : memref<2x64xi32, #tpu.memory_space<vmem>> -> memref<1x64xi32, #tpu.memory_space<vmem>>
      %dma_wait3A_455 = tpu.memref_squeeze %dma_wait3A_454 : memref<1x64xi32, #tpu.memory_space<vmem>> -> memref<64xi32, #tpu.memory_space<vmem>>
      %dma_wait3A_456 = arith.constant 0 : i32
      %dma_wait3A_457 = arith.constant 0 : i32
      %dma_wait3A_458 = tpu.memref_slice %arg2[%dma_wait3A_456, %dma_wait3A_457] : memref<10000x128xf32, #tpu.memory_space<hbm>> -> memref<10000x128xf32, #tpu.memory_space<hbm>>
      %dma_wait3A_459 = tpu.memref_slice %arg19[%dma_wait3A_448] : memref<2x!tpu.dma_semaphore, #tpu.memory_space<semaphore_mem>> -> memref<1x!tpu.dma_semaphore, #tpu.memory_space<semaphore_mem>>
      %dma_wait3A_460 = tpu.memref_squeeze %dma_wait3A_459 : memref<1x!tpu.dma_semaphore, #tpu.memory_space<semaphore_mem>> -> memref<!tpu.dma_semaphore, #tpu.memory_space<semaphore_mem>>
      tpu.wait_indirect_dma semaphore(%dma_wait3A_460 : memref<!tpu.dma_semaphore, #tpu.memory_space<semaphore_mem>>) src(%dma_wait3A_458 : memref<10000x128xf32, #tpu.memory_space<hbm>>) dst(%dma_wait3A_452 : memref<64x128xf32, #tpu.memory_space<vmem>>)
      %parallel_loop3A_461 = arith.constant 0 : i32
      %parallel_loop3A_462 = arith.constant 64 : i32
      %parallel_loop3A_463 = arith.constant 1 : i32
      scf.for %parallel_loop3A_494 = %parallel_loop3A_461 to %parallel_loop3A_462 step %parallel_loop3A_463  : i32 {
        %parallel_loop3A_495 = vector.broadcast %parallel_loop3A_494 : i32 to vector<16xi32>
        %parallel_loop3A_496 = arith.constant 1 : i32
        %parallel_loop3A_497 = arith.constant 0 : i32
        %parallel_loop3A_498 = tpu.memref_slice %arg15[%parallel_loop3A_496, %parallel_loop3A_497] : memref<2x64xf32, #tpu.memory_space<vmem>> -> memref<1x64xf32, #tpu.memory_space<vmem>>
        %parallel_loop3A_499 = tpu.memref_squeeze %parallel_loop3A_498 : memref<1x64xf32, #tpu.memory_space<vmem>> -> memref<64xf32, #tpu.memory_space<vmem>>
        %parallel_loop3A_500 = tpu.vector_load_idx %parallel_loop3A_499[%parallel_loop3A_495] : memref<64xf32, #tpu.memory_space<vmem>>[vector<16xi32>], vector<16xf32>,
        %parallel_loop3A_501 = arith.constant 1 : i32
        %parallel_loop3A_502 = arith.index_cast %parallel_loop3A_501 : i32 to index
        %parallel_loop3A_503 = arith.index_cast %parallel_loop3A_494 : i32 to index
        %parallel_loop3A_504 = arith.constant 0 : index
        %parallel_loop3A_505 = tpu.vector_load %arg13[%parallel_loop3A_502, %parallel_loop3A_503, %parallel_loop3A_504] {strides = array<i32>} : memref<2x64x128xf32, #tpu.memory_space<vmem>>, vector<16xf32>,
        %parallel_loop3A_506 = arith.mulf %parallel_loop3A_505, %parallel_loop3A_500 : vector<16xf32>
        %parallel_loop3A_507 = arith.constant 1 : i32
        %parallel_loop3A_508 = arith.index_cast %parallel_loop3A_507 : i32 to index
        %parallel_loop3A_509 = arith.index_cast %parallel_loop3A_494 : i32 to index
        %parallel_loop3A_510 = arith.constant 0 : index
        %parallel_loop3A_511 = tpu.vector_load %arg13[%parallel_loop3A_508, %parallel_loop3A_509, %parallel_loop3A_510] {strides = array<i32>} : memref<2x64x128xf32, #tpu.memory_space<vmem>>, vector<16xf32>,
        tpu.vector_store %arg13[%parallel_loop3A_508, %parallel_loop3A_509, %parallel_loop3A_510], %parallel_loop3A_506 {strides = array<i32>} : memref<2x64x128xf32, #tpu.memory_space<vmem>>, vector<16xf32>,
        %parallel_loop3A_512 = arith.constant 1 : i32
        %parallel_loop3A_513 = arith.index_cast %parallel_loop3A_512 : i32 to index
        %parallel_loop3A_514 = arith.index_cast %parallel_loop3A_494 : i32 to index
        %parallel_loop3A_515 = arith.constant 16 : index
        %parallel_loop3A_516 = tpu.vector_load %arg13[%parallel_loop3A_513, %parallel_loop3A_514, %parallel_loop3A_515] {strides = array<i32>} : memref<2x64x128xf32, #tpu.memory_space<vmem>>, vector<16xf32>,
        %parallel_loop3A_517 = arith.mulf %parallel_loop3A_516, %parallel_loop3A_500 : vector<16xf32>
        %parallel_loop3A_518 = arith.constant 1 : i32
        %parallel_loop3A_519 = arith.index_cast %parallel_loop3A_518 : i32 to index
        %parallel_loop3A_520 = arith.index_cast %parallel_loop3A_494 : i32 to index
        %parallel_loop3A_521 = arith.constant 16 : index
        %parallel_loop3A_522 = tpu.vector_load %arg13[%parallel_loop3A_519, %parallel_loop3A_520, %parallel_loop3A_521] {strides = array<i32>} : memref<2x64x128xf32, #tpu.memory_space<vmem>>, vector<16xf32>,
        tpu.vector_store %arg13[%parallel_loop3A_519, %parallel_loop3A_520, %parallel_loop3A_521], %parallel_loop3A_517 {strides = array<i32>} : memref<2x64x128xf32, #tpu.memory_space<vmem>>, vector<16xf32>,
        %parallel_loop3A_523 = arith.constant 1 : i32
        %parallel_loop3A_524 = arith.index_cast %parallel_loop3A_523 : i32 to index
        %parallel_loop3A_525 = arith.index_cast %parallel_loop3A_494 : i32 to index
        %parallel_loop3A_526 = arith.constant 32 : index
        %parallel_loop3A_527 = tpu.vector_load %arg13[%parallel_loop3A_524, %parallel_loop3A_525, %parallel_loop3A_526] {strides = array<i32>} : memref<2x64x128xf32, #tpu.memory_space<vmem>>, vector<16xf32>,
        %parallel_loop3A_528 = arith.mulf %parallel_loop3A_527, %parallel_loop3A_500 : vector<16xf32>
        %parallel_loop3A_529 = arith.constant 1 : i32
        %parallel_loop3A_530 = arith.index_cast %parallel_loop3A_529 : i32 to index
        %parallel_loop3A_531 = arith.index_cast %parallel_loop3A_494 : i32 to index
        %parallel_loop3A_532 = arith.constant 32 : index
        %parallel_loop3A_533 = tpu.vector_load %arg13[%parallel_loop3A_530, %parallel_loop3A_531, %parallel_loop3A_532] {strides = array<i32>} : memref<2x64x128xf32, #tpu.memory_space<vmem>>, vector<16xf32>,
        tpu.vector_store %arg13[%parallel_loop3A_530, %parallel_loop3A_531, %parallel_loop3A_532], %parallel_loop3A_528 {strides = array<i32>} : memref<2x64x128xf32, #tpu.memory_space<vmem>>, vector<16xf32>,
        %parallel_loop3A_534 = arith.constant 1 : i32
        %parallel_loop3A_535 = arith.index_cast %parallel_loop3A_534 : i32 to index
        %parallel_loop3A_536 = arith.index_cast %parallel_loop3A_494 : i32 to index
        %parallel_loop3A_537 = arith.constant 48 : index
        %parallel_loop3A_538 = tpu.vector_load %arg13[%parallel_loop3A_535, %parallel_loop3A_536, %parallel_loop3A_537] {strides = array<i32>} : memref<2x64x128xf32, #tpu.memory_space<vmem>>, vector<16xf32>,
        %parallel_loop3A_539 = arith.mulf %parallel_loop3A_538, %parallel_loop3A_500 : vector<16xf32>
        %parallel_loop3A_540 = arith.constant 1 : i32
        %parallel_loop3A_541 = arith.index_cast %parallel_loop3A_540 : i32 to index
        %parallel_loop3A_542 = arith.index_cast %parallel_loop3A_494 : i32 to index
        %parallel_loop3A_543 = arith.constant 48 : index
        %parallel_loop3A_544 = tpu.vector_load %arg13[%parallel_loop3A_541, %parallel_loop3A_542, %parallel_loop3A_543] {strides = array<i32>} : memref<2x64x128xf32, #tpu.memory_space<vmem>>, vector<16xf32>,
        tpu.vector_store %arg13[%parallel_loop3A_541, %parallel_loop3A_542, %parallel_loop3A_543], %parallel_loop3A_539 {strides = array<i32>} : memref<2x64x128xf32, #tpu.memory_space<vmem>>, vector<16xf32>,
        %parallel_loop3A_545 = arith.constant 1 : i32
        %parallel_loop3A_546 = arith.index_cast %parallel_loop3A_545 : i32 to index
        %parallel_loop3A_547 = arith.index_cast %parallel_loop3A_494 : i32 to index
        %parallel_loop3A_548 = arith.constant 64 : index
        %parallel_loop3A_549 = tpu.vector_load %arg13[%parallel_loop3A_546, %parallel_loop3A_547, %parallel_loop3A_548] {strides = array<i32>} : memref<2x64x128xf32, #tpu.memory_space<vmem>>, vector<16xf32>,
        %parallel_loop3A_550 = arith.mulf %parallel_loop3A_549, %parallel_loop3A_500 : vector<16xf32>
        %parallel_loop3A_551 = arith.constant 1 : i32
        %parallel_loop3A_552 = arith.index_cast %parallel_loop3A_551 : i32 to index
        %parallel_loop3A_553 = arith.index_cast %parallel_loop3A_494 : i32 to index
        %parallel_loop3A_554 = arith.constant 64 : index
        %parallel_loop3A_555 = tpu.vector_load %arg13[%parallel_loop3A_552, %parallel_loop3A_553, %parallel_loop3A_554] {strides = array<i32>} : memref<2x64x128xf32, #tpu.memory_space<vmem>>, vector<16xf32>,
        tpu.vector_store %arg13[%parallel_loop3A_552, %parallel_loop3A_553, %parallel_loop3A_554], %parallel_loop3A_550 {strides = array<i32>} : memref<2x64x128xf32, #tpu.memory_space<vmem>>, vector<16xf32>,
        %parallel_loop3A_556 = arith.constant 1 : i32
        %parallel_loop3A_557 = arith.index_cast %parallel_loop3A_556 : i32 to index
        %parallel_loop3A_558 = arith.index_cast %parallel_loop3A_494 : i32 to index
        %parallel_loop3A_559 = arith.constant 80 : index
        %parallel_loop3A_560 = tpu.vector_load %arg13[%parallel_loop3A_557, %parallel_loop3A_558, %parallel_loop3A_559] {strides = array<i32>} : memref<2x64x128xf32, #tpu.memory_space<vmem>>, vector<16xf32>,
        %parallel_loop3A_561 = arith.mulf %parallel_loop3A_560, %parallel_loop3A_500 : vector<16xf32>
        %parallel_loop3A_562 = arith.constant 1 : i32
        %parallel_loop3A_563 = arith.index_cast %parallel_loop3A_562 : i32 to index
        %parallel_loop3A_564 = arith.index_cast %parallel_loop3A_494 : i32 to index
        %parallel_loop3A_565 = arith.constant 80 : index
        %parallel_loop3A_566 = tpu.vector_load %arg13[%parallel_loop3A_563, %parallel_loop3A_564, %parallel_loop3A_565] {strides = array<i32>} : memref<2x64x128xf32, #tpu.memory_space<vmem>>, vector<16xf32>,
        tpu.vector_store %arg13[%parallel_loop3A_563, %parallel_loop3A_564, %parallel_loop3A_565], %parallel_loop3A_561 {strides = array<i32>} : memref<2x64x128xf32, #tpu.memory_space<vmem>>, vector<16xf32>,
        %parallel_loop3A_567 = arith.constant 1 : i32
        %parallel_loop3A_568 = arith.index_cast %parallel_loop3A_567 : i32 to index
        %parallel_loop3A_569 = arith.index_cast %parallel_loop3A_494 : i32 to index
        %parallel_loop3A_570 = arith.constant 96 : index
        %parallel_loop3A_571 = tpu.vector_load %arg13[%parallel_loop3A_568, %parallel_loop3A_569, %parallel_loop3A_570] {strides = array<i32>} : memref<2x64x128xf32, #tpu.memory_space<vmem>>, vector<16xf32>,
        %parallel_loop3A_572 = arith.mulf %parallel_loop3A_571, %parallel_loop3A_500 : vector<16xf32>
        %parallel_loop3A_573 = arith.constant 1 : i32
        %parallel_loop3A_574 = arith.index_cast %parallel_loop3A_573 : i32 to index
        %parallel_loop3A_575 = arith.index_cast %parallel_loop3A_494 : i32 to index
        %parallel_loop3A_576 = arith.constant 96 : index
        %parallel_loop3A_577 = tpu.vector_load %arg13[%parallel_loop3A_574, %parallel_loop3A_575, %parallel_loop3A_576] {strides = array<i32>} : memref<2x64x128xf32, #tpu.memory_space<vmem>>, vector<16xf32>,
        tpu.vector_store %arg13[%parallel_loop3A_574, %parallel_loop3A_575, %parallel_loop3A_576], %parallel_loop3A_572 {strides = array<i32>} : memref<2x64x128xf32, #tpu.memory_space<vmem>>, vector<16xf32>,
        %parallel_loop3A_578 = arith.constant 1 : i32
        %parallel_loop3A_579 = arith.index_cast %parallel_loop3A_578 : i32 to index
        %parallel_loop3A_580 = arith.index_cast %parallel_loop3A_494 : i32 to index
        %parallel_loop3A_581 = arith.constant 112 : index
        %parallel_loop3A_582 = tpu.vector_load %arg13[%parallel_loop3A_579, %parallel_loop3A_580, %parallel_loop3A_581] {strides = array<i32>} : memref<2x64x128xf32, #tpu.memory_space<vmem>>, vector<16xf32>,
        %parallel_loop3A_583 = arith.mulf %parallel_loop3A_582, %parallel_loop3A_500 : vector<16xf32>
        %parallel_loop3A_584 = arith.constant 1 : i32
        %parallel_loop3A_585 = arith.index_cast %parallel_loop3A_584 : i32 to index
        %parallel_loop3A_586 = arith.index_cast %parallel_loop3A_494 : i32 to index
        %parallel_loop3A_587 = arith.constant 112 : index
        %parallel_loop3A_588 = tpu.vector_load %arg13[%parallel_loop3A_585, %parallel_loop3A_586, %parallel_loop3A_587] {strides = array<i32>} : memref<2x64x128xf32, #tpu.memory_space<vmem>>, vector<16xf32>,
        tpu.vector_store %arg13[%parallel_loop3A_585, %parallel_loop3A_586, %parallel_loop3A_587], %parallel_loop3A_583 {strides = array<i32>} : memref<2x64x128xf32, #tpu.memory_space<vmem>>, vector<16xf32>,
        %parallel_loop3A_589 = arith.constant 1 : i32
        %parallel_loop3A_590 = arith.index_cast %parallel_loop3A_589 : i32 to index
        %parallel_loop3A_591 = arith.index_cast %parallel_loop3A_494 : i32 to index
        %parallel_loop3A_592 = arith.constant 0 : index
        %parallel_loop3A_593 = tpu.vector_load %arg14[%parallel_loop3A_590, %parallel_loop3A_591, %parallel_loop3A_592] {strides = array<i32>} : memref<2x64x16xf32, #tpu.memory_space<vmem>>, vector<16xf32>,
        tpu.vector_store %arg14[%parallel_loop3A_590, %parallel_loop3A_591, %parallel_loop3A_592], %parallel_loop3A_500 {strides = array<i32>} : memref<2x64x16xf32, #tpu.memory_space<vmem>>, vector<16xf32>,
      } {sc.loop_unroll_factor = 4 : i64, sc.parallel_access}
      %dma_start3A_464 = arith.constant 1 : i32
      %dma_start3A_465 = arith.constant 1 : i32
      %dma_start3A_466 = arith.constant 1 : i32
      %dma_start3A_467 = arith.constant 0 : i32
      %dma_start3A_468 = arith.constant 0 : i32
      %dma_start3A_469 = tpu.memref_slice %arg13[%dma_start3A_464, %dma_start3A_467, %dma_start3A_468] : memref<2x64x128xf32, #tpu.memory_space<vmem>> -> memref<1x64x128xf32, #tpu.memory_space<vmem>>
      %dma_start3A_470 = tpu.memref_squeeze %dma_start3A_469 : memref<1x64x128xf32, #tpu.memory_space<vmem>> -> memref<64x128xf32, #tpu.memory_space<vmem>>
      %dma_start3A_471 = arith.constant 0 : i32
      %dma_start3A_472 = tpu.memref_slice %arg12[%dma_start3A_465, %dma_start3A_471] : memref<2x64xi32, #tpu.memory_space<vmem>> -> memref<1x64xi32, #tpu.memory_space<vmem>>
      %dma_start3A_473 = tpu.memref_squeeze %dma_start3A_472 : memref<1x64xi32, #tpu.memory_space<vmem>> -> memref<64xi32, #tpu.memory_space<vmem>>
      %dma_start3A_474 = arith.constant 0 : i32
      %dma_start3A_475 = arith.constant 0 : i32
      %dma_start3A_476 = tpu.memref_slice %arg9[%dma_start3A_474, %dma_start3A_475] : memref<10112x128xf32, #tpu.memory_space<vmem_shared>> -> memref<10112x128xf32, #tpu.memory_space<vmem_shared>>
      %dma_start3A_477 = tpu.memref_slice %arg20[%dma_start3A_466] : memref<2x!tpu.dma_semaphore, #tpu.memory_space<semaphore_mem>> -> memref<1x!tpu.dma_semaphore, #tpu.memory_space<semaphore_mem>>
      %dma_start3A_478 = tpu.memref_squeeze %dma_start3A_477 : memref<1x!tpu.dma_semaphore, #tpu.memory_space<semaphore_mem>> -> memref<!tpu.dma_semaphore, #tpu.memory_space<semaphore_mem>>
      tpu.enqueue_indirect_dma source(%dma_start3A_470 : memref<64x128xf32, #tpu.memory_space<vmem>>) target(%dma_start3A_476 : memref<10112x128xf32, #tpu.memory_space<vmem_shared>>) offsets(%dma_start3A_473 : memref<64xi32, #tpu.memory_space<vmem>>) semaphore(%dma_start3A_478 : memref<!tpu.dma_semaphore, #tpu.memory_space<semaphore_mem>>) {add = true}
      %dma_start3A_479 = arith.constant 1 : i32
      %dma_start3A_480 = arith.constant 1 : i32
      %dma_start3A_481 = arith.constant 1 : i32
      %dma_start3A_482 = arith.constant 0 : i32
      %dma_start3A_483 = arith.constant 0 : i32
      %dma_start3A_484 = tpu.memref_slice %arg14[%dma_start3A_479, %dma_start3A_482, %dma_start3A_483] : memref<2x64x16xf32, #tpu.memory_space<vmem>> -> memref<1x64x16xf32, #tpu.memory_space<vmem>>
      %dma_start3A_485 = tpu.memref_squeeze %dma_start3A_484 : memref<1x64x16xf32, #tpu.memory_space<vmem>> -> memref<64x16xf32, #tpu.memory_space<vmem>>
      %dma_start3A_486 = arith.constant 0 : i32
      %dma_start3A_487 = tpu.memref_slice %arg12[%dma_start3A_480, %dma_start3A_486] : memref<2x64xi32, #tpu.memory_space<vmem>> -> memref<1x64xi32, #tpu.memory_space<vmem>>
      %dma_start3A_488 = tpu.memref_squeeze %dma_start3A_487 : memref<1x64xi32, #tpu.memory_space<vmem>> -> memref<64xi32, #tpu.memory_space<vmem>>
      %dma_start3A_489 = arith.constant 0 : i32
      %dma_start3A_490 = arith.constant 0 : i32
      %dma_start3A_491 = tpu.memref_slice %arg10[%dma_start3A_489, %dma_start3A_490] : memref<10112x16xf32, #tpu.memory_space<vmem_shared>> -> memref<10112x16xf32, #tpu.memory_space<vmem_shared>>
      %dma_start3A_492 = tpu.memref_slice %arg21[%dma_start3A_481] : memref<2x!tpu.dma_semaphore, #tpu.memory_space<semaphore_mem>> -> memref<1x!tpu.dma_semaphore, #tpu.memory_space<semaphore_mem>>
      %dma_start3A_493 = tpu.memref_squeeze %dma_start3A_492 : memref<1x!tpu.dma_semaphore, #tpu.memory_space<semaphore_mem>> -> memref<!tpu.dma_semaphore, #tpu.memory_space<semaphore_mem>>
      tpu.enqueue_indirect_dma source(%dma_start3A_485 : memref<64x16xf32, #tpu.memory_space<vmem>>) target(%dma_start3A_491 : memref<10112x16xf32, #tpu.memory_space<vmem_shared>>) offsets(%dma_start3A_488 : memref<64xi32, #tpu.memory_space<vmem>>) semaphore(%dma_start3A_493 : memref<!tpu.dma_semaphore, #tpu.memory_space<semaphore_mem>>) {add = true}
    }
    %while3A_29 = arith.constant 1 : i32
    scf.for %while3A_90 = %while3A_27 to %while3A_23 step %while3A_29  : i32 {
      %mul3A_91 = arith.muli %while3A_90, %while3A : i32
      %add3A_92 = arith.addi %while3A_20, %mul3A_91 : i32
      %mul3A_93 = arith.constant 128 : i32
      %mul3A_94 = arith.muli %add3A_92, %mul3A_93 : i32
      %add3A_95 = arith.addi %mul3A_11, %mul3A_94 : i32
      %gt3A = arith.constant 0 : i32
      %gt3A_96 = arith.cmpi sgt, %add3A_92, %gt3A : i32
      %convert_element_type3A = arith.extui %gt3A_96 : i1 to i32
      %cond3A = arith.constant 0 : i32
      %cond3A_97 = arith.cmpi ne, %convert_element_type3A, %cond3A : i32
      scf.if %cond3A_97 {
        %dma_wait3A_494 = arith.constant 0 : i32
        %dma_wait3A_495 = arith.constant 0 : i32
        %dma_wait3A_496 = arith.constant 0 : i32
        %dma_wait3A_497 = arith.constant 0 : i32
        %dma_wait3A_498 = arith.constant 0 : i32
        %dma_wait3A_499 = tpu.memref_slice %arg13[%dma_wait3A_494, %dma_wait3A_497, %dma_wait3A_498] : memref<2x64x128xf32, #tpu.memory_space<vmem>> -> memref<1x64x128xf32, #tpu.memory_space<vmem>>
        %dma_wait3A_500 = tpu.memref_squeeze %dma_wait3A_499 : memref<1x64x128xf32, #tpu.memory_space<vmem>> -> memref<64x128xf32, #tpu.memory_space<vmem>>
        %dma_wait3A_501 = arith.constant 0 : i32
        %dma_wait3A_502 = tpu.memref_slice %arg12[%dma_wait3A_495, %dma_wait3A_501] : memref<2x64xi32, #tpu.memory_space<vmem>> -> memref<1x64xi32, #tpu.memory_space<vmem>>
        %dma_wait3A_503 = tpu.memref_squeeze %dma_wait3A_502 : memref<1x64xi32, #tpu.memory_space<vmem>> -> memref<64xi32, #tpu.memory_space<vmem>>
        %dma_wait3A_504 = arith.constant 0 : i32
        %dma_wait3A_505 = arith.constant 0 : i32
        %dma_wait3A_506 = tpu.memref_slice %arg9[%dma_wait3A_504, %dma_wait3A_505] : memref<10112x128xf32, #tpu.memory_space<vmem_shared>> -> memref<10112x128xf32, #tpu.memory_space<vmem_shared>>
        %dma_wait3A_507 = tpu.memref_slice %arg20[%dma_wait3A_496] : memref<2x!tpu.dma_semaphore, #tpu.memory_space<semaphore_mem>> -> memref<1x!tpu.dma_semaphore, #tpu.memory_space<semaphore_mem>>
        %dma_wait3A_508 = tpu.memref_squeeze %dma_wait3A_507 : memref<1x!tpu.dma_semaphore, #tpu.memory_space<semaphore_mem>> -> memref<!tpu.dma_semaphore, #tpu.memory_space<semaphore_mem>>
        tpu.wait_indirect_dma semaphore(%dma_wait3A_508 : memref<!tpu.dma_semaphore, #tpu.memory_space<semaphore_mem>>) src(%dma_wait3A_500 : memref<64x128xf32, #tpu.memory_space<vmem>>) dst(%dma_wait3A_506 : memref<10112x128xf32, #tpu.memory_space<vmem_shared>>)
        %dma_wait3A_509 = arith.constant 0 : i32
        %dma_wait3A_510 = arith.constant 0 : i32
        %dma_wait3A_511 = arith.constant 0 : i32
        %dma_wait3A_512 = arith.constant 0 : i32
        %dma_wait3A_513 = arith.constant 0 : i32
        %dma_wait3A_514 = tpu.memref_slice %arg14[%dma_wait3A_509, %dma_wait3A_512, %dma_wait3A_513] : memref<2x64x16xf32, #tpu.memory_space<vmem>> -> memref<1x64x16xf32, #tpu.memory_space<vmem>>
        %dma_wait3A_515 = tpu.memref_squeeze %dma_wait3A_514 : memref<1x64x16xf32, #tpu.memory_space<vmem>> -> memref<64x16xf32, #tpu.memory_space<vmem>>
        %dma_wait3A_516 = arith.constant 0 : i32
        %dma_wait3A_517 = tpu.memref_slice %arg12[%dma_wait3A_510, %dma_wait3A_516] : memref<2x64xi32, #tpu.memory_space<vmem>> -> memref<1x64xi32, #tpu.memory_space<vmem>>
        %dma_wait3A_518 = tpu.memref_squeeze %dma_wait3A_517 : memref<1x64xi32, #tpu.memory_space<vmem>> -> memref<64xi32, #tpu.memory_space<vmem>>
        %dma_wait3A_519 = arith.constant 0 : i32
        %dma_wait3A_520 = arith.constant 0 : i32
        %dma_wait3A_521 = tpu.memref_slice %arg10[%dma_wait3A_519, %dma_wait3A_520] : memref<10112x16xf32, #tpu.memory_space<vmem_shared>> -> memref<10112x16xf32, #tpu.memory_space<vmem_shared>>
        %dma_wait3A_522 = tpu.memref_slice %arg21[%dma_wait3A_511] : memref<2x!tpu.dma_semaphore, #tpu.memory_space<semaphore_mem>> -> memref<1x!tpu.dma_semaphore, #tpu.memory_space<semaphore_mem>>
        %dma_wait3A_523 = tpu.memref_squeeze %dma_wait3A_522 : memref<1x!tpu.dma_semaphore, #tpu.memory_space<semaphore_mem>> -> memref<!tpu.dma_semaphore, #tpu.memory_space<semaphore_mem>>
        tpu.wait_indirect_dma semaphore(%dma_wait3A_523 : memref<!tpu.dma_semaphore, #tpu.memory_space<semaphore_mem>>) src(%dma_wait3A_515 : memref<64x16xf32, #tpu.memory_space<vmem>>) dst(%dma_wait3A_521 : memref<10112x16xf32, #tpu.memory_space<vmem_shared>>)
      } else {
      }
      %add3A_98 = arith.constant 0 : i32
      %add3A_99 = arith.addi %add3A_95, %add3A_98 : i32
      %add3A_100 = arith.constant 320000 : i32
      %add3A_101 = arith.addi %add3A_100, %add3A_99 : i32
      %dma_start3A = arith.constant 0 : i32
      %dma_start3A_102 = arith.constant 0 : i32
      %dma_start3A_103 = arith.constant 0 : i32
      %dma_start3A_104 = tpu.memref_slice %arg11[%dma_start3A, %dma_start3A_103] : memref<2x64xi32, #tpu.memory_space<vmem>> -> memref<1x64xi32, #tpu.memory_space<vmem>>
      %dma_start3A_105 = tpu.memref_squeeze %dma_start3A_104 : memref<1x64xi32, #tpu.memory_space<vmem>> -> memref<64xi32, #tpu.memory_space<vmem>>
      %dma_start3A_106 = tpu.memref_slice %arg3[%add3A_99] : memref<640000xi32, #tpu.memory_space<hbm>> -> memref<64xi32, #tpu.memory_space<hbm>>
      %dma_start3A_107 = tpu.memref_slice %arg18[%dma_start3A_102] : memref<2x!tpu.dma_semaphore, #tpu.memory_space<semaphore_mem>> -> memref<1x!tpu.dma_semaphore, #tpu.memory_space<semaphore_mem>>
      %dma_start3A_108 = tpu.memref_squeeze %dma_start3A_107 : memref<1x!tpu.dma_semaphore, #tpu.memory_space<semaphore_mem>> -> memref<!tpu.dma_semaphore, #tpu.memory_space<semaphore_mem>>
      %dma_start3A_109 = arith.constant 0 : i32
      %dma_start3A_110 = tpu.memref_slice %arg11[%dma_start3A, %dma_start3A_109] : memref<2x64xi32, #tpu.memory_space<vmem>> -> memref<1x64xi32, #tpu.memory_space<vmem>>
      %dma_start3A_111 = tpu.memref_squeeze %dma_start3A_110 : memref<1x64xi32, #tpu.memory_space<vmem>> -> memref<64xi32, #tpu.memory_space<vmem>>
      %dma_start3A_112 = tpu.memref_slice %arg3[%add3A_99] : memref<640000xi32, #tpu.memory_space<hbm>> -> memref<64xi32, #tpu.memory_space<hbm>>
      tpu.enqueue_dma source(%dma_start3A_112 : memref<64xi32, #tpu.memory_space<hbm>>) target(%dma_start3A_111 : memref<64xi32, #tpu.memory_space<vmem>>) target_semaphore(%dma_start3A_108 : memref<!tpu.dma_semaphore, #tpu.memory_space<semaphore_mem>>)
      %dma_start3A_113 = arith.constant 0 : i32
      %dma_start3A_114 = arith.constant 0 : i32
      %dma_start3A_115 = arith.constant 0 : i32
      %dma_start3A_116 = tpu.memref_slice %arg12[%dma_start3A_113, %dma_start3A_115] : memref<2x64xi32, #tpu.memory_space<vmem>> -> memref<1x64xi32, #tpu.memory_space<vmem>>
      %dma_start3A_117 = tpu.memref_squeeze %dma_start3A_116 : memref<1x64xi32, #tpu.memory_space<vmem>> -> memref<64xi32, #tpu.memory_space<vmem>>
      %dma_start3A_118 = tpu.memref_slice %arg3[%add3A_101] : memref<640000xi32, #tpu.memory_space<hbm>> -> memref<64xi32, #tpu.memory_space<hbm>>
      %dma_start3A_119 = tpu.memref_slice %arg18[%dma_start3A_114] : memref<2x!tpu.dma_semaphore, #tpu.memory_space<semaphore_mem>> -> memref<1x!tpu.dma_semaphore, #tpu.memory_space<semaphore_mem>>
      %dma_start3A_120 = tpu.memref_squeeze %dma_start3A_119 : memref<1x!tpu.dma_semaphore, #tpu.memory_space<semaphore_mem>> -> memref<!tpu.dma_semaphore, #tpu.memory_space<semaphore_mem>>
      %dma_start3A_121 = arith.constant 0 : i32
      %dma_start3A_122 = tpu.memref_slice %arg12[%dma_start3A_113, %dma_start3A_121] : memref<2x64xi32, #tpu.memory_space<vmem>> -> memref<1x64xi32, #tpu.memory_space<vmem>>
      %dma_start3A_123 = tpu.memref_squeeze %dma_start3A_122 : memref<1x64xi32, #tpu.memory_space<vmem>> -> memref<64xi32, #tpu.memory_space<vmem>>
      %dma_start3A_124 = tpu.memref_slice %arg3[%add3A_101] : memref<640000xi32, #tpu.memory_space<hbm>> -> memref<64xi32, #tpu.memory_space<hbm>>
      tpu.enqueue_dma source(%dma_start3A_124 : memref<64xi32, #tpu.memory_space<hbm>>) target(%dma_start3A_123 : memref<64xi32, #tpu.memory_space<vmem>>) target_semaphore(%dma_start3A_120 : memref<!tpu.dma_semaphore, #tpu.memory_space<semaphore_mem>>)
      %gt3A_125 = arith.constant 0 : i32
      %gt3A_126 = arith.cmpi sgt, %add3A_92, %gt3A_125 : i32
      %convert_element_type3A_127 = arith.extui %gt3A_126 : i1 to i32
      %cond3A_128 = arith.constant 0 : i32
      %cond3A_129 = arith.cmpi ne, %convert_element_type3A_127, %cond3A_128 : i32
      scf.if %cond3A_129 {
        %dma_wait3A_494 = arith.constant 1 : i32
        %dma_wait3A_495 = arith.constant 1 : i32
        %dma_wait3A_496 = arith.constant 1 : i32
        %dma_wait3A_497 = arith.constant 0 : i32
        %dma_wait3A_498 = arith.constant 0 : i32
        %dma_wait3A_499 = tpu.memref_slice %arg13[%dma_wait3A_494, %dma_wait3A_497, %dma_wait3A_498] : memref<2x64x128xf32, #tpu.memory_space<vmem>> -> memref<1x64x128xf32, #tpu.memory_space<vmem>>
        %dma_wait3A_500 = tpu.memref_squeeze %dma_wait3A_499 : memref<1x64x128xf32, #tpu.memory_space<vmem>> -> memref<64x128xf32, #tpu.memory_space<vmem>>
        %dma_wait3A_501 = arith.constant 0 : i32
        %dma_wait3A_502 = tpu.memref_slice %arg12[%dma_wait3A_495, %dma_wait3A_501] : memref<2x64xi32, #tpu.memory_space<vmem>> -> memref<1x64xi32, #tpu.memory_space<vmem>>
        %dma_wait3A_503 = tpu.memref_squeeze %dma_wait3A_502 : memref<1x64xi32, #tpu.memory_space<vmem>> -> memref<64xi32, #tpu.memory_space<vmem>>
        %dma_wait3A_504 = arith.constant 0 : i32
        %dma_wait3A_505 = arith.constant 0 : i32
        %dma_wait3A_506 = tpu.memref_slice %arg9[%dma_wait3A_504, %dma_wait3A_505] : memref<10112x128xf32, #tpu.memory_space<vmem_shared>> -> memref<10112x128xf32, #tpu.memory_space<vmem_shared>>
        %dma_wait3A_507 = tpu.memref_slice %arg20[%dma_wait3A_496] : memref<2x!tpu.dma_semaphore, #tpu.memory_space<semaphore_mem>> -> memref<1x!tpu.dma_semaphore, #tpu.memory_space<semaphore_mem>>
        %dma_wait3A_508 = tpu.memref_squeeze %dma_wait3A_507 : memref<1x!tpu.dma_semaphore, #tpu.memory_space<semaphore_mem>> -> memref<!tpu.dma_semaphore, #tpu.memory_space<semaphore_mem>>
        tpu.wait_indirect_dma semaphore(%dma_wait3A_508 : memref<!tpu.dma_semaphore, #tpu.memory_space<semaphore_mem>>) src(%dma_wait3A_500 : memref<64x128xf32, #tpu.memory_space<vmem>>) dst(%dma_wait3A_506 : memref<10112x128xf32, #tpu.memory_space<vmem_shared>>)
        %dma_wait3A_509 = arith.constant 1 : i32
        %dma_wait3A_510 = arith.constant 1 : i32
        %dma_wait3A_511 = arith.constant 1 : i32
        %dma_wait3A_512 = arith.constant 0 : i32
        %dma_wait3A_513 = arith.constant 0 : i32
        %dma_wait3A_514 = tpu.memref_slice %arg14[%dma_wait3A_509, %dma_wait3A_512, %dma_wait3A_513] : memref<2x64x16xf32, #tpu.memory_space<vmem>> -> memref<1x64x16xf32, #tpu.memory_space<vmem>>
        %dma_wait3A_515 = tpu.memref_squeeze %dma_wait3A_514 : memref<1x64x16xf32, #tpu.memory_space<vmem>> -> memref<64x16xf32, #tpu.memory_space<vmem>>
        %dma_wait3A_516 = arith.constant 0 : i32
        %dma_wait3A_517 = tpu.memref_slice %arg12[%dma_wait3A_510, %dma_wait3A_516] : memref<2x64xi32, #tpu.memory_space<vmem>> -> memref<1x64xi32, #tpu.memory_space<vmem>>
        %dma_wait3A_518 = tpu.memref_squeeze %dma_wait3A_517 : memref<1x64xi32, #tpu.memory_space<vmem>> -> memref<64xi32, #tpu.memory_space<vmem>>
        %dma_wait3A_519 = arith.constant 0 : i32
        %dma_wait3A_520 = arith.constant 0 : i32
        %dma_wait3A_521 = tpu.memref_slice %arg10[%dma_wait3A_519, %dma_wait3A_520] : memref<10112x16xf32, #tpu.memory_space<vmem_shared>> -> memref<10112x16xf32, #tpu.memory_space<vmem_shared>>
        %dma_wait3A_522 = tpu.memref_slice %arg21[%dma_wait3A_511] : memref<2x!tpu.dma_semaphore, #tpu.memory_space<semaphore_mem>> -> memref<1x!tpu.dma_semaphore, #tpu.memory_space<semaphore_mem>>
        %dma_wait3A_523 = tpu.memref_squeeze %dma_wait3A_522 : memref<1x!tpu.dma_semaphore, #tpu.memory_space<semaphore_mem>> -> memref<!tpu.dma_semaphore, #tpu.memory_space<semaphore_mem>>
        tpu.wait_indirect_dma semaphore(%dma_wait3A_523 : memref<!tpu.dma_semaphore, #tpu.memory_space<semaphore_mem>>) src(%dma_wait3A_515 : memref<64x16xf32, #tpu.memory_space<vmem>>) dst(%dma_wait3A_521 : memref<10112x16xf32, #tpu.memory_space<vmem_shared>>)
      } else {
      }
      %add3A_130 = arith.constant 64 : i32
      %add3A_131 = arith.addi %add3A_95, %add3A_130 : i32
      %add3A_132 = arith.constant 320000 : i32
      %add3A_133 = arith.addi %add3A_132, %add3A_131 : i32
      %dma_start3A_134 = arith.constant 1 : i32
      %dma_start3A_135 = arith.constant 1 : i32
      %dma_start3A_136 = arith.constant 0 : i32
      %dma_start3A_137 = tpu.memref_slice %arg11[%dma_start3A_134, %dma_start3A_136] : memref<2x64xi32, #tpu.memory_space<vmem>> -> memref<1x64xi32, #tpu.memory_space<vmem>>
      %dma_start3A_138 = tpu.memref_squeeze %dma_start3A_137 : memref<1x64xi32, #tpu.memory_space<vmem>> -> memref<64xi32, #tpu.memory_space<vmem>>
      %dma_start3A_139 = tpu.memref_slice %arg3[%add3A_131] : memref<640000xi32, #tpu.memory_space<hbm>> -> memref<64xi32, #tpu.memory_space<hbm>>
      %dma_start3A_140 = tpu.memref_slice %arg18[%dma_start3A_135] : memref<2x!tpu.dma_semaphore, #tpu.memory_space<semaphore_mem>> -> memref<1x!tpu.dma_semaphore, #tpu.memory_space<semaphore_mem>>
      %dma_start3A_141 = tpu.memref_squeeze %dma_start3A_140 : memref<1x!tpu.dma_semaphore, #tpu.memory_space<semaphore_mem>> -> memref<!tpu.dma_semaphore, #tpu.memory_space<semaphore_mem>>
      %dma_start3A_142 = arith.constant 0 : i32
      %dma_start3A_143 = tpu.memref_slice %arg11[%dma_start3A_134, %dma_start3A_142] : memref<2x64xi32, #tpu.memory_space<vmem>> -> memref<1x64xi32, #tpu.memory_space<vmem>>
      %dma_start3A_144 = tpu.memref_squeeze %dma_start3A_143 : memref<1x64xi32, #tpu.memory_space<vmem>> -> memref<64xi32, #tpu.memory_space<vmem>>
      %dma_start3A_145 = tpu.memref_slice %arg3[%add3A_131] : memref<640000xi32, #tpu.memory_space<hbm>> -> memref<64xi32, #tpu.memory_space<hbm>>
      tpu.enqueue_dma source(%dma_start3A_145 : memref<64xi32, #tpu.memory_space<hbm>>) target(%dma_start3A_144 : memref<64xi32, #tpu.memory_space<vmem>>) target_semaphore(%dma_start3A_141 : memref<!tpu.dma_semaphore, #tpu.memory_space<semaphore_mem>>)
      %dma_start3A_146 = arith.constant 1 : i32
      %dma_start3A_147 = arith.constant 1 : i32
      %dma_start3A_148 = arith.constant 0 : i32
      %dma_start3A_149 = tpu.memref_slice %arg12[%dma_start3A_146, %dma_start3A_148] : memref<2x64xi32, #tpu.memory_space<vmem>> -> memref<1x64xi32, #tpu.memory_space<vmem>>
      %dma_start3A_150 = tpu.memref_squeeze %dma_start3A_149 : memref<1x64xi32, #tpu.memory_space<vmem>> -> memref<64xi32, #tpu.memory_space<vmem>>
      %dma_start3A_151 = tpu.memref_slice %arg3[%add3A_133] : memref<640000xi32, #tpu.memory_space<hbm>> -> memref<64xi32, #tpu.memory_space<hbm>>
      %dma_start3A_152 = tpu.memref_slice %arg18[%dma_start3A_147] : memref<2x!tpu.dma_semaphore, #tpu.memory_space<semaphore_mem>> -> memref<1x!tpu.dma_semaphore, #tpu.memory_space<semaphore_mem>>
      %dma_start3A_153 = tpu.memref_squeeze %dma_start3A_152 : memref<1x!tpu.dma_semaphore, #tpu.memory_space<semaphore_mem>> -> memref<!tpu.dma_semaphore, #tpu.memory_space<semaphore_mem>>
      %dma_start3A_154 = arith.constant 0 : i32
      %dma_start3A_155 = tpu.memref_slice %arg12[%dma_start3A_146, %dma_start3A_154] : memref<2x64xi32, #tpu.memory_space<vmem>> -> memref<1x64xi32, #tpu.memory_space<vmem>>
      %dma_start3A_156 = tpu.memref_squeeze %dma_start3A_155 : memref<1x64xi32, #tpu.memory_space<vmem>> -> memref<64xi32, #tpu.memory_space<vmem>>
      %dma_start3A_157 = tpu.memref_slice %arg3[%add3A_133] : memref<640000xi32, #tpu.memory_space<hbm>> -> memref<64xi32, #tpu.memory_space<hbm>>
      tpu.enqueue_dma source(%dma_start3A_157 : memref<64xi32, #tpu.memory_space<hbm>>) target(%dma_start3A_156 : memref<64xi32, #tpu.memory_space<vmem>>) target_semaphore(%dma_start3A_153 : memref<!tpu.dma_semaphore, #tpu.memory_space<semaphore_mem>>)
      %add3A_158 = arith.constant 0 : i32
      %add3A_159 = arith.addi %add3A_95, %add3A_158 : i32
      %add3A_160 = arith.constant 320000 : i32
      %add3A_161 = arith.addi %add3A_160, %add3A_159 : i32
      %dma_wait3A_162 = arith.constant 0 : i32
      %dma_wait3A_163 = arith.constant 0 : i32
      %dma_wait3A_164 = arith.constant 0 : i32
      %dma_wait3A_165 = tpu.memref_slice %arg11[%dma_wait3A_162, %dma_wait3A_164] : memref<2x64xi32, #tpu.memory_space<vmem>> -> memref<1x64xi32, #tpu.memory_space<vmem>>
      %dma_wait3A_166 = tpu.memref_squeeze %dma_wait3A_165 : memref<1x64xi32, #tpu.memory_space<vmem>> -> memref<64xi32, #tpu.memory_space<vmem>>
      %dma_wait3A_167 = tpu.memref_slice %arg3[%add3A_159] : memref<640000xi32, #tpu.memory_space<hbm>> -> memref<64xi32, #tpu.memory_space<hbm>>
      %dma_wait3A_168 = tpu.memref_slice %arg18[%dma_wait3A_163] : memref<2x!tpu.dma_semaphore, #tpu.memory_space<semaphore_mem>> -> memref<1x!tpu.dma_semaphore, #tpu.memory_space<semaphore_mem>>
      %dma_wait3A_169 = tpu.memref_squeeze %dma_wait3A_168 : memref<1x!tpu.dma_semaphore, #tpu.memory_space<semaphore_mem>> -> memref<!tpu.dma_semaphore, #tpu.memory_space<semaphore_mem>>
      %dma_wait3A_170 = arith.constant 0 : i32
      %dma_wait3A_171 = tpu.memref_slice %arg11[%dma_wait3A_162, %dma_wait3A_170] : memref<2x64xi32, #tpu.memory_space<vmem>> -> memref<1x64xi32, #tpu.memory_space<vmem>>
      %dma_wait3A_172 = tpu.memref_squeeze %dma_wait3A_171 : memref<1x64xi32, #tpu.memory_space<vmem>> -> memref<64xi32, #tpu.memory_space<vmem>>
      %dma_wait3A_173 = tpu.memref_slice %arg3[%add3A_159] : memref<640000xi32, #tpu.memory_space<hbm>> -> memref<64xi32, #tpu.memory_space<hbm>>
      tpu.wait_dma2 semaphore(%dma_wait3A_169 : memref<!tpu.dma_semaphore, #tpu.memory_space<semaphore_mem>>) src(%dma_wait3A_173 : memref<64xi32, #tpu.memory_space<hbm>>) dst(%dma_wait3A_172 : memref<64xi32, #tpu.memory_space<vmem>>)
      %dma_wait3A_174 = arith.constant 0 : i32
      %dma_wait3A_175 = arith.constant 0 : i32
      %dma_wait3A_176 = arith.constant 0 : i32
      %dma_wait3A_177 = tpu.memref_slice %arg12[%dma_wait3A_174, %dma_wait3A_176] : memref<2x64xi32, #tpu.memory_space<vmem>> -> memref<1x64xi32, #tpu.memory_space<vmem>>
      %dma_wait3A_178 = tpu.memref_squeeze %dma_wait3A_177 : memref<1x64xi32, #tpu.memory_space<vmem>> -> memref<64xi32, #tpu.memory_space<vmem>>
      %dma_wait3A_179 = tpu.memref_slice %arg3[%add3A_161] : memref<640000xi32, #tpu.memory_space<hbm>> -> memref<64xi32, #tpu.memory_space<hbm>>
      %dma_wait3A_180 = tpu.memref_slice %arg18[%dma_wait3A_175] : memref<2x!tpu.dma_semaphore, #tpu.memory_space<semaphore_mem>> -> memref<1x!tpu.dma_semaphore, #tpu.memory_space<semaphore_mem>>
      %dma_wait3A_181 = tpu.memref_squeeze %dma_wait3A_180 : memref<1x!tpu.dma_semaphore, #tpu.memory_space<semaphore_mem>> -> memref<!tpu.dma_semaphore, #tpu.memory_space<semaphore_mem>>
      %dma_wait3A_182 = arith.constant 0 : i32
      %dma_wait3A_183 = tpu.memref_slice %arg12[%dma_wait3A_174, %dma_wait3A_182] : memref<2x64xi32, #tpu.memory_space<vmem>> -> memref<1x64xi32, #tpu.memory_space<vmem>>
      %dma_wait3A_184 = tpu.memref_squeeze %dma_wait3A_183 : memref<1x64xi32, #tpu.memory_space<vmem>> -> memref<64xi32, #tpu.memory_space<vmem>>
      %dma_wait3A_185 = tpu.memref_slice %arg3[%add3A_161] : memref<640000xi32, #tpu.memory_space<hbm>> -> memref<64xi32, #tpu.memory_space<hbm>>
      tpu.wait_dma2 semaphore(%dma_wait3A_181 : memref<!tpu.dma_semaphore, #tpu.memory_space<semaphore_mem>>) src(%dma_wait3A_185 : memref<64xi32, #tpu.memory_space<hbm>>) dst(%dma_wait3A_184 : memref<64xi32, #tpu.memory_space<vmem>>)
      %dma_start3A_186 = arith.constant 0 : i32
      %dma_start3A_187 = arith.constant 0 : i32
      %dma_start3A_188 = arith.constant 0 : i32
      %dma_start3A_189 = arith.constant 0 : i32
      %dma_start3A_190 = arith.constant 0 : i32
      %dma_start3A_191 = tpu.memref_slice %arg13[%dma_start3A_187, %dma_start3A_189, %dma_start3A_190] : memref<2x64x128xf32, #tpu.memory_space<vmem>> -> memref<1x64x128xf32, #tpu.memory_space<vmem>>
      %dma_start3A_192 = tpu.memref_squeeze %dma_start3A_191 : memref<1x64x128xf32, #tpu.memory_space<vmem>> -> memref<64x128xf32, #tpu.memory_space<vmem>>
      %dma_start3A_193 = arith.constant 0 : i32
      %dma_start3A_194 = tpu.memref_slice %arg11[%dma_start3A_186, %dma_start3A_193] : memref<2x64xi32, #tpu.memory_space<vmem>> -> memref<1x64xi32, #tpu.memory_space<vmem>>
      %dma_start3A_195 = tpu.memref_squeeze %dma_start3A_194 : memref<1x64xi32, #tpu.memory_space<vmem>> -> memref<64xi32, #tpu.memory_space<vmem>>
      %dma_start3A_196 = arith.constant 0 : i32
      %dma_start3A_197 = arith.constant 0 : i32
      %dma_start3A_198 = tpu.memref_slice %arg2[%dma_start3A_196, %dma_start3A_197] : memref<10000x128xf32, #tpu.memory_space<hbm>> -> memref<10000x128xf32, #tpu.memory_space<hbm>>
      %dma_start3A_199 = tpu.memref_slice %arg19[%dma_start3A_188] : memref<2x!tpu.dma_semaphore, #tpu.memory_space<semaphore_mem>> -> memref<1x!tpu.dma_semaphore, #tpu.memory_space<semaphore_mem>>
      %dma_start3A_200 = tpu.memref_squeeze %dma_start3A_199 : memref<1x!tpu.dma_semaphore, #tpu.memory_space<semaphore_mem>> -> memref<!tpu.dma_semaphore, #tpu.memory_space<semaphore_mem>>
      tpu.enqueue_indirect_dma source(%dma_start3A_198 : memref<10000x128xf32, #tpu.memory_space<hbm>>) target(%dma_start3A_192 : memref<64x128xf32, #tpu.memory_space<vmem>>) offsets(%dma_start3A_195 : memref<64xi32, #tpu.memory_space<vmem>>) semaphore(%dma_start3A_200 : memref<!tpu.dma_semaphore, #tpu.memory_space<semaphore_mem>>)
      %get3A = arith.constant 0 : i32
      %get3A_201 = arith.index_cast %get3A : i32 to index
      %get3A_202 = arith.constant 0 : index
      %get3A_203 = tpu.vector_load %arg11[%get3A_201, %get3A_202] {strides = array<i32>} : memref<2x64xi32, #tpu.memory_space<vmem>>, vector<16xi32>,
      %get3A_204 = arith.constant 0 : i32
      %get3A_205 = arith.index_cast %get3A_204 : i32 to index
      %get3A_206 = arith.constant 0 : index
      %get3A_207 = tpu.vector_load %arg12[%get3A_205, %get3A_206] {strides = array<i32>} : memref<2x64xi32, #tpu.memory_space<vmem>>, vector<16xi32>,
      %gather3A = tpu.vector_load_idx %arg16[%get3A_203] : memref<10112xf32, #tpu.memory_space<vmem>>[vector<16xi32>], vector<16xf32>,
      %gather3A_208 = tpu.vector_load_idx %arg17[%get3A_207] : memref<10112xf32, #tpu.memory_space<vmem>>[vector<16xi32>], vector<16xf32>,
      %add3A_209 = arith.addf %gather3A, %gather3A_208 : vector<16xf32>
      %mul3A_210 = arith.constant 2.000000e-01 : f32
      %mul3A_211 = vector.broadcast %mul3A_210 : f32 to vector<16xf32>
      %mul3A_212 = arith.mulf %add3A_209, %mul3A_211 : vector<16xf32>
      %max3A = arith.maximumf %add3A_209, %mul3A_212 : vector<16xf32>
      %exp3A = math.exp %max3A : vector<16xf32>
      %swap3A = arith.constant 0 : i32
      %swap3A_213 = arith.index_cast %swap3A : i32 to index
      %swap3A_214 = arith.constant 0 : index
      %swap3A_215 = tpu.vector_load %arg15[%swap3A_213, %swap3A_214] {strides = array<i32>} : memref<2x64xf32, #tpu.memory_space<vmem>>, vector<16xf32>,
      tpu.vector_store %arg15[%swap3A_213, %swap3A_214], %exp3A {strides = array<i32>} : memref<2x64xf32, #tpu.memory_space<vmem>>, vector<16xf32>,
      %get3A_216 = arith.constant 0 : i32
      %get3A_217 = arith.index_cast %get3A_216 : i32 to index
      %get3A_218 = arith.constant 16 : index
      %get3A_219 = tpu.vector_load %arg11[%get3A_217, %get3A_218] {strides = array<i32>} : memref<2x64xi32, #tpu.memory_space<vmem>>, vector<16xi32>,
      %get3A_220 = arith.constant 0 : i32
      %get3A_221 = arith.index_cast %get3A_220 : i32 to index
      %get3A_222 = arith.constant 16 : index
      %get3A_223 = tpu.vector_load %arg12[%get3A_221, %get3A_222] {strides = array<i32>} : memref<2x64xi32, #tpu.memory_space<vmem>>, vector<16xi32>,
      %gather3A_224 = tpu.vector_load_idx %arg16[%get3A_219] : memref<10112xf32, #tpu.memory_space<vmem>>[vector<16xi32>], vector<16xf32>,
      %gather3A_225 = tpu.vector_load_idx %arg17[%get3A_223] : memref<10112xf32, #tpu.memory_space<vmem>>[vector<16xi32>], vector<16xf32>,
      %add3A_226 = arith.addf %gather3A_224, %gather3A_225 : vector<16xf32>
      %mul3A_227 = arith.constant 2.000000e-01 : f32
      %mul3A_228 = vector.broadcast %mul3A_227 : f32 to vector<16xf32>
      %mul3A_229 = arith.mulf %add3A_226, %mul3A_228 : vector<16xf32>
      %max3A_230 = arith.maximumf %add3A_226, %mul3A_229 : vector<16xf32>
      %exp3A_231 = math.exp %max3A_230 : vector<16xf32>
      %swap3A_232 = arith.constant 0 : i32
      %swap3A_233 = arith.index_cast %swap3A_232 : i32 to index
      %swap3A_234 = arith.constant 16 : index
      %swap3A_235 = tpu.vector_load %arg15[%swap3A_233, %swap3A_234] {strides = array<i32>} : memref<2x64xf32, #tpu.memory_space<vmem>>, vector<16xf32>,
      tpu.vector_store %arg15[%swap3A_233, %swap3A_234], %exp3A_231 {strides = array<i32>} : memref<2x64xf32, #tpu.memory_space<vmem>>, vector<16xf32>,
      %get3A_236 = arith.constant 0 : i32
      %get3A_237 = arith.index_cast %get3A_236 : i32 to index
      %get3A_238 = arith.constant 32 : index
      %get3A_239 = tpu.vector_load %arg11[%get3A_237, %get3A_238] {strides = array<i32>} : memref<2x64xi32, #tpu.memory_space<vmem>>, vector<16xi32>,
      %get3A_240 = arith.constant 0 : i32
      %get3A_241 = arith.index_cast %get3A_240 : i32 to index
      %get3A_242 = arith.constant 32 : index
      %get3A_243 = tpu.vector_load %arg12[%get3A_241, %get3A_242] {strides = array<i32>} : memref<2x64xi32, #tpu.memory_space<vmem>>, vector<16xi32>,
      %gather3A_244 = tpu.vector_load_idx %arg16[%get3A_239] : memref<10112xf32, #tpu.memory_space<vmem>>[vector<16xi32>], vector<16xf32>,
      %gather3A_245 = tpu.vector_load_idx %arg17[%get3A_243] : memref<10112xf32, #tpu.memory_space<vmem>>[vector<16xi32>], vector<16xf32>,
      %add3A_246 = arith.addf %gather3A_244, %gather3A_245 : vector<16xf32>
      %mul3A_247 = arith.constant 2.000000e-01 : f32
      %mul3A_248 = vector.broadcast %mul3A_247 : f32 to vector<16xf32>
      %mul3A_249 = arith.mulf %add3A_246, %mul3A_248 : vector<16xf32>
      %max3A_250 = arith.maximumf %add3A_246, %mul3A_249 : vector<16xf32>
      %exp3A_251 = math.exp %max3A_250 : vector<16xf32>
      %swap3A_252 = arith.constant 0 : i32
      %swap3A_253 = arith.index_cast %swap3A_252 : i32 to index
      %swap3A_254 = arith.constant 32 : index
      %swap3A_255 = tpu.vector_load %arg15[%swap3A_253, %swap3A_254] {strides = array<i32>} : memref<2x64xf32, #tpu.memory_space<vmem>>, vector<16xf32>,
      tpu.vector_store %arg15[%swap3A_253, %swap3A_254], %exp3A_251 {strides = array<i32>} : memref<2x64xf32, #tpu.memory_space<vmem>>, vector<16xf32>,
      %get3A_256 = arith.constant 0 : i32
      %get3A_257 = arith.index_cast %get3A_256 : i32 to index
      %get3A_258 = arith.constant 48 : index
      %get3A_259 = tpu.vector_load %arg11[%get3A_257, %get3A_258] {strides = array<i32>} : memref<2x64xi32, #tpu.memory_space<vmem>>, vector<16xi32>,
      %get3A_260 = arith.constant 0 : i32
      %get3A_261 = arith.index_cast %get3A_260 : i32 to index
      %get3A_262 = arith.constant 48 : index
      %get3A_263 = tpu.vector_load %arg12[%get3A_261, %get3A_262] {strides = array<i32>} : memref<2x64xi32, #tpu.memory_space<vmem>>, vector<16xi32>,
      %gather3A_264 = tpu.vector_load_idx %arg16[%get3A_259] : memref<10112xf32, #tpu.memory_space<vmem>>[vector<16xi32>], vector<16xf32>,
      %gather3A_265 = tpu.vector_load_idx %arg17[%get3A_263] : memref<10112xf32, #tpu.memory_space<vmem>>[vector<16xi32>], vector<16xf32>,
      %add3A_266 = arith.addf %gather3A_264, %gather3A_265 : vector<16xf32>
      %mul3A_267 = arith.constant 2.000000e-01 : f32
      %mul3A_268 = vector.broadcast %mul3A_267 : f32 to vector<16xf32>
      %mul3A_269 = arith.mulf %add3A_266, %mul3A_268 : vector<16xf32>
      %max3A_270 = arith.maximumf %add3A_266, %mul3A_269 : vector<16xf32>
      %exp3A_271 = math.exp %max3A_270 : vector<16xf32>
      %swap3A_272 = arith.constant 0 : i32
      %swap3A_273 = arith.index_cast %swap3A_272 : i32 to index
      %swap3A_274 = arith.constant 48 : index
      %swap3A_275 = tpu.vector_load %arg15[%swap3A_273, %swap3A_274] {strides = array<i32>} : memref<2x64xf32, #tpu.memory_space<vmem>>, vector<16xf32>,
      tpu.vector_store %arg15[%swap3A_273, %swap3A_274], %exp3A_271 {strides = array<i32>} : memref<2x64xf32, #tpu.memory_space<vmem>>, vector<16xf32>,
      %add3A_276 = arith.constant 64 : i32
      %add3A_277 = arith.addi %add3A_95, %add3A_276 : i32
      %add3A_278 = arith.constant 320000 : i32
      %add3A_279 = arith.addi %add3A_278, %add3A_277 : i32
      %dma_wait3A_280 = arith.constant 1 : i32
      %dma_wait3A_281 = arith.constant 1 : i32
      %dma_wait3A_282 = arith.constant 0 : i32
      %dma_wait3A_283 = tpu.memref_slice %arg11[%dma_wait3A_280, %dma_wait3A_282] : memref<2x64xi32, #tpu.memory_space<vmem>> -> memref<1x64xi32, #tpu.memory_space<vmem>>
      %dma_wait3A_284 = tpu.memref_squeeze %dma_wait3A_283 : memref<1x64xi32, #tpu.memory_space<vmem>> -> memref<64xi32, #tpu.memory_space<vmem>>
      %dma_wait3A_285 = tpu.memref_slice %arg3[%add3A_277] : memref<640000xi32, #tpu.memory_space<hbm>> -> memref<64xi32, #tpu.memory_space<hbm>>
      %dma_wait3A_286 = tpu.memref_slice %arg18[%dma_wait3A_281] : memref<2x!tpu.dma_semaphore, #tpu.memory_space<semaphore_mem>> -> memref<1x!tpu.dma_semaphore, #tpu.memory_space<semaphore_mem>>
      %dma_wait3A_287 = tpu.memref_squeeze %dma_wait3A_286 : memref<1x!tpu.dma_semaphore, #tpu.memory_space<semaphore_mem>> -> memref<!tpu.dma_semaphore, #tpu.memory_space<semaphore_mem>>
      %dma_wait3A_288 = arith.constant 0 : i32
      %dma_wait3A_289 = tpu.memref_slice %arg11[%dma_wait3A_280, %dma_wait3A_288] : memref<2x64xi32, #tpu.memory_space<vmem>> -> memref<1x64xi32, #tpu.memory_space<vmem>>
      %dma_wait3A_290 = tpu.memref_squeeze %dma_wait3A_289 : memref<1x64xi32, #tpu.memory_space<vmem>> -> memref<64xi32, #tpu.memory_space<vmem>>
      %dma_wait3A_291 = tpu.memref_slice %arg3[%add3A_277] : memref<640000xi32, #tpu.memory_space<hbm>> -> memref<64xi32, #tpu.memory_space<hbm>>
      tpu.wait_dma2 semaphore(%dma_wait3A_287 : memref<!tpu.dma_semaphore, #tpu.memory_space<semaphore_mem>>) src(%dma_wait3A_291 : memref<64xi32, #tpu.memory_space<hbm>>) dst(%dma_wait3A_290 : memref<64xi32, #tpu.memory_space<vmem>>)
      %dma_wait3A_292 = arith.constant 1 : i32
      %dma_wait3A_293 = arith.constant 1 : i32
      %dma_wait3A_294 = arith.constant 0 : i32
      %dma_wait3A_295 = tpu.memref_slice %arg12[%dma_wait3A_292, %dma_wait3A_294] : memref<2x64xi32, #tpu.memory_space<vmem>> -> memref<1x64xi32, #tpu.memory_space<vmem>>
      %dma_wait3A_296 = tpu.memref_squeeze %dma_wait3A_295 : memref<1x64xi32, #tpu.memory_space<vmem>> -> memref<64xi32, #tpu.memory_space<vmem>>
      %dma_wait3A_297 = tpu.memref_slice %arg3[%add3A_279] : memref<640000xi32, #tpu.memory_space<hbm>> -> memref<64xi32, #tpu.memory_space<hbm>>
      %dma_wait3A_298 = tpu.memref_slice %arg18[%dma_wait3A_293] : memref<2x!tpu.dma_semaphore, #tpu.memory_space<semaphore_mem>> -> memref<1x!tpu.dma_semaphore, #tpu.memory_space<semaphore_mem>>
      %dma_wait3A_299 = tpu.memref_squeeze %dma_wait3A_298 : memref<1x!tpu.dma_semaphore, #tpu.memory_space<semaphore_mem>> -> memref<!tpu.dma_semaphore, #tpu.memory_space<semaphore_mem>>
      %dma_wait3A_300 = arith.constant 0 : i32
      %dma_wait3A_301 = tpu.memref_slice %arg12[%dma_wait3A_292, %dma_wait3A_300] : memref<2x64xi32, #tpu.memory_space<vmem>> -> memref<1x64xi32, #tpu.memory_space<vmem>>
      %dma_wait3A_302 = tpu.memref_squeeze %dma_wait3A_301 : memref<1x64xi32, #tpu.memory_space<vmem>> -> memref<64xi32, #tpu.memory_space<vmem>>
      %dma_wait3A_303 = tpu.memref_slice %arg3[%add3A_279] : memref<640000xi32, #tpu.memory_space<hbm>> -> memref<64xi32, #tpu.memory_space<hbm>>
      tpu.wait_dma2 semaphore(%dma_wait3A_299 : memref<!tpu.dma_semaphore, #tpu.memory_space<semaphore_mem>>) src(%dma_wait3A_303 : memref<64xi32, #tpu.memory_space<hbm>>) dst(%dma_wait3A_302 : memref<64xi32, #tpu.memory_space<vmem>>)
      %dma_start3A_304 = arith.constant 1 : i32
      %dma_start3A_305 = arith.constant 1 : i32
      %dma_start3A_306 = arith.constant 1 : i32
      %dma_start3A_307 = arith.constant 0 : i32
      %dma_start3A_308 = arith.constant 0 : i32
      %dma_start3A_309 = tpu.memref_slice %arg13[%dma_start3A_305, %dma_start3A_307, %dma_start3A_308] : memref<2x64x128xf32, #tpu.memory_space<vmem>> -> memref<1x64x128xf32, #tpu.memory_space<vmem>>
      %dma_start3A_310 = tpu.memref_squeeze %dma_start3A_309 : memref<1x64x128xf32, #tpu.memory_space<vmem>> -> memref<64x128xf32, #tpu.memory_space<vmem>>
      %dma_start3A_311 = arith.constant 0 : i32
      %dma_start3A_312 = tpu.memref_slice %arg11[%dma_start3A_304, %dma_start3A_311] : memref<2x64xi32, #tpu.memory_space<vmem>> -> memref<1x64xi32, #tpu.memory_space<vmem>>
      %dma_start3A_313 = tpu.memref_squeeze %dma_start3A_312 : memref<1x64xi32, #tpu.memory_space<vmem>> -> memref<64xi32, #tpu.memory_space<vmem>>
      %dma_start3A_314 = arith.constant 0 : i32
      %dma_start3A_315 = arith.constant 0 : i32
      %dma_start3A_316 = tpu.memref_slice %arg2[%dma_start3A_314, %dma_start3A_315] : memref<10000x128xf32, #tpu.memory_space<hbm>> -> memref<10000x128xf32, #tpu.memory_space<hbm>>
      %dma_start3A_317 = tpu.memref_slice %arg19[%dma_start3A_306] : memref<2x!tpu.dma_semaphore, #tpu.memory_space<semaphore_mem>> -> memref<1x!tpu.dma_semaphore, #tpu.memory_space<semaphore_mem>>
      %dma_start3A_318 = tpu.memref_squeeze %dma_start3A_317 : memref<1x!tpu.dma_semaphore, #tpu.memory_space<semaphore_mem>> -> memref<!tpu.dma_semaphore, #tpu.memory_space<semaphore_mem>>
      tpu.enqueue_indirect_dma source(%dma_start3A_316 : memref<10000x128xf32, #tpu.memory_space<hbm>>) target(%dma_start3A_310 : memref<64x128xf32, #tpu.memory_space<vmem>>) offsets(%dma_start3A_313 : memref<64xi32, #tpu.memory_space<vmem>>) semaphore(%dma_start3A_318 : memref<!tpu.dma_semaphore, #tpu.memory_space<semaphore_mem>>)
      %get3A_319 = arith.constant 1 : i32
      %get3A_320 = arith.index_cast %get3A_319 : i32 to index
      %get3A_321 = arith.constant 0 : index
      %get3A_322 = tpu.vector_load %arg11[%get3A_320, %get3A_321] {strides = array<i32>} : memref<2x64xi32, #tpu.memory_space<vmem>>, vector<16xi32>,
      %get3A_323 = arith.constant 1 : i32
      %get3A_324 = arith.index_cast %get3A_323 : i32 to index
      %get3A_325 = arith.constant 0 : index
      %get3A_326 = tpu.vector_load %arg12[%get3A_324, %get3A_325] {strides = array<i32>} : memref<2x64xi32, #tpu.memory_space<vmem>>, vector<16xi32>,
      %gather3A_327 = tpu.vector_load_idx %arg16[%get3A_322] : memref<10112xf32, #tpu.memory_space<vmem>>[vector<16xi32>], vector<16xf32>,
      %gather3A_328 = tpu.vector_load_idx %arg17[%get3A_326] : memref<10112xf32, #tpu.memory_space<vmem>>[vector<16xi32>], vector<16xf32>,
      %add3A_329 = arith.addf %gather3A_327, %gather3A_328 : vector<16xf32>
      %mul3A_330 = arith.constant 2.000000e-01 : f32
      %mul3A_331 = vector.broadcast %mul3A_330 : f32 to vector<16xf32>
      %mul3A_332 = arith.mulf %add3A_329, %mul3A_331 : vector<16xf32>
      %max3A_333 = arith.maximumf %add3A_329, %mul3A_332 : vector<16xf32>
      %exp3A_334 = math.exp %max3A_333 : vector<16xf32>
      %swap3A_335 = arith.constant 1 : i32
      %swap3A_336 = arith.index_cast %swap3A_335 : i32 to index
      %swap3A_337 = arith.constant 0 : index
      %swap3A_338 = tpu.vector_load %arg15[%swap3A_336, %swap3A_337] {strides = array<i32>} : memref<2x64xf32, #tpu.memory_space<vmem>>, vector<16xf32>,
      tpu.vector_store %arg15[%swap3A_336, %swap3A_337], %exp3A_334 {strides = array<i32>} : memref<2x64xf32, #tpu.memory_space<vmem>>, vector<16xf32>,
      %get3A_339 = arith.constant 1 : i32
      %get3A_340 = arith.index_cast %get3A_339 : i32 to index
      %get3A_341 = arith.constant 16 : index
      %get3A_342 = tpu.vector_load %arg11[%get3A_340, %get3A_341] {strides = array<i32>} : memref<2x64xi32, #tpu.memory_space<vmem>>, vector<16xi32>,
      %get3A_343 = arith.constant 1 : i32
      %get3A_344 = arith.index_cast %get3A_343 : i32 to index
      %get3A_345 = arith.constant 16 : index
      %get3A_346 = tpu.vector_load %arg12[%get3A_344, %get3A_345] {strides = array<i32>} : memref<2x64xi32, #tpu.memory_space<vmem>>, vector<16xi32>,
      %gather3A_347 = tpu.vector_load_idx %arg16[%get3A_342] : memref<10112xf32, #tpu.memory_space<vmem>>[vector<16xi32>], vector<16xf32>,
      %gather3A_348 = tpu.vector_load_idx %arg17[%get3A_346] : memref<10112xf32, #tpu.memory_space<vmem>>[vector<16xi32>], vector<16xf32>,
      %add3A_349 = arith.addf %gather3A_347, %gather3A_348 : vector<16xf32>
      %mul3A_350 = arith.constant 2.000000e-01 : f32
      %mul3A_351 = vector.broadcast %mul3A_350 : f32 to vector<16xf32>
      %mul3A_352 = arith.mulf %add3A_349, %mul3A_351 : vector<16xf32>
      %max3A_353 = arith.maximumf %add3A_349, %mul3A_352 : vector<16xf32>
      %exp3A_354 = math.exp %max3A_353 : vector<16xf32>
      %swap3A_355 = arith.constant 1 : i32
      %swap3A_356 = arith.index_cast %swap3A_355 : i32 to index
      %swap3A_357 = arith.constant 16 : index
      %swap3A_358 = tpu.vector_load %arg15[%swap3A_356, %swap3A_357] {strides = array<i32>} : memref<2x64xf32, #tpu.memory_space<vmem>>, vector<16xf32>,
      tpu.vector_store %arg15[%swap3A_356, %swap3A_357], %exp3A_354 {strides = array<i32>} : memref<2x64xf32, #tpu.memory_space<vmem>>, vector<16xf32>,
      %get3A_359 = arith.constant 1 : i32
      %get3A_360 = arith.index_cast %get3A_359 : i32 to index
      %get3A_361 = arith.constant 32 : index
      %get3A_362 = tpu.vector_load %arg11[%get3A_360, %get3A_361] {strides = array<i32>} : memref<2x64xi32, #tpu.memory_space<vmem>>, vector<16xi32>,
      %get3A_363 = arith.constant 1 : i32
      %get3A_364 = arith.index_cast %get3A_363 : i32 to index
      %get3A_365 = arith.constant 32 : index
      %get3A_366 = tpu.vector_load %arg12[%get3A_364, %get3A_365] {strides = array<i32>} : memref<2x64xi32, #tpu.memory_space<vmem>>, vector<16xi32>,
      %gather3A_367 = tpu.vector_load_idx %arg16[%get3A_362] : memref<10112xf32, #tpu.memory_space<vmem>>[vector<16xi32>], vector<16xf32>,
      %gather3A_368 = tpu.vector_load_idx %arg17[%get3A_366] : memref<10112xf32, #tpu.memory_space<vmem>>[vector<16xi32>], vector<16xf32>,
      %add3A_369 = arith.addf %gather3A_367, %gather3A_368 : vector<16xf32>
      %mul3A_370 = arith.constant 2.000000e-01 : f32
      %mul3A_371 = vector.broadcast %mul3A_370 : f32 to vector<16xf32>
      %mul3A_372 = arith.mulf %add3A_369, %mul3A_371 : vector<16xf32>
      %max3A_373 = arith.maximumf %add3A_369, %mul3A_372 : vector<16xf32>
      %exp3A_374 = math.exp %max3A_373 : vector<16xf32>
      %swap3A_375 = arith.constant 1 : i32
      %swap3A_376 = arith.index_cast %swap3A_375 : i32 to index
      %swap3A_377 = arith.constant 32 : index
      %swap3A_378 = tpu.vector_load %arg15[%swap3A_376, %swap3A_377] {strides = array<i32>} : memref<2x64xf32, #tpu.memory_space<vmem>>, vector<16xf32>,
      tpu.vector_store %arg15[%swap3A_376, %swap3A_377], %exp3A_374 {strides = array<i32>} : memref<2x64xf32, #tpu.memory_space<vmem>>, vector<16xf32>,
      %get3A_379 = arith.constant 1 : i32
      %get3A_380 = arith.index_cast %get3A_379 : i32 to index
      %get3A_381 = arith.constant 48 : index
      %get3A_382 = tpu.vector_load %arg11[%get3A_380, %get3A_381] {strides = array<i32>} : memref<2x64xi32, #tpu.memory_space<vmem>>, vector<16xi32>,
      %get3A_383 = arith.constant 1 : i32
      %get3A_384 = arith.index_cast %get3A_383 : i32 to index
      %get3A_385 = arith.constant 48 : index
      %get3A_386 = tpu.vector_load %arg12[%get3A_384, %get3A_385] {strides = array<i32>} : memref<2x64xi32, #tpu.memory_space<vmem>>, vector<16xi32>,
      %gather3A_387 = tpu.vector_load_idx %arg16[%get3A_382] : memref<10112xf32, #tpu.memory_space<vmem>>[vector<16xi32>], vector<16xf32>,
      %gather3A_388 = tpu.vector_load_idx %arg17[%get3A_386] : memref<10112xf32, #tpu.memory_space<vmem>>[vector<16xi32>], vector<16xf32>,
      %add3A_389 = arith.addf %gather3A_387, %gather3A_388 : vector<16xf32>
      %mul3A_390 = arith.constant 2.000000e-01 : f32
      %mul3A_391 = vector.broadcast %mul3A_390 : f32 to vector<16xf32>
      %mul3A_392 = arith.mulf %add3A_389, %mul3A_391 : vector<16xf32>
      %max3A_393 = arith.maximumf %add3A_389, %mul3A_392 : vector<16xf32>
      %exp3A_394 = math.exp %max3A_393 : vector<16xf32>
      %swap3A_395 = arith.constant 1 : i32
      %swap3A_396 = arith.index_cast %swap3A_395 : i32 to index
      %swap3A_397 = arith.constant 48 : index
      %swap3A_398 = tpu.vector_load %arg15[%swap3A_396, %swap3A_397] {strides = array<i32>} : memref<2x64xf32, #tpu.memory_space<vmem>>, vector<16xf32>,
      tpu.vector_store %arg15[%swap3A_396, %swap3A_397], %exp3A_394 {strides = array<i32>} : memref<2x64xf32, #tpu.memory_space<vmem>>, vector<16xf32>,
      %dma_wait3A_399 = arith.constant 0 : i32
      %dma_wait3A_400 = arith.constant 0 : i32
      %dma_wait3A_401 = arith.constant 0 : i32
      %dma_wait3A_402 = arith.constant 0 : i32
      %dma_wait3A_403 = arith.constant 0 : i32
      %dma_wait3A_404 = tpu.memref_slice %arg13[%dma_wait3A_400, %dma_wait3A_402, %dma_wait3A_403] : memref<2x64x128xf32, #tpu.memory_space<vmem>> -> memref<1x64x128xf32, #tpu.memory_space<vmem>>
      %dma_wait3A_405 = tpu.memref_squeeze %dma_wait3A_404 : memref<1x64x128xf32, #tpu.memory_space<vmem>> -> memref<64x128xf32, #tpu.memory_space<vmem>>
      %dma_wait3A_406 = arith.constant 0 : i32
      %dma_wait3A_407 = tpu.memref_slice %arg11[%dma_wait3A_399, %dma_wait3A_406] : memref<2x64xi32, #tpu.memory_space<vmem>> -> memref<1x64xi32, #tpu.memory_space<vmem>>
      %dma_wait3A_408 = tpu.memref_squeeze %dma_wait3A_407 : memref<1x64xi32, #tpu.memory_space<vmem>> -> memref<64xi32, #tpu.memory_space<vmem>>
      %dma_wait3A_409 = arith.constant 0 : i32
      %dma_wait3A_410 = arith.constant 0 : i32
      %dma_wait3A_411 = tpu.memref_slice %arg2[%dma_wait3A_409, %dma_wait3A_410] : memref<10000x128xf32, #tpu.memory_space<hbm>> -> memref<10000x128xf32, #tpu.memory_space<hbm>>
      %dma_wait3A_412 = tpu.memref_slice %arg19[%dma_wait3A_401] : memref<2x!tpu.dma_semaphore, #tpu.memory_space<semaphore_mem>> -> memref<1x!tpu.dma_semaphore, #tpu.memory_space<semaphore_mem>>
      %dma_wait3A_413 = tpu.memref_squeeze %dma_wait3A_412 : memref<1x!tpu.dma_semaphore, #tpu.memory_space<semaphore_mem>> -> memref<!tpu.dma_semaphore, #tpu.memory_space<semaphore_mem>>
      tpu.wait_indirect_dma semaphore(%dma_wait3A_413 : memref<!tpu.dma_semaphore, #tpu.memory_space<semaphore_mem>>) src(%dma_wait3A_411 : memref<10000x128xf32, #tpu.memory_space<hbm>>) dst(%dma_wait3A_405 : memref<64x128xf32, #tpu.memory_space<vmem>>)
      %parallel_loop3A = arith.constant 0 : i32
      %parallel_loop3A_414 = arith.constant 64 : i32
      %parallel_loop3A_415 = arith.constant 1 : i32
      scf.for %parallel_loop3A_494 = %parallel_loop3A to %parallel_loop3A_414 step %parallel_loop3A_415  : i32 {
        %parallel_loop3A_495 = vector.broadcast %parallel_loop3A_494 : i32 to vector<16xi32>
        %parallel_loop3A_496 = arith.constant 0 : i32
        %parallel_loop3A_497 = arith.constant 0 : i32
        %parallel_loop3A_498 = tpu.memref_slice %arg15[%parallel_loop3A_496, %parallel_loop3A_497] : memref<2x64xf32, #tpu.memory_space<vmem>> -> memref<1x64xf32, #tpu.memory_space<vmem>>
        %parallel_loop3A_499 = tpu.memref_squeeze %parallel_loop3A_498 : memref<1x64xf32, #tpu.memory_space<vmem>> -> memref<64xf32, #tpu.memory_space<vmem>>
        %parallel_loop3A_500 = tpu.vector_load_idx %parallel_loop3A_499[%parallel_loop3A_495] : memref<64xf32, #tpu.memory_space<vmem>>[vector<16xi32>], vector<16xf32>,
        %parallel_loop3A_501 = arith.constant 0 : i32
        %parallel_loop3A_502 = arith.index_cast %parallel_loop3A_501 : i32 to index
        %parallel_loop3A_503 = arith.index_cast %parallel_loop3A_494 : i32 to index
        %parallel_loop3A_504 = arith.constant 0 : index
        %parallel_loop3A_505 = tpu.vector_load %arg13[%parallel_loop3A_502, %parallel_loop3A_503, %parallel_loop3A_504] {strides = array<i32>} : memref<2x64x128xf32, #tpu.memory_space<vmem>>, vector<16xf32>,
        %parallel_loop3A_506 = arith.mulf %parallel_loop3A_505, %parallel_loop3A_500 : vector<16xf32>
        %parallel_loop3A_507 = arith.constant 0 : i32
        %parallel_loop3A_508 = arith.index_cast %parallel_loop3A_507 : i32 to index
        %parallel_loop3A_509 = arith.index_cast %parallel_loop3A_494 : i32 to index
        %parallel_loop3A_510 = arith.constant 0 : index
        %parallel_loop3A_511 = tpu.vector_load %arg13[%parallel_loop3A_508, %parallel_loop3A_509, %parallel_loop3A_510] {strides = array<i32>} : memref<2x64x128xf32, #tpu.memory_space<vmem>>, vector<16xf32>,
        tpu.vector_store %arg13[%parallel_loop3A_508, %parallel_loop3A_509, %parallel_loop3A_510], %parallel_loop3A_506 {strides = array<i32>} : memref<2x64x128xf32, #tpu.memory_space<vmem>>, vector<16xf32>,
        %parallel_loop3A_512 = arith.constant 0 : i32
        %parallel_loop3A_513 = arith.index_cast %parallel_loop3A_512 : i32 to index
        %parallel_loop3A_514 = arith.index_cast %parallel_loop3A_494 : i32 to index
        %parallel_loop3A_515 = arith.constant 16 : index
        %parallel_loop3A_516 = tpu.vector_load %arg13[%parallel_loop3A_513, %parallel_loop3A_514, %parallel_loop3A_515] {strides = array<i32>} : memref<2x64x128xf32, #tpu.memory_space<vmem>>, vector<16xf32>,
        %parallel_loop3A_517 = arith.mulf %parallel_loop3A_516, %parallel_loop3A_500 : vector<16xf32>
        %parallel_loop3A_518 = arith.constant 0 : i32
        %parallel_loop3A_519 = arith.index_cast %parallel_loop3A_518 : i32 to index
        %parallel_loop3A_520 = arith.index_cast %parallel_loop3A_494 : i32 to index
        %parallel_loop3A_521 = arith.constant 16 : index
        %parallel_loop3A_522 = tpu.vector_load %arg13[%parallel_loop3A_519, %parallel_loop3A_520, %parallel_loop3A_521] {strides = array<i32>} : memref<2x64x128xf32, #tpu.memory_space<vmem>>, vector<16xf32>,
        tpu.vector_store %arg13[%parallel_loop3A_519, %parallel_loop3A_520, %parallel_loop3A_521], %parallel_loop3A_517 {strides = array<i32>} : memref<2x64x128xf32, #tpu.memory_space<vmem>>, vector<16xf32>,
        %parallel_loop3A_523 = arith.constant 0 : i32
        %parallel_loop3A_524 = arith.index_cast %parallel_loop3A_523 : i32 to index
        %parallel_loop3A_525 = arith.index_cast %parallel_loop3A_494 : i32 to index
        %parallel_loop3A_526 = arith.constant 32 : index
        %parallel_loop3A_527 = tpu.vector_load %arg13[%parallel_loop3A_524, %parallel_loop3A_525, %parallel_loop3A_526] {strides = array<i32>} : memref<2x64x128xf32, #tpu.memory_space<vmem>>, vector<16xf32>,
        %parallel_loop3A_528 = arith.mulf %parallel_loop3A_527, %parallel_loop3A_500 : vector<16xf32>
        %parallel_loop3A_529 = arith.constant 0 : i32
        %parallel_loop3A_530 = arith.index_cast %parallel_loop3A_529 : i32 to index
        %parallel_loop3A_531 = arith.index_cast %parallel_loop3A_494 : i32 to index
        %parallel_loop3A_532 = arith.constant 32 : index
        %parallel_loop3A_533 = tpu.vector_load %arg13[%parallel_loop3A_530, %parallel_loop3A_531, %parallel_loop3A_532] {strides = array<i32>} : memref<2x64x128xf32, #tpu.memory_space<vmem>>, vector<16xf32>,
        tpu.vector_store %arg13[%parallel_loop3A_530, %parallel_loop3A_531, %parallel_loop3A_532], %parallel_loop3A_528 {strides = array<i32>} : memref<2x64x128xf32, #tpu.memory_space<vmem>>, vector<16xf32>,
        %parallel_loop3A_534 = arith.constant 0 : i32
        %parallel_loop3A_535 = arith.index_cast %parallel_loop3A_534 : i32 to index
        %parallel_loop3A_536 = arith.index_cast %parallel_loop3A_494 : i32 to index
        %parallel_loop3A_537 = arith.constant 48 : index
        %parallel_loop3A_538 = tpu.vector_load %arg13[%parallel_loop3A_535, %parallel_loop3A_536, %parallel_loop3A_537] {strides = array<i32>} : memref<2x64x128xf32, #tpu.memory_space<vmem>>, vector<16xf32>,
        %parallel_loop3A_539 = arith.mulf %parallel_loop3A_538, %parallel_loop3A_500 : vector<16xf32>
        %parallel_loop3A_540 = arith.constant 0 : i32
        %parallel_loop3A_541 = arith.index_cast %parallel_loop3A_540 : i32 to index
        %parallel_loop3A_542 = arith.index_cast %parallel_loop3A_494 : i32 to index
        %parallel_loop3A_543 = arith.constant 48 : index
        %parallel_loop3A_544 = tpu.vector_load %arg13[%parallel_loop3A_541, %parallel_loop3A_542, %parallel_loop3A_543] {strides = array<i32>} : memref<2x64x128xf32, #tpu.memory_space<vmem>>, vector<16xf32>,
        tpu.vector_store %arg13[%parallel_loop3A_541, %parallel_loop3A_542, %parallel_loop3A_543], %parallel_loop3A_539 {strides = array<i32>} : memref<2x64x128xf32, #tpu.memory_space<vmem>>, vector<16xf32>,
        %parallel_loop3A_545 = arith.constant 0 : i32
        %parallel_loop3A_546 = arith.index_cast %parallel_loop3A_545 : i32 to index
        %parallel_loop3A_547 = arith.index_cast %parallel_loop3A_494 : i32 to index
        %parallel_loop3A_548 = arith.constant 64 : index
        %parallel_loop3A_549 = tpu.vector_load %arg13[%parallel_loop3A_546, %parallel_loop3A_547, %parallel_loop3A_548] {strides = array<i32>} : memref<2x64x128xf32, #tpu.memory_space<vmem>>, vector<16xf32>,
        %parallel_loop3A_550 = arith.mulf %parallel_loop3A_549, %parallel_loop3A_500 : vector<16xf32>
        %parallel_loop3A_551 = arith.constant 0 : i32
        %parallel_loop3A_552 = arith.index_cast %parallel_loop3A_551 : i32 to index
        %parallel_loop3A_553 = arith.index_cast %parallel_loop3A_494 : i32 to index
        %parallel_loop3A_554 = arith.constant 64 : index
        %parallel_loop3A_555 = tpu.vector_load %arg13[%parallel_loop3A_552, %parallel_loop3A_553, %parallel_loop3A_554] {strides = array<i32>} : memref<2x64x128xf32, #tpu.memory_space<vmem>>, vector<16xf32>,
        tpu.vector_store %arg13[%parallel_loop3A_552, %parallel_loop3A_553, %parallel_loop3A_554], %parallel_loop3A_550 {strides = array<i32>} : memref<2x64x128xf32, #tpu.memory_space<vmem>>, vector<16xf32>,
        %parallel_loop3A_556 = arith.constant 0 : i32
        %parallel_loop3A_557 = arith.index_cast %parallel_loop3A_556 : i32 to index
        %parallel_loop3A_558 = arith.index_cast %parallel_loop3A_494 : i32 to index
        %parallel_loop3A_559 = arith.constant 80 : index
        %parallel_loop3A_560 = tpu.vector_load %arg13[%parallel_loop3A_557, %parallel_loop3A_558, %parallel_loop3A_559] {strides = array<i32>} : memref<2x64x128xf32, #tpu.memory_space<vmem>>, vector<16xf32>,
        %parallel_loop3A_561 = arith.mulf %parallel_loop3A_560, %parallel_loop3A_500 : vector<16xf32>
        %parallel_loop3A_562 = arith.constant 0 : i32
        %parallel_loop3A_563 = arith.index_cast %parallel_loop3A_562 : i32 to index
        %parallel_loop3A_564 = arith.index_cast %parallel_loop3A_494 : i32 to index
        %parallel_loop3A_565 = arith.constant 80 : index
        %parallel_loop3A_566 = tpu.vector_load %arg13[%parallel_loop3A_563, %parallel_loop3A_564, %parallel_loop3A_565] {strides = array<i32>} : memref<2x64x128xf32, #tpu.memory_space<vmem>>, vector<16xf32>,
        tpu.vector_store %arg13[%parallel_loop3A_563, %parallel_loop3A_564, %parallel_loop3A_565], %parallel_loop3A_561 {strides = array<i32>} : memref<2x64x128xf32, #tpu.memory_space<vmem>>, vector<16xf32>,
        %parallel_loop3A_567 = arith.constant 0 : i32
        %parallel_loop3A_568 = arith.index_cast %parallel_loop3A_567 : i32 to index
        %parallel_loop3A_569 = arith.index_cast %parallel_loop3A_494 : i32 to index
        %parallel_loop3A_570 = arith.constant 96 : index
        %parallel_loop3A_571 = tpu.vector_load %arg13[%parallel_loop3A_568, %parallel_loop3A_569, %parallel_loop3A_570] {strides = array<i32>} : memref<2x64x128xf32, #tpu.memory_space<vmem>>, vector<16xf32>,
        %parallel_loop3A_572 = arith.mulf %parallel_loop3A_571, %parallel_loop3A_500 : vector<16xf32>
        %parallel_loop3A_573 = arith.constant 0 : i32
        %parallel_loop3A_574 = arith.index_cast %parallel_loop3A_573 : i32 to index
        %parallel_loop3A_575 = arith.index_cast %parallel_loop3A_494 : i32 to index
        %parallel_loop3A_576 = arith.constant 96 : index
        %parallel_loop3A_577 = tpu.vector_load %arg13[%parallel_loop3A_574, %parallel_loop3A_575, %parallel_loop3A_576] {strides = array<i32>} : memref<2x64x128xf32, #tpu.memory_space<vmem>>, vector<16xf32>,
        tpu.vector_store %arg13[%parallel_loop3A_574, %parallel_loop3A_575, %parallel_loop3A_576], %parallel_loop3A_572 {strides = array<i32>} : memref<2x64x128xf32, #tpu.memory_space<vmem>>, vector<16xf32>,
        %parallel_loop3A_578 = arith.constant 0 : i32
        %parallel_loop3A_579 = arith.index_cast %parallel_loop3A_578 : i32 to index
        %parallel_loop3A_580 = arith.index_cast %parallel_loop3A_494 : i32 to index
        %parallel_loop3A_581 = arith.constant 112 : index
        %parallel_loop3A_582 = tpu.vector_load %arg13[%parallel_loop3A_579, %parallel_loop3A_580, %parallel_loop3A_581] {strides = array<i32>} : memref<2x64x128xf32, #tpu.memory_space<vmem>>, vector<16xf32>,
        %parallel_loop3A_583 = arith.mulf %parallel_loop3A_582, %parallel_loop3A_500 : vector<16xf32>
        %parallel_loop3A_584 = arith.constant 0 : i32
        %parallel_loop3A_585 = arith.index_cast %parallel_loop3A_584 : i32 to index
        %parallel_loop3A_586 = arith.index_cast %parallel_loop3A_494 : i32 to index
        %parallel_loop3A_587 = arith.constant 112 : index
        %parallel_loop3A_588 = tpu.vector_load %arg13[%parallel_loop3A_585, %parallel_loop3A_586, %parallel_loop3A_587] {strides = array<i32>} : memref<2x64x128xf32, #tpu.memory_space<vmem>>, vector<16xf32>,
        tpu.vector_store %arg13[%parallel_loop3A_585, %parallel_loop3A_586, %parallel_loop3A_587], %parallel_loop3A_583 {strides = array<i32>} : memref<2x64x128xf32, #tpu.memory_space<vmem>>, vector<16xf32>,
        %parallel_loop3A_589 = arith.constant 0 : i32
        %parallel_loop3A_590 = arith.index_cast %parallel_loop3A_589 : i32 to index
        %parallel_loop3A_591 = arith.index_cast %parallel_loop3A_494 : i32 to index
        %parallel_loop3A_592 = arith.constant 0 : index
        %parallel_loop3A_593 = tpu.vector_load %arg14[%parallel_loop3A_590, %parallel_loop3A_591, %parallel_loop3A_592] {strides = array<i32>} : memref<2x64x16xf32, #tpu.memory_space<vmem>>, vector<16xf32>,
        tpu.vector_store %arg14[%parallel_loop3A_590, %parallel_loop3A_591, %parallel_loop3A_592], %parallel_loop3A_500 {strides = array<i32>} : memref<2x64x16xf32, #tpu.memory_space<vmem>>, vector<16xf32>,
      } {sc.loop_unroll_factor = 4 : i64, sc.parallel_access}
      %dma_start3A_416 = arith.constant 0 : i32
      %dma_start3A_417 = arith.constant 0 : i32
      %dma_start3A_418 = arith.constant 0 : i32
      %dma_start3A_419 = arith.constant 0 : i32
      %dma_start3A_420 = arith.constant 0 : i32
      %dma_start3A_421 = tpu.memref_slice %arg13[%dma_start3A_416, %dma_start3A_419, %dma_start3A_420] : memref<2x64x128xf32, #tpu.memory_space<vmem>> -> memref<1x64x128xf32, #tpu.memory_space<vmem>>
      %dma_start3A_422 = tpu.memref_squeeze %dma_start3A_421 : memref<1x64x128xf32, #tpu.memory_space<vmem>> -> memref<64x128xf32, #tpu.memory_space<vmem>>
      %dma_start3A_423 = arith.constant 0 : i32
      %dma_start3A_424 = tpu.memref_slice %arg12[%dma_start3A_417, %dma_start3A_423] : memref<2x64xi32, #tpu.memory_space<vmem>> -> memref<1x64xi32, #tpu.memory_space<vmem>>
      %dma_start3A_425 = tpu.memref_squeeze %dma_start3A_424 : memref<1x64xi32, #tpu.memory_space<vmem>> -> memref<64xi32, #tpu.memory_space<vmem>>
      %dma_start3A_426 = arith.constant 0 : i32
      %dma_start3A_427 = arith.constant 0 : i32
      %dma_start3A_428 = tpu.memref_slice %arg9[%dma_start3A_426, %dma_start3A_427] : memref<10112x128xf32, #tpu.memory_space<vmem_shared>> -> memref<10112x128xf32, #tpu.memory_space<vmem_shared>>
      %dma_start3A_429 = tpu.memref_slice %arg20[%dma_start3A_418] : memref<2x!tpu.dma_semaphore, #tpu.memory_space<semaphore_mem>> -> memref<1x!tpu.dma_semaphore, #tpu.memory_space<semaphore_mem>>
      %dma_start3A_430 = tpu.memref_squeeze %dma_start3A_429 : memref<1x!tpu.dma_semaphore, #tpu.memory_space<semaphore_mem>> -> memref<!tpu.dma_semaphore, #tpu.memory_space<semaphore_mem>>
      tpu.enqueue_indirect_dma source(%dma_start3A_422 : memref<64x128xf32, #tpu.memory_space<vmem>>) target(%dma_start3A_428 : memref<10112x128xf32, #tpu.memory_space<vmem_shared>>) offsets(%dma_start3A_425 : memref<64xi32, #tpu.memory_space<vmem>>) semaphore(%dma_start3A_430 : memref<!tpu.dma_semaphore, #tpu.memory_space<semaphore_mem>>) {add = true}
      %dma_start3A_431 = arith.constant 0 : i32
      %dma_start3A_432 = arith.constant 0 : i32
      %dma_start3A_433 = arith.constant 0 : i32
      %dma_start3A_434 = arith.constant 0 : i32
      %dma_start3A_435 = arith.constant 0 : i32
      %dma_start3A_436 = tpu.memref_slice %arg14[%dma_start3A_431, %dma_start3A_434, %dma_start3A_435] : memref<2x64x16xf32, #tpu.memory_space<vmem>> -> memref<1x64x16xf32, #tpu.memory_space<vmem>>
      %dma_start3A_437 = tpu.memref_squeeze %dma_start3A_436 : memref<1x64x16xf32, #tpu.memory_space<vmem>> -> memref<64x16xf32, #tpu.memory_space<vmem>>
      %dma_start3A_438 = arith.constant 0 : i32
      %dma_start3A_439 = tpu.memref_slice %arg12[%dma_start3A_432, %dma_start3A_438] : memref<2x64xi32, #tpu.memory_space<vmem>> -> memref<1x64xi32, #tpu.memory_space<vmem>>
      %dma_start3A_440 = tpu.memref_squeeze %dma_start3A_439 : memref<1x64xi32, #tpu.memory_space<vmem>> -> memref<64xi32, #tpu.memory_space<vmem>>
      %dma_start3A_441 = arith.constant 0 : i32
      %dma_start3A_442 = arith.constant 0 : i32
      %dma_start3A_443 = tpu.memref_slice %arg10[%dma_start3A_441, %dma_start3A_442] : memref<10112x16xf32, #tpu.memory_space<vmem_shared>> -> memref<10112x16xf32, #tpu.memory_space<vmem_shared>>
      %dma_start3A_444 = tpu.memref_slice %arg21[%dma_start3A_433] : memref<2x!tpu.dma_semaphore, #tpu.memory_space<semaphore_mem>> -> memref<1x!tpu.dma_semaphore, #tpu.memory_space<semaphore_mem>>
      %dma_start3A_445 = tpu.memref_squeeze %dma_start3A_444 : memref<1x!tpu.dma_semaphore, #tpu.memory_space<semaphore_mem>> -> memref<!tpu.dma_semaphore, #tpu.memory_space<semaphore_mem>>
      tpu.enqueue_indirect_dma source(%dma_start3A_437 : memref<64x16xf32, #tpu.memory_space<vmem>>) target(%dma_start3A_443 : memref<10112x16xf32, #tpu.memory_space<vmem_shared>>) offsets(%dma_start3A_440 : memref<64xi32, #tpu.memory_space<vmem>>) semaphore(%dma_start3A_445 : memref<!tpu.dma_semaphore, #tpu.memory_space<semaphore_mem>>) {add = true}
      %dma_wait3A_446 = arith.constant 1 : i32
      %dma_wait3A_447 = arith.constant 1 : i32
      %dma_wait3A_448 = arith.constant 1 : i32
      %dma_wait3A_449 = arith.constant 0 : i32
      %dma_wait3A_450 = arith.constant 0 : i32
      %dma_wait3A_451 = tpu.memref_slice %arg13[%dma_wait3A_447, %dma_wait3A_449, %dma_wait3A_450] : memref<2x64x128xf32, #tpu.memory_space<vmem>> -> memref<1x64x128xf32, #tpu.memory_space<vmem>>
      %dma_wait3A_452 = tpu.memref_squeeze %dma_wait3A_451 : memref<1x64x128xf32, #tpu.memory_space<vmem>> -> memref<64x128xf32, #tpu.memory_space<vmem>>
      %dma_wait3A_453 = arith.constant 0 : i32
      %dma_wait3A_454 = tpu.memref_slice %arg11[%dma_wait3A_446, %dma_wait3A_453] : memref<2x64xi32, #tpu.memory_space<vmem>> -> memref<1x64xi32, #tpu.memory_space<vmem>>
      %dma_wait3A_455 = tpu.memref_squeeze %dma_wait3A_454 : memref<1x64xi32, #tpu.memory_space<vmem>> -> memref<64xi32, #tpu.memory_space<vmem>>
      %dma_wait3A_456 = arith.constant 0 : i32
      %dma_wait3A_457 = arith.constant 0 : i32
      %dma_wait3A_458 = tpu.memref_slice %arg2[%dma_wait3A_456, %dma_wait3A_457] : memref<10000x128xf32, #tpu.memory_space<hbm>> -> memref<10000x128xf32, #tpu.memory_space<hbm>>
      %dma_wait3A_459 = tpu.memref_slice %arg19[%dma_wait3A_448] : memref<2x!tpu.dma_semaphore, #tpu.memory_space<semaphore_mem>> -> memref<1x!tpu.dma_semaphore, #tpu.memory_space<semaphore_mem>>
      %dma_wait3A_460 = tpu.memref_squeeze %dma_wait3A_459 : memref<1x!tpu.dma_semaphore, #tpu.memory_space<semaphore_mem>> -> memref<!tpu.dma_semaphore, #tpu.memory_space<semaphore_mem>>
      tpu.wait_indirect_dma semaphore(%dma_wait3A_460 : memref<!tpu.dma_semaphore, #tpu.memory_space<semaphore_mem>>) src(%dma_wait3A_458 : memref<10000x128xf32, #tpu.memory_space<hbm>>) dst(%dma_wait3A_452 : memref<64x128xf32, #tpu.memory_space<vmem>>)
      %parallel_loop3A_461 = arith.constant 0 : i32
      %parallel_loop3A_462 = arith.constant 64 : i32
      %parallel_loop3A_463 = arith.constant 1 : i32
      scf.for %parallel_loop3A_494 = %parallel_loop3A_461 to %parallel_loop3A_462 step %parallel_loop3A_463  : i32 {
        %parallel_loop3A_495 = vector.broadcast %parallel_loop3A_494 : i32 to vector<16xi32>
        %parallel_loop3A_496 = arith.constant 1 : i32
        %parallel_loop3A_497 = arith.constant 0 : i32
        %parallel_loop3A_498 = tpu.memref_slice %arg15[%parallel_loop3A_496, %parallel_loop3A_497] : memref<2x64xf32, #tpu.memory_space<vmem>> -> memref<1x64xf32, #tpu.memory_space<vmem>>
        %parallel_loop3A_499 = tpu.memref_squeeze %parallel_loop3A_498 : memref<1x64xf32, #tpu.memory_space<vmem>> -> memref<64xf32, #tpu.memory_space<vmem>>
        %parallel_loop3A_500 = tpu.vector_load_idx %parallel_loop3A_499[%parallel_loop3A_495] : memref<64xf32, #tpu.memory_space<vmem>>[vector<16xi32>], vector<16xf32>,
        %parallel_loop3A_501 = arith.constant 1 : i32
        %parallel_loop3A_502 = arith.index_cast %parallel_loop3A_501 : i32 to index
        %parallel_loop3A_503 = arith.index_cast %parallel_loop3A_494 : i32 to index
        %parallel_loop3A_504 = arith.constant 0 : index
        %parallel_loop3A_505 = tpu.vector_load %arg13[%parallel_loop3A_502, %parallel_loop3A_503, %parallel_loop3A_504] {strides = array<i32>} : memref<2x64x128xf32, #tpu.memory_space<vmem>>, vector<16xf32>,
        %parallel_loop3A_506 = arith.mulf %parallel_loop3A_505, %parallel_loop3A_500 : vector<16xf32>
        %parallel_loop3A_507 = arith.constant 1 : i32
        %parallel_loop3A_508 = arith.index_cast %parallel_loop3A_507 : i32 to index
        %parallel_loop3A_509 = arith.index_cast %parallel_loop3A_494 : i32 to index
        %parallel_loop3A_510 = arith.constant 0 : index
        %parallel_loop3A_511 = tpu.vector_load %arg13[%parallel_loop3A_508, %parallel_loop3A_509, %parallel_loop3A_510] {strides = array<i32>} : memref<2x64x128xf32, #tpu.memory_space<vmem>>, vector<16xf32>,
        tpu.vector_store %arg13[%parallel_loop3A_508, %parallel_loop3A_509, %parallel_loop3A_510], %parallel_loop3A_506 {strides = array<i32>} : memref<2x64x128xf32, #tpu.memory_space<vmem>>, vector<16xf32>,
        %parallel_loop3A_512 = arith.constant 1 : i32
        %parallel_loop3A_513 = arith.index_cast %parallel_loop3A_512 : i32 to index
        %parallel_loop3A_514 = arith.index_cast %parallel_loop3A_494 : i32 to index
        %parallel_loop3A_515 = arith.constant 16 : index
        %parallel_loop3A_516 = tpu.vector_load %arg13[%parallel_loop3A_513, %parallel_loop3A_514, %parallel_loop3A_515] {strides = array<i32>} : memref<2x64x128xf32, #tpu.memory_space<vmem>>, vector<16xf32>,
        %parallel_loop3A_517 = arith.mulf %parallel_loop3A_516, %parallel_loop3A_500 : vector<16xf32>
        %parallel_loop3A_518 = arith.constant 1 : i32
        %parallel_loop3A_519 = arith.index_cast %parallel_loop3A_518 : i32 to index
        %parallel_loop3A_520 = arith.index_cast %parallel_loop3A_494 : i32 to index
        %parallel_loop3A_521 = arith.constant 16 : index
        %parallel_loop3A_522 = tpu.vector_load %arg13[%parallel_loop3A_519, %parallel_loop3A_520, %parallel_loop3A_521] {strides = array<i32>} : memref<2x64x128xf32, #tpu.memory_space<vmem>>, vector<16xf32>,
        tpu.vector_store %arg13[%parallel_loop3A_519, %parallel_loop3A_520, %parallel_loop3A_521], %parallel_loop3A_517 {strides = array<i32>} : memref<2x64x128xf32, #tpu.memory_space<vmem>>, vector<16xf32>,
        %parallel_loop3A_523 = arith.constant 1 : i32
        %parallel_loop3A_524 = arith.index_cast %parallel_loop3A_523 : i32 to index
        %parallel_loop3A_525 = arith.index_cast %parallel_loop3A_494 : i32 to index
        %parallel_loop3A_526 = arith.constant 32 : index
        %parallel_loop3A_527 = tpu.vector_load %arg13[%parallel_loop3A_524, %parallel_loop3A_525, %parallel_loop3A_526] {strides = array<i32>} : memref<2x64x128xf32, #tpu.memory_space<vmem>>, vector<16xf32>,
        %parallel_loop3A_528 = arith.mulf %parallel_loop3A_527, %parallel_loop3A_500 : vector<16xf32>
        %parallel_loop3A_529 = arith.constant 1 : i32
        %parallel_loop3A_530 = arith.index_cast %parallel_loop3A_529 : i32 to index
        %parallel_loop3A_531 = arith.index_cast %parallel_loop3A_494 : i32 to index
        %parallel_loop3A_532 = arith.constant 32 : index
        %parallel_loop3A_533 = tpu.vector_load %arg13[%parallel_loop3A_530, %parallel_loop3A_531, %parallel_loop3A_532] {strides = array<i32>} : memref<2x64x128xf32, #tpu.memory_space<vmem>>, vector<16xf32>,
        tpu.vector_store %arg13[%parallel_loop3A_530, %parallel_loop3A_531, %parallel_loop3A_532], %parallel_loop3A_528 {strides = array<i32>} : memref<2x64x128xf32, #tpu.memory_space<vmem>>, vector<16xf32>,
        %parallel_loop3A_534 = arith.constant 1 : i32
        %parallel_loop3A_535 = arith.index_cast %parallel_loop3A_534 : i32 to index
        %parallel_loop3A_536 = arith.index_cast %parallel_loop3A_494 : i32 to index
        %parallel_loop3A_537 = arith.constant 48 : index
        %parallel_loop3A_538 = tpu.vector_load %arg13[%parallel_loop3A_535, %parallel_loop3A_536, %parallel_loop3A_537] {strides = array<i32>} : memref<2x64x128xf32, #tpu.memory_space<vmem>>, vector<16xf32>,
        %parallel_loop3A_539 = arith.mulf %parallel_loop3A_538, %parallel_loop3A_500 : vector<16xf32>
        %parallel_loop3A_540 = arith.constant 1 : i32
        %parallel_loop3A_541 = arith.index_cast %parallel_loop3A_540 : i32 to index
        %parallel_loop3A_542 = arith.index_cast %parallel_loop3A_494 : i32 to index
        %parallel_loop3A_543 = arith.constant 48 : index
        %parallel_loop3A_544 = tpu.vector_load %arg13[%parallel_loop3A_541, %parallel_loop3A_542, %parallel_loop3A_543] {strides = array<i32>} : memref<2x64x128xf32, #tpu.memory_space<vmem>>, vector<16xf32>,
        tpu.vector_store %arg13[%parallel_loop3A_541, %parallel_loop3A_542, %parallel_loop3A_543], %parallel_loop3A_539 {strides = array<i32>} : memref<2x64x128xf32, #tpu.memory_space<vmem>>, vector<16xf32>,
        %parallel_loop3A_545 = arith.constant 1 : i32
        %parallel_loop3A_546 = arith.index_cast %parallel_loop3A_545 : i32 to index
        %parallel_loop3A_547 = arith.index_cast %parallel_loop3A_494 : i32 to index
        %parallel_loop3A_548 = arith.constant 64 : index
        %parallel_loop3A_549 = tpu.vector_load %arg13[%parallel_loop3A_546, %parallel_loop3A_547, %parallel_loop3A_548] {strides = array<i32>} : memref<2x64x128xf32, #tpu.memory_space<vmem>>, vector<16xf32>,
        %parallel_loop3A_550 = arith.mulf %parallel_loop3A_549, %parallel_loop3A_500 : vector<16xf32>
        %parallel_loop3A_551 = arith.constant 1 : i32
        %parallel_loop3A_552 = arith.index_cast %parallel_loop3A_551 : i32 to index
        %parallel_loop3A_553 = arith.index_cast %parallel_loop3A_494 : i32 to index
        %parallel_loop3A_554 = arith.constant 64 : index
        %parallel_loop3A_555 = tpu.vector_load %arg13[%parallel_loop3A_552, %parallel_loop3A_553, %parallel_loop3A_554] {strides = array<i32>} : memref<2x64x128xf32, #tpu.memory_space<vmem>>, vector<16xf32>,
        tpu.vector_store %arg13[%parallel_loop3A_552, %parallel_loop3A_553, %parallel_loop3A_554], %parallel_loop3A_550 {strides = array<i32>} : memref<2x64x128xf32, #tpu.memory_space<vmem>>, vector<16xf32>,
        %parallel_loop3A_556 = arith.constant 1 : i32
        %parallel_loop3A_557 = arith.index_cast %parallel_loop3A_556 : i32 to index
        %parallel_loop3A_558 = arith.index_cast %parallel_loop3A_494 : i32 to index
        %parallel_loop3A_559 = arith.constant 80 : index
        %parallel_loop3A_560 = tpu.vector_load %arg13[%parallel_loop3A_557, %parallel_loop3A_558, %parallel_loop3A_559] {strides = array<i32>} : memref<2x64x128xf32, #tpu.memory_space<vmem>>, vector<16xf32>,
        %parallel_loop3A_561 = arith.mulf %parallel_loop3A_560, %parallel_loop3A_500 : vector<16xf32>
        %parallel_loop3A_562 = arith.constant 1 : i32
        %parallel_loop3A_563 = arith.index_cast %parallel_loop3A_562 : i32 to index
        %parallel_loop3A_564 = arith.index_cast %parallel_loop3A_494 : i32 to index
        %parallel_loop3A_565 = arith.constant 80 : index
        %parallel_loop3A_566 = tpu.vector_load %arg13[%parallel_loop3A_563, %parallel_loop3A_564, %parallel_loop3A_565] {strides = array<i32>} : memref<2x64x128xf32, #tpu.memory_space<vmem>>, vector<16xf32>,
        tpu.vector_store %arg13[%parallel_loop3A_563, %parallel_loop3A_564, %parallel_loop3A_565], %parallel_loop3A_561 {strides = array<i32>} : memref<2x64x128xf32, #tpu.memory_space<vmem>>, vector<16xf32>,
        %parallel_loop3A_567 = arith.constant 1 : i32
        %parallel_loop3A_568 = arith.index_cast %parallel_loop3A_567 : i32 to index
        %parallel_loop3A_569 = arith.index_cast %parallel_loop3A_494 : i32 to index
        %parallel_loop3A_570 = arith.constant 96 : index
        %parallel_loop3A_571 = tpu.vector_load %arg13[%parallel_loop3A_568, %parallel_loop3A_569, %parallel_loop3A_570] {strides = array<i32>} : memref<2x64x128xf32, #tpu.memory_space<vmem>>, vector<16xf32>,
        %parallel_loop3A_572 = arith.mulf %parallel_loop3A_571, %parallel_loop3A_500 : vector<16xf32>
        %parallel_loop3A_573 = arith.constant 1 : i32
        %parallel_loop3A_574 = arith.index_cast %parallel_loop3A_573 : i32 to index
        %parallel_loop3A_575 = arith.index_cast %parallel_loop3A_494 : i32 to index
        %parallel_loop3A_576 = arith.constant 96 : index
        %parallel_loop3A_577 = tpu.vector_load %arg13[%parallel_loop3A_574, %parallel_loop3A_575, %parallel_loop3A_576] {strides = array<i32>} : memref<2x64x128xf32, #tpu.memory_space<vmem>>, vector<16xf32>,
        tpu.vector_store %arg13[%parallel_loop3A_574, %parallel_loop3A_575, %parallel_loop3A_576], %parallel_loop3A_572 {strides = array<i32>} : memref<2x64x128xf32, #tpu.memory_space<vmem>>, vector<16xf32>,
        %parallel_loop3A_578 = arith.constant 1 : i32
        %parallel_loop3A_579 = arith.index_cast %parallel_loop3A_578 : i32 to index
        %parallel_loop3A_580 = arith.index_cast %parallel_loop3A_494 : i32 to index
        %parallel_loop3A_581 = arith.constant 112 : index
        %parallel_loop3A_582 = tpu.vector_load %arg13[%parallel_loop3A_579, %parallel_loop3A_580, %parallel_loop3A_581] {strides = array<i32>} : memref<2x64x128xf32, #tpu.memory_space<vmem>>, vector<16xf32>,
        %parallel_loop3A_583 = arith.mulf %parallel_loop3A_582, %parallel_loop3A_500 : vector<16xf32>
        %parallel_loop3A_584 = arith.constant 1 : i32
        %parallel_loop3A_585 = arith.index_cast %parallel_loop3A_584 : i32 to index
        %parallel_loop3A_586 = arith.index_cast %parallel_loop3A_494 : i32 to index
        %parallel_loop3A_587 = arith.constant 112 : index
        %parallel_loop3A_588 = tpu.vector_load %arg13[%parallel_loop3A_585, %parallel_loop3A_586, %parallel_loop3A_587] {strides = array<i32>} : memref<2x64x128xf32, #tpu.memory_space<vmem>>, vector<16xf32>,
        tpu.vector_store %arg13[%parallel_loop3A_585, %parallel_loop3A_586, %parallel_loop3A_587], %parallel_loop3A_583 {strides = array<i32>} : memref<2x64x128xf32, #tpu.memory_space<vmem>>, vector<16xf32>,
        %parallel_loop3A_589 = arith.constant 1 : i32
        %parallel_loop3A_590 = arith.index_cast %parallel_loop3A_589 : i32 to index
        %parallel_loop3A_591 = arith.index_cast %parallel_loop3A_494 : i32 to index
        %parallel_loop3A_592 = arith.constant 0 : index
        %parallel_loop3A_593 = tpu.vector_load %arg14[%parallel_loop3A_590, %parallel_loop3A_591, %parallel_loop3A_592] {strides = array<i32>} : memref<2x64x16xf32, #tpu.memory_space<vmem>>, vector<16xf32>,
        tpu.vector_store %arg14[%parallel_loop3A_590, %parallel_loop3A_591, %parallel_loop3A_592], %parallel_loop3A_500 {strides = array<i32>} : memref<2x64x16xf32, #tpu.memory_space<vmem>>, vector<16xf32>,
      } {sc.loop_unroll_factor = 4 : i64, sc.parallel_access}
      %dma_start3A_464 = arith.constant 1 : i32
      %dma_start3A_465 = arith.constant 1 : i32
      %dma_start3A_466 = arith.constant 1 : i32
      %dma_start3A_467 = arith.constant 0 : i32
      %dma_start3A_468 = arith.constant 0 : i32
      %dma_start3A_469 = tpu.memref_slice %arg13[%dma_start3A_464, %dma_start3A_467, %dma_start3A_468] : memref<2x64x128xf32, #tpu.memory_space<vmem>> -> memref<1x64x128xf32, #tpu.memory_space<vmem>>
      %dma_start3A_470 = tpu.memref_squeeze %dma_start3A_469 : memref<1x64x128xf32, #tpu.memory_space<vmem>> -> memref<64x128xf32, #tpu.memory_space<vmem>>
      %dma_start3A_471 = arith.constant 0 : i32
      %dma_start3A_472 = tpu.memref_slice %arg12[%dma_start3A_465, %dma_start3A_471] : memref<2x64xi32, #tpu.memory_space<vmem>> -> memref<1x64xi32, #tpu.memory_space<vmem>>
      %dma_start3A_473 = tpu.memref_squeeze %dma_start3A_472 : memref<1x64xi32, #tpu.memory_space<vmem>> -> memref<64xi32, #tpu.memory_space<vmem>>
      %dma_start3A_474 = arith.constant 0 : i32
      %dma_start3A_475 = arith.constant 0 : i32
      %dma_start3A_476 = tpu.memref_slice %arg9[%dma_start3A_474, %dma_start3A_475] : memref<10112x128xf32, #tpu.memory_space<vmem_shared>> -> memref<10112x128xf32, #tpu.memory_space<vmem_shared>>
      %dma_start3A_477 = tpu.memref_slice %arg20[%dma_start3A_466] : memref<2x!tpu.dma_semaphore, #tpu.memory_space<semaphore_mem>> -> memref<1x!tpu.dma_semaphore, #tpu.memory_space<semaphore_mem>>
      %dma_start3A_478 = tpu.memref_squeeze %dma_start3A_477 : memref<1x!tpu.dma_semaphore, #tpu.memory_space<semaphore_mem>> -> memref<!tpu.dma_semaphore, #tpu.memory_space<semaphore_mem>>
      tpu.enqueue_indirect_dma source(%dma_start3A_470 : memref<64x128xf32, #tpu.memory_space<vmem>>) target(%dma_start3A_476 : memref<10112x128xf32, #tpu.memory_space<vmem_shared>>) offsets(%dma_start3A_473 : memref<64xi32, #tpu.memory_space<vmem>>) semaphore(%dma_start3A_478 : memref<!tpu.dma_semaphore, #tpu.memory_space<semaphore_mem>>) {add = true}
      %dma_start3A_479 = arith.constant 1 : i32
      %dma_start3A_480 = arith.constant 1 : i32
      %dma_start3A_481 = arith.constant 1 : i32
      %dma_start3A_482 = arith.constant 0 : i32
      %dma_start3A_483 = arith.constant 0 : i32
      %dma_start3A_484 = tpu.memref_slice %arg14[%dma_start3A_479, %dma_start3A_482, %dma_start3A_483] : memref<2x64x16xf32, #tpu.memory_space<vmem>> -> memref<1x64x16xf32, #tpu.memory_space<vmem>>
      %dma_start3A_485 = tpu.memref_squeeze %dma_start3A_484 : memref<1x64x16xf32, #tpu.memory_space<vmem>> -> memref<64x16xf32, #tpu.memory_space<vmem>>
      %dma_start3A_486 = arith.constant 0 : i32
      %dma_start3A_487 = tpu.memref_slice %arg12[%dma_start3A_480, %dma_start3A_486] : memref<2x64xi32, #tpu.memory_space<vmem>> -> memref<1x64xi32, #tpu.memory_space<vmem>>
      %dma_start3A_488 = tpu.memref_squeeze %dma_start3A_487 : memref<1x64xi32, #tpu.memory_space<vmem>> -> memref<64xi32, #tpu.memory_space<vmem>>
      %dma_start3A_489 = arith.constant 0 : i32
      %dma_start3A_490 = arith.constant 0 : i32
      %dma_start3A_491 = tpu.memref_slice %arg10[%dma_start3A_489, %dma_start3A_490] : memref<10112x16xf32, #tpu.memory_space<vmem_shared>> -> memref<10112x16xf32, #tpu.memory_space<vmem_shared>>
      %dma_start3A_492 = tpu.memref_slice %arg21[%dma_start3A_481] : memref<2x!tpu.dma_semaphore, #tpu.memory_space<semaphore_mem>> -> memref<1x!tpu.dma_semaphore, #tpu.memory_space<semaphore_mem>>
      %dma_start3A_493 = tpu.memref_squeeze %dma_start3A_492 : memref<1x!tpu.dma_semaphore, #tpu.memory_space<semaphore_mem>> -> memref<!tpu.dma_semaphore, #tpu.memory_space<semaphore_mem>>
      tpu.enqueue_indirect_dma source(%dma_start3A_485 : memref<64x16xf32, #tpu.memory_space<vmem>>) target(%dma_start3A_491 : memref<10112x16xf32, #tpu.memory_space<vmem_shared>>) offsets(%dma_start3A_488 : memref<64xi32, #tpu.memory_space<vmem>>) semaphore(%dma_start3A_493 : memref<!tpu.dma_semaphore, #tpu.memory_space<semaphore_mem>>) {add = true}
    }
    %dma_wait3A = arith.constant 0 : i32
    %dma_wait3A_30 = arith.constant 0 : i32
    %dma_wait3A_31 = arith.constant 0 : i32
    %dma_wait3A_32 = arith.constant 0 : i32
    %dma_wait3A_33 = arith.constant 0 : i32
    %dma_wait3A_34 = tpu.memref_slice %arg13[%dma_wait3A, %dma_wait3A_32, %dma_wait3A_33] : memref<2x64x128xf32, #tpu.memory_space<vmem>> -> memref<1x64x128xf32, #tpu.memory_space<vmem>>
    %dma_wait3A_35 = tpu.memref_squeeze %dma_wait3A_34 : memref<1x64x128xf32, #tpu.memory_space<vmem>> -> memref<64x128xf32, #tpu.memory_space<vmem>>
    %dma_wait3A_36 = arith.constant 0 : i32
    %dma_wait3A_37 = tpu.memref_slice %arg12[%dma_wait3A_30, %dma_wait3A_36] : memref<2x64xi32, #tpu.memory_space<vmem>> -> memref<1x64xi32, #tpu.memory_space<vmem>>
    %dma_wait3A_38 = tpu.memref_squeeze %dma_wait3A_37 : memref<1x64xi32, #tpu.memory_space<vmem>> -> memref<64xi32, #tpu.memory_space<vmem>>
    %dma_wait3A_39 = arith.constant 0 : i32
    %dma_wait3A_40 = arith.constant 0 : i32
    %dma_wait3A_41 = tpu.memref_slice %arg9[%dma_wait3A_39, %dma_wait3A_40] : memref<10112x128xf32, #tpu.memory_space<vmem_shared>> -> memref<10112x128xf32, #tpu.memory_space<vmem_shared>>
    %dma_wait3A_42 = tpu.memref_slice %arg20[%dma_wait3A_31] : memref<2x!tpu.dma_semaphore, #tpu.memory_space<semaphore_mem>> -> memref<1x!tpu.dma_semaphore, #tpu.memory_space<semaphore_mem>>
    %dma_wait3A_43 = tpu.memref_squeeze %dma_wait3A_42 : memref<1x!tpu.dma_semaphore, #tpu.memory_space<semaphore_mem>> -> memref<!tpu.dma_semaphore, #tpu.memory_space<semaphore_mem>>
    tpu.wait_indirect_dma semaphore(%dma_wait3A_43 : memref<!tpu.dma_semaphore, #tpu.memory_space<semaphore_mem>>) src(%dma_wait3A_35 : memref<64x128xf32, #tpu.memory_space<vmem>>) dst(%dma_wait3A_41 : memref<10112x128xf32, #tpu.memory_space<vmem_shared>>)
    %dma_wait3A_44 = arith.constant 0 : i32
    %dma_wait3A_45 = arith.constant 0 : i32
    %dma_wait3A_46 = arith.constant 0 : i32
    %dma_wait3A_47 = arith.constant 0 : i32
    %dma_wait3A_48 = arith.constant 0 : i32
    %dma_wait3A_49 = tpu.memref_slice %arg14[%dma_wait3A_44, %dma_wait3A_47, %dma_wait3A_48] : memref<2x64x16xf32, #tpu.memory_space<vmem>> -> memref<1x64x16xf32, #tpu.memory_space<vmem>>
    %dma_wait3A_50 = tpu.memref_squeeze %dma_wait3A_49 : memref<1x64x16xf32, #tpu.memory_space<vmem>> -> memref<64x16xf32, #tpu.memory_space<vmem>>
    %dma_wait3A_51 = arith.constant 0 : i32
    %dma_wait3A_52 = tpu.memref_slice %arg12[%dma_wait3A_45, %dma_wait3A_51] : memref<2x64xi32, #tpu.memory_space<vmem>> -> memref<1x64xi32, #tpu.memory_space<vmem>>
    %dma_wait3A_53 = tpu.memref_squeeze %dma_wait3A_52 : memref<1x64xi32, #tpu.memory_space<vmem>> -> memref<64xi32, #tpu.memory_space<vmem>>
    %dma_wait3A_54 = arith.constant 0 : i32
    %dma_wait3A_55 = arith.constant 0 : i32
    %dma_wait3A_56 = tpu.memref_slice %arg10[%dma_wait3A_54, %dma_wait3A_55] : memref<10112x16xf32, #tpu.memory_space<vmem_shared>> -> memref<10112x16xf32, #tpu.memory_space<vmem_shared>>
    %dma_wait3A_57 = tpu.memref_slice %arg21[%dma_wait3A_46] : memref<2x!tpu.dma_semaphore, #tpu.memory_space<semaphore_mem>> -> memref<1x!tpu.dma_semaphore, #tpu.memory_space<semaphore_mem>>
    %dma_wait3A_58 = tpu.memref_squeeze %dma_wait3A_57 : memref<1x!tpu.dma_semaphore, #tpu.memory_space<semaphore_mem>> -> memref<!tpu.dma_semaphore, #tpu.memory_space<semaphore_mem>>
    tpu.wait_indirect_dma semaphore(%dma_wait3A_58 : memref<!tpu.dma_semaphore, #tpu.memory_space<semaphore_mem>>) src(%dma_wait3A_50 : memref<64x16xf32, #tpu.memory_space<vmem>>) dst(%dma_wait3A_56 : memref<10112x16xf32, #tpu.memory_space<vmem_shared>>)
    %dma_wait3A_59 = arith.constant 1 : i32
    %dma_wait3A_60 = arith.constant 1 : i32
    %dma_wait3A_61 = arith.constant 1 : i32
    %dma_wait3A_62 = arith.constant 0 : i32
    %dma_wait3A_63 = arith.constant 0 : i32
    %dma_wait3A_64 = tpu.memref_slice %arg13[%dma_wait3A_59, %dma_wait3A_62, %dma_wait3A_63] : memref<2x64x128xf32, #tpu.memory_space<vmem>> -> memref<1x64x128xf32, #tpu.memory_space<vmem>>
    %dma_wait3A_65 = tpu.memref_squeeze %dma_wait3A_64 : memref<1x64x128xf32, #tpu.memory_space<vmem>> -> memref<64x128xf32, #tpu.memory_space<vmem>>
    %dma_wait3A_66 = arith.constant 0 : i32
    %dma_wait3A_67 = tpu.memref_slice %arg12[%dma_wait3A_60, %dma_wait3A_66] : memref<2x64xi32, #tpu.memory_space<vmem>> -> memref<1x64xi32, #tpu.memory_space<vmem>>
    %dma_wait3A_68 = tpu.memref_squeeze %dma_wait3A_67 : memref<1x64xi32, #tpu.memory_space<vmem>> -> memref<64xi32, #tpu.memory_space<vmem>>
    %dma_wait3A_69 = arith.constant 0 : i32
    %dma_wait3A_70 = arith.constant 0 : i32
    %dma_wait3A_71 = tpu.memref_slice %arg9[%dma_wait3A_69, %dma_wait3A_70] : memref<10112x128xf32, #tpu.memory_space<vmem_shared>> -> memref<10112x128xf32, #tpu.memory_space<vmem_shared>>
    %dma_wait3A_72 = tpu.memref_slice %arg20[%dma_wait3A_61] : memref<2x!tpu.dma_semaphore, #tpu.memory_space<semaphore_mem>> -> memref<1x!tpu.dma_semaphore, #tpu.memory_space<semaphore_mem>>
    %dma_wait3A_73 = tpu.memref_squeeze %dma_wait3A_72 : memref<1x!tpu.dma_semaphore, #tpu.memory_space<semaphore_mem>> -> memref<!tpu.dma_semaphore, #tpu.memory_space<semaphore_mem>>
    tpu.wait_indirect_dma semaphore(%dma_wait3A_73 : memref<!tpu.dma_semaphore, #tpu.memory_space<semaphore_mem>>) src(%dma_wait3A_65 : memref<64x128xf32, #tpu.memory_space<vmem>>) dst(%dma_wait3A_71 : memref<10112x128xf32, #tpu.memory_space<vmem_shared>>)
    %dma_wait3A_74 = arith.constant 1 : i32
    %dma_wait3A_75 = arith.constant 1 : i32
    %dma_wait3A_76 = arith.constant 1 : i32
    %dma_wait3A_77 = arith.constant 0 : i32
    %dma_wait3A_78 = arith.constant 0 : i32
    %dma_wait3A_79 = tpu.memref_slice %arg14[%dma_wait3A_74, %dma_wait3A_77, %dma_wait3A_78] : memref<2x64x16xf32, #tpu.memory_space<vmem>> -> memref<1x64x16xf32, #tpu.memory_space<vmem>>
    %dma_wait3A_80 = tpu.memref_squeeze %dma_wait3A_79 : memref<1x64x16xf32, #tpu.memory_space<vmem>> -> memref<64x16xf32, #tpu.memory_space<vmem>>
    %dma_wait3A_81 = arith.constant 0 : i32
    %dma_wait3A_82 = tpu.memref_slice %arg12[%dma_wait3A_75, %dma_wait3A_81] : memref<2x64xi32, #tpu.memory_space<vmem>> -> memref<1x64xi32, #tpu.memory_space<vmem>>
    %dma_wait3A_83 = tpu.memref_squeeze %dma_wait3A_82 : memref<1x64xi32, #tpu.memory_space<vmem>> -> memref<64xi32, #tpu.memory_space<vmem>>
    %dma_wait3A_84 = arith.constant 0 : i32
    %dma_wait3A_85 = arith.constant 0 : i32
    %dma_wait3A_86 = tpu.memref_slice %arg10[%dma_wait3A_84, %dma_wait3A_85] : memref<10112x16xf32, #tpu.memory_space<vmem_shared>> -> memref<10112x16xf32, #tpu.memory_space<vmem_shared>>
    %dma_wait3A_87 = tpu.memref_slice %arg21[%dma_wait3A_76] : memref<2x!tpu.dma_semaphore, #tpu.memory_space<semaphore_mem>> -> memref<1x!tpu.dma_semaphore, #tpu.memory_space<semaphore_mem>>
    %dma_wait3A_88 = tpu.memref_squeeze %dma_wait3A_87 : memref<1x!tpu.dma_semaphore, #tpu.memory_space<semaphore_mem>> -> memref<!tpu.dma_semaphore, #tpu.memory_space<semaphore_mem>>
    tpu.wait_indirect_dma semaphore(%dma_wait3A_88 : memref<!tpu.dma_semaphore, #tpu.memory_space<semaphore_mem>>) src(%dma_wait3A_80 : memref<64x16xf32, #tpu.memory_space<vmem>>) dst(%dma_wait3A_86 : memref<10112x16xf32, #tpu.memory_space<vmem_shared>>)
    %barrier3A_89 = arith.constant 0 : index
    tpu.barrier barrier_id(%barrier3A_89)
    "tpu.region"() ({
      %run_scoped3A_90 = tpu.sem_alloc : memref<!tpu.dma_semaphore, #tpu.memory_space<semaphore_mem>>
      %dma_start3A = arith.constant 0 : i32
      %dma_start3A_91 = arith.constant 0 : i32
      %dma_start3A_92 = tpu.memref_slice %arg7[%arg0, %dma_start3A, %dma_start3A_91] : memref<2x10112x128xf32, #tpu.memory_space<hbm>> -> memref<1x10112x128xf32, #tpu.memory_space<hbm>>
      %dma_start3A_93 = tpu.memref_squeeze %dma_start3A_92 : memref<1x10112x128xf32, #tpu.memory_space<hbm>> -> memref<10112x128xf32, #tpu.memory_space<hbm>>
      %dma_start3A_94 = arith.constant 0 : i32
      %dma_start3A_95 = tpu.memref_slice %dma_start3A_93[%mul3A_0, %dma_start3A_94] : memref<10112x128xf32, #tpu.memory_space<hbm>> -> memref<632x128xf32, #tpu.memory_space<hbm>>
      %dma_start3A_96 = arith.constant 0 : i32
      %dma_start3A_97 = tpu.memref_slice %arg9[%mul3A_0, %dma_start3A_96] : memref<10112x128xf32, #tpu.memory_space<vmem_shared>> -> memref<632x128xf32, #tpu.memory_space<vmem_shared>>
      tpu.enqueue_dma source(%dma_start3A_97 : memref<632x128xf32, #tpu.memory_space<vmem_shared>>) target(%dma_start3A_95 : memref<632x128xf32, #tpu.memory_space<hbm>>) target_semaphore(%run_scoped3A_90 : memref<!tpu.dma_semaphore, #tpu.memory_space<semaphore_mem>>)
      %dma_wait3A_98 = arith.constant 0 : i32
      %dma_wait3A_99 = arith.constant 0 : i32
      %dma_wait3A_100 = tpu.memref_slice %arg7[%arg0, %dma_wait3A_98, %dma_wait3A_99] : memref<2x10112x128xf32, #tpu.memory_space<hbm>> -> memref<1x10112x128xf32, #tpu.memory_space<hbm>>
      %dma_wait3A_101 = tpu.memref_squeeze %dma_wait3A_100 : memref<1x10112x128xf32, #tpu.memory_space<hbm>> -> memref<10112x128xf32, #tpu.memory_space<hbm>>
      %dma_wait3A_102 = arith.constant 0 : i32
      %dma_wait3A_103 = tpu.memref_slice %dma_wait3A_101[%mul3A_0, %dma_wait3A_102] : memref<10112x128xf32, #tpu.memory_space<hbm>> -> memref<632x128xf32, #tpu.memory_space<hbm>>
      %dma_wait3A_104 = arith.constant 0 : i32
      %dma_wait3A_105 = tpu.memref_slice %arg9[%mul3A_0, %dma_wait3A_104] : memref<10112x128xf32, #tpu.memory_space<vmem_shared>> -> memref<632x128xf32, #tpu.memory_space<vmem_shared>>
      tpu.wait_dma2 semaphore(%run_scoped3A_90 : memref<!tpu.dma_semaphore, #tpu.memory_space<semaphore_mem>>) src(%dma_wait3A_105 : memref<632x128xf32, #tpu.memory_space<vmem_shared>>) dst(%dma_wait3A_103 : memref<632x128xf32, #tpu.memory_space<hbm>>)
      tpu.yield
    }) : () -> ()
    "tpu.region"() ({
      %run_scoped3A_90 = tpu.sem_alloc : memref<!tpu.dma_semaphore, #tpu.memory_space<semaphore_mem>>
      %dma_start3A = arith.constant 0 : i32
      %dma_start3A_91 = arith.constant 0 : i32
      %dma_start3A_92 = tpu.memref_slice %arg8[%arg0, %dma_start3A, %dma_start3A_91] : memref<2x10112x16xf32, #tpu.memory_space<hbm>> -> memref<1x10112x16xf32, #tpu.memory_space<hbm>>
      %dma_start3A_93 = tpu.memref_squeeze %dma_start3A_92 : memref<1x10112x16xf32, #tpu.memory_space<hbm>> -> memref<10112x16xf32, #tpu.memory_space<hbm>>
      %dma_start3A_94 = arith.constant 0 : i32
      %dma_start3A_95 = tpu.memref_slice %dma_start3A_93[%mul3A_0, %dma_start3A_94] : memref<10112x16xf32, #tpu.memory_space<hbm>> -> memref<632x16xf32, #tpu.memory_space<hbm>>
      %dma_start3A_96 = arith.constant 0 : i32
      %dma_start3A_97 = tpu.memref_slice %arg10[%mul3A_0, %dma_start3A_96] : memref<10112x16xf32, #tpu.memory_space<vmem_shared>> -> memref<632x16xf32, #tpu.memory_space<vmem_shared>>
      tpu.enqueue_dma source(%dma_start3A_97 : memref<632x16xf32, #tpu.memory_space<vmem_shared>>) target(%dma_start3A_95 : memref<632x16xf32, #tpu.memory_space<hbm>>) target_semaphore(%run_scoped3A_90 : memref<!tpu.dma_semaphore, #tpu.memory_space<semaphore_mem>>)
      %dma_wait3A_98 = arith.constant 0 : i32
      %dma_wait3A_99 = arith.constant 0 : i32
      %dma_wait3A_100 = tpu.memref_slice %arg8[%arg0, %dma_wait3A_98, %dma_wait3A_99] : memref<2x10112x16xf32, #tpu.memory_space<hbm>> -> memref<1x10112x16xf32, #tpu.memory_space<hbm>>
      %dma_wait3A_101 = tpu.memref_squeeze %dma_wait3A_100 : memref<1x10112x16xf32, #tpu.memory_space<hbm>> -> memref<10112x16xf32, #tpu.memory_space<hbm>>
      %dma_wait3A_102 = arith.constant 0 : i32
      %dma_wait3A_103 = tpu.memref_slice %dma_wait3A_101[%mul3A_0, %dma_wait3A_102] : memref<10112x16xf32, #tpu.memory_space<hbm>> -> memref<632x16xf32, #tpu.memory_space<hbm>>
      %dma_wait3A_104 = arith.constant 0 : i32
      %dma_wait3A_105 = tpu.memref_slice %arg10[%mul3A_0, %dma_wait3A_104] : memref<10112x16xf32, #tpu.memory_space<vmem_shared>> -> memref<632x16xf32, #tpu.memory_space<vmem_shared>>
      tpu.wait_dma2 semaphore(%run_scoped3A_90 : memref<!tpu.dma_semaphore, #tpu.memory_space<semaphore_mem>>) src(%dma_wait3A_105 : memref<632x16xf32, #tpu.memory_space<vmem_shared>>) dst(%dma_wait3A_103 : memref<632x16xf32, #tpu.memory_space<hbm>>)
      tpu.yield
    }) : () -> ()
    return
  }
}

#map = affine_map<(d0, d1) -> (0, 0)>
#map1 = affine_map<(d0, d1) -> (0)>
#map2 = affine_map<(d0, d1) -> (0, 0, 0)>
module attributes {stable_mosaic.version = 14 : i64} {
  func.func @k(%arg0: i32, %arg1: i32, %arg2: memref<10000x128xf32, #tpu.memory_space<hbm>>, %arg3: memref<640000xi32, #tpu.memory_space<hbm>>, %arg4: memref<10112x128xf32, #tpu.memory_space<hbm>>, %arg5: memref<10112x16xf32, #tpu.memory_space<hbm>>, %arg6: memref<2x10112x128xf32, #tpu.memory_space<hbm>>, %arg7: memref<2x10112x16xf32, #tpu.memory_space<hbm>>, %arg8: memref<10112x128xf32, #tpu.memory_space<vmem_shared>>, %arg9: memref<10112x16xf32, #tpu.memory_space<vmem_shared>>, %arg10: memref<2x128xi32, #tpu.memory_space<vmem>>, %arg11: memref<2x128xi32, #tpu.memory_space<vmem>>, %arg12: memref<2x128x128xf32, #tpu.memory_space<vmem>>, %arg13: memref<128x16xf32, #tpu.memory_space<vmem>>, %arg14: memref<2x!tpu.dma_semaphore, #tpu.memory_space<semaphore_mem>>, %arg15: memref<2x!tpu.dma_semaphore, #tpu.memory_space<semaphore_mem>>, %arg16: memref<2x!tpu.dma_semaphore, #tpu.memory_space<semaphore_mem>>, %arg17: memref<2x!tpu.dma_semaphore, #tpu.memory_space<semaphore_mem>>) attributes {dimension_semantics = [#tpu.dimension_semantics<core_parallel>, #tpu.dimension_semantics<subcore_parallel>], iteration_bounds = array<i64: 2, 16>, scalar_prefetch = 0 : i64, scratch_operands = 10 : i64, tpu.core_type = #tpu.core_type<sc_vector_subcore>, window_params = [{transform_indices = #map}, {transform_indices = #map1}, {transform_indices = #map}, {transform_indices = #map}, {transform_indices = #map2}, {transform_indices = #map2}]} {
    %mul3A = arith.constant 632 : i32
    %mul3A_0 = arith.muli %arg1, %mul3A : i32
    "tpu.region"() ({
      %run_scoped3A = tpu.sem_alloc : memref<!tpu.dma_semaphore, #tpu.memory_space<semaphore_mem>>
      %dma_start3A = arith.constant 0 : i32
      %dma_start3A_83 = tpu.memref_slice %arg8[%mul3A_0, %dma_start3A] : memref<10112x128xf32, #tpu.memory_space<vmem_shared>> -> memref<632x128xf32, #tpu.memory_space<vmem_shared>>
      %dma_start3A_84 = arith.constant 0 : i32
      %dma_start3A_85 = tpu.memref_slice %arg4[%mul3A_0, %dma_start3A_84] : memref<10112x128xf32, #tpu.memory_space<hbm>> -> memref<632x128xf32, #tpu.memory_space<hbm>>
      tpu.enqueue_dma source(%dma_start3A_85 : memref<632x128xf32, #tpu.memory_space<hbm>>) target(%dma_start3A_83 : memref<632x128xf32, #tpu.memory_space<vmem_shared>>) target_semaphore(%run_scoped3A : memref<!tpu.dma_semaphore, #tpu.memory_space<semaphore_mem>>)
      %dma_wait3A_86 = arith.constant 0 : i32
      %dma_wait3A_87 = tpu.memref_slice %arg8[%mul3A_0, %dma_wait3A_86] : memref<10112x128xf32, #tpu.memory_space<vmem_shared>> -> memref<632x128xf32, #tpu.memory_space<vmem_shared>>
      %dma_wait3A_88 = arith.constant 0 : i32
      %dma_wait3A_89 = tpu.memref_slice %arg4[%mul3A_0, %dma_wait3A_88] : memref<10112x128xf32, #tpu.memory_space<hbm>> -> memref<632x128xf32, #tpu.memory_space<hbm>>
      tpu.wait_dma2 semaphore(%run_scoped3A : memref<!tpu.dma_semaphore, #tpu.memory_space<semaphore_mem>>) src(%dma_wait3A_89 : memref<632x128xf32, #tpu.memory_space<hbm>>) dst(%dma_wait3A_87 : memref<632x128xf32, #tpu.memory_space<vmem_shared>>)
      tpu.yield
    }) : () -> ()
    "tpu.region"() ({
      %run_scoped3A = tpu.sem_alloc : memref<!tpu.dma_semaphore, #tpu.memory_space<semaphore_mem>>
      %dma_start3A = arith.constant 0 : i32
      %dma_start3A_83 = tpu.memref_slice %arg9[%mul3A_0, %dma_start3A] : memref<10112x16xf32, #tpu.memory_space<vmem_shared>> -> memref<632x16xf32, #tpu.memory_space<vmem_shared>>
      %dma_start3A_84 = arith.constant 0 : i32
      %dma_start3A_85 = tpu.memref_slice %arg5[%mul3A_0, %dma_start3A_84] : memref<10112x16xf32, #tpu.memory_space<hbm>> -> memref<632x16xf32, #tpu.memory_space<hbm>>
      tpu.enqueue_dma source(%dma_start3A_85 : memref<632x16xf32, #tpu.memory_space<hbm>>) target(%dma_start3A_83 : memref<632x16xf32, #tpu.memory_space<vmem_shared>>) target_semaphore(%run_scoped3A : memref<!tpu.dma_semaphore, #tpu.memory_space<semaphore_mem>>)
      %dma_wait3A_86 = arith.constant 0 : i32
      %dma_wait3A_87 = tpu.memref_slice %arg9[%mul3A_0, %dma_wait3A_86] : memref<10112x16xf32, #tpu.memory_space<vmem_shared>> -> memref<632x16xf32, #tpu.memory_space<vmem_shared>>
      %dma_wait3A_88 = arith.constant 0 : i32
      %dma_wait3A_89 = tpu.memref_slice %arg5[%mul3A_0, %dma_wait3A_88] : memref<10112x16xf32, #tpu.memory_space<hbm>> -> memref<632x16xf32, #tpu.memory_space<hbm>>
      tpu.wait_dma2 semaphore(%run_scoped3A : memref<!tpu.dma_semaphore, #tpu.memory_space<semaphore_mem>>) src(%dma_wait3A_89 : memref<632x16xf32, #tpu.memory_space<hbm>>) dst(%dma_wait3A_87 : memref<632x16xf32, #tpu.memory_space<vmem_shared>>)
      tpu.yield
    }) : () -> ()
    %scan3A = arith.constant 0 : i32
    %scan3A_1 = arith.constant 128 : i32
    %scan3A_2 = arith.addi %scan3A, %scan3A_1 : i32
    %scan3A_3 = arith.constant 1 : i32
    scf.for %scan3A_83 = %scan3A to %scan3A_2 step %scan3A_3  : i32 {
      %mul3A_84 = arith.constant 1 : i32
      %mul3A_85 = arith.muli %scan3A_83, %mul3A_84 : i32
      %add3A_86 = arith.constant 0 : i32
      %add3A_87 = arith.addi %add3A_86, %mul3A_85 : i32
      %broadcast_in_dim3A = arith.constant 1.000000e+00 : f32
      %broadcast_in_dim3A_88 = vector.broadcast %broadcast_in_dim3A : f32 to vector<16xf32>
      %swap3A = arith.index_cast %add3A_87 : i32 to index
      %swap3A_89 = arith.constant 0 : index
      %swap3A_90 = tpu.vector_load %arg13[%swap3A, %swap3A_89] {strides = array<i32>} : memref<128x16xf32, #tpu.memory_space<vmem>>, vector<1x16xf32>,
      %swap3A_91 = vector.shape_cast %swap3A_90 : vector<1x16xf32> to vector<16xf32>
      %swap3A_92 = vector.shape_cast %broadcast_in_dim3A_88 : vector<16xf32> to vector<1x16xf32>
      tpu.vector_store %arg13[%swap3A, %swap3A_89], %swap3A_92 {strides = array<i32>} : memref<128x16xf32, #tpu.memory_space<vmem>>, vector<1x16xf32>,
    }
    %scan3A_4 = arith.constant 128 : i32
    %barrier3A = arith.constant 0 : index
    tpu.barrier barrier_id(%barrier3A)
    %mul3A_5 = arith.constant 16 : i32
    %mul3A_6 = arith.muli %arg0, %mul3A_5 : i32
    %add3A = arith.addi %mul3A_6, %arg1 : i32
    %min3A = arith.constant 2 : i32
    %min3A_7 = arith.minsi %add3A, %min3A : i32
    %mul3A_8 = arith.constant 39 : i32
    %mul3A_9 = arith.muli %add3A, %mul3A_8 : i32
    %mul3A_10 = arith.constant 1 : i32
    %mul3A_11 = arith.muli %min3A_7, %mul3A_10 : i32
    %add3A_12 = arith.addi %mul3A_9, %mul3A_11 : i32
    %mul3A_13 = arith.constant 256 : i32
    %mul3A_14 = arith.muli %add3A_12, %mul3A_13 : i32
    %lt3A = arith.constant 2 : i32
    %lt3A_15 = arith.cmpi slt, %add3A, %lt3A : i32
    %jit3A = arith.constant 40 : i32
    %jit3A_16 = arith.constant 39 : i32
    %select_n3A = arith.select %lt3A_15, %jit3A, %jit3A_16 : i32
    %sub3A = arith.constant 0 : i32
    %sub3A_17 = arith.subi %select_n3A, %sub3A : i32
    %sub3A_18 = arith.constant 1 : i32
    %sub3A_19 = arith.constant 1 : i32
    %sub3A_20 = arith.subi %sub3A_18, %sub3A_19 : i32
    %add3A_21 = arith.addi %sub3A_17, %sub3A_20 : i32
    %div3A = arith.constant 1 : i32
    %div3A_22 = arith.divsi %add3A_21, %div3A : i32
    %while3A = arith.constant 1 : i32
    %while3A_23 = arith.constant 0 : i32
    %while3A_24 = arith.constant 0 : i32
    %while3A_25 = arith.subi %div3A_22, %while3A_24 : i32
    %while3A_26 = arith.addi %while3A_24, %while3A_25 : i32
    %while3A_27 = arith.constant 1 : i32
    %while3A_28 = arith.divsi %while3A_25, %while3A_27 : i32
    %while3A_29 = arith.muli %while3A_28, %while3A_27 : i32
    %while3A_30 = arith.addi %while3A_24, %while3A_29 : i32
    %while3A_31 = arith.constant 1 : i32
    scf.for %while3A_83 = %while3A_24 to %while3A_30 step %while3A_31  : i32 {
      %mul3A_84 = arith.muli %while3A_83, %while3A : i32
      %add3A_85 = arith.addi %while3A_23, %mul3A_84 : i32
      %mul3A_86 = arith.constant 256 : i32
      %mul3A_87 = arith.muli %add3A_85, %mul3A_86 : i32
      %add3A_88 = arith.addi %mul3A_14, %mul3A_87 : i32
      %gt3A = arith.constant 0 : i32
      %gt3A_89 = arith.cmpi sgt, %add3A_85, %gt3A : i32
      %convert_element_type3A = arith.extui %gt3A_89 : i1 to i32
      %cond3A = arith.constant 0 : i32
      %cond3A_90 = arith.cmpi ne, %convert_element_type3A, %cond3A : i32
      scf.if %cond3A_90 {
        %dma_wait3A_317 = arith.constant 0 : i32
        %dma_wait3A_318 = arith.constant 0 : i32
        %dma_wait3A_319 = arith.constant 0 : i32
        %dma_wait3A_320 = arith.constant 0 : i32
        %dma_wait3A_321 = arith.constant 0 : i32
        %dma_wait3A_322 = tpu.memref_slice %arg12[%dma_wait3A_317, %dma_wait3A_320, %dma_wait3A_321] : memref<2x128x128xf32, #tpu.memory_space<vmem>> -> memref<1x128x128xf32, #tpu.memory_space<vmem>>
        %dma_wait3A_323 = tpu.memref_squeeze %dma_wait3A_322 : memref<1x128x128xf32, #tpu.memory_space<vmem>> -> memref<128x128xf32, #tpu.memory_space<vmem>>
        %dma_wait3A_324 = arith.constant 0 : i32
        %dma_wait3A_325 = tpu.memref_slice %arg11[%dma_wait3A_318, %dma_wait3A_324] : memref<2x128xi32, #tpu.memory_space<vmem>> -> memref<1x128xi32, #tpu.memory_space<vmem>>
        %dma_wait3A_326 = tpu.memref_squeeze %dma_wait3A_325 : memref<1x128xi32, #tpu.memory_space<vmem>> -> memref<128xi32, #tpu.memory_space<vmem>>
        %dma_wait3A_327 = arith.constant 0 : i32
        %dma_wait3A_328 = arith.constant 0 : i32
        %dma_wait3A_329 = tpu.memref_slice %arg8[%dma_wait3A_327, %dma_wait3A_328] : memref<10112x128xf32, #tpu.memory_space<vmem_shared>> -> memref<10112x128xf32, #tpu.memory_space<vmem_shared>>
        %dma_wait3A_330 = tpu.memref_slice %arg16[%dma_wait3A_319] : memref<2x!tpu.dma_semaphore, #tpu.memory_space<semaphore_mem>> -> memref<1x!tpu.dma_semaphore, #tpu.memory_space<semaphore_mem>>
        %dma_wait3A_331 = tpu.memref_squeeze %dma_wait3A_330 : memref<1x!tpu.dma_semaphore, #tpu.memory_space<semaphore_mem>> -> memref<!tpu.dma_semaphore, #tpu.memory_space<semaphore_mem>>
        tpu.wait_indirect_dma semaphore(%dma_wait3A_331 : memref<!tpu.dma_semaphore, #tpu.memory_space<semaphore_mem>>) src(%dma_wait3A_323 : memref<128x128xf32, #tpu.memory_space<vmem>>) dst(%dma_wait3A_329 : memref<10112x128xf32, #tpu.memory_space<vmem_shared>>)
        %dma_wait3A_332 = arith.constant 0 : i32
        %dma_wait3A_333 = arith.constant 0 : i32
        %dma_wait3A_334 = arith.constant 0 : i32
        %dma_wait3A_335 = tpu.memref_slice %arg11[%dma_wait3A_332, %dma_wait3A_334] : memref<2x128xi32, #tpu.memory_space<vmem>> -> memref<1x128xi32, #tpu.memory_space<vmem>>
        %dma_wait3A_336 = tpu.memref_squeeze %dma_wait3A_335 : memref<1x128xi32, #tpu.memory_space<vmem>> -> memref<128xi32, #tpu.memory_space<vmem>>
        %dma_wait3A_337 = arith.constant 0 : i32
        %dma_wait3A_338 = arith.constant 0 : i32
        %dma_wait3A_339 = tpu.memref_slice %arg9[%dma_wait3A_337, %dma_wait3A_338] : memref<10112x16xf32, #tpu.memory_space<vmem_shared>> -> memref<10112x16xf32, #tpu.memory_space<vmem_shared>>
        %dma_wait3A_340 = tpu.memref_slice %arg17[%dma_wait3A_333] : memref<2x!tpu.dma_semaphore, #tpu.memory_space<semaphore_mem>> -> memref<1x!tpu.dma_semaphore, #tpu.memory_space<semaphore_mem>>
        %dma_wait3A_341 = tpu.memref_squeeze %dma_wait3A_340 : memref<1x!tpu.dma_semaphore, #tpu.memory_space<semaphore_mem>> -> memref<!tpu.dma_semaphore, #tpu.memory_space<semaphore_mem>>
        tpu.wait_indirect_dma semaphore(%dma_wait3A_341 : memref<!tpu.dma_semaphore, #tpu.memory_space<semaphore_mem>>) src(%arg13 : memref<128x16xf32, #tpu.memory_space<vmem>>) dst(%dma_wait3A_339 : memref<10112x16xf32, #tpu.memory_space<vmem_shared>>)
      } else {
      }
      %add3A_91 = arith.constant 0 : i32
      %add3A_92 = arith.addi %add3A_88, %add3A_91 : i32
      %add3A_93 = arith.constant 320000 : i32
      %add3A_94 = arith.addi %add3A_93, %add3A_92 : i32
      %dma_start3A = arith.constant 0 : i32
      %dma_start3A_95 = arith.constant 0 : i32
      %dma_start3A_96 = arith.constant 0 : i32
      %dma_start3A_97 = tpu.memref_slice %arg10[%dma_start3A, %dma_start3A_96] : memref<2x128xi32, #tpu.memory_space<vmem>> -> memref<1x128xi32, #tpu.memory_space<vmem>>
      %dma_start3A_98 = tpu.memref_squeeze %dma_start3A_97 : memref<1x128xi32, #tpu.memory_space<vmem>> -> memref<128xi32, #tpu.memory_space<vmem>>
      %dma_start3A_99 = tpu.memref_slice %arg3[%add3A_92] : memref<640000xi32, #tpu.memory_space<hbm>> -> memref<128xi32, #tpu.memory_space<hbm>>
      %dma_start3A_100 = tpu.memref_slice %arg14[%dma_start3A_95] : memref<2x!tpu.dma_semaphore, #tpu.memory_space<semaphore_mem>> -> memref<1x!tpu.dma_semaphore, #tpu.memory_space<semaphore_mem>>
      %dma_start3A_101 = tpu.memref_squeeze %dma_start3A_100 : memref<1x!tpu.dma_semaphore, #tpu.memory_space<semaphore_mem>> -> memref<!tpu.dma_semaphore, #tpu.memory_space<semaphore_mem>>
      %dma_start3A_102 = arith.constant 0 : i32
      %dma_start3A_103 = tpu.memref_slice %arg10[%dma_start3A, %dma_start3A_102] : memref<2x128xi32, #tpu.memory_space<vmem>> -> memref<1x128xi32, #tpu.memory_space<vmem>>
      %dma_start3A_104 = tpu.memref_squeeze %dma_start3A_103 : memref<1x128xi32, #tpu.memory_space<vmem>> -> memref<128xi32, #tpu.memory_space<vmem>>
      %dma_start3A_105 = tpu.memref_slice %arg3[%add3A_92] : memref<640000xi32, #tpu.memory_space<hbm>> -> memref<128xi32, #tpu.memory_space<hbm>>
      tpu.enqueue_dma source(%dma_start3A_105 : memref<128xi32, #tpu.memory_space<hbm>>) target(%dma_start3A_104 : memref<128xi32, #tpu.memory_space<vmem>>) target_semaphore(%dma_start3A_101 : memref<!tpu.dma_semaphore, #tpu.memory_space<semaphore_mem>>)
      %dma_start3A_106 = arith.constant 0 : i32
      %dma_start3A_107 = arith.constant 0 : i32
      %dma_start3A_108 = arith.constant 0 : i32
      %dma_start3A_109 = tpu.memref_slice %arg11[%dma_start3A_106, %dma_start3A_108] : memref<2x128xi32, #tpu.memory_space<vmem>> -> memref<1x128xi32, #tpu.memory_space<vmem>>
      %dma_start3A_110 = tpu.memref_squeeze %dma_start3A_109 : memref<1x128xi32, #tpu.memory_space<vmem>> -> memref<128xi32, #tpu.memory_space<vmem>>
      %dma_start3A_111 = tpu.memref_slice %arg3[%add3A_94] : memref<640000xi32, #tpu.memory_space<hbm>> -> memref<128xi32, #tpu.memory_space<hbm>>
      %dma_start3A_112 = tpu.memref_slice %arg14[%dma_start3A_107] : memref<2x!tpu.dma_semaphore, #tpu.memory_space<semaphore_mem>> -> memref<1x!tpu.dma_semaphore, #tpu.memory_space<semaphore_mem>>
      %dma_start3A_113 = tpu.memref_squeeze %dma_start3A_112 : memref<1x!tpu.dma_semaphore, #tpu.memory_space<semaphore_mem>> -> memref<!tpu.dma_semaphore, #tpu.memory_space<semaphore_mem>>
      %dma_start3A_114 = arith.constant 0 : i32
      %dma_start3A_115 = tpu.memref_slice %arg11[%dma_start3A_106, %dma_start3A_114] : memref<2x128xi32, #tpu.memory_space<vmem>> -> memref<1x128xi32, #tpu.memory_space<vmem>>
      %dma_start3A_116 = tpu.memref_squeeze %dma_start3A_115 : memref<1x128xi32, #tpu.memory_space<vmem>> -> memref<128xi32, #tpu.memory_space<vmem>>
      %dma_start3A_117 = tpu.memref_slice %arg3[%add3A_94] : memref<640000xi32, #tpu.memory_space<hbm>> -> memref<128xi32, #tpu.memory_space<hbm>>
      tpu.enqueue_dma source(%dma_start3A_117 : memref<128xi32, #tpu.memory_space<hbm>>) target(%dma_start3A_116 : memref<128xi32, #tpu.memory_space<vmem>>) target_semaphore(%dma_start3A_113 : memref<!tpu.dma_semaphore, #tpu.memory_space<semaphore_mem>>)
      %gt3A_118 = arith.constant 0 : i32
      %gt3A_119 = arith.cmpi sgt, %add3A_85, %gt3A_118 : i32
      %convert_element_type3A_120 = arith.extui %gt3A_119 : i1 to i32
      %cond3A_121 = arith.constant 0 : i32
      %cond3A_122 = arith.cmpi ne, %convert_element_type3A_120, %cond3A_121 : i32
      scf.if %cond3A_122 {
        %dma_wait3A_317 = arith.constant 1 : i32
        %dma_wait3A_318 = arith.constant 1 : i32
        %dma_wait3A_319 = arith.constant 1 : i32
        %dma_wait3A_320 = arith.constant 0 : i32
        %dma_wait3A_321 = arith.constant 0 : i32
        %dma_wait3A_322 = tpu.memref_slice %arg12[%dma_wait3A_317, %dma_wait3A_320, %dma_wait3A_321] : memref<2x128x128xf32, #tpu.memory_space<vmem>> -> memref<1x128x128xf32, #tpu.memory_space<vmem>>
        %dma_wait3A_323 = tpu.memref_squeeze %dma_wait3A_322 : memref<1x128x128xf32, #tpu.memory_space<vmem>> -> memref<128x128xf32, #tpu.memory_space<vmem>>
        %dma_wait3A_324 = arith.constant 0 : i32
        %dma_wait3A_325 = tpu.memref_slice %arg11[%dma_wait3A_318, %dma_wait3A_324] : memref<2x128xi32, #tpu.memory_space<vmem>> -> memref<1x128xi32, #tpu.memory_space<vmem>>
        %dma_wait3A_326 = tpu.memref_squeeze %dma_wait3A_325 : memref<1x128xi32, #tpu.memory_space<vmem>> -> memref<128xi32, #tpu.memory_space<vmem>>
        %dma_wait3A_327 = arith.constant 0 : i32
        %dma_wait3A_328 = arith.constant 0 : i32
        %dma_wait3A_329 = tpu.memref_slice %arg8[%dma_wait3A_327, %dma_wait3A_328] : memref<10112x128xf32, #tpu.memory_space<vmem_shared>> -> memref<10112x128xf32, #tpu.memory_space<vmem_shared>>
        %dma_wait3A_330 = tpu.memref_slice %arg16[%dma_wait3A_319] : memref<2x!tpu.dma_semaphore, #tpu.memory_space<semaphore_mem>> -> memref<1x!tpu.dma_semaphore, #tpu.memory_space<semaphore_mem>>
        %dma_wait3A_331 = tpu.memref_squeeze %dma_wait3A_330 : memref<1x!tpu.dma_semaphore, #tpu.memory_space<semaphore_mem>> -> memref<!tpu.dma_semaphore, #tpu.memory_space<semaphore_mem>>
        tpu.wait_indirect_dma semaphore(%dma_wait3A_331 : memref<!tpu.dma_semaphore, #tpu.memory_space<semaphore_mem>>) src(%dma_wait3A_323 : memref<128x128xf32, #tpu.memory_space<vmem>>) dst(%dma_wait3A_329 : memref<10112x128xf32, #tpu.memory_space<vmem_shared>>)
        %dma_wait3A_332 = arith.constant 1 : i32
        %dma_wait3A_333 = arith.constant 1 : i32
        %dma_wait3A_334 = arith.constant 0 : i32
        %dma_wait3A_335 = tpu.memref_slice %arg11[%dma_wait3A_332, %dma_wait3A_334] : memref<2x128xi32, #tpu.memory_space<vmem>> -> memref<1x128xi32, #tpu.memory_space<vmem>>
        %dma_wait3A_336 = tpu.memref_squeeze %dma_wait3A_335 : memref<1x128xi32, #tpu.memory_space<vmem>> -> memref<128xi32, #tpu.memory_space<vmem>>
        %dma_wait3A_337 = arith.constant 0 : i32
        %dma_wait3A_338 = arith.constant 0 : i32
        %dma_wait3A_339 = tpu.memref_slice %arg9[%dma_wait3A_337, %dma_wait3A_338] : memref<10112x16xf32, #tpu.memory_space<vmem_shared>> -> memref<10112x16xf32, #tpu.memory_space<vmem_shared>>
        %dma_wait3A_340 = tpu.memref_slice %arg17[%dma_wait3A_333] : memref<2x!tpu.dma_semaphore, #tpu.memory_space<semaphore_mem>> -> memref<1x!tpu.dma_semaphore, #tpu.memory_space<semaphore_mem>>
        %dma_wait3A_341 = tpu.memref_squeeze %dma_wait3A_340 : memref<1x!tpu.dma_semaphore, #tpu.memory_space<semaphore_mem>> -> memref<!tpu.dma_semaphore, #tpu.memory_space<semaphore_mem>>
        tpu.wait_indirect_dma semaphore(%dma_wait3A_341 : memref<!tpu.dma_semaphore, #tpu.memory_space<semaphore_mem>>) src(%arg13 : memref<128x16xf32, #tpu.memory_space<vmem>>) dst(%dma_wait3A_339 : memref<10112x16xf32, #tpu.memory_space<vmem_shared>>)
      } else {
      }
      %add3A_123 = arith.constant 128 : i32
      %add3A_124 = arith.addi %add3A_88, %add3A_123 : i32
      %add3A_125 = arith.constant 320000 : i32
      %add3A_126 = arith.addi %add3A_125, %add3A_124 : i32
      %dma_start3A_127 = arith.constant 1 : i32
      %dma_start3A_128 = arith.constant 1 : i32
      %dma_start3A_129 = arith.constant 0 : i32
      %dma_start3A_130 = tpu.memref_slice %arg10[%dma_start3A_127, %dma_start3A_129] : memref<2x128xi32, #tpu.memory_space<vmem>> -> memref<1x128xi32, #tpu.memory_space<vmem>>
      %dma_start3A_131 = tpu.memref_squeeze %dma_start3A_130 : memref<1x128xi32, #tpu.memory_space<vmem>> -> memref<128xi32, #tpu.memory_space<vmem>>
      %dma_start3A_132 = tpu.memref_slice %arg3[%add3A_124] : memref<640000xi32, #tpu.memory_space<hbm>> -> memref<128xi32, #tpu.memory_space<hbm>>
      %dma_start3A_133 = tpu.memref_slice %arg14[%dma_start3A_128] : memref<2x!tpu.dma_semaphore, #tpu.memory_space<semaphore_mem>> -> memref<1x!tpu.dma_semaphore, #tpu.memory_space<semaphore_mem>>
      %dma_start3A_134 = tpu.memref_squeeze %dma_start3A_133 : memref<1x!tpu.dma_semaphore, #tpu.memory_space<semaphore_mem>> -> memref<!tpu.dma_semaphore, #tpu.memory_space<semaphore_mem>>
      %dma_start3A_135 = arith.constant 0 : i32
      %dma_start3A_136 = tpu.memref_slice %arg10[%dma_start3A_127, %dma_start3A_135] : memref<2x128xi32, #tpu.memory_space<vmem>> -> memref<1x128xi32, #tpu.memory_space<vmem>>
      %dma_start3A_137 = tpu.memref_squeeze %dma_start3A_136 : memref<1x128xi32, #tpu.memory_space<vmem>> -> memref<128xi32, #tpu.memory_space<vmem>>
      %dma_start3A_138 = tpu.memref_slice %arg3[%add3A_124] : memref<640000xi32, #tpu.memory_space<hbm>> -> memref<128xi32, #tpu.memory_space<hbm>>
      tpu.enqueue_dma source(%dma_start3A_138 : memref<128xi32, #tpu.memory_space<hbm>>) target(%dma_start3A_137 : memref<128xi32, #tpu.memory_space<vmem>>) target_semaphore(%dma_start3A_134 : memref<!tpu.dma_semaphore, #tpu.memory_space<semaphore_mem>>)
      %dma_start3A_139 = arith.constant 1 : i32
      %dma_start3A_140 = arith.constant 1 : i32
      %dma_start3A_141 = arith.constant 0 : i32
      %dma_start3A_142 = tpu.memref_slice %arg11[%dma_start3A_139, %dma_start3A_141] : memref<2x128xi32, #tpu.memory_space<vmem>> -> memref<1x128xi32, #tpu.memory_space<vmem>>
      %dma_start3A_143 = tpu.memref_squeeze %dma_start3A_142 : memref<1x128xi32, #tpu.memory_space<vmem>> -> memref<128xi32, #tpu.memory_space<vmem>>
      %dma_start3A_144 = tpu.memref_slice %arg3[%add3A_126] : memref<640000xi32, #tpu.memory_space<hbm>> -> memref<128xi32, #tpu.memory_space<hbm>>
      %dma_start3A_145 = tpu.memref_slice %arg14[%dma_start3A_140] : memref<2x!tpu.dma_semaphore, #tpu.memory_space<semaphore_mem>> -> memref<1x!tpu.dma_semaphore, #tpu.memory_space<semaphore_mem>>
      %dma_start3A_146 = tpu.memref_squeeze %dma_start3A_145 : memref<1x!tpu.dma_semaphore, #tpu.memory_space<semaphore_mem>> -> memref<!tpu.dma_semaphore, #tpu.memory_space<semaphore_mem>>
      %dma_start3A_147 = arith.constant 0 : i32
      %dma_start3A_148 = tpu.memref_slice %arg11[%dma_start3A_139, %dma_start3A_147] : memref<2x128xi32, #tpu.memory_space<vmem>> -> memref<1x128xi32, #tpu.memory_space<vmem>>
      %dma_start3A_149 = tpu.memref_squeeze %dma_start3A_148 : memref<1x128xi32, #tpu.memory_space<vmem>> -> memref<128xi32, #tpu.memory_space<vmem>>
      %dma_start3A_150 = tpu.memref_slice %arg3[%add3A_126] : memref<640000xi32, #tpu.memory_space<hbm>> -> memref<128xi32, #tpu.memory_space<hbm>>
      tpu.enqueue_dma source(%dma_start3A_150 : memref<128xi32, #tpu.memory_space<hbm>>) target(%dma_start3A_149 : memref<128xi32, #tpu.memory_space<vmem>>) target_semaphore(%dma_start3A_146 : memref<!tpu.dma_semaphore, #tpu.memory_space<semaphore_mem>>)
      %add3A_151 = arith.constant 0 : i32
      %add3A_152 = arith.addi %add3A_88, %add3A_151 : i32
      %add3A_153 = arith.constant 320000 : i32
      %add3A_154 = arith.addi %add3A_153, %add3A_152 : i32
      %dma_wait3A_155 = arith.constant 0 : i32
      %dma_wait3A_156 = arith.constant 0 : i32
      %dma_wait3A_157 = arith.constant 0 : i32
      %dma_wait3A_158 = tpu.memref_slice %arg10[%dma_wait3A_155, %dma_wait3A_157] : memref<2x128xi32, #tpu.memory_space<vmem>> -> memref<1x128xi32, #tpu.memory_space<vmem>>
      %dma_wait3A_159 = tpu.memref_squeeze %dma_wait3A_158 : memref<1x128xi32, #tpu.memory_space<vmem>> -> memref<128xi32, #tpu.memory_space<vmem>>
      %dma_wait3A_160 = tpu.memref_slice %arg3[%add3A_152] : memref<640000xi32, #tpu.memory_space<hbm>> -> memref<128xi32, #tpu.memory_space<hbm>>
      %dma_wait3A_161 = tpu.memref_slice %arg14[%dma_wait3A_156] : memref<2x!tpu.dma_semaphore, #tpu.memory_space<semaphore_mem>> -> memref<1x!tpu.dma_semaphore, #tpu.memory_space<semaphore_mem>>
      %dma_wait3A_162 = tpu.memref_squeeze %dma_wait3A_161 : memref<1x!tpu.dma_semaphore, #tpu.memory_space<semaphore_mem>> -> memref<!tpu.dma_semaphore, #tpu.memory_space<semaphore_mem>>
      %dma_wait3A_163 = arith.constant 0 : i32
      %dma_wait3A_164 = tpu.memref_slice %arg10[%dma_wait3A_155, %dma_wait3A_163] : memref<2x128xi32, #tpu.memory_space<vmem>> -> memref<1x128xi32, #tpu.memory_space<vmem>>
      %dma_wait3A_165 = tpu.memref_squeeze %dma_wait3A_164 : memref<1x128xi32, #tpu.memory_space<vmem>> -> memref<128xi32, #tpu.memory_space<vmem>>
      %dma_wait3A_166 = tpu.memref_slice %arg3[%add3A_152] : memref<640000xi32, #tpu.memory_space<hbm>> -> memref<128xi32, #tpu.memory_space<hbm>>
      tpu.wait_dma2 semaphore(%dma_wait3A_162 : memref<!tpu.dma_semaphore, #tpu.memory_space<semaphore_mem>>) src(%dma_wait3A_166 : memref<128xi32, #tpu.memory_space<hbm>>) dst(%dma_wait3A_165 : memref<128xi32, #tpu.memory_space<vmem>>)
      %dma_wait3A_167 = arith.constant 0 : i32
      %dma_wait3A_168 = arith.constant 0 : i32
      %dma_wait3A_169 = arith.constant 0 : i32
      %dma_wait3A_170 = tpu.memref_slice %arg11[%dma_wait3A_167, %dma_wait3A_169] : memref<2x128xi32, #tpu.memory_space<vmem>> -> memref<1x128xi32, #tpu.memory_space<vmem>>
      %dma_wait3A_171 = tpu.memref_squeeze %dma_wait3A_170 : memref<1x128xi32, #tpu.memory_space<vmem>> -> memref<128xi32, #tpu.memory_space<vmem>>
      %dma_wait3A_172 = tpu.memref_slice %arg3[%add3A_154] : memref<640000xi32, #tpu.memory_space<hbm>> -> memref<128xi32, #tpu.memory_space<hbm>>
      %dma_wait3A_173 = tpu.memref_slice %arg14[%dma_wait3A_168] : memref<2x!tpu.dma_semaphore, #tpu.memory_space<semaphore_mem>> -> memref<1x!tpu.dma_semaphore, #tpu.memory_space<semaphore_mem>>
      %dma_wait3A_174 = tpu.memref_squeeze %dma_wait3A_173 : memref<1x!tpu.dma_semaphore, #tpu.memory_space<semaphore_mem>> -> memref<!tpu.dma_semaphore, #tpu.memory_space<semaphore_mem>>
      %dma_wait3A_175 = arith.constant 0 : i32
      %dma_wait3A_176 = tpu.memref_slice %arg11[%dma_wait3A_167, %dma_wait3A_175] : memref<2x128xi32, #tpu.memory_space<vmem>> -> memref<1x128xi32, #tpu.memory_space<vmem>>
      %dma_wait3A_177 = tpu.memref_squeeze %dma_wait3A_176 : memref<1x128xi32, #tpu.memory_space<vmem>> -> memref<128xi32, #tpu.memory_space<vmem>>
      %dma_wait3A_178 = tpu.memref_slice %arg3[%add3A_154] : memref<640000xi32, #tpu.memory_space<hbm>> -> memref<128xi32, #tpu.memory_space<hbm>>
      tpu.wait_dma2 semaphore(%dma_wait3A_174 : memref<!tpu.dma_semaphore, #tpu.memory_space<semaphore_mem>>) src(%dma_wait3A_178 : memref<128xi32, #tpu.memory_space<hbm>>) dst(%dma_wait3A_177 : memref<128xi32, #tpu.memory_space<vmem>>)
      %dma_start3A_179 = arith.constant 0 : i32
      %dma_start3A_180 = arith.constant 0 : i32
      %dma_start3A_181 = arith.constant 0 : i32
      %dma_start3A_182 = arith.constant 0 : i32
      %dma_start3A_183 = arith.constant 0 : i32
      %dma_start3A_184 = tpu.memref_slice %arg12[%dma_start3A_180, %dma_start3A_182, %dma_start3A_183] : memref<2x128x128xf32, #tpu.memory_space<vmem>> -> memref<1x128x128xf32, #tpu.memory_space<vmem>>
      %dma_start3A_185 = tpu.memref_squeeze %dma_start3A_184 : memref<1x128x128xf32, #tpu.memory_space<vmem>> -> memref<128x128xf32, #tpu.memory_space<vmem>>
      %dma_start3A_186 = arith.constant 0 : i32
      %dma_start3A_187 = tpu.memref_slice %arg10[%dma_start3A_179, %dma_start3A_186] : memref<2x128xi32, #tpu.memory_space<vmem>> -> memref<1x128xi32, #tpu.memory_space<vmem>>
      %dma_start3A_188 = tpu.memref_squeeze %dma_start3A_187 : memref<1x128xi32, #tpu.memory_space<vmem>> -> memref<128xi32, #tpu.memory_space<vmem>>
      %dma_start3A_189 = arith.constant 0 : i32
      %dma_start3A_190 = arith.constant 0 : i32
      %dma_start3A_191 = tpu.memref_slice %arg2[%dma_start3A_189, %dma_start3A_190] : memref<10000x128xf32, #tpu.memory_space<hbm>> -> memref<10000x128xf32, #tpu.memory_space<hbm>>
      %dma_start3A_192 = tpu.memref_slice %arg15[%dma_start3A_181] : memref<2x!tpu.dma_semaphore, #tpu.memory_space<semaphore_mem>> -> memref<1x!tpu.dma_semaphore, #tpu.memory_space<semaphore_mem>>
      %dma_start3A_193 = tpu.memref_squeeze %dma_start3A_192 : memref<1x!tpu.dma_semaphore, #tpu.memory_space<semaphore_mem>> -> memref<!tpu.dma_semaphore, #tpu.memory_space<semaphore_mem>>
      tpu.enqueue_indirect_dma source(%dma_start3A_191 : memref<10000x128xf32, #tpu.memory_space<hbm>>) target(%dma_start3A_185 : memref<128x128xf32, #tpu.memory_space<vmem>>) offsets(%dma_start3A_188 : memref<128xi32, #tpu.memory_space<vmem>>) semaphore(%dma_start3A_193 : memref<!tpu.dma_semaphore, #tpu.memory_space<semaphore_mem>>)
      %add3A_194 = arith.constant 128 : i32
      %add3A_195 = arith.addi %add3A_88, %add3A_194 : i32
      %add3A_196 = arith.constant 320000 : i32
      %add3A_197 = arith.addi %add3A_196, %add3A_195 : i32
      %dma_wait3A_198 = arith.constant 1 : i32
      %dma_wait3A_199 = arith.constant 1 : i32
      %dma_wait3A_200 = arith.constant 0 : i32
      %dma_wait3A_201 = tpu.memref_slice %arg10[%dma_wait3A_198, %dma_wait3A_200] : memref<2x128xi32, #tpu.memory_space<vmem>> -> memref<1x128xi32, #tpu.memory_space<vmem>>
      %dma_wait3A_202 = tpu.memref_squeeze %dma_wait3A_201 : memref<1x128xi32, #tpu.memory_space<vmem>> -> memref<128xi32, #tpu.memory_space<vmem>>
      %dma_wait3A_203 = tpu.memref_slice %arg3[%add3A_195] : memref<640000xi32, #tpu.memory_space<hbm>> -> memref<128xi32, #tpu.memory_space<hbm>>
      %dma_wait3A_204 = tpu.memref_slice %arg14[%dma_wait3A_199] : memref<2x!tpu.dma_semaphore, #tpu.memory_space<semaphore_mem>> -> memref<1x!tpu.dma_semaphore, #tpu.memory_space<semaphore_mem>>
      %dma_wait3A_205 = tpu.memref_squeeze %dma_wait3A_204 : memref<1x!tpu.dma_semaphore, #tpu.memory_space<semaphore_mem>> -> memref<!tpu.dma_semaphore, #tpu.memory_space<semaphore_mem>>
      %dma_wait3A_206 = arith.constant 0 : i32
      %dma_wait3A_207 = tpu.memref_slice %arg10[%dma_wait3A_198, %dma_wait3A_206] : memref<2x128xi32, #tpu.memory_space<vmem>> -> memref<1x128xi32, #tpu.memory_space<vmem>>
      %dma_wait3A_208 = tpu.memref_squeeze %dma_wait3A_207 : memref<1x128xi32, #tpu.memory_space<vmem>> -> memref<128xi32, #tpu.memory_space<vmem>>
      %dma_wait3A_209 = tpu.memref_slice %arg3[%add3A_195] : memref<640000xi32, #tpu.memory_space<hbm>> -> memref<128xi32, #tpu.memory_space<hbm>>
      tpu.wait_dma2 semaphore(%dma_wait3A_205 : memref<!tpu.dma_semaphore, #tpu.memory_space<semaphore_mem>>) src(%dma_wait3A_209 : memref<128xi32, #tpu.memory_space<hbm>>) dst(%dma_wait3A_208 : memref<128xi32, #tpu.memory_space<vmem>>)
      %dma_wait3A_210 = arith.constant 1 : i32
      %dma_wait3A_211 = arith.constant 1 : i32
      %dma_wait3A_212 = arith.constant 0 : i32
      %dma_wait3A_213 = tpu.memref_slice %arg11[%dma_wait3A_210, %dma_wait3A_212] : memref<2x128xi32, #tpu.memory_space<vmem>> -> memref<1x128xi32, #tpu.memory_space<vmem>>
      %dma_wait3A_214 = tpu.memref_squeeze %dma_wait3A_213 : memref<1x128xi32, #tpu.memory_space<vmem>> -> memref<128xi32, #tpu.memory_space<vmem>>
      %dma_wait3A_215 = tpu.memref_slice %arg3[%add3A_197] : memref<640000xi32, #tpu.memory_space<hbm>> -> memref<128xi32, #tpu.memory_space<hbm>>
      %dma_wait3A_216 = tpu.memref_slice %arg14[%dma_wait3A_211] : memref<2x!tpu.dma_semaphore, #tpu.memory_space<semaphore_mem>> -> memref<1x!tpu.dma_semaphore, #tpu.memory_space<semaphore_mem>>
      %dma_wait3A_217 = tpu.memref_squeeze %dma_wait3A_216 : memref<1x!tpu.dma_semaphore, #tpu.memory_space<semaphore_mem>> -> memref<!tpu.dma_semaphore, #tpu.memory_space<semaphore_mem>>
      %dma_wait3A_218 = arith.constant 0 : i32
      %dma_wait3A_219 = tpu.memref_slice %arg11[%dma_wait3A_210, %dma_wait3A_218] : memref<2x128xi32, #tpu.memory_space<vmem>> -> memref<1x128xi32, #tpu.memory_space<vmem>>
      %dma_wait3A_220 = tpu.memref_squeeze %dma_wait3A_219 : memref<1x128xi32, #tpu.memory_space<vmem>> -> memref<128xi32, #tpu.memory_space<vmem>>
      %dma_wait3A_221 = tpu.memref_slice %arg3[%add3A_197] : memref<640000xi32, #tpu.memory_space<hbm>> -> memref<128xi32, #tpu.memory_space<hbm>>
      tpu.wait_dma2 semaphore(%dma_wait3A_217 : memref<!tpu.dma_semaphore, #tpu.memory_space<semaphore_mem>>) src(%dma_wait3A_221 : memref<128xi32, #tpu.memory_space<hbm>>) dst(%dma_wait3A_220 : memref<128xi32, #tpu.memory_space<vmem>>)
      %dma_start3A_222 = arith.constant 1 : i32
      %dma_start3A_223 = arith.constant 1 : i32
      %dma_start3A_224 = arith.constant 1 : i32
      %dma_start3A_225 = arith.constant 0 : i32
      %dma_start3A_226 = arith.constant 0 : i32
      %dma_start3A_227 = tpu.memref_slice %arg12[%dma_start3A_223, %dma_start3A_225, %dma_start3A_226] : memref<2x128x128xf32, #tpu.memory_space<vmem>> -> memref<1x128x128xf32, #tpu.memory_space<vmem>>
      %dma_start3A_228 = tpu.memref_squeeze %dma_start3A_227 : memref<1x128x128xf32, #tpu.memory_space<vmem>> -> memref<128x128xf32, #tpu.memory_space<vmem>>
      %dma_start3A_229 = arith.constant 0 : i32
      %dma_start3A_230 = tpu.memref_slice %arg10[%dma_start3A_222, %dma_start3A_229] : memref<2x128xi32, #tpu.memory_space<vmem>> -> memref<1x128xi32, #tpu.memory_space<vmem>>
      %dma_start3A_231 = tpu.memref_squeeze %dma_start3A_230 : memref<1x128xi32, #tpu.memory_space<vmem>> -> memref<128xi32, #tpu.memory_space<vmem>>
      %dma_start3A_232 = arith.constant 0 : i32
      %dma_start3A_233 = arith.constant 0 : i32
      %dma_start3A_234 = tpu.memref_slice %arg2[%dma_start3A_232, %dma_start3A_233] : memref<10000x128xf32, #tpu.memory_space<hbm>> -> memref<10000x128xf32, #tpu.memory_space<hbm>>
      %dma_start3A_235 = tpu.memref_slice %arg15[%dma_start3A_224] : memref<2x!tpu.dma_semaphore, #tpu.memory_space<semaphore_mem>> -> memref<1x!tpu.dma_semaphore, #tpu.memory_space<semaphore_mem>>
      %dma_start3A_236 = tpu.memref_squeeze %dma_start3A_235 : memref<1x!tpu.dma_semaphore, #tpu.memory_space<semaphore_mem>> -> memref<!tpu.dma_semaphore, #tpu.memory_space<semaphore_mem>>
      tpu.enqueue_indirect_dma source(%dma_start3A_234 : memref<10000x128xf32, #tpu.memory_space<hbm>>) target(%dma_start3A_228 : memref<128x128xf32, #tpu.memory_space<vmem>>) offsets(%dma_start3A_231 : memref<128xi32, #tpu.memory_space<vmem>>) semaphore(%dma_start3A_236 : memref<!tpu.dma_semaphore, #tpu.memory_space<semaphore_mem>>)
      %dma_wait3A_237 = arith.constant 0 : i32
      %dma_wait3A_238 = arith.constant 0 : i32
      %dma_wait3A_239 = arith.constant 0 : i32
      %dma_wait3A_240 = arith.constant 0 : i32
      %dma_wait3A_241 = arith.constant 0 : i32
      %dma_wait3A_242 = tpu.memref_slice %arg12[%dma_wait3A_238, %dma_wait3A_240, %dma_wait3A_241] : memref<2x128x128xf32, #tpu.memory_space<vmem>> -> memref<1x128x128xf32, #tpu.memory_space<vmem>>
      %dma_wait3A_243 = tpu.memref_squeeze %dma_wait3A_242 : memref<1x128x128xf32, #tpu.memory_space<vmem>> -> memref<128x128xf32, #tpu.memory_space<vmem>>
      %dma_wait3A_244 = arith.constant 0 : i32
      %dma_wait3A_245 = tpu.memref_slice %arg10[%dma_wait3A_237, %dma_wait3A_244] : memref<2x128xi32, #tpu.memory_space<vmem>> -> memref<1x128xi32, #tpu.memory_space<vmem>>
      %dma_wait3A_246 = tpu.memref_squeeze %dma_wait3A_245 : memref<1x128xi32, #tpu.memory_space<vmem>> -> memref<128xi32, #tpu.memory_space<vmem>>
      %dma_wait3A_247 = arith.constant 0 : i32
      %dma_wait3A_248 = arith.constant 0 : i32
      %dma_wait3A_249 = tpu.memref_slice %arg2[%dma_wait3A_247, %dma_wait3A_248] : memref<10000x128xf32, #tpu.memory_space<hbm>> -> memref<10000x128xf32, #tpu.memory_space<hbm>>
      %dma_wait3A_250 = tpu.memref_slice %arg15[%dma_wait3A_239] : memref<2x!tpu.dma_semaphore, #tpu.memory_space<semaphore_mem>> -> memref<1x!tpu.dma_semaphore, #tpu.memory_space<semaphore_mem>>
      %dma_wait3A_251 = tpu.memref_squeeze %dma_wait3A_250 : memref<1x!tpu.dma_semaphore, #tpu.memory_space<semaphore_mem>> -> memref<!tpu.dma_semaphore, #tpu.memory_space<semaphore_mem>>
      tpu.wait_indirect_dma semaphore(%dma_wait3A_251 : memref<!tpu.dma_semaphore, #tpu.memory_space<semaphore_mem>>) src(%dma_wait3A_249 : memref<10000x128xf32, #tpu.memory_space<hbm>>) dst(%dma_wait3A_243 : memref<128x128xf32, #tpu.memory_space<vmem>>)
      %dma_start3A_252 = arith.constant 0 : i32
      %dma_start3A_253 = arith.constant 0 : i32
      %dma_start3A_254 = arith.constant 0 : i32
      %dma_start3A_255 = arith.constant 0 : i32
      %dma_start3A_256 = arith.constant 0 : i32
      %dma_start3A_257 = tpu.memref_slice %arg12[%dma_start3A_252, %dma_start3A_255, %dma_start3A_256] : memref<2x128x128xf32, #tpu.memory_space<vmem>> -> memref<1x128x128xf32, #tpu.memory_space<vmem>>
      %dma_start3A_258 = tpu.memref_squeeze %dma_start3A_257 : memref<1x128x128xf32, #tpu.memory_space<vmem>> -> memref<128x128xf32, #tpu.memory_space<vmem>>
      %dma_start3A_259 = arith.constant 0 : i32
      %dma_start3A_260 = tpu.memref_slice %arg11[%dma_start3A_253, %dma_start3A_259] : memref<2x128xi32, #tpu.memory_space<vmem>> -> memref<1x128xi32, #tpu.memory_space<vmem>>
      %dma_start3A_261 = tpu.memref_squeeze %dma_start3A_260 : memref<1x128xi32, #tpu.memory_space<vmem>> -> memref<128xi32, #tpu.memory_space<vmem>>
      %dma_start3A_262 = arith.constant 0 : i32
      %dma_start3A_263 = arith.constant 0 : i32
      %dma_start3A_264 = tpu.memref_slice %arg8[%dma_start3A_262, %dma_start3A_263] : memref<10112x128xf32, #tpu.memory_space<vmem_shared>> -> memref<10112x128xf32, #tpu.memory_space<vmem_shared>>
      %dma_start3A_265 = tpu.memref_slice %arg16[%dma_start3A_254] : memref<2x!tpu.dma_semaphore, #tpu.memory_space<semaphore_mem>> -> memref<1x!tpu.dma_semaphore, #tpu.memory_space<semaphore_mem>>
      %dma_start3A_266 = tpu.memref_squeeze %dma_start3A_265 : memref<1x!tpu.dma_semaphore, #tpu.memory_space<semaphore_mem>> -> memref<!tpu.dma_semaphore, #tpu.memory_space<semaphore_mem>>
      tpu.enqueue_indirect_dma source(%dma_start3A_258 : memref<128x128xf32, #tpu.memory_space<vmem>>) target(%dma_start3A_264 : memref<10112x128xf32, #tpu.memory_space<vmem_shared>>) offsets(%dma_start3A_261 : memref<128xi32, #tpu.memory_space<vmem>>) semaphore(%dma_start3A_266 : memref<!tpu.dma_semaphore, #tpu.memory_space<semaphore_mem>>) {add = true}
      %dma_start3A_267 = arith.constant 0 : i32
      %dma_start3A_268 = arith.constant 0 : i32
      %dma_start3A_269 = arith.constant 0 : i32
      %dma_start3A_270 = tpu.memref_slice %arg11[%dma_start3A_267, %dma_start3A_269] : memref<2x128xi32, #tpu.memory_space<vmem>> -> memref<1x128xi32, #tpu.memory_space<vmem>>
      %dma_start3A_271 = tpu.memref_squeeze %dma_start3A_270 : memref<1x128xi32, #tpu.memory_space<vmem>> -> memref<128xi32, #tpu.memory_space<vmem>>
      %dma_start3A_272 = arith.constant 0 : i32
      %dma_start3A_273 = arith.constant 0 : i32
      %dma_start3A_274 = tpu.memref_slice %arg9[%dma_start3A_272, %dma_start3A_273] : memref<10112x16xf32, #tpu.memory_space<vmem_shared>> -> memref<10112x16xf32, #tpu.memory_space<vmem_shared>>
      %dma_start3A_275 = tpu.memref_slice %arg17[%dma_start3A_268] : memref<2x!tpu.dma_semaphore, #tpu.memory_space<semaphore_mem>> -> memref<1x!tpu.dma_semaphore, #tpu.memory_space<semaphore_mem>>
      %dma_start3A_276 = tpu.memref_squeeze %dma_start3A_275 : memref<1x!tpu.dma_semaphore, #tpu.memory_space<semaphore_mem>> -> memref<!tpu.dma_semaphore, #tpu.memory_space<semaphore_mem>>
      tpu.enqueue_indirect_dma source(%arg13 : memref<128x16xf32, #tpu.memory_space<vmem>>) target(%dma_start3A_274 : memref<10112x16xf32, #tpu.memory_space<vmem_shared>>) offsets(%dma_start3A_271 : memref<128xi32, #tpu.memory_space<vmem>>) semaphore(%dma_start3A_276 : memref<!tpu.dma_semaphore, #tpu.memory_space<semaphore_mem>>) {add = true}
      %dma_wait3A_277 = arith.constant 1 : i32
      %dma_wait3A_278 = arith.constant 1 : i32
      %dma_wait3A_279 = arith.constant 1 : i32
      %dma_wait3A_280 = arith.constant 0 : i32
      %dma_wait3A_281 = arith.constant 0 : i32
      %dma_wait3A_282 = tpu.memref_slice %arg12[%dma_wait3A_278, %dma_wait3A_280, %dma_wait3A_281] : memref<2x128x128xf32, #tpu.memory_space<vmem>> -> memref<1x128x128xf32, #tpu.memory_space<vmem>>
      %dma_wait3A_283 = tpu.memref_squeeze %dma_wait3A_282 : memref<1x128x128xf32, #tpu.memory_space<vmem>> -> memref<128x128xf32, #tpu.memory_space<vmem>>
      %dma_wait3A_284 = arith.constant 0 : i32
      %dma_wait3A_285 = tpu.memref_slice %arg10[%dma_wait3A_277, %dma_wait3A_284] : memref<2x128xi32, #tpu.memory_space<vmem>> -> memref<1x128xi32, #tpu.memory_space<vmem>>
      %dma_wait3A_286 = tpu.memref_squeeze %dma_wait3A_285 : memref<1x128xi32, #tpu.memory_space<vmem>> -> memref<128xi32, #tpu.memory_space<vmem>>
      %dma_wait3A_287 = arith.constant 0 : i32
      %dma_wait3A_288 = arith.constant 0 : i32
      %dma_wait3A_289 = tpu.memref_slice %arg2[%dma_wait3A_287, %dma_wait3A_288] : memref<10000x128xf32, #tpu.memory_space<hbm>> -> memref<10000x128xf32, #tpu.memory_space<hbm>>
      %dma_wait3A_290 = tpu.memref_slice %arg15[%dma_wait3A_279] : memref<2x!tpu.dma_semaphore, #tpu.memory_space<semaphore_mem>> -> memref<1x!tpu.dma_semaphore, #tpu.memory_space<semaphore_mem>>
      %dma_wait3A_291 = tpu.memref_squeeze %dma_wait3A_290 : memref<1x!tpu.dma_semaphore, #tpu.memory_space<semaphore_mem>> -> memref<!tpu.dma_semaphore, #tpu.memory_space<semaphore_mem>>
      tpu.wait_indirect_dma semaphore(%dma_wait3A_291 : memref<!tpu.dma_semaphore, #tpu.memory_space<semaphore_mem>>) src(%dma_wait3A_289 : memref<10000x128xf32, #tpu.memory_space<hbm>>) dst(%dma_wait3A_283 : memref<128x128xf32, #tpu.memory_space<vmem>>)
      %dma_start3A_292 = arith.constant 1 : i32
      %dma_start3A_293 = arith.constant 1 : i32
      %dma_start3A_294 = arith.constant 1 : i32
      %dma_start3A_295 = arith.constant 0 : i32
      %dma_start3A_296 = arith.constant 0 : i32
      %dma_start3A_297 = tpu.memref_slice %arg12[%dma_start3A_292, %dma_start3A_295, %dma_start3A_296] : memref<2x128x128xf32, #tpu.memory_space<vmem>> -> memref<1x128x128xf32, #tpu.memory_space<vmem>>
      %dma_start3A_298 = tpu.memref_squeeze %dma_start3A_297 : memref<1x128x128xf32, #tpu.memory_space<vmem>> -> memref<128x128xf32, #tpu.memory_space<vmem>>
      %dma_start3A_299 = arith.constant 0 : i32
      %dma_start3A_300 = tpu.memref_slice %arg11[%dma_start3A_293, %dma_start3A_299] : memref<2x128xi32, #tpu.memory_space<vmem>> -> memref<1x128xi32, #tpu.memory_space<vmem>>
      %dma_start3A_301 = tpu.memref_squeeze %dma_start3A_300 : memref<1x128xi32, #tpu.memory_space<vmem>> -> memref<128xi32, #tpu.memory_space<vmem>>
      %dma_start3A_302 = arith.constant 0 : i32
      %dma_start3A_303 = arith.constant 0 : i32
      %dma_start3A_304 = tpu.memref_slice %arg8[%dma_start3A_302, %dma_start3A_303] : memref<10112x128xf32, #tpu.memory_space<vmem_shared>> -> memref<10112x128xf32, #tpu.memory_space<vmem_shared>>
      %dma_start3A_305 = tpu.memref_slice %arg16[%dma_start3A_294] : memref<2x!tpu.dma_semaphore, #tpu.memory_space<semaphore_mem>> -> memref<1x!tpu.dma_semaphore, #tpu.memory_space<semaphore_mem>>
      %dma_start3A_306 = tpu.memref_squeeze %dma_start3A_305 : memref<1x!tpu.dma_semaphore, #tpu.memory_space<semaphore_mem>> -> memref<!tpu.dma_semaphore, #tpu.memory_space<semaphore_mem>>
      tpu.enqueue_indirect_dma source(%dma_start3A_298 : memref<128x128xf32, #tpu.memory_space<vmem>>) target(%dma_start3A_304 : memref<10112x128xf32, #tpu.memory_space<vmem_shared>>) offsets(%dma_start3A_301 : memref<128xi32, #tpu.memory_space<vmem>>) semaphore(%dma_start3A_306 : memref<!tpu.dma_semaphore, #tpu.memory_space<semaphore_mem>>) {add = true}
      %dma_start3A_307 = arith.constant 1 : i32
      %dma_start3A_308 = arith.constant 1 : i32
      %dma_start3A_309 = arith.constant 0 : i32
      %dma_start3A_310 = tpu.memref_slice %arg11[%dma_start3A_307, %dma_start3A_309] : memref<2x128xi32, #tpu.memory_space<vmem>> -> memref<1x128xi32, #tpu.memory_space<vmem>>
      %dma_start3A_311 = tpu.memref_squeeze %dma_start3A_310 : memref<1x128xi32, #tpu.memory_space<vmem>> -> memref<128xi32, #tpu.memory_space<vmem>>
      %dma_start3A_312 = arith.constant 0 : i32
      %dma_start3A_313 = arith.constant 0 : i32
      %dma_start3A_314 = tpu.memref_slice %arg9[%dma_start3A_312, %dma_start3A_313] : memref<10112x16xf32, #tpu.memory_space<vmem_shared>> -> memref<10112x16xf32, #tpu.memory_space<vmem_shared>>
      %dma_start3A_315 = tpu.memref_slice %arg17[%dma_start3A_308] : memref<2x!tpu.dma_semaphore, #tpu.memory_space<semaphore_mem>> -> memref<1x!tpu.dma_semaphore, #tpu.memory_space<semaphore_mem>>
      %dma_start3A_316 = tpu.memref_squeeze %dma_start3A_315 : memref<1x!tpu.dma_semaphore, #tpu.memory_space<semaphore_mem>> -> memref<!tpu.dma_semaphore, #tpu.memory_space<semaphore_mem>>
      tpu.enqueue_indirect_dma source(%arg13 : memref<128x16xf32, #tpu.memory_space<vmem>>) target(%dma_start3A_314 : memref<10112x16xf32, #tpu.memory_space<vmem_shared>>) offsets(%dma_start3A_311 : memref<128xi32, #tpu.memory_space<vmem>>) semaphore(%dma_start3A_316 : memref<!tpu.dma_semaphore, #tpu.memory_space<semaphore_mem>>) {add = true}
    }
    %while3A_32 = arith.constant 1 : i32
    scf.for %while3A_83 = %while3A_30 to %while3A_26 step %while3A_32  : i32 {
      %mul3A_84 = arith.muli %while3A_83, %while3A : i32
      %add3A_85 = arith.addi %while3A_23, %mul3A_84 : i32
      %mul3A_86 = arith.constant 256 : i32
      %mul3A_87 = arith.muli %add3A_85, %mul3A_86 : i32
      %add3A_88 = arith.addi %mul3A_14, %mul3A_87 : i32
      %gt3A = arith.constant 0 : i32
      %gt3A_89 = arith.cmpi sgt, %add3A_85, %gt3A : i32
      %convert_element_type3A = arith.extui %gt3A_89 : i1 to i32
      %cond3A = arith.constant 0 : i32
      %cond3A_90 = arith.cmpi ne, %convert_element_type3A, %cond3A : i32
      scf.if %cond3A_90 {
        %dma_wait3A_317 = arith.constant 0 : i32
        %dma_wait3A_318 = arith.constant 0 : i32
        %dma_wait3A_319 = arith.constant 0 : i32
        %dma_wait3A_320 = arith.constant 0 : i32
        %dma_wait3A_321 = arith.constant 0 : i32
        %dma_wait3A_322 = tpu.memref_slice %arg12[%dma_wait3A_317, %dma_wait3A_320, %dma_wait3A_321] : memref<2x128x128xf32, #tpu.memory_space<vmem>> -> memref<1x128x128xf32, #tpu.memory_space<vmem>>
        %dma_wait3A_323 = tpu.memref_squeeze %dma_wait3A_322 : memref<1x128x128xf32, #tpu.memory_space<vmem>> -> memref<128x128xf32, #tpu.memory_space<vmem>>
        %dma_wait3A_324 = arith.constant 0 : i32
        %dma_wait3A_325 = tpu.memref_slice %arg11[%dma_wait3A_318, %dma_wait3A_324] : memref<2x128xi32, #tpu.memory_space<vmem>> -> memref<1x128xi32, #tpu.memory_space<vmem>>
        %dma_wait3A_326 = tpu.memref_squeeze %dma_wait3A_325 : memref<1x128xi32, #tpu.memory_space<vmem>> -> memref<128xi32, #tpu.memory_space<vmem>>
        %dma_wait3A_327 = arith.constant 0 : i32
        %dma_wait3A_328 = arith.constant 0 : i32
        %dma_wait3A_329 = tpu.memref_slice %arg8[%dma_wait3A_327, %dma_wait3A_328] : memref<10112x128xf32, #tpu.memory_space<vmem_shared>> -> memref<10112x128xf32, #tpu.memory_space<vmem_shared>>
        %dma_wait3A_330 = tpu.memref_slice %arg16[%dma_wait3A_319] : memref<2x!tpu.dma_semaphore, #tpu.memory_space<semaphore_mem>> -> memref<1x!tpu.dma_semaphore, #tpu.memory_space<semaphore_mem>>
        %dma_wait3A_331 = tpu.memref_squeeze %dma_wait3A_330 : memref<1x!tpu.dma_semaphore, #tpu.memory_space<semaphore_mem>> -> memref<!tpu.dma_semaphore, #tpu.memory_space<semaphore_mem>>
        tpu.wait_indirect_dma semaphore(%dma_wait3A_331 : memref<!tpu.dma_semaphore, #tpu.memory_space<semaphore_mem>>) src(%dma_wait3A_323 : memref<128x128xf32, #tpu.memory_space<vmem>>) dst(%dma_wait3A_329 : memref<10112x128xf32, #tpu.memory_space<vmem_shared>>)
        %dma_wait3A_332 = arith.constant 0 : i32
        %dma_wait3A_333 = arith.constant 0 : i32
        %dma_wait3A_334 = arith.constant 0 : i32
        %dma_wait3A_335 = tpu.memref_slice %arg11[%dma_wait3A_332, %dma_wait3A_334] : memref<2x128xi32, #tpu.memory_space<vmem>> -> memref<1x128xi32, #tpu.memory_space<vmem>>
        %dma_wait3A_336 = tpu.memref_squeeze %dma_wait3A_335 : memref<1x128xi32, #tpu.memory_space<vmem>> -> memref<128xi32, #tpu.memory_space<vmem>>
        %dma_wait3A_337 = arith.constant 0 : i32
        %dma_wait3A_338 = arith.constant 0 : i32
        %dma_wait3A_339 = tpu.memref_slice %arg9[%dma_wait3A_337, %dma_wait3A_338] : memref<10112x16xf32, #tpu.memory_space<vmem_shared>> -> memref<10112x16xf32, #tpu.memory_space<vmem_shared>>
        %dma_wait3A_340 = tpu.memref_slice %arg17[%dma_wait3A_333] : memref<2x!tpu.dma_semaphore, #tpu.memory_space<semaphore_mem>> -> memref<1x!tpu.dma_semaphore, #tpu.memory_space<semaphore_mem>>
        %dma_wait3A_341 = tpu.memref_squeeze %dma_wait3A_340 : memref<1x!tpu.dma_semaphore, #tpu.memory_space<semaphore_mem>> -> memref<!tpu.dma_semaphore, #tpu.memory_space<semaphore_mem>>
        tpu.wait_indirect_dma semaphore(%dma_wait3A_341 : memref<!tpu.dma_semaphore, #tpu.memory_space<semaphore_mem>>) src(%arg13 : memref<128x16xf32, #tpu.memory_space<vmem>>) dst(%dma_wait3A_339 : memref<10112x16xf32, #tpu.memory_space<vmem_shared>>)
      } else {
      }
      %add3A_91 = arith.constant 0 : i32
      %add3A_92 = arith.addi %add3A_88, %add3A_91 : i32
      %add3A_93 = arith.constant 320000 : i32
      %add3A_94 = arith.addi %add3A_93, %add3A_92 : i32
      %dma_start3A = arith.constant 0 : i32
      %dma_start3A_95 = arith.constant 0 : i32
      %dma_start3A_96 = arith.constant 0 : i32
      %dma_start3A_97 = tpu.memref_slice %arg10[%dma_start3A, %dma_start3A_96] : memref<2x128xi32, #tpu.memory_space<vmem>> -> memref<1x128xi32, #tpu.memory_space<vmem>>
      %dma_start3A_98 = tpu.memref_squeeze %dma_start3A_97 : memref<1x128xi32, #tpu.memory_space<vmem>> -> memref<128xi32, #tpu.memory_space<vmem>>
      %dma_start3A_99 = tpu.memref_slice %arg3[%add3A_92] : memref<640000xi32, #tpu.memory_space<hbm>> -> memref<128xi32, #tpu.memory_space<hbm>>
      %dma_start3A_100 = tpu.memref_slice %arg14[%dma_start3A_95] : memref<2x!tpu.dma_semaphore, #tpu.memory_space<semaphore_mem>> -> memref<1x!tpu.dma_semaphore, #tpu.memory_space<semaphore_mem>>
      %dma_start3A_101 = tpu.memref_squeeze %dma_start3A_100 : memref<1x!tpu.dma_semaphore, #tpu.memory_space<semaphore_mem>> -> memref<!tpu.dma_semaphore, #tpu.memory_space<semaphore_mem>>
      %dma_start3A_102 = arith.constant 0 : i32
      %dma_start3A_103 = tpu.memref_slice %arg10[%dma_start3A, %dma_start3A_102] : memref<2x128xi32, #tpu.memory_space<vmem>> -> memref<1x128xi32, #tpu.memory_space<vmem>>
      %dma_start3A_104 = tpu.memref_squeeze %dma_start3A_103 : memref<1x128xi32, #tpu.memory_space<vmem>> -> memref<128xi32, #tpu.memory_space<vmem>>
      %dma_start3A_105 = tpu.memref_slice %arg3[%add3A_92] : memref<640000xi32, #tpu.memory_space<hbm>> -> memref<128xi32, #tpu.memory_space<hbm>>
      tpu.enqueue_dma source(%dma_start3A_105 : memref<128xi32, #tpu.memory_space<hbm>>) target(%dma_start3A_104 : memref<128xi32, #tpu.memory_space<vmem>>) target_semaphore(%dma_start3A_101 : memref<!tpu.dma_semaphore, #tpu.memory_space<semaphore_mem>>)
      %dma_start3A_106 = arith.constant 0 : i32
      %dma_start3A_107 = arith.constant 0 : i32
      %dma_start3A_108 = arith.constant 0 : i32
      %dma_start3A_109 = tpu.memref_slice %arg11[%dma_start3A_106, %dma_start3A_108] : memref<2x128xi32, #tpu.memory_space<vmem>> -> memref<1x128xi32, #tpu.memory_space<vmem>>
      %dma_start3A_110 = tpu.memref_squeeze %dma_start3A_109 : memref<1x128xi32, #tpu.memory_space<vmem>> -> memref<128xi32, #tpu.memory_space<vmem>>
      %dma_start3A_111 = tpu.memref_slice %arg3[%add3A_94] : memref<640000xi32, #tpu.memory_space<hbm>> -> memref<128xi32, #tpu.memory_space<hbm>>
      %dma_start3A_112 = tpu.memref_slice %arg14[%dma_start3A_107] : memref<2x!tpu.dma_semaphore, #tpu.memory_space<semaphore_mem>> -> memref<1x!tpu.dma_semaphore, #tpu.memory_space<semaphore_mem>>
      %dma_start3A_113 = tpu.memref_squeeze %dma_start3A_112 : memref<1x!tpu.dma_semaphore, #tpu.memory_space<semaphore_mem>> -> memref<!tpu.dma_semaphore, #tpu.memory_space<semaphore_mem>>
      %dma_start3A_114 = arith.constant 0 : i32
      %dma_start3A_115 = tpu.memref_slice %arg11[%dma_start3A_106, %dma_start3A_114] : memref<2x128xi32, #tpu.memory_space<vmem>> -> memref<1x128xi32, #tpu.memory_space<vmem>>
      %dma_start3A_116 = tpu.memref_squeeze %dma_start3A_115 : memref<1x128xi32, #tpu.memory_space<vmem>> -> memref<128xi32, #tpu.memory_space<vmem>>
      %dma_start3A_117 = tpu.memref_slice %arg3[%add3A_94] : memref<640000xi32, #tpu.memory_space<hbm>> -> memref<128xi32, #tpu.memory_space<hbm>>
      tpu.enqueue_dma source(%dma_start3A_117 : memref<128xi32, #tpu.memory_space<hbm>>) target(%dma_start3A_116 : memref<128xi32, #tpu.memory_space<vmem>>) target_semaphore(%dma_start3A_113 : memref<!tpu.dma_semaphore, #tpu.memory_space<semaphore_mem>>)
      %gt3A_118 = arith.constant 0 : i32
      %gt3A_119 = arith.cmpi sgt, %add3A_85, %gt3A_118 : i32
      %convert_element_type3A_120 = arith.extui %gt3A_119 : i1 to i32
      %cond3A_121 = arith.constant 0 : i32
      %cond3A_122 = arith.cmpi ne, %convert_element_type3A_120, %cond3A_121 : i32
      scf.if %cond3A_122 {
        %dma_wait3A_317 = arith.constant 1 : i32
        %dma_wait3A_318 = arith.constant 1 : i32
        %dma_wait3A_319 = arith.constant 1 : i32
        %dma_wait3A_320 = arith.constant 0 : i32
        %dma_wait3A_321 = arith.constant 0 : i32
        %dma_wait3A_322 = tpu.memref_slice %arg12[%dma_wait3A_317, %dma_wait3A_320, %dma_wait3A_321] : memref<2x128x128xf32, #tpu.memory_space<vmem>> -> memref<1x128x128xf32, #tpu.memory_space<vmem>>
        %dma_wait3A_323 = tpu.memref_squeeze %dma_wait3A_322 : memref<1x128x128xf32, #tpu.memory_space<vmem>> -> memref<128x128xf32, #tpu.memory_space<vmem>>
        %dma_wait3A_324 = arith.constant 0 : i32
        %dma_wait3A_325 = tpu.memref_slice %arg11[%dma_wait3A_318, %dma_wait3A_324] : memref<2x128xi32, #tpu.memory_space<vmem>> -> memref<1x128xi32, #tpu.memory_space<vmem>>
        %dma_wait3A_326 = tpu.memref_squeeze %dma_wait3A_325 : memref<1x128xi32, #tpu.memory_space<vmem>> -> memref<128xi32, #tpu.memory_space<vmem>>
        %dma_wait3A_327 = arith.constant 0 : i32
        %dma_wait3A_328 = arith.constant 0 : i32
        %dma_wait3A_329 = tpu.memref_slice %arg8[%dma_wait3A_327, %dma_wait3A_328] : memref<10112x128xf32, #tpu.memory_space<vmem_shared>> -> memref<10112x128xf32, #tpu.memory_space<vmem_shared>>
        %dma_wait3A_330 = tpu.memref_slice %arg16[%dma_wait3A_319] : memref<2x!tpu.dma_semaphore, #tpu.memory_space<semaphore_mem>> -> memref<1x!tpu.dma_semaphore, #tpu.memory_space<semaphore_mem>>
        %dma_wait3A_331 = tpu.memref_squeeze %dma_wait3A_330 : memref<1x!tpu.dma_semaphore, #tpu.memory_space<semaphore_mem>> -> memref<!tpu.dma_semaphore, #tpu.memory_space<semaphore_mem>>
        tpu.wait_indirect_dma semaphore(%dma_wait3A_331 : memref<!tpu.dma_semaphore, #tpu.memory_space<semaphore_mem>>) src(%dma_wait3A_323 : memref<128x128xf32, #tpu.memory_space<vmem>>) dst(%dma_wait3A_329 : memref<10112x128xf32, #tpu.memory_space<vmem_shared>>)
        %dma_wait3A_332 = arith.constant 1 : i32
        %dma_wait3A_333 = arith.constant 1 : i32
        %dma_wait3A_334 = arith.constant 0 : i32
        %dma_wait3A_335 = tpu.memref_slice %arg11[%dma_wait3A_332, %dma_wait3A_334] : memref<2x128xi32, #tpu.memory_space<vmem>> -> memref<1x128xi32, #tpu.memory_space<vmem>>
        %dma_wait3A_336 = tpu.memref_squeeze %dma_wait3A_335 : memref<1x128xi32, #tpu.memory_space<vmem>> -> memref<128xi32, #tpu.memory_space<vmem>>
        %dma_wait3A_337 = arith.constant 0 : i32
        %dma_wait3A_338 = arith.constant 0 : i32
        %dma_wait3A_339 = tpu.memref_slice %arg9[%dma_wait3A_337, %dma_wait3A_338] : memref<10112x16xf32, #tpu.memory_space<vmem_shared>> -> memref<10112x16xf32, #tpu.memory_space<vmem_shared>>
        %dma_wait3A_340 = tpu.memref_slice %arg17[%dma_wait3A_333] : memref<2x!tpu.dma_semaphore, #tpu.memory_space<semaphore_mem>> -> memref<1x!tpu.dma_semaphore, #tpu.memory_space<semaphore_mem>>
        %dma_wait3A_341 = tpu.memref_squeeze %dma_wait3A_340 : memref<1x!tpu.dma_semaphore, #tpu.memory_space<semaphore_mem>> -> memref<!tpu.dma_semaphore, #tpu.memory_space<semaphore_mem>>
        tpu.wait_indirect_dma semaphore(%dma_wait3A_341 : memref<!tpu.dma_semaphore, #tpu.memory_space<semaphore_mem>>) src(%arg13 : memref<128x16xf32, #tpu.memory_space<vmem>>) dst(%dma_wait3A_339 : memref<10112x16xf32, #tpu.memory_space<vmem_shared>>)
      } else {
      }
      %add3A_123 = arith.constant 128 : i32
      %add3A_124 = arith.addi %add3A_88, %add3A_123 : i32
      %add3A_125 = arith.constant 320000 : i32
      %add3A_126 = arith.addi %add3A_125, %add3A_124 : i32
      %dma_start3A_127 = arith.constant 1 : i32
      %dma_start3A_128 = arith.constant 1 : i32
      %dma_start3A_129 = arith.constant 0 : i32
      %dma_start3A_130 = tpu.memref_slice %arg10[%dma_start3A_127, %dma_start3A_129] : memref<2x128xi32, #tpu.memory_space<vmem>> -> memref<1x128xi32, #tpu.memory_space<vmem>>
      %dma_start3A_131 = tpu.memref_squeeze %dma_start3A_130 : memref<1x128xi32, #tpu.memory_space<vmem>> -> memref<128xi32, #tpu.memory_space<vmem>>
      %dma_start3A_132 = tpu.memref_slice %arg3[%add3A_124] : memref<640000xi32, #tpu.memory_space<hbm>> -> memref<128xi32, #tpu.memory_space<hbm>>
      %dma_start3A_133 = tpu.memref_slice %arg14[%dma_start3A_128] : memref<2x!tpu.dma_semaphore, #tpu.memory_space<semaphore_mem>> -> memref<1x!tpu.dma_semaphore, #tpu.memory_space<semaphore_mem>>
      %dma_start3A_134 = tpu.memref_squeeze %dma_start3A_133 : memref<1x!tpu.dma_semaphore, #tpu.memory_space<semaphore_mem>> -> memref<!tpu.dma_semaphore, #tpu.memory_space<semaphore_mem>>
      %dma_start3A_135 = arith.constant 0 : i32
      %dma_start3A_136 = tpu.memref_slice %arg10[%dma_start3A_127, %dma_start3A_135] : memref<2x128xi32, #tpu.memory_space<vmem>> -> memref<1x128xi32, #tpu.memory_space<vmem>>
      %dma_start3A_137 = tpu.memref_squeeze %dma_start3A_136 : memref<1x128xi32, #tpu.memory_space<vmem>> -> memref<128xi32, #tpu.memory_space<vmem>>
      %dma_start3A_138 = tpu.memref_slice %arg3[%add3A_124] : memref<640000xi32, #tpu.memory_space<hbm>> -> memref<128xi32, #tpu.memory_space<hbm>>
      tpu.enqueue_dma source(%dma_start3A_138 : memref<128xi32, #tpu.memory_space<hbm>>) target(%dma_start3A_137 : memref<128xi32, #tpu.memory_space<vmem>>) target_semaphore(%dma_start3A_134 : memref<!tpu.dma_semaphore, #tpu.memory_space<semaphore_mem>>)
      %dma_start3A_139 = arith.constant 1 : i32
      %dma_start3A_140 = arith.constant 1 : i32
      %dma_start3A_141 = arith.constant 0 : i32
      %dma_start3A_142 = tpu.memref_slice %arg11[%dma_start3A_139, %dma_start3A_141] : memref<2x128xi32, #tpu.memory_space<vmem>> -> memref<1x128xi32, #tpu.memory_space<vmem>>
      %dma_start3A_143 = tpu.memref_squeeze %dma_start3A_142 : memref<1x128xi32, #tpu.memory_space<vmem>> -> memref<128xi32, #tpu.memory_space<vmem>>
      %dma_start3A_144 = tpu.memref_slice %arg3[%add3A_126] : memref<640000xi32, #tpu.memory_space<hbm>> -> memref<128xi32, #tpu.memory_space<hbm>>
      %dma_start3A_145 = tpu.memref_slice %arg14[%dma_start3A_140] : memref<2x!tpu.dma_semaphore, #tpu.memory_space<semaphore_mem>> -> memref<1x!tpu.dma_semaphore, #tpu.memory_space<semaphore_mem>>
      %dma_start3A_146 = tpu.memref_squeeze %dma_start3A_145 : memref<1x!tpu.dma_semaphore, #tpu.memory_space<semaphore_mem>> -> memref<!tpu.dma_semaphore, #tpu.memory_space<semaphore_mem>>
      %dma_start3A_147 = arith.constant 0 : i32
      %dma_start3A_148 = tpu.memref_slice %arg11[%dma_start3A_139, %dma_start3A_147] : memref<2x128xi32, #tpu.memory_space<vmem>> -> memref<1x128xi32, #tpu.memory_space<vmem>>
      %dma_start3A_149 = tpu.memref_squeeze %dma_start3A_148 : memref<1x128xi32, #tpu.memory_space<vmem>> -> memref<128xi32, #tpu.memory_space<vmem>>
      %dma_start3A_150 = tpu.memref_slice %arg3[%add3A_126] : memref<640000xi32, #tpu.memory_space<hbm>> -> memref<128xi32, #tpu.memory_space<hbm>>
      tpu.enqueue_dma source(%dma_start3A_150 : memref<128xi32, #tpu.memory_space<hbm>>) target(%dma_start3A_149 : memref<128xi32, #tpu.memory_space<vmem>>) target_semaphore(%dma_start3A_146 : memref<!tpu.dma_semaphore, #tpu.memory_space<semaphore_mem>>)
      %add3A_151 = arith.constant 0 : i32
      %add3A_152 = arith.addi %add3A_88, %add3A_151 : i32
      %add3A_153 = arith.constant 320000 : i32
      %add3A_154 = arith.addi %add3A_153, %add3A_152 : i32
      %dma_wait3A_155 = arith.constant 0 : i32
      %dma_wait3A_156 = arith.constant 0 : i32
      %dma_wait3A_157 = arith.constant 0 : i32
      %dma_wait3A_158 = tpu.memref_slice %arg10[%dma_wait3A_155, %dma_wait3A_157] : memref<2x128xi32, #tpu.memory_space<vmem>> -> memref<1x128xi32, #tpu.memory_space<vmem>>
      %dma_wait3A_159 = tpu.memref_squeeze %dma_wait3A_158 : memref<1x128xi32, #tpu.memory_space<vmem>> -> memref<128xi32, #tpu.memory_space<vmem>>
      %dma_wait3A_160 = tpu.memref_slice %arg3[%add3A_152] : memref<640000xi32, #tpu.memory_space<hbm>> -> memref<128xi32, #tpu.memory_space<hbm>>
      %dma_wait3A_161 = tpu.memref_slice %arg14[%dma_wait3A_156] : memref<2x!tpu.dma_semaphore, #tpu.memory_space<semaphore_mem>> -> memref<1x!tpu.dma_semaphore, #tpu.memory_space<semaphore_mem>>
      %dma_wait3A_162 = tpu.memref_squeeze %dma_wait3A_161 : memref<1x!tpu.dma_semaphore, #tpu.memory_space<semaphore_mem>> -> memref<!tpu.dma_semaphore, #tpu.memory_space<semaphore_mem>>
      %dma_wait3A_163 = arith.constant 0 : i32
      %dma_wait3A_164 = tpu.memref_slice %arg10[%dma_wait3A_155, %dma_wait3A_163] : memref<2x128xi32, #tpu.memory_space<vmem>> -> memref<1x128xi32, #tpu.memory_space<vmem>>
      %dma_wait3A_165 = tpu.memref_squeeze %dma_wait3A_164 : memref<1x128xi32, #tpu.memory_space<vmem>> -> memref<128xi32, #tpu.memory_space<vmem>>
      %dma_wait3A_166 = tpu.memref_slice %arg3[%add3A_152] : memref<640000xi32, #tpu.memory_space<hbm>> -> memref<128xi32, #tpu.memory_space<hbm>>
      tpu.wait_dma2 semaphore(%dma_wait3A_162 : memref<!tpu.dma_semaphore, #tpu.memory_space<semaphore_mem>>) src(%dma_wait3A_166 : memref<128xi32, #tpu.memory_space<hbm>>) dst(%dma_wait3A_165 : memref<128xi32, #tpu.memory_space<vmem>>)
      %dma_wait3A_167 = arith.constant 0 : i32
      %dma_wait3A_168 = arith.constant 0 : i32
      %dma_wait3A_169 = arith.constant 0 : i32
      %dma_wait3A_170 = tpu.memref_slice %arg11[%dma_wait3A_167, %dma_wait3A_169] : memref<2x128xi32, #tpu.memory_space<vmem>> -> memref<1x128xi32, #tpu.memory_space<vmem>>
      %dma_wait3A_171 = tpu.memref_squeeze %dma_wait3A_170 : memref<1x128xi32, #tpu.memory_space<vmem>> -> memref<128xi32, #tpu.memory_space<vmem>>
      %dma_wait3A_172 = tpu.memref_slice %arg3[%add3A_154] : memref<640000xi32, #tpu.memory_space<hbm>> -> memref<128xi32, #tpu.memory_space<hbm>>
      %dma_wait3A_173 = tpu.memref_slice %arg14[%dma_wait3A_168] : memref<2x!tpu.dma_semaphore, #tpu.memory_space<semaphore_mem>> -> memref<1x!tpu.dma_semaphore, #tpu.memory_space<semaphore_mem>>
      %dma_wait3A_174 = tpu.memref_squeeze %dma_wait3A_173 : memref<1x!tpu.dma_semaphore, #tpu.memory_space<semaphore_mem>> -> memref<!tpu.dma_semaphore, #tpu.memory_space<semaphore_mem>>
      %dma_wait3A_175 = arith.constant 0 : i32
      %dma_wait3A_176 = tpu.memref_slice %arg11[%dma_wait3A_167, %dma_wait3A_175] : memref<2x128xi32, #tpu.memory_space<vmem>> -> memref<1x128xi32, #tpu.memory_space<vmem>>
      %dma_wait3A_177 = tpu.memref_squeeze %dma_wait3A_176 : memref<1x128xi32, #tpu.memory_space<vmem>> -> memref<128xi32, #tpu.memory_space<vmem>>
      %dma_wait3A_178 = tpu.memref_slice %arg3[%add3A_154] : memref<640000xi32, #tpu.memory_space<hbm>> -> memref<128xi32, #tpu.memory_space<hbm>>
      tpu.wait_dma2 semaphore(%dma_wait3A_174 : memref<!tpu.dma_semaphore, #tpu.memory_space<semaphore_mem>>) src(%dma_wait3A_178 : memref<128xi32, #tpu.memory_space<hbm>>) dst(%dma_wait3A_177 : memref<128xi32, #tpu.memory_space<vmem>>)
      %dma_start3A_179 = arith.constant 0 : i32
      %dma_start3A_180 = arith.constant 0 : i32
      %dma_start3A_181 = arith.constant 0 : i32
      %dma_start3A_182 = arith.constant 0 : i32
      %dma_start3A_183 = arith.constant 0 : i32
      %dma_start3A_184 = tpu.memref_slice %arg12[%dma_start3A_180, %dma_start3A_182, %dma_start3A_183] : memref<2x128x128xf32, #tpu.memory_space<vmem>> -> memref<1x128x128xf32, #tpu.memory_space<vmem>>
      %dma_start3A_185 = tpu.memref_squeeze %dma_start3A_184 : memref<1x128x128xf32, #tpu.memory_space<vmem>> -> memref<128x128xf32, #tpu.memory_space<vmem>>
      %dma_start3A_186 = arith.constant 0 : i32
      %dma_start3A_187 = tpu.memref_slice %arg10[%dma_start3A_179, %dma_start3A_186] : memref<2x128xi32, #tpu.memory_space<vmem>> -> memref<1x128xi32, #tpu.memory_space<vmem>>
      %dma_start3A_188 = tpu.memref_squeeze %dma_start3A_187 : memref<1x128xi32, #tpu.memory_space<vmem>> -> memref<128xi32, #tpu.memory_space<vmem>>
      %dma_start3A_189 = arith.constant 0 : i32
      %dma_start3A_190 = arith.constant 0 : i32
      %dma_start3A_191 = tpu.memref_slice %arg2[%dma_start3A_189, %dma_start3A_190] : memref<10000x128xf32, #tpu.memory_space<hbm>> -> memref<10000x128xf32, #tpu.memory_space<hbm>>
      %dma_start3A_192 = tpu.memref_slice %arg15[%dma_start3A_181] : memref<2x!tpu.dma_semaphore, #tpu.memory_space<semaphore_mem>> -> memref<1x!tpu.dma_semaphore, #tpu.memory_space<semaphore_mem>>
      %dma_start3A_193 = tpu.memref_squeeze %dma_start3A_192 : memref<1x!tpu.dma_semaphore, #tpu.memory_space<semaphore_mem>> -> memref<!tpu.dma_semaphore, #tpu.memory_space<semaphore_mem>>
      tpu.enqueue_indirect_dma source(%dma_start3A_191 : memref<10000x128xf32, #tpu.memory_space<hbm>>) target(%dma_start3A_185 : memref<128x128xf32, #tpu.memory_space<vmem>>) offsets(%dma_start3A_188 : memref<128xi32, #tpu.memory_space<vmem>>) semaphore(%dma_start3A_193 : memref<!tpu.dma_semaphore, #tpu.memory_space<semaphore_mem>>)
      %add3A_194 = arith.constant 128 : i32
      %add3A_195 = arith.addi %add3A_88, %add3A_194 : i32
      %add3A_196 = arith.constant 320000 : i32
      %add3A_197 = arith.addi %add3A_196, %add3A_195 : i32
      %dma_wait3A_198 = arith.constant 1 : i32
      %dma_wait3A_199 = arith.constant 1 : i32
      %dma_wait3A_200 = arith.constant 0 : i32
      %dma_wait3A_201 = tpu.memref_slice %arg10[%dma_wait3A_198, %dma_wait3A_200] : memref<2x128xi32, #tpu.memory_space<vmem>> -> memref<1x128xi32, #tpu.memory_space<vmem>>
      %dma_wait3A_202 = tpu.memref_squeeze %dma_wait3A_201 : memref<1x128xi32, #tpu.memory_space<vmem>> -> memref<128xi32, #tpu.memory_space<vmem>>
      %dma_wait3A_203 = tpu.memref_slice %arg3[%add3A_195] : memref<640000xi32, #tpu.memory_space<hbm>> -> memref<128xi32, #tpu.memory_space<hbm>>
      %dma_wait3A_204 = tpu.memref_slice %arg14[%dma_wait3A_199] : memref<2x!tpu.dma_semaphore, #tpu.memory_space<semaphore_mem>> -> memref<1x!tpu.dma_semaphore, #tpu.memory_space<semaphore_mem>>
      %dma_wait3A_205 = tpu.memref_squeeze %dma_wait3A_204 : memref<1x!tpu.dma_semaphore, #tpu.memory_space<semaphore_mem>> -> memref<!tpu.dma_semaphore, #tpu.memory_space<semaphore_mem>>
      %dma_wait3A_206 = arith.constant 0 : i32
      %dma_wait3A_207 = tpu.memref_slice %arg10[%dma_wait3A_198, %dma_wait3A_206] : memref<2x128xi32, #tpu.memory_space<vmem>> -> memref<1x128xi32, #tpu.memory_space<vmem>>
      %dma_wait3A_208 = tpu.memref_squeeze %dma_wait3A_207 : memref<1x128xi32, #tpu.memory_space<vmem>> -> memref<128xi32, #tpu.memory_space<vmem>>
      %dma_wait3A_209 = tpu.memref_slice %arg3[%add3A_195] : memref<640000xi32, #tpu.memory_space<hbm>> -> memref<128xi32, #tpu.memory_space<hbm>>
      tpu.wait_dma2 semaphore(%dma_wait3A_205 : memref<!tpu.dma_semaphore, #tpu.memory_space<semaphore_mem>>) src(%dma_wait3A_209 : memref<128xi32, #tpu.memory_space<hbm>>) dst(%dma_wait3A_208 : memref<128xi32, #tpu.memory_space<vmem>>)
      %dma_wait3A_210 = arith.constant 1 : i32
      %dma_wait3A_211 = arith.constant 1 : i32
      %dma_wait3A_212 = arith.constant 0 : i32
      %dma_wait3A_213 = tpu.memref_slice %arg11[%dma_wait3A_210, %dma_wait3A_212] : memref<2x128xi32, #tpu.memory_space<vmem>> -> memref<1x128xi32, #tpu.memory_space<vmem>>
      %dma_wait3A_214 = tpu.memref_squeeze %dma_wait3A_213 : memref<1x128xi32, #tpu.memory_space<vmem>> -> memref<128xi32, #tpu.memory_space<vmem>>
      %dma_wait3A_215 = tpu.memref_slice %arg3[%add3A_197] : memref<640000xi32, #tpu.memory_space<hbm>> -> memref<128xi32, #tpu.memory_space<hbm>>
      %dma_wait3A_216 = tpu.memref_slice %arg14[%dma_wait3A_211] : memref<2x!tpu.dma_semaphore, #tpu.memory_space<semaphore_mem>> -> memref<1x!tpu.dma_semaphore, #tpu.memory_space<semaphore_mem>>
      %dma_wait3A_217 = tpu.memref_squeeze %dma_wait3A_216 : memref<1x!tpu.dma_semaphore, #tpu.memory_space<semaphore_mem>> -> memref<!tpu.dma_semaphore, #tpu.memory_space<semaphore_mem>>
      %dma_wait3A_218 = arith.constant 0 : i32
      %dma_wait3A_219 = tpu.memref_slice %arg11[%dma_wait3A_210, %dma_wait3A_218] : memref<2x128xi32, #tpu.memory_space<vmem>> -> memref<1x128xi32, #tpu.memory_space<vmem>>
      %dma_wait3A_220 = tpu.memref_squeeze %dma_wait3A_219 : memref<1x128xi32, #tpu.memory_space<vmem>> -> memref<128xi32, #tpu.memory_space<vmem>>
      %dma_wait3A_221 = tpu.memref_slice %arg3[%add3A_197] : memref<640000xi32, #tpu.memory_space<hbm>> -> memref<128xi32, #tpu.memory_space<hbm>>
      tpu.wait_dma2 semaphore(%dma_wait3A_217 : memref<!tpu.dma_semaphore, #tpu.memory_space<semaphore_mem>>) src(%dma_wait3A_221 : memref<128xi32, #tpu.memory_space<hbm>>) dst(%dma_wait3A_220 : memref<128xi32, #tpu.memory_space<vmem>>)
      %dma_start3A_222 = arith.constant 1 : i32
      %dma_start3A_223 = arith.constant 1 : i32
      %dma_start3A_224 = arith.constant 1 : i32
      %dma_start3A_225 = arith.constant 0 : i32
      %dma_start3A_226 = arith.constant 0 : i32
      %dma_start3A_227 = tpu.memref_slice %arg12[%dma_start3A_223, %dma_start3A_225, %dma_start3A_226] : memref<2x128x128xf32, #tpu.memory_space<vmem>> -> memref<1x128x128xf32, #tpu.memory_space<vmem>>
      %dma_start3A_228 = tpu.memref_squeeze %dma_start3A_227 : memref<1x128x128xf32, #tpu.memory_space<vmem>> -> memref<128x128xf32, #tpu.memory_space<vmem>>
      %dma_start3A_229 = arith.constant 0 : i32
      %dma_start3A_230 = tpu.memref_slice %arg10[%dma_start3A_222, %dma_start3A_229] : memref<2x128xi32, #tpu.memory_space<vmem>> -> memref<1x128xi32, #tpu.memory_space<vmem>>
      %dma_start3A_231 = tpu.memref_squeeze %dma_start3A_230 : memref<1x128xi32, #tpu.memory_space<vmem>> -> memref<128xi32, #tpu.memory_space<vmem>>
      %dma_start3A_232 = arith.constant 0 : i32
      %dma_start3A_233 = arith.constant 0 : i32
      %dma_start3A_234 = tpu.memref_slice %arg2[%dma_start3A_232, %dma_start3A_233] : memref<10000x128xf32, #tpu.memory_space<hbm>> -> memref<10000x128xf32, #tpu.memory_space<hbm>>
      %dma_start3A_235 = tpu.memref_slice %arg15[%dma_start3A_224] : memref<2x!tpu.dma_semaphore, #tpu.memory_space<semaphore_mem>> -> memref<1x!tpu.dma_semaphore, #tpu.memory_space<semaphore_mem>>
      %dma_start3A_236 = tpu.memref_squeeze %dma_start3A_235 : memref<1x!tpu.dma_semaphore, #tpu.memory_space<semaphore_mem>> -> memref<!tpu.dma_semaphore, #tpu.memory_space<semaphore_mem>>
      tpu.enqueue_indirect_dma source(%dma_start3A_234 : memref<10000x128xf32, #tpu.memory_space<hbm>>) target(%dma_start3A_228 : memref<128x128xf32, #tpu.memory_space<vmem>>) offsets(%dma_start3A_231 : memref<128xi32, #tpu.memory_space<vmem>>) semaphore(%dma_start3A_236 : memref<!tpu.dma_semaphore, #tpu.memory_space<semaphore_mem>>)
      %dma_wait3A_237 = arith.constant 0 : i32
      %dma_wait3A_238 = arith.constant 0 : i32
      %dma_wait3A_239 = arith.constant 0 : i32
      %dma_wait3A_240 = arith.constant 0 : i32
      %dma_wait3A_241 = arith.constant 0 : i32
      %dma_wait3A_242 = tpu.memref_slice %arg12[%dma_wait3A_238, %dma_wait3A_240, %dma_wait3A_241] : memref<2x128x128xf32, #tpu.memory_space<vmem>> -> memref<1x128x128xf32, #tpu.memory_space<vmem>>
      %dma_wait3A_243 = tpu.memref_squeeze %dma_wait3A_242 : memref<1x128x128xf32, #tpu.memory_space<vmem>> -> memref<128x128xf32, #tpu.memory_space<vmem>>
      %dma_wait3A_244 = arith.constant 0 : i32
      %dma_wait3A_245 = tpu.memref_slice %arg10[%dma_wait3A_237, %dma_wait3A_244] : memref<2x128xi32, #tpu.memory_space<vmem>> -> memref<1x128xi32, #tpu.memory_space<vmem>>
      %dma_wait3A_246 = tpu.memref_squeeze %dma_wait3A_245 : memref<1x128xi32, #tpu.memory_space<vmem>> -> memref<128xi32, #tpu.memory_space<vmem>>
      %dma_wait3A_247 = arith.constant 0 : i32
      %dma_wait3A_248 = arith.constant 0 : i32
      %dma_wait3A_249 = tpu.memref_slice %arg2[%dma_wait3A_247, %dma_wait3A_248] : memref<10000x128xf32, #tpu.memory_space<hbm>> -> memref<10000x128xf32, #tpu.memory_space<hbm>>
      %dma_wait3A_250 = tpu.memref_slice %arg15[%dma_wait3A_239] : memref<2x!tpu.dma_semaphore, #tpu.memory_space<semaphore_mem>> -> memref<1x!tpu.dma_semaphore, #tpu.memory_space<semaphore_mem>>
      %dma_wait3A_251 = tpu.memref_squeeze %dma_wait3A_250 : memref<1x!tpu.dma_semaphore, #tpu.memory_space<semaphore_mem>> -> memref<!tpu.dma_semaphore, #tpu.memory_space<semaphore_mem>>
      tpu.wait_indirect_dma semaphore(%dma_wait3A_251 : memref<!tpu.dma_semaphore, #tpu.memory_space<semaphore_mem>>) src(%dma_wait3A_249 : memref<10000x128xf32, #tpu.memory_space<hbm>>) dst(%dma_wait3A_243 : memref<128x128xf32, #tpu.memory_space<vmem>>)
      %dma_start3A_252 = arith.constant 0 : i32
      %dma_start3A_253 = arith.constant 0 : i32
      %dma_start3A_254 = arith.constant 0 : i32
      %dma_start3A_255 = arith.constant 0 : i32
      %dma_start3A_256 = arith.constant 0 : i32
      %dma_start3A_257 = tpu.memref_slice %arg12[%dma_start3A_252, %dma_start3A_255, %dma_start3A_256] : memref<2x128x128xf32, #tpu.memory_space<vmem>> -> memref<1x128x128xf32, #tpu.memory_space<vmem>>
      %dma_start3A_258 = tpu.memref_squeeze %dma_start3A_257 : memref<1x128x128xf32, #tpu.memory_space<vmem>> -> memref<128x128xf32, #tpu.memory_space<vmem>>
      %dma_start3A_259 = arith.constant 0 : i32
      %dma_start3A_260 = tpu.memref_slice %arg11[%dma_start3A_253, %dma_start3A_259] : memref<2x128xi32, #tpu.memory_space<vmem>> -> memref<1x128xi32, #tpu.memory_space<vmem>>
      %dma_start3A_261 = tpu.memref_squeeze %dma_start3A_260 : memref<1x128xi32, #tpu.memory_space<vmem>> -> memref<128xi32, #tpu.memory_space<vmem>>
      %dma_start3A_262 = arith.constant 0 : i32
      %dma_start3A_263 = arith.constant 0 : i32
      %dma_start3A_264 = tpu.memref_slice %arg8[%dma_start3A_262, %dma_start3A_263] : memref<10112x128xf32, #tpu.memory_space<vmem_shared>> -> memref<10112x128xf32, #tpu.memory_space<vmem_shared>>
      %dma_start3A_265 = tpu.memref_slice %arg16[%dma_start3A_254] : memref<2x!tpu.dma_semaphore, #tpu.memory_space<semaphore_mem>> -> memref<1x!tpu.dma_semaphore, #tpu.memory_space<semaphore_mem>>
      %dma_start3A_266 = tpu.memref_squeeze %dma_start3A_265 : memref<1x!tpu.dma_semaphore, #tpu.memory_space<semaphore_mem>> -> memref<!tpu.dma_semaphore, #tpu.memory_space<semaphore_mem>>
      tpu.enqueue_indirect_dma source(%dma_start3A_258 : memref<128x128xf32, #tpu.memory_space<vmem>>) target(%dma_start3A_264 : memref<10112x128xf32, #tpu.memory_space<vmem_shared>>) offsets(%dma_start3A_261 : memref<128xi32, #tpu.memory_space<vmem>>) semaphore(%dma_start3A_266 : memref<!tpu.dma_semaphore, #tpu.memory_space<semaphore_mem>>) {add = true}
      %dma_start3A_267 = arith.constant 0 : i32
      %dma_start3A_268 = arith.constant 0 : i32
      %dma_start3A_269 = arith.constant 0 : i32
      %dma_start3A_270 = tpu.memref_slice %arg11[%dma_start3A_267, %dma_start3A_269] : memref<2x128xi32, #tpu.memory_space<vmem>> -> memref<1x128xi32, #tpu.memory_space<vmem>>
      %dma_start3A_271 = tpu.memref_squeeze %dma_start3A_270 : memref<1x128xi32, #tpu.memory_space<vmem>> -> memref<128xi32, #tpu.memory_space<vmem>>
      %dma_start3A_272 = arith.constant 0 : i32
      %dma_start3A_273 = arith.constant 0 : i32
      %dma_start3A_274 = tpu.memref_slice %arg9[%dma_start3A_272, %dma_start3A_273] : memref<10112x16xf32, #tpu.memory_space<vmem_shared>> -> memref<10112x16xf32, #tpu.memory_space<vmem_shared>>
      %dma_start3A_275 = tpu.memref_slice %arg17[%dma_start3A_268] : memref<2x!tpu.dma_semaphore, #tpu.memory_space<semaphore_mem>> -> memref<1x!tpu.dma_semaphore, #tpu.memory_space<semaphore_mem>>
      %dma_start3A_276 = tpu.memref_squeeze %dma_start3A_275 : memref<1x!tpu.dma_semaphore, #tpu.memory_space<semaphore_mem>> -> memref<!tpu.dma_semaphore, #tpu.memory_space<semaphore_mem>>
      tpu.enqueue_indirect_dma source(%arg13 : memref<128x16xf32, #tpu.memory_space<vmem>>) target(%dma_start3A_274 : memref<10112x16xf32, #tpu.memory_space<vmem_shared>>) offsets(%dma_start3A_271 : memref<128xi32, #tpu.memory_space<vmem>>) semaphore(%dma_start3A_276 : memref<!tpu.dma_semaphore, #tpu.memory_space<semaphore_mem>>) {add = true}
      %dma_wait3A_277 = arith.constant 1 : i32
      %dma_wait3A_278 = arith.constant 1 : i32
      %dma_wait3A_279 = arith.constant 1 : i32
      %dma_wait3A_280 = arith.constant 0 : i32
      %dma_wait3A_281 = arith.constant 0 : i32
      %dma_wait3A_282 = tpu.memref_slice %arg12[%dma_wait3A_278, %dma_wait3A_280, %dma_wait3A_281] : memref<2x128x128xf32, #tpu.memory_space<vmem>> -> memref<1x128x128xf32, #tpu.memory_space<vmem>>
      %dma_wait3A_283 = tpu.memref_squeeze %dma_wait3A_282 : memref<1x128x128xf32, #tpu.memory_space<vmem>> -> memref<128x128xf32, #tpu.memory_space<vmem>>
      %dma_wait3A_284 = arith.constant 0 : i32
      %dma_wait3A_285 = tpu.memref_slice %arg10[%dma_wait3A_277, %dma_wait3A_284] : memref<2x128xi32, #tpu.memory_space<vmem>> -> memref<1x128xi32, #tpu.memory_space<vmem>>
      %dma_wait3A_286 = tpu.memref_squeeze %dma_wait3A_285 : memref<1x128xi32, #tpu.memory_space<vmem>> -> memref<128xi32, #tpu.memory_space<vmem>>
      %dma_wait3A_287 = arith.constant 0 : i32
      %dma_wait3A_288 = arith.constant 0 : i32
      %dma_wait3A_289 = tpu.memref_slice %arg2[%dma_wait3A_287, %dma_wait3A_288] : memref<10000x128xf32, #tpu.memory_space<hbm>> -> memref<10000x128xf32, #tpu.memory_space<hbm>>
      %dma_wait3A_290 = tpu.memref_slice %arg15[%dma_wait3A_279] : memref<2x!tpu.dma_semaphore, #tpu.memory_space<semaphore_mem>> -> memref<1x!tpu.dma_semaphore, #tpu.memory_space<semaphore_mem>>
      %dma_wait3A_291 = tpu.memref_squeeze %dma_wait3A_290 : memref<1x!tpu.dma_semaphore, #tpu.memory_space<semaphore_mem>> -> memref<!tpu.dma_semaphore, #tpu.memory_space<semaphore_mem>>
      tpu.wait_indirect_dma semaphore(%dma_wait3A_291 : memref<!tpu.dma_semaphore, #tpu.memory_space<semaphore_mem>>) src(%dma_wait3A_289 : memref<10000x128xf32, #tpu.memory_space<hbm>>) dst(%dma_wait3A_283 : memref<128x128xf32, #tpu.memory_space<vmem>>)
      %dma_start3A_292 = arith.constant 1 : i32
      %dma_start3A_293 = arith.constant 1 : i32
      %dma_start3A_294 = arith.constant 1 : i32
      %dma_start3A_295 = arith.constant 0 : i32
      %dma_start3A_296 = arith.constant 0 : i32
      %dma_start3A_297 = tpu.memref_slice %arg12[%dma_start3A_292, %dma_start3A_295, %dma_start3A_296] : memref<2x128x128xf32, #tpu.memory_space<vmem>> -> memref<1x128x128xf32, #tpu.memory_space<vmem>>
      %dma_start3A_298 = tpu.memref_squeeze %dma_start3A_297 : memref<1x128x128xf32, #tpu.memory_space<vmem>> -> memref<128x128xf32, #tpu.memory_space<vmem>>
      %dma_start3A_299 = arith.constant 0 : i32
      %dma_start3A_300 = tpu.memref_slice %arg11[%dma_start3A_293, %dma_start3A_299] : memref<2x128xi32, #tpu.memory_space<vmem>> -> memref<1x128xi32, #tpu.memory_space<vmem>>
      %dma_start3A_301 = tpu.memref_squeeze %dma_start3A_300 : memref<1x128xi32, #tpu.memory_space<vmem>> -> memref<128xi32, #tpu.memory_space<vmem>>
      %dma_start3A_302 = arith.constant 0 : i32
      %dma_start3A_303 = arith.constant 0 : i32
      %dma_start3A_304 = tpu.memref_slice %arg8[%dma_start3A_302, %dma_start3A_303] : memref<10112x128xf32, #tpu.memory_space<vmem_shared>> -> memref<10112x128xf32, #tpu.memory_space<vmem_shared>>
      %dma_start3A_305 = tpu.memref_slice %arg16[%dma_start3A_294] : memref<2x!tpu.dma_semaphore, #tpu.memory_space<semaphore_mem>> -> memref<1x!tpu.dma_semaphore, #tpu.memory_space<semaphore_mem>>
      %dma_start3A_306 = tpu.memref_squeeze %dma_start3A_305 : memref<1x!tpu.dma_semaphore, #tpu.memory_space<semaphore_mem>> -> memref<!tpu.dma_semaphore, #tpu.memory_space<semaphore_mem>>
      tpu.enqueue_indirect_dma source(%dma_start3A_298 : memref<128x128xf32, #tpu.memory_space<vmem>>) target(%dma_start3A_304 : memref<10112x128xf32, #tpu.memory_space<vmem_shared>>) offsets(%dma_start3A_301 : memref<128xi32, #tpu.memory_space<vmem>>) semaphore(%dma_start3A_306 : memref<!tpu.dma_semaphore, #tpu.memory_space<semaphore_mem>>) {add = true}
      %dma_start3A_307 = arith.constant 1 : i32
      %dma_start3A_308 = arith.constant 1 : i32
      %dma_start3A_309 = arith.constant 0 : i32
      %dma_start3A_310 = tpu.memref_slice %arg11[%dma_start3A_307, %dma_start3A_309] : memref<2x128xi32, #tpu.memory_space<vmem>> -> memref<1x128xi32, #tpu.memory_space<vmem>>
      %dma_start3A_311 = tpu.memref_squeeze %dma_start3A_310 : memref<1x128xi32, #tpu.memory_space<vmem>> -> memref<128xi32, #tpu.memory_space<vmem>>
      %dma_start3A_312 = arith.constant 0 : i32
      %dma_start3A_313 = arith.constant 0 : i32
      %dma_start3A_314 = tpu.memref_slice %arg9[%dma_start3A_312, %dma_start3A_313] : memref<10112x16xf32, #tpu.memory_space<vmem_shared>> -> memref<10112x16xf32, #tpu.memory_space<vmem_shared>>
      %dma_start3A_315 = tpu.memref_slice %arg17[%dma_start3A_308] : memref<2x!tpu.dma_semaphore, #tpu.memory_space<semaphore_mem>> -> memref<1x!tpu.dma_semaphore, #tpu.memory_space<semaphore_mem>>
      %dma_start3A_316 = tpu.memref_squeeze %dma_start3A_315 : memref<1x!tpu.dma_semaphore, #tpu.memory_space<semaphore_mem>> -> memref<!tpu.dma_semaphore, #tpu.memory_space<semaphore_mem>>
      tpu.enqueue_indirect_dma source(%arg13 : memref<128x16xf32, #tpu.memory_space<vmem>>) target(%dma_start3A_314 : memref<10112x16xf32, #tpu.memory_space<vmem_shared>>) offsets(%dma_start3A_311 : memref<128xi32, #tpu.memory_space<vmem>>) semaphore(%dma_start3A_316 : memref<!tpu.dma_semaphore, #tpu.memory_space<semaphore_mem>>) {add = true}
    }
    %dma_wait3A = arith.constant 0 : i32
    %dma_wait3A_33 = arith.constant 0 : i32
    %dma_wait3A_34 = arith.constant 0 : i32
    %dma_wait3A_35 = arith.constant 0 : i32
    %dma_wait3A_36 = arith.constant 0 : i32
    %dma_wait3A_37 = tpu.memref_slice %arg12[%dma_wait3A, %dma_wait3A_35, %dma_wait3A_36] : memref<2x128x128xf32, #tpu.memory_space<vmem>> -> memref<1x128x128xf32, #tpu.memory_space<vmem>>
    %dma_wait3A_38 = tpu.memref_squeeze %dma_wait3A_37 : memref<1x128x128xf32, #tpu.memory_space<vmem>> -> memref<128x128xf32, #tpu.memory_space<vmem>>
    %dma_wait3A_39 = arith.constant 0 : i32
    %dma_wait3A_40 = tpu.memref_slice %arg11[%dma_wait3A_33, %dma_wait3A_39] : memref<2x128xi32, #tpu.memory_space<vmem>> -> memref<1x128xi32, #tpu.memory_space<vmem>>
    %dma_wait3A_41 = tpu.memref_squeeze %dma_wait3A_40 : memref<1x128xi32, #tpu.memory_space<vmem>> -> memref<128xi32, #tpu.memory_space<vmem>>
    %dma_wait3A_42 = arith.constant 0 : i32
    %dma_wait3A_43 = arith.constant 0 : i32
    %dma_wait3A_44 = tpu.memref_slice %arg8[%dma_wait3A_42, %dma_wait3A_43] : memref<10112x128xf32, #tpu.memory_space<vmem_shared>> -> memref<10112x128xf32, #tpu.memory_space<vmem_shared>>
    %dma_wait3A_45 = tpu.memref_slice %arg16[%dma_wait3A_34] : memref<2x!tpu.dma_semaphore, #tpu.memory_space<semaphore_mem>> -> memref<1x!tpu.dma_semaphore, #tpu.memory_space<semaphore_mem>>
    %dma_wait3A_46 = tpu.memref_squeeze %dma_wait3A_45 : memref<1x!tpu.dma_semaphore, #tpu.memory_space<semaphore_mem>> -> memref<!tpu.dma_semaphore, #tpu.memory_space<semaphore_mem>>
    tpu.wait_indirect_dma semaphore(%dma_wait3A_46 : memref<!tpu.dma_semaphore, #tpu.memory_space<semaphore_mem>>) src(%dma_wait3A_38 : memref<128x128xf32, #tpu.memory_space<vmem>>) dst(%dma_wait3A_44 : memref<10112x128xf32, #tpu.memory_space<vmem_shared>>)
    %dma_wait3A_47 = arith.constant 0 : i32
    %dma_wait3A_48 = arith.constant 0 : i32
    %dma_wait3A_49 = arith.constant 0 : i32
    %dma_wait3A_50 = tpu.memref_slice %arg11[%dma_wait3A_47, %dma_wait3A_49] : memref<2x128xi32, #tpu.memory_space<vmem>> -> memref<1x128xi32, #tpu.memory_space<vmem>>
    %dma_wait3A_51 = tpu.memref_squeeze %dma_wait3A_50 : memref<1x128xi32, #tpu.memory_space<vmem>> -> memref<128xi32, #tpu.memory_space<vmem>>
    %dma_wait3A_52 = arith.constant 0 : i32
    %dma_wait3A_53 = arith.constant 0 : i32
    %dma_wait3A_54 = tpu.memref_slice %arg9[%dma_wait3A_52, %dma_wait3A_53] : memref<10112x16xf32, #tpu.memory_space<vmem_shared>> -> memref<10112x16xf32, #tpu.memory_space<vmem_shared>>
    %dma_wait3A_55 = tpu.memref_slice %arg17[%dma_wait3A_48] : memref<2x!tpu.dma_semaphore, #tpu.memory_space<semaphore_mem>> -> memref<1x!tpu.dma_semaphore, #tpu.memory_space<semaphore_mem>>
    %dma_wait3A_56 = tpu.memref_squeeze %dma_wait3A_55 : memref<1x!tpu.dma_semaphore, #tpu.memory_space<semaphore_mem>> -> memref<!tpu.dma_semaphore, #tpu.memory_space<semaphore_mem>>
    tpu.wait_indirect_dma semaphore(%dma_wait3A_56 : memref<!tpu.dma_semaphore, #tpu.memory_space<semaphore_mem>>) src(%arg13 : memref<128x16xf32, #tpu.memory_space<vmem>>) dst(%dma_wait3A_54 : memref<10112x16xf32, #tpu.memory_space<vmem_shared>>)
    %dma_wait3A_57 = arith.constant 1 : i32
    %dma_wait3A_58 = arith.constant 1 : i32
    %dma_wait3A_59 = arith.constant 1 : i32
    %dma_wait3A_60 = arith.constant 0 : i32
    %dma_wait3A_61 = arith.constant 0 : i32
    %dma_wait3A_62 = tpu.memref_slice %arg12[%dma_wait3A_57, %dma_wait3A_60, %dma_wait3A_61] : memref<2x128x128xf32, #tpu.memory_space<vmem>> -> memref<1x128x128xf32, #tpu.memory_space<vmem>>
    %dma_wait3A_63 = tpu.memref_squeeze %dma_wait3A_62 : memref<1x128x128xf32, #tpu.memory_space<vmem>> -> memref<128x128xf32, #tpu.memory_space<vmem>>
    %dma_wait3A_64 = arith.constant 0 : i32
    %dma_wait3A_65 = tpu.memref_slice %arg11[%dma_wait3A_58, %dma_wait3A_64] : memref<2x128xi32, #tpu.memory_space<vmem>> -> memref<1x128xi32, #tpu.memory_space<vmem>>
    %dma_wait3A_66 = tpu.memref_squeeze %dma_wait3A_65 : memref<1x128xi32, #tpu.memory_space<vmem>> -> memref<128xi32, #tpu.memory_space<vmem>>
    %dma_wait3A_67 = arith.constant 0 : i32
    %dma_wait3A_68 = arith.constant 0 : i32
    %dma_wait3A_69 = tpu.memref_slice %arg8[%dma_wait3A_67, %dma_wait3A_68] : memref<10112x128xf32, #tpu.memory_space<vmem_shared>> -> memref<10112x128xf32, #tpu.memory_space<vmem_shared>>
    %dma_wait3A_70 = tpu.memref_slice %arg16[%dma_wait3A_59] : memref<2x!tpu.dma_semaphore, #tpu.memory_space<semaphore_mem>> -> memref<1x!tpu.dma_semaphore, #tpu.memory_space<semaphore_mem>>
    %dma_wait3A_71 = tpu.memref_squeeze %dma_wait3A_70 : memref<1x!tpu.dma_semaphore, #tpu.memory_space<semaphore_mem>> -> memref<!tpu.dma_semaphore, #tpu.memory_space<semaphore_mem>>
    tpu.wait_indirect_dma semaphore(%dma_wait3A_71 : memref<!tpu.dma_semaphore, #tpu.memory_space<semaphore_mem>>) src(%dma_wait3A_63 : memref<128x128xf32, #tpu.memory_space<vmem>>) dst(%dma_wait3A_69 : memref<10112x128xf32, #tpu.memory_space<vmem_shared>>)
    %dma_wait3A_72 = arith.constant 1 : i32
    %dma_wait3A_73 = arith.constant 1 : i32
    %dma_wait3A_74 = arith.constant 0 : i32
    %dma_wait3A_75 = tpu.memref_slice %arg11[%dma_wait3A_72, %dma_wait3A_74] : memref<2x128xi32, #tpu.memory_space<vmem>> -> memref<1x128xi32, #tpu.memory_space<vmem>>
    %dma_wait3A_76 = tpu.memref_squeeze %dma_wait3A_75 : memref<1x128xi32, #tpu.memory_space<vmem>> -> memref<128xi32, #tpu.memory_space<vmem>>
    %dma_wait3A_77 = arith.constant 0 : i32
    %dma_wait3A_78 = arith.constant 0 : i32
    %dma_wait3A_79 = tpu.memref_slice %arg9[%dma_wait3A_77, %dma_wait3A_78] : memref<10112x16xf32, #tpu.memory_space<vmem_shared>> -> memref<10112x16xf32, #tpu.memory_space<vmem_shared>>
    %dma_wait3A_80 = tpu.memref_slice %arg17[%dma_wait3A_73] : memref<2x!tpu.dma_semaphore, #tpu.memory_space<semaphore_mem>> -> memref<1x!tpu.dma_semaphore, #tpu.memory_space<semaphore_mem>>
    %dma_wait3A_81 = tpu.memref_squeeze %dma_wait3A_80 : memref<1x!tpu.dma_semaphore, #tpu.memory_space<semaphore_mem>> -> memref<!tpu.dma_semaphore, #tpu.memory_space<semaphore_mem>>
    tpu.wait_indirect_dma semaphore(%dma_wait3A_81 : memref<!tpu.dma_semaphore, #tpu.memory_space<semaphore_mem>>) src(%arg13 : memref<128x16xf32, #tpu.memory_space<vmem>>) dst(%dma_wait3A_79 : memref<10112x16xf32, #tpu.memory_space<vmem_shared>>)
    %barrier3A_82 = arith.constant 0 : index
    tpu.barrier barrier_id(%barrier3A_82)
    "tpu.region"() ({
      %run_scoped3A = tpu.sem_alloc : memref<!tpu.dma_semaphore, #tpu.memory_space<semaphore_mem>>
      %dma_start3A = arith.constant 0 : i32
      %dma_start3A_83 = arith.constant 0 : i32
      %dma_start3A_84 = tpu.memref_slice %arg6[%arg0, %dma_start3A, %dma_start3A_83] : memref<2x10112x128xf32, #tpu.memory_space<hbm>> -> memref<1x10112x128xf32, #tpu.memory_space<hbm>>
      %dma_start3A_85 = tpu.memref_squeeze %dma_start3A_84 : memref<1x10112x128xf32, #tpu.memory_space<hbm>> -> memref<10112x128xf32, #tpu.memory_space<hbm>>
      %dma_start3A_86 = arith.constant 0 : i32
      %dma_start3A_87 = tpu.memref_slice %dma_start3A_85[%mul3A_0, %dma_start3A_86] : memref<10112x128xf32, #tpu.memory_space<hbm>> -> memref<632x128xf32, #tpu.memory_space<hbm>>
      %dma_start3A_88 = arith.constant 0 : i32
      %dma_start3A_89 = tpu.memref_slice %arg8[%mul3A_0, %dma_start3A_88] : memref<10112x128xf32, #tpu.memory_space<vmem_shared>> -> memref<632x128xf32, #tpu.memory_space<vmem_shared>>
      tpu.enqueue_dma source(%dma_start3A_89 : memref<632x128xf32, #tpu.memory_space<vmem_shared>>) target(%dma_start3A_87 : memref<632x128xf32, #tpu.memory_space<hbm>>) target_semaphore(%run_scoped3A : memref<!tpu.dma_semaphore, #tpu.memory_space<semaphore_mem>>)
      %dma_wait3A_90 = arith.constant 0 : i32
      %dma_wait3A_91 = arith.constant 0 : i32
      %dma_wait3A_92 = tpu.memref_slice %arg6[%arg0, %dma_wait3A_90, %dma_wait3A_91] : memref<2x10112x128xf32, #tpu.memory_space<hbm>> -> memref<1x10112x128xf32, #tpu.memory_space<hbm>>
      %dma_wait3A_93 = tpu.memref_squeeze %dma_wait3A_92 : memref<1x10112x128xf32, #tpu.memory_space<hbm>> -> memref<10112x128xf32, #tpu.memory_space<hbm>>
      %dma_wait3A_94 = arith.constant 0 : i32
      %dma_wait3A_95 = tpu.memref_slice %dma_wait3A_93[%mul3A_0, %dma_wait3A_94] : memref<10112x128xf32, #tpu.memory_space<hbm>> -> memref<632x128xf32, #tpu.memory_space<hbm>>
      %dma_wait3A_96 = arith.constant 0 : i32
      %dma_wait3A_97 = tpu.memref_slice %arg8[%mul3A_0, %dma_wait3A_96] : memref<10112x128xf32, #tpu.memory_space<vmem_shared>> -> memref<632x128xf32, #tpu.memory_space<vmem_shared>>
      tpu.wait_dma2 semaphore(%run_scoped3A : memref<!tpu.dma_semaphore, #tpu.memory_space<semaphore_mem>>) src(%dma_wait3A_97 : memref<632x128xf32, #tpu.memory_space<vmem_shared>>) dst(%dma_wait3A_95 : memref<632x128xf32, #tpu.memory_space<hbm>>)
      tpu.yield
    }) : () -> ()
    "tpu.region"() ({
      %run_scoped3A = tpu.sem_alloc : memref<!tpu.dma_semaphore, #tpu.memory_space<semaphore_mem>>
      %dma_start3A = arith.constant 0 : i32
      %dma_start3A_83 = arith.constant 0 : i32
      %dma_start3A_84 = tpu.memref_slice %arg7[%arg0, %dma_start3A, %dma_start3A_83] : memref<2x10112x16xf32, #tpu.memory_space<hbm>> -> memref<1x10112x16xf32, #tpu.memory_space<hbm>>
      %dma_start3A_85 = tpu.memref_squeeze %dma_start3A_84 : memref<1x10112x16xf32, #tpu.memory_space<hbm>> -> memref<10112x16xf32, #tpu.memory_space<hbm>>
      %dma_start3A_86 = arith.constant 0 : i32
      %dma_start3A_87 = tpu.memref_slice %dma_start3A_85[%mul3A_0, %dma_start3A_86] : memref<10112x16xf32, #tpu.memory_space<hbm>> -> memref<632x16xf32, #tpu.memory_space<hbm>>
      %dma_start3A_88 = arith.constant 0 : i32
      %dma_start3A_89 = tpu.memref_slice %arg9[%mul3A_0, %dma_start3A_88] : memref<10112x16xf32, #tpu.memory_space<vmem_shared>> -> memref<632x16xf32, #tpu.memory_space<vmem_shared>>
      tpu.enqueue_dma source(%dma_start3A_89 : memref<632x16xf32, #tpu.memory_space<vmem_shared>>) target(%dma_start3A_87 : memref<632x16xf32, #tpu.memory_space<hbm>>) target_semaphore(%run_scoped3A : memref<!tpu.dma_semaphore, #tpu.memory_space<semaphore_mem>>)
      %dma_wait3A_90 = arith.constant 0 : i32
      %dma_wait3A_91 = arith.constant 0 : i32
      %dma_wait3A_92 = tpu.memref_slice %arg7[%arg0, %dma_wait3A_90, %dma_wait3A_91] : memref<2x10112x16xf32, #tpu.memory_space<hbm>> -> memref<1x10112x16xf32, #tpu.memory_space<hbm>>
      %dma_wait3A_93 = tpu.memref_squeeze %dma_wait3A_92 : memref<1x10112x16xf32, #tpu.memory_space<hbm>> -> memref<10112x16xf32, #tpu.memory_space<hbm>>
      %dma_wait3A_94 = arith.constant 0 : i32
      %dma_wait3A_95 = tpu.memref_slice %dma_wait3A_93[%mul3A_0, %dma_wait3A_94] : memref<10112x16xf32, #tpu.memory_space<hbm>> -> memref<632x16xf32, #tpu.memory_space<hbm>>
      %dma_wait3A_96 = arith.constant 0 : i32
      %dma_wait3A_97 = tpu.memref_slice %arg9[%mul3A_0, %dma_wait3A_96] : memref<10112x16xf32, #tpu.memory_space<vmem_shared>> -> memref<632x16xf32, #tpu.memory_space<vmem_shared>>
      tpu.wait_dma2 semaphore(%run_scoped3A : memref<!tpu.dma_semaphore, #tpu.memory_space<semaphore_mem>>) src(%dma_wait3A_97 : memref<632x16xf32, #tpu.memory_space<vmem_shared>>) dst(%dma_wait3A_95 : memref<632x16xf32, #tpu.memory_space<hbm>>)
      tpu.yield
    }) : () -> ()
    return
  }
}

module attributes {stable_mosaic.version = 14 : i64} {
  func.func @body(%arg0: i32, %arg1: memref<1x1024x128xf32, #tpu.memory_space<vmem>>, %arg2: memref<1x1024x128xf32, #tpu.memory_space<vmem>>, %arg3: memref<1x1024x16xf32, #tpu.memory_space<vmem>>, %arg4: memref<1x1024x16xf32, #tpu.memory_space<vmem>>, %arg5: memref<1024x128xf32, #tpu.memory_space<vmem>>, %arg6: memref<256x256xf32, #tpu.memory_space<vmem>>, %arg7: memref<1x256xf32, #tpu.memory_space<vmem>>, %arg8: memref<256x256xf32, #tpu.memory_space<vmem>>, %arg9: memref<1x128xf32, #tpu.memory_space<vmem>>, %arg10: memref<1x128xf32, #tpu.memory_space<vmem>>, %arg11: memref<1x128xf32, #tpu.memory_space<vmem>>, %arg12: memref<1024x128xf32, #tpu.memory_space<vmem>>, %arg13: memref<1024x128xf32, #tpu.memory_space<vmem>>, %arg14: memref<16x1024xf32, #tpu.memory_space<vmem>>) attributes {dimension_semantics = [#tpu.dimension_semantics<arbitrary>], iteration_bounds = array<i64: 10>, scalar_prefetch = 0 : i64, scratch_operands = 0 : i64, tpu.core_type = #tpu.core_type<tc>, window_params = [{transform_indices = @transform_0, window_bounds = array<i64: 1, 1024, 128>}, {transform_indices = @transform_1, window_bounds = array<i64: 1, 1024, 128>}, {transform_indices = @transform_2, window_bounds = array<i64: 1, 1024, 16>}, {transform_indices = @transform_3, window_bounds = array<i64: 1, 1024, 16>}, {transform_indices = @transform_4, window_bounds = array<i64: 1024, 128>}, {pipeline_mode = #tpu.pipeline_mode<synchronous>, transform_indices = @transform_5, window_bounds = array<i64: 256, 256>}, {pipeline_mode = #tpu.pipeline_mode<synchronous>, transform_indices = @transform_6, window_bounds = array<i64: 1, 256>}, {pipeline_mode = #tpu.pipeline_mode<synchronous>, transform_indices = @transform_7, window_bounds = array<i64: 256, 256>}, {pipeline_mode = #tpu.pipeline_mode<synchronous>, transform_indices = @transform_8, window_bounds = array<i64: 1, 128>}, {pipeline_mode = #tpu.pipeline_mode<synchronous>, transform_indices = @transform_9, window_bounds = array<i64: 1, 128>}, {pipeline_mode = #tpu.pipeline_mode<synchronous>, transform_indices = @transform_10, window_bounds = array<i64: 1, 128>}, {transform_indices = @transform_11, window_bounds = array<i64: 1024, 128>}, {transform_indices = @transform_12, window_bounds = array<i64: 1024, 128>}, {transform_indices = @transform_13, window_bounds = array<i64: 16, 1024>}]} {
    %get3A = arith.constant 0 : index
    %get3A_0 = arith.constant 0 : index
    %get3A_1 = arith.constant 0 : index
    %get3A_2 = vector.load %arg1[%get3A, %get3A_0, %get3A_1] : memref<1x1024x128xf32, #tpu.memory_space<vmem>>, vector<1x1024x128xf32>
    %get3A_3 = vector.shape_cast %get3A_2 : vector<1x1024x128xf32> to vector<1024x128xf32>
    %get3A_4 = arith.constant 0 : index
    %get3A_5 = arith.constant 0 : index
    %get3A_6 = arith.constant 0 : index
    %get3A_7 = vector.load %arg2[%get3A_4, %get3A_5, %get3A_6] : memref<1x1024x128xf32, #tpu.memory_space<vmem>>, vector<1x1024x128xf32>
    %get3A_8 = vector.shape_cast %get3A_7 : vector<1x1024x128xf32> to vector<1024x128xf32>
    %add3A = arith.addf %get3A_3, %get3A_8 : vector<1024x128xf32>
    %get3A_9 = arith.constant 0 : index
    %get3A_10 = arith.constant 0 : index
    %get3A_11 = arith.constant 0 : index
    %get3A_12 = vector.load %arg3[%get3A_9, %get3A_10, %get3A_11] : memref<1x1024x16xf32, #tpu.memory_space<vmem>>, vector<1x1024x1xf32>
    %get3A_13 = vector.shape_cast %get3A_12 : vector<1x1024x1xf32> to vector<1024x1xf32>
    %get3A_14 = arith.constant 0 : index
    %get3A_15 = arith.constant 0 : index
    %get3A_16 = arith.constant 0 : index
    %get3A_17 = vector.load %arg4[%get3A_14, %get3A_15, %get3A_16] : memref<1x1024x16xf32, #tpu.memory_space<vmem>>, vector<1x1024x1xf32>
    %get3A_18 = vector.shape_cast %get3A_17 : vector<1x1024x1xf32> to vector<1024x1xf32>
    %add3A_19 = arith.addf %get3A_13, %get3A_18 : vector<1024x1xf32>
    %max3A = arith.constant 1.000000e+00 : f32
    %max3A_20 = vector.broadcast %max3A : f32 to vector<1024x1xf32>
    %max3A_21 = arith.maximumf %add3A_19, %max3A_20 : vector<1024x1xf32>
    %div3A = vector.broadcast %max3A_21 : vector<1024x1xf32> to vector<1024x128xf32>
    %div3A_22 = arith.divf %add3A, %div3A : vector<1024x128xf32>
    %get3A_23 = arith.constant 0 : index
    %get3A_24 = arith.constant 0 : index
    %get3A_25 = vector.load %arg5[%get3A_23, %get3A_24] : memref<1024x128xf32, #tpu.memory_space<vmem>>, vector<1024x128xf32>
    %concatenate3A = tpu.concatenate %div3A_22, %get3A_25 in 1 : vector<1024x128xf32>, vector<1024x128xf32> -> vector<1024x256xf32>
    %get3A_26 = arith.constant 0 : index
    %get3A_27 = arith.constant 0 : index
    %get3A_28 = vector.load %arg6[%get3A_26, %get3A_27] : memref<256x256xf32, #tpu.memory_space<vmem>>, vector<256x256xf32>
    %dot_general3A = arith.constant dense<0.000000e+00> : vector<1024x256xf32>
    %dot_general3A_29 = tpu.matmul %concatenate3A, %get3A_28, %dot_general3A {dimension_numbers = #tpu.dot_dimension_numbers<[1], [0], [0], [1], [0, 0, 1, 1], [], []>, transpose_lhs_hint = false} : vector<1024x256xf32>, vector<256x256xf32>, vector<1024x256xf32> -> vector<1024x256xf32>
    %get3A_30 = arith.constant 0 : index
    %get3A_31 = arith.constant 0 : index
    %get3A_32 = vector.load %arg7[%get3A_30, %get3A_31] : memref<1x256xf32, #tpu.memory_space<vmem>>, vector<1x256xf32>
    %add3A_33 = vector.broadcast %get3A_32 : vector<1x256xf32> to vector<1024x256xf32>
    %add3A_34 = arith.addf %dot_general3A_29, %add3A_33 : vector<1024x256xf32>
    %max3A_35 = arith.constant 0.000000e+00 : f32
    %max3A_36 = vector.broadcast %max3A_35 : f32 to vector<1024x256xf32>
    %max3A_37 = arith.maximumf %add3A_34, %max3A_36 : vector<1024x256xf32>
    %get3A_38 = arith.constant 0 : index
    %get3A_39 = arith.constant 0 : index
    %get3A_40 = vector.load %arg8[%get3A_38, %get3A_39] : memref<256x256xf32, #tpu.memory_space<vmem>>, vector<256x256xf32>
    %dot_general3A_41 = arith.constant dense<0.000000e+00> : vector<1024x256xf32>
    %dot_general3A_42 = tpu.matmul %max3A_37, %get3A_40, %dot_general3A_41 {dimension_numbers = #tpu.dot_dimension_numbers<[1], [0], [0], [1], [0, 0, 1, 1], [], []>, transpose_lhs_hint = false} : vector<1024x256xf32>, vector<256x256xf32>, vector<1024x256xf32> -> vector<1024x256xf32>
    %slice3A = vector.extract_strided_slice %dot_general3A_42 {offsets = [0, 0], sizes = [1024, 128], strides = [1, 1]} : vector<1024x256xf32> to vector<1024x128xf32>
    %slice3A_43 = vector.extract_strided_slice %dot_general3A_42 {offsets = [0, 128], sizes = [1024, 128], strides = [1, 1]} : vector<1024x256xf32> to vector<1024x128xf32>
    %get3A_44 = arith.constant 0 : index
    %get3A_45 = arith.constant 0 : index
    %get3A_46 = vector.load %arg11[%get3A_44, %get3A_45] : memref<1x128xf32, #tpu.memory_space<vmem>>, vector<1x128xf32>
    %add3A_47 = vector.broadcast %get3A_46 : vector<1x128xf32> to vector<1024x128xf32>
    %add3A_48 = arith.addf %slice3A_43, %add3A_47 : vector<1024x128xf32>
    %swap3A = arith.constant 0 : index
    %swap3A_49 = arith.constant 0 : index
    %swap3A_50 = vector.load %arg13[%swap3A, %swap3A_49] : memref<1024x128xf32, #tpu.memory_space<vmem>>, vector<1024x128xf32>
    tpu.vector_store %arg13[%swap3A, %swap3A_49], %add3A_48 {strides = array<i32>} : memref<1024x128xf32, #tpu.memory_space<vmem>>, vector<1024x128xf32>,
    %get3A_51 = arith.constant 0 : index
    %get3A_52 = arith.constant 0 : index
    %get3A_53 = vector.load %arg9[%get3A_51, %get3A_52] : memref<1x128xf32, #tpu.memory_space<vmem>>, vector<1x128xf32>
    %dot_general3A_54 = arith.constant dense<0.000000e+00> : vector<1x1024xf32>
    %dot_general3A_55 = tpu.matmul %get3A_53, %slice3A, %dot_general3A_54 {dimension_numbers = #tpu.dot_dimension_numbers<[1], [1], [0], [0], [0, 0, 1, 0], [], []>, transpose_lhs_hint = false} : vector<1x128xf32>, vector<1024x128xf32>, vector<1x1024xf32> -> vector<1x1024xf32>
    %get3A_56 = arith.constant 0 : index
    %get3A_57 = arith.constant 0 : index
    %get3A_58 = vector.load %arg10[%get3A_56, %get3A_57] : memref<1x128xf32, #tpu.memory_space<vmem>>, vector<1x128xf32>
    %dot_general3A_59 = arith.constant dense<0.000000e+00> : vector<1x1024xf32>
    %dot_general3A_60 = tpu.matmul %get3A_58, %slice3A, %dot_general3A_59 {dimension_numbers = #tpu.dot_dimension_numbers<[1], [1], [0], [0], [0, 0, 1, 0], [], []>, transpose_lhs_hint = false} : vector<1x128xf32>, vector<1024x128xf32>, vector<1x1024xf32> -> vector<1x1024xf32>
    %swap3A_61 = arith.constant 0 : index
    %swap3A_62 = arith.constant 0 : index
    %swap3A_63 = vector.load %arg12[%swap3A_61, %swap3A_62] : memref<1024x128xf32, #tpu.memory_space<vmem>>, vector<1024x128xf32>
    tpu.vector_store %arg12[%swap3A_61, %swap3A_62], %slice3A {strides = array<i32>} : memref<1024x128xf32, #tpu.memory_space<vmem>>, vector<1024x128xf32>,
    %broadcast_in_dim3A = arith.constant 0.000000e+00 : f32
    %broadcast_in_dim3A_64 = vector.broadcast %broadcast_in_dim3A : f32 to vector<14x1024xf32>
    %concatenate3A_65 = tpu.concatenate %dot_general3A_55, %dot_general3A_60, %broadcast_in_dim3A_64 in 0 : vector<1x1024xf32>, vector<1x1024xf32>, vector<14x1024xf32> -> vector<16x1024xf32>
    %swap3A_66 = arith.constant 0 : index
    %swap3A_67 = arith.constant 0 : index
    %swap3A_68 = vector.load %arg14[%swap3A_66, %swap3A_67] : memref<16x1024xf32, #tpu.memory_space<vmem>>, vector<16x1024xf32>
    tpu.vector_store %arg14[%swap3A_66, %swap3A_67], %concatenate3A_65 {strides = array<i32>} : memref<16x1024xf32, #tpu.memory_space<vmem>>, vector<16x1024xf32>,
    return
  }
  func.func @transform_0(%arg0: i32) -> (i32, i32, i32) {
    %c0_i32 = arith.constant 0 : i32
    %c0_i32_0 = arith.constant 0 : i32
    %c0_i32_1 = arith.constant 0 : i32
    return %c0_i32, %arg0, %c0_i32_0 : i32, i32, i32
  }
  func.func @transform_1(%arg0: i32) -> (i32, i32, i32) {
    %c1_i32 = arith.constant 1 : i32
    %c0_i32 = arith.constant 0 : i32
    %c0_i32_0 = arith.constant 0 : i32
    return %c1_i32, %arg0, %c0_i32 : i32, i32, i32
  }
  func.func @transform_2(%arg0: i32) -> (i32, i32, i32) {
    %c0_i32 = arith.constant 0 : i32
    %c0_i32_0 = arith.constant 0 : i32
    %c0_i32_1 = arith.constant 0 : i32
    return %c0_i32, %arg0, %c0_i32_0 : i32, i32, i32
  }
  func.func @transform_3(%arg0: i32) -> (i32, i32, i32) {
    %c1_i32 = arith.constant 1 : i32
    %c0_i32 = arith.constant 0 : i32
    %c0_i32_0 = arith.constant 0 : i32
    return %c1_i32, %arg0, %c0_i32 : i32, i32, i32
  }
  func.func @transform_4(%arg0: i32) -> (i32, i32) {
    %c0_i32 = arith.constant 0 : i32
    %c0_i32_0 = arith.constant 0 : i32
    return %arg0, %c0_i32 : i32, i32
  }
  func.func @transform_5(%arg0: i32) -> (i32, i32) {
    %c0_i32 = arith.constant 0 : i32
    %c0_i32_0 = arith.constant 0 : i32
    %c0_i32_1 = arith.constant 0 : i32
    return %c0_i32, %c0_i32_0 : i32, i32
  }
  func.func @transform_6(%arg0: i32) -> (i32, i32) {
    %c0_i32 = arith.constant 0 : i32
    %c0_i32_0 = arith.constant 0 : i32
    %c0_i32_1 = arith.constant 0 : i32
    return %c0_i32, %c0_i32_0 : i32, i32
  }
  func.func @transform_7(%arg0: i32) -> (i32, i32) {
    %c0_i32 = arith.constant 0 : i32
    %c0_i32_0 = arith.constant 0 : i32
    %c0_i32_1 = arith.constant 0 : i32
    return %c0_i32, %c0_i32_0 : i32, i32
  }
  func.func @transform_8(%arg0: i32) -> (i32, i32) {
    %c0_i32 = arith.constant 0 : i32
    %c0_i32_0 = arith.constant 0 : i32
    %c0_i32_1 = arith.constant 0 : i32
    return %c0_i32, %c0_i32_0 : i32, i32
  }
  func.func @transform_9(%arg0: i32) -> (i32, i32) {
    %c0_i32 = arith.constant 0 : i32
    %c0_i32_0 = arith.constant 0 : i32
    %c0_i32_1 = arith.constant 0 : i32
    return %c0_i32, %c0_i32_0 : i32, i32
  }
  func.func @transform_10(%arg0: i32) -> (i32, i32) {
    %c0_i32 = arith.constant 0 : i32
    %c0_i32_0 = arith.constant 0 : i32
    %c0_i32_1 = arith.constant 0 : i32
    return %c0_i32, %c0_i32_0 : i32, i32
  }
  func.func @transform_11(%arg0: i32) -> (i32, i32) {
    %c0_i32 = arith.constant 0 : i32
    %c0_i32_0 = arith.constant 0 : i32
    return %arg0, %c0_i32 : i32, i32
  }
  func.func @transform_12(%arg0: i32) -> (i32, i32) {
    %c0_i32 = arith.constant 0 : i32
    %c0_i32_0 = arith.constant 0 : i32
    return %arg0, %c0_i32 : i32, i32
  }
  func.func @transform_13(%arg0: i32) -> (i32, i32) {
    %c0_i32 = arith.constant 0 : i32
    %c0_i32_0 = arith.constant 0 : i32
    return %c0_i32, %arg0 : i32, i32
  }
}

module attributes {stable_mosaic.version = 14 : i64} {
  func.func @body(%arg0: i32, %arg1: memref<1x1024x128xf32, #tpu.memory_space<vmem>>, %arg2: memref<1x1024x128xf32, #tpu.memory_space<vmem>>, %arg3: memref<1x1024x16xf32, #tpu.memory_space<vmem>>, %arg4: memref<1x1024x16xf32, #tpu.memory_space<vmem>>, %arg5: memref<1024x128xf32, #tpu.memory_space<vmem>>, %arg6: memref<1x128xf32, #tpu.memory_space<vmem>>, %arg7: memref<1024x128xf32, #tpu.memory_space<vmem>>) attributes {dimension_semantics = [#tpu.dimension_semantics<arbitrary>], iteration_bounds = array<i64: 10>, scalar_prefetch = 0 : i64, scratch_operands = 0 : i64, tpu.core_type = #tpu.core_type<tc>, window_params = [{transform_indices = @transform_0, window_bounds = array<i64: 1, 1024, 128>}, {transform_indices = @transform_1, window_bounds = array<i64: 1, 1024, 128>}, {transform_indices = @transform_2, window_bounds = array<i64: 1, 1024, 16>}, {transform_indices = @transform_3, window_bounds = array<i64: 1, 1024, 16>}, {transform_indices = @transform_4, window_bounds = array<i64: 1024, 128>}, {pipeline_mode = #tpu.pipeline_mode<synchronous>, transform_indices = @transform_5, window_bounds = array<i64: 1, 128>}, {transform_indices = @transform_6, window_bounds = array<i64: 1024, 128>}]} {
    %get3A = arith.constant 0 : index
    %get3A_0 = arith.constant 0 : index
    %get3A_1 = arith.constant 0 : index
    %get3A_2 = vector.load %arg1[%get3A, %get3A_0, %get3A_1] : memref<1x1024x128xf32, #tpu.memory_space<vmem>>, vector<1x1024x128xf32>
    %get3A_3 = vector.shape_cast %get3A_2 : vector<1x1024x128xf32> to vector<1024x128xf32>
    %get3A_4 = arith.constant 0 : index
    %get3A_5 = arith.constant 0 : index
    %get3A_6 = arith.constant 0 : index
    %get3A_7 = vector.load %arg2[%get3A_4, %get3A_5, %get3A_6] : memref<1x1024x128xf32, #tpu.memory_space<vmem>>, vector<1x1024x128xf32>
    %get3A_8 = vector.shape_cast %get3A_7 : vector<1x1024x128xf32> to vector<1024x128xf32>
    %add3A = arith.addf %get3A_3, %get3A_8 : vector<1024x128xf32>
    %get3A_9 = arith.constant 0 : index
    %get3A_10 = arith.constant 0 : index
    %get3A_11 = arith.constant 0 : index
    %get3A_12 = vector.load %arg3[%get3A_9, %get3A_10, %get3A_11] : memref<1x1024x16xf32, #tpu.memory_space<vmem>>, vector<1x1024x1xf32>
    %get3A_13 = vector.shape_cast %get3A_12 : vector<1x1024x1xf32> to vector<1024x1xf32>
    %get3A_14 = arith.constant 0 : index
    %get3A_15 = arith.constant 0 : index
    %get3A_16 = arith.constant 0 : index
    %get3A_17 = vector.load %arg4[%get3A_14, %get3A_15, %get3A_16] : memref<1x1024x16xf32, #tpu.memory_space<vmem>>, vector<1x1024x1xf32>
    %get3A_18 = vector.shape_cast %get3A_17 : vector<1x1024x1xf32> to vector<1024x1xf32>
    %add3A_19 = arith.addf %get3A_13, %get3A_18 : vector<1024x1xf32>
    %max3A = arith.constant 1.000000e-16 : f32
    %max3A_20 = vector.broadcast %max3A : f32 to vector<1024x1xf32>
    %max3A_21 = arith.maximumf %add3A_19, %max3A_20 : vector<1024x1xf32>
    %div3A = vector.broadcast %max3A_21 : vector<1024x1xf32> to vector<1024x128xf32>
    %div3A_22 = arith.divf %add3A, %div3A : vector<1024x128xf32>
    %get3A_23 = arith.constant 0 : index
    %get3A_24 = arith.constant 0 : index
    %get3A_25 = vector.load %arg6[%get3A_23, %get3A_24] : memref<1x128xf32, #tpu.memory_space<vmem>>, vector<1x128xf32>
    %add3A_26 = vector.broadcast %get3A_25 : vector<1x128xf32> to vector<1024x128xf32>
    %add3A_27 = arith.addf %div3A_22, %add3A_26 : vector<1024x128xf32>
    %get3A_28 = arith.constant 0 : index
    %get3A_29 = arith.constant 0 : index
    %get3A_30 = vector.load %arg5[%get3A_28, %get3A_29] : memref<1024x128xf32, #tpu.memory_space<vmem>>, vector<1024x128xf32>
    %add3A_31 = arith.addf %add3A_27, %get3A_30 : vector<1024x128xf32>
    %swap3A = arith.constant 0 : index
    %swap3A_32 = arith.constant 0 : index
    %swap3A_33 = vector.load %arg7[%swap3A, %swap3A_32] : memref<1024x128xf32, #tpu.memory_space<vmem>>, vector<1024x128xf32>
    tpu.vector_store %arg7[%swap3A, %swap3A_32], %add3A_31 {strides = array<i32>} : memref<1024x128xf32, #tpu.memory_space<vmem>>, vector<1024x128xf32>,
    return
  }
  func.func @transform_0(%arg0: i32) -> (i32, i32, i32) {
    %c0_i32 = arith.constant 0 : i32
    %c0_i32_0 = arith.constant 0 : i32
    %c0_i32_1 = arith.constant 0 : i32
    return %c0_i32, %arg0, %c0_i32_0 : i32, i32, i32
  }
  func.func @transform_1(%arg0: i32) -> (i32, i32, i32) {
    %c1_i32 = arith.constant 1 : i32
    %c0_i32 = arith.constant 0 : i32
    %c0_i32_0 = arith.constant 0 : i32
    return %c1_i32, %arg0, %c0_i32 : i32, i32, i32
  }
  func.func @transform_2(%arg0: i32) -> (i32, i32, i32) {
    %c0_i32 = arith.constant 0 : i32
    %c0_i32_0 = arith.constant 0 : i32
    %c0_i32_1 = arith.constant 0 : i32
    return %c0_i32, %arg0, %c0_i32_0 : i32, i32, i32
  }
  func.func @transform_3(%arg0: i32) -> (i32, i32, i32) {
    %c1_i32 = arith.constant 1 : i32
    %c0_i32 = arith.constant 0 : i32
    %c0_i32_0 = arith.constant 0 : i32
    return %c1_i32, %arg0, %c0_i32 : i32, i32, i32
  }
  func.func @transform_4(%arg0: i32) -> (i32, i32) {
    %c0_i32 = arith.constant 0 : i32
    %c0_i32_0 = arith.constant 0 : i32
    return %arg0, %c0_i32 : i32, i32
  }
  func.func @transform_5(%arg0: i32) -> (i32, i32) {
    %c0_i32 = arith.constant 0 : i32
    %c0_i32_0 = arith.constant 0 : i32
    %c0_i32_1 = arith.constant 0 : i32
    return %c0_i32, %c0_i32_0 : i32, i32
  }
  func.func @transform_6(%arg0: i32) -> (i32, i32) {
    %c0_i32 = arith.constant 0 : i32
    %c0_i32_0 = arith.constant 0 : i32
    return %arg0, %c0_i32 : i32, i32
  }
}

</mosaic_0001>

<sc_bundles>
// kernel: kernel.6.cloned.1.call-start
scs
__scs_entry_jumppad:
0x0: {  	(pc) =	sbr.rel $0x88, $3  }
0x1: {  	(tag) =	ssettag $0x0;
	lr =	simm.s32 $0x1  }
0x2: {  	[smem:$0x3F96] =	sst lr;
	_ =	strace $0xD0000000  }
0x3: {  	_ = 	snop  }
0x4: {  	_ = 	snop  }
0x5: {  	_ = 	snop  }
0x6: {  	_ = 	snop  }
0x7: {  	_ = 	snop  }
__scs_overlays_trampoline_lowered:
0x8: {  	[smem:$0x3FA5] =	sst s0  }
0x9: {  	[smem:$0x3FA6] =	sst s1  }
0xa: {  	[smem:$0x3FA7] =	sst s2  }
0xb: {  	[smem:$0x3FA8] =	sst s3  }
0xc: {  	[smem:$0x3FA9] =	sst s4  }
0xd: {  	[smem:$0x3FAA] =	sst s5  }
0xe: {  	[smem:$0x3FAB] =	sst s6  }
0xf: {  	[smem:$0x3FAC] =	sst s7  }
0x10: {  	[smem:$0x3FAD] =	sst s8  }
0x11: {  	[smem:$0x3FAE] =	sst s9;
	s0 =	simm.s32 @!p0 $0x0  }
0x12: {  	s1 =	sld [smem:$0x3F94];
	s0 =	simm.s32 @p0 $0x1  }
0x13: {  	[smem:$0x3FAF] =	sst s0;
	s0 =	simm.s32 @!p1 $0x0  }
0x14: {  	s2 =	sld [smem:$0x3F93];
	s0 =	simm.s32 @p1 $0x1  }
0x15: {  	[smem:$0x3FB0] =	sst s0;
	s0 =	simm.s32 @!p2 $0x0  }
0x16: {  	s3 =	sld [smem:$0x3FDB];
	s0 =	simm.s32 @p2 $0x1  }
0x17: {  	s4 =	simm.s32 $0x1BF5;
	[smem:$0x3FB2] =	sst s0  }
0x18: {  	s0 =	sld [smem:$0x3F95];
	_ =	swait.ge [sflag:s4], $0x0  }
0x19: {  	s7 =	sld [smem:$0x3F96]  }
0x1a: {  	s8 =	sadd.s32 $0xFFFFE003, lr  }
0x1b: {  	s9 =	sadd.s32 $0xFFFFFEF7, lr;
	s5 =	simm.s32 $0xFFFFFFFF;
	p2 =	slt.u32 s8, $0xFFFFF086  }
0x1c: {  	p1 =	slt.u32 s9, $0xF7A;
	s5 =	simm.s32 @!p2 $0x0  }
0x1d: {  	s5 =	simm.s32 @p1 $0x1;
	p0 =	seq.s32 s7, s2  }
0x1e: {  	s7 =	smul.u32 @!p0 $0xF7A, s2;
	p2 =	seq.s32 @!p0 s5, $0x0  }
0x1f: {  	s9 =	smul.u32 $0xF7A, s1;
	s8 =	simm.s32 @!p0 $0x1BF5;
	p2 =	por !p2, p0  }
0x20: {  	[sflag:s8] =	ssyncset.s32 @!p0 $0xFFFFF086;
	s6 =	sadd.s32 @!p0 s3, s7;
	s7 =	simm.s32 @!p0 $0x108  }
0x21: {  	s3 =	sadd.s32 s3, s9;
	s6 =	sadd.s32 @!p0 $0x88, s6;
	s7 =	simm.s32 @p2 $0x1082  }
0x22: {  	[simem:s7], [sflag:s8] =	dma.local @!p0 [hbm:s6], $0xF7A  }
0x23: {  	s9 =	sor.u32 $0xD0000000, s2;
	s6 =	simm.s32 $0x108;
	_ =	swait.ge @!p0 [sflag:s8], $0x0  }
0x24: {  	s3 =	sadd.s32 $0x88, s3;
	s6 =	simm.s32 @!p1 $0x1082;
	[sflag:s4] =	ssyncset.s32 $0xFFFFF086  }
0x25: {  	[simem:s6], [sflag:s4] =	dma.local [hbm:s3], $0xF7A  }
0x26: {  	[smem:$0x3F96] =	sst s1;
	(tag) =	ssettag s2;
	_ =	strace s9  }
0x27: {  	s1 =	sld [smem:$0x3FA6]  }
0x28: {  	s2 =	sld [smem:$0x3FA7]  }
0x29: {  	s4 =	sld [smem:$0x3FA9]  }
0x2a: {  	p0 =	seq.s32 s5, $0x0;
	s5 =	sld [smem:$0x3FAA]  }
0x2b: {  	s6 =	sld [smem:$0x3FAB]  }
0x2c: {  	s7 =	sld [smem:$0x3FAC]  }
0x2d: {  	s3 =	simm.s32 $0x108;
	s8 =	sld [smem:$0x3FAD]  }
0x2e: {  	s3 =	simm.s32 @!p0 $0x1082;
	s9 =	sld [smem:$0x3FAE]  }
0x2f: {  	lr =	sadd.s32 s0, s3;
	s0 =	sld [smem:$0x3FA5]  }
0x30: {  	s3 =	sld [smem:$0x3FA8]  }
0x31: {  	[smem:$0x3FB1] =	sst s10  }
0x32: {  	s10 =	sld [smem:$0x3FAF];
	_ =	sdelay $0x3  }
0x33: {  	p0 =	seq.s32 s10, $0x1;
	s10 =	sld [smem:$0x3FB1];
	_ =	sdelay $0x3  }
0x34: {  	[smem:$0x3FB1] =	sst s10  }
0x35: {  	s10 =	sld [smem:$0x3FB0];
	_ =	sdelay $0x3  }
0x36: {  	p1 =	seq.s32 s10, $0x1;
	s10 =	sld [smem:$0x3FB1];
	_ =	sdelay $0x3  }
0x37: {  	[smem:$0x3FB1] =	sst s10  }
0x38: {  	s10 =	sld [smem:$0x3FB2]  }
0x39: {  	_ = 	snop;
	(pc) =	sbr.ind lr, $3  }
0x3a: {  	_ = 	snop  }
0x3b: {  	_ = 	snop  }
0x3c: {  	p2 =	seq.s32 s10, $0x1;
	s10 =	sld [smem:$0x3FB1]  }
0x3d: {  	_ =	shalt  }
0x3e: {  	_ =	shalt  }
0x3f: {  	_ =	shalt  }
0x40: {  	_ =	shalt  }
0x41: {  	_ =	shalt  }
0x42: {  	_ =	shalt  }
0x43: {  	_ =	shalt  }
0x44: {  	_ =	shalt  }
0x45: {  	_ =	shalt  }
0x46: {  	_ =	shalt  }
0x47: {  	_ =	shalt  }
0x48: {  	_ =	shalt  }
0x49: {  	_ =	shalt  }
0x4a: {  	_ =	shalt  }
0x4b: {  	_ =	shalt  }
0x4c: {  	_ =	shalt  }
0x4d: {  	_ =	shalt  }
0x4e: {  	_ =	shalt  }
0x4f: {  	_ =	shalt  }
0x50: {  	_ =	shalt  }
0x51: {  	_ =	shalt  }
0x52: {  	_ =	shalt  }
0x53: {  	_ =	shalt  }
0x54: {  	_ =	shalt  }
0x55: {  	_ =	shalt  }
0x56: {  	_ =	shalt  }
0x57: {  	_ =	shalt  }
0x58: {  	_ =	shalt  }
0x59: {  	_ =	shalt  }
0x5a: {  	_ =	shalt  }
0x5b: {  	_ =	shalt  }
0x5c: {  	_ =	shalt  }
0x5d: {  	_ =	shalt  }
0x5e: {  	_ =	shalt  }
0x5f: {  	_ =	shalt  }
0x60: {  	_ =	shalt  }
0x61: {  	_ =	shalt  }
0x62: {  	_ =	shalt  }
0x63: {  	_ =	shalt  }
0x64: {  	_ =	shalt  }
0x65: {  	_ =	shalt  }
0x66: {  	_ =	shalt  }
0x67: {  	_ =	shalt  }
0x68: {  	_ =	shalt  }
0x69: {  	_ =	shalt  }
0x6a: {  	_ =	shalt  }
0x6b: {  	_ =	shalt  }
0x6c: {  	_ =	shalt  }
0x6d: {  	_ =	shalt  }
0x6e: {  	_ =	shalt  }
0x6f: {  	_ =	shalt  }
0x70: {  	_ =	shalt  }
0x71: {  	_ =	shalt  }
0x72: {  	_ =	shalt  }
0x73: {  	_ =	shalt  }
0x74: {  	_ =	shalt  }
0x75: {  	_ =	shalt  }
0x76: {  	_ =	shalt  }
0x77: {  	_ =	shalt  }
0x78: {  	_ =	shalt  }
0x79: {  	_ =	shalt  }
0x7a: {  	_ =	shalt  }
0x7b: {  	_ =	shalt  }
0x7c: {  	_ =	shalt  }
0x7d: {  	_ =	shalt  }
0x7e: {  	_ =	shalt  }
0x7f: {  	_ =	shalt  }
0x80: {  	_ =	shalt  }
0x81: {  	_ =	shalt  }
0x82: {  	_ =	shalt  }
0x83: {  	_ =	shalt  }
0x84: {  	_ =	shalt  }
0x85: {  	_ =	shalt  }
0x86: {  	_ =	shalt  }
0x87: {  	_ =	shalt  }
.Lfunc_end0:
.L_simem_size_0:
called_computation_lowered:
.L_overlay_start_0:
0x88: {  	s2 =	sld [smem:$0x3FD9]  }
0x89: {  	s3 =	sld [smem:$0x3FFE];
	_ =	sdelay $0x1  }
0x8a: {  	s1 =	srdreg.scid  }
0x8b: {  	s0 =	sand.u32 $0x1, s1  }
0x8c: {  	s17 =	sshll.u32 s0, $0xA;
	s2 =	sadd.s32 s3, s2  }
0x8d: {  	s2 =	sadd.s32 s2, s17  }
0x8e: {  	[smem:$0x3FBD] =	sst s2  }
0x8f: {  	_ = 	snop  }
0x90: {  	s2 =	sld [smem:$0x3FC9]  }
0x91: {  	s18 =	sld [smem:$0x3FD0];
	(tm) =	ssettm $0x1  }
0x92: {  	s4 =	sld [smem:$0x3FFB];
	_ =	sdelay $0x3  }
0x93: {  	_ =	strace s4  }
0x94: {  	s4 =	sld [smem:$0x3FFC];
	_ =	sdelay $0x3  }
0x95: {  	_ =	strace s4  }
0x96: {  	s4 =	sld [smem:$0x3FFD];
	_ =	sdelay $0x3  }
0x97: {  	_ =	strace s4  }
0x98: {  	_ =	strace $0x8FFFFFFF  }
0x99: {  	s19 =	sld [smem:$0x3FDB];
	_ =	sdelay $0x1  }
0x9a: {  	s5 =	simm.s32 $_scs_section_size  }
0x9b: {  	s6 =	simm.s32 $_size__tile_overlayer_lowered;
	s7 =	simm.s32 $_tile_overlayer_lowered  }
0x9c: {  	s22 =	simm.s32 $0x1BFF;
	s21 =	sshll.u32 s7, $0x1;
	s4 =	sadd.s32 s5, s19  }
0x9d: {  	s8 =	simm.s32 $0x0;
	s20 =	sshll.u32 s6, $0x1;
	s6 =	sadd.s32 s21, s4  }
0x9e: {  	[timem:s8], [sflag:s22] =	dma.local [hbm:s6], s20  }
0x9f: {  	_ =	swait.ge [sflag:s22], s20  }
0xa0: {  	s5 =	ssub.s32 $0x0, s20;
	[sflag:s22] =	ssyncset.done $0x0  }
0xa1: {  	[sflag:s22] =	ssyncadd.s32 s5;
	_ =	sdelay $0x1  }
0xa2: {  	s23 =	simm.s32 $0x1B8B  }
0xa3: {  	_ =	swait.ge [sflag:s23], $0x1  }
0xa4: {  	[sflag:s23] =	ssyncset.done $0x0  }
0xa5: {  	s25 =	simm.s32 $0x1B8E;
	s24 =	sld [smem:$0x3FFE];
	[sflag:s23] =	ssyncadd.s32 $0xFFFFFFFF  }
0xa6: {  	s26 =	simm.s32 $execute0_lowered;
	[smem:$0x3FD2] =	sst s25  }
0xa7: {  	s6 =	sshll.u32 s26, $0x1;
	_ =	strace $0x80000046;
	[dreg:$0x1] =	wrdreg $0xFFFFFFFF  }
0xa8: {  	s28 =	simm.s32 $_size_execute0_lowered;
	s4 =	sadd.s32 s4, s6;
	[dreg:$0x0] =	wrdreg $0x0  }
0xa9: {  	s6 =	sshll.u32 s28, $0x1;
	[dreg:$0x2] =	wrdreg s4  }
0xaa: {  	[dreg:$0x3] =	wrdreg s6  }
0xab: {  	[dreg:$0x4] =	wrdreg $0xC0  }
0xac: {  	_ =	task [dreg:s8], $0x5FFFF  }
0xad: {  	[dreg:$0x1] =	wrdreg $0xFFFFFFFF  }
0xae: {  	[dreg:$0x0] =	wrdreg $0x60  }
0xaf: {  	[dreg:$0x2] =	wrdreg s2  }
0xb0: {  	[dreg:$0x3] =	wrdreg s24  }
0xb1: {  	[dreg:$0x4] =	wrdreg s18  }
0xb2: {  	[dreg:$0x5] =	wrdreg $0x0  }
0xb3: {  	[dreg:$0x6] =	wrdreg $0x13C000  }
0xb4: {  	[dreg:$0x7] =	wrdreg $0x9  }
0xb5: {  	_ =	task.clear_ibuf [dreg:s8], $0x8FFFF;
	_ =	strace $0x90000046  }
0xb6: {  	s29 =	simm.s32 $0x9;
	_ =	strace $0x80000048  }
0xb7: {  	_ =	swait.ge [sflag:s29], $0x1  }
0xb8: {  	[sflag:s29] =	ssyncadd.s32 $0xFFFFFFFF  }
0xb9: {  	_ =	strace $0x90000048  }
0xba: {  	_ =	sfence  }
0xbb: {  	s30 =	sld [smem:$0x0];
	_ =	sdelay $0x2  }
0xbc: {  	s31 =	sshll.u32 s1, $0xD;
	s1 =	sshrl.u32 s1, $0x2  }
0xbd: {  	s3 =	sand.u32 $0x4000, s31;
	s1 =	sadd.s32 s1, s30  }
0xbe: {  	s0 =	sor.u32 s3, s0;
	s1 =	sshll.u32 s1, $0x11  }
0xbf: {  	s0 =	sor.u32 s1, s0  }
0xc0: {  	s0 =	sadd.s32 $0x8F2B, s0  }
0xc1: {  	[sflag:s0] =	ssyncadd.remote.s32 $0x1  }
0xc2: {  	_ =	sfence.sel $0xFFFF  }
0xc3: {  	[dreg:$0x0] =	wrdreg $0xFFFFFFFF;
	(pc) =	sbr.abs _section_cstart, $3  }
0xc4: {  	[dreg:$0x1] =	wrdreg $0xFFFFFFFF  }
0xc5: {  	_ =	task.clear_ibuf [dreg:s8], $0x2FFFF;
	_ =	strace $0x9FFFFFFF  }
0xc6: {  	(tm) =	ssettm $0x7FFFFFFF  }
0xc7: {  	_ =	shalt  }
tec
execute0_lowered:
.L_overlay_start_1:
0x0: {  	(tag) =	ssettag $0x1  }
0x1: {  	s1 =	rddreg [dreg:$0x0]  }
0x2: {  	s0 =	rddreg [dreg:$0x1]  }
0x3: {  	s2 =	rddreg [dreg:$0x2]  }
0x4: {  	s3 =	rddreg [dreg:$0x3]  }
0x5: {  	s4 =	rddreg [dreg:$0x4]  }
0x6: {  	s5 =	simm.s32 $0x0;
	s17 =	stileid.u32;
	s8 =	srdreg.scid  }
0x7: {  	s28 =	simm.s32 $0x1;
	s29 =	simm.s32 $0x80;
	s6 =	smul.u32 $0x13C00, s17  }
0x8: {  	s30 =	simm.s32 $0x16580;
	s7 =	smul.u32 $0x2780, s17;
	s11 =	sand.u32 $0x1, s8  }
0x9: {  	s31 =	simm.s32 $0x2;
	[smem:$0x7FF] =	sst s5;
	s8 =	smul.u32 $0x27800, s11  }
0xa: {  	s9 =	sadd.s32 $0x3200, s0;
	s18 =	sshll.u32 s17, $0x6;
	s23 =	smul.u32 $0x4F00, s11  }
0xb: {  	_ =	strace $0x80000047;
	s13 =	ssub.s32 $0x2, s11;
	s25 =	smul.u32 $0x27000, s11  }
0xc: {  	s19 =	sshll.u32 s11, $0x4;
	s11 =	smul.u32 $0x4E00, s11;
	s10 =	sshrl.u32 s6, $0x3  }
0xd: {  	s12 =	sshrl.u32 s7, $0x3;
	s16 =	sshrl.u32 s13, $0x1;
	s6 =	sadd.s32 s6, s3  }
0xe: {  	s20 =	sadd.s32 s7, s4;
	s21 =	sor.u32 s17, s19;
	s14 =	sadd.s32 s10, s0  }
0xf: {  	s15 =	sadd.s32 s12, s0;
	s0 =	sadd.s32 s8, s0;
	[dreg:$0x6] =	wrdreg s6  }
0x10: {  	s13 =	ssub.s32 s13, s16;
	s8 =	sor.u32 $0x1C09, s18;
	[dreg:$0x8] =	wrdreg s20  }
0x11: {  	s7 =	smin.u32 s21, $0x2;
	p0 =	slt.u32 s21, $0x2;
	s2 =	sadd.s32 s2, s23  }
0x12: {  	s20 =	smul.u32 $0x4E0, s17;
	s11 =	sadd.s32 s11, s9;
	s16 =	sadd.s32 $0x1BC00, s14  }
0x13: {  	s22 =	sadd.s32 $0x16C00, s15;
	s14 =	smul.u32 $0x27, s21;
	s15 =	simm.s32 $0x27  }
0x14: {  	s0 =	sadd.s32 $0x43400, s0;
	s13 =	smax.u32 s13, $0x1;
	[dreg:$0x7] =	wrdreg s16  }
0x15: {  	s21 =	sshll.u32 s7, $0x8;
	[dreg:$0x9] =	wrdreg s22;
	s15 =	simm.s32 @!p0 $0x26  }
0x16: {  	[dreg:$0xb] =	wrdreg s13;
	s16 =	smul.u32 $0x2700, s17;
	s11 =	sadd.s32 s20, s11  }
0x17: {  	s20 =	simm.s32 $0x9;
	s0 =	sadd.s32 s10, s0;
	s10 =	simm.s32 $0x7  }
0x18: {  	s14 =	sadd.s32 s7, s14;
	[dreg:$0xa] =	wrdreg s15;
	s7 =	sshll.u32 s7, $0x5  }
0x19: {  	[dreg:$0x12] =	wrdreg s0;
	s0 =	simm.s32 $0x1A580;
	s15 =	simm.s32 $0x0  }
0x1a: {  	s24 =	sshll.u32 s14, $0x5;
	s6 =	sadd.s32 s16, s25;
	s7 =	sadd.s32 s7, s11  }
0x1b: {  	s14 =	simm.s32 $0x8;
	s26 =	sadd.s32 s9, s24;
	s6 =	sadd.s32 s21, s6  }
0x1c: {  	s17 =	sadd.s32 $0x30, s7;
	s21 =	simm.s32 $0x16380;
	s7 =	simm.s32 $0x4  }
0x1d: {  	s18 =	sadd.s32 $0x9C40, s26;
	s19 =	sadd.s32 $0x10, s26;
	[dreg:$0xc] =	wrdreg s26  }
0x1e: {  	s22 =	sadd.s32 $0x9C50, s26;
	s23 =	sadd.s32 $0x4E380, s6;
	[dreg:$0xd] =	wrdreg s18  }
0x1f: {  	s6 =	sadd.s32 $0x4E300, s6;
	s26 =	sadd.s32 s12, s2;
	[dreg:$0xe] =	wrdreg s19  }
0x20: {  	s2 =	simm.s32 $0x3;
	s12 =	simm.s32 $0x6;
	[dreg:$0xf] =	wrdreg s22  }
0x21: {  	s24 =	sshrl.u32 s23, $0x3;
	s6 =	sshrl.u32 s6, $0x3;
	s23 =	simm.s32 $0x16480  }
0x22: {  	[dreg:$0x13] =	wrdreg s26;
	s26 =	simm.s32 $0x16500;
	s25 =	sadd.s32 s24, s9  }
0x23: {  	s6 =	sadd.s32 s6, s9;
	s9 =	simm.s32 $0x5;
	[dreg:$0x10] =	wrdreg s25  }
0x24: {  	v0 =	vimm.f32 $1.000000000e+00;
	[dreg:$0x11] =	wrdreg s6;
	s25 =	simm.s32 $0x16400;
	s6 =	simm.s32 $0x1E580  }
.LBB2_1:
0x25: {  	s11 =	rddreg [dreg:$0x6]  }
0x26: {  	s19 =	rddreg [dreg:$0x7];
	s16 =	sshrl.u32 s11, $0x3  }
0x27: {  	[spmem:s16], [sflag:s8] =	dma.local [hbm:s19], $0x2780  }
0x28: {  	_ =	swait.ge [sflag:s20], $0x2780  }
0x29: {  	[sflag:s20] =	ssyncset.done $0x0;
	s22 =	rddreg [dreg:$0x8]  }
0x2a: {  	s24 =	rddreg [dreg:$0x9];
	[sflag:s20] =	ssyncadd.s32 $0xFFFFD880;
	s22 =	sshrl.u32 s22, $0x3  }
0x2b: {  	[spmem:s22], [sflag:s8] =	dma.local [hbm:s24], $0x4F0  }
0x2c: {  	_ =	swait.ge [sflag:s20], $0x4F0  }
0x2d: {  	[sflag:s20] =	ssyncset.done $0x0  }
0x2e: {  	s13 =	simm.s32 $0x0;
	s11 =	simm.s32 $0x40;
	[sflag:s20] =	ssyncadd.s32 $0xFFFFFB10  }
.LBB2_2:
0x2f: {  	p0 =	sne.s32 s11, $0x1FC0;
	[tilespmem:s13+$0x1E580] =	vst v0;
	s13 =	smov.u32 s11;
	s11 =	sadd.s32 $0x40, s11  }
.Ltmp0:
0x30: {  	(pc) =	sbr.rel @p0 .LBB2_2-.Ltmp0, $2  }
0x31: {  	_ =	sdelay $0x2  }
0x32: {  	s13 =	sshra.s32 s13, $0x2  }
0x33: {  	[tilespmem:s13+$0x1E580] =	vst v0  }
0x34: {  	[bflag:$0x0] =	sbarrier.arrive $0xFFFF  }
0x35: {  	s11 =	rddreg [dreg:$0xc]  }
0x36: {  	[tilespmem:s21], [sflag:$0x1] =	stream.linear.gather [hbm4b:s11+s5], $0x80, $0x38;
	[tilespmem:$0x1ED80] =	vst v63  }
0x37: {  	s24 =	rddreg [dreg:$0xd]  }
0x38: {  	[tilespmem:s23], [sflag:$0x1] =	stream.linear.gather [hbm4b:s24+s5], $0x80, $0x38;
	[tilespmem:$0x1ED80] =	vst v63  }
0x39: {  	s13 =	rddreg [dreg:$0xe]  }
0x3a: {  	[tilespmem:s25], [sflag:$0x2] =	stream.linear.gather [hbm4b:s13+s5], $0x80, $0x38;
	[tilespmem:$0x1ED80] =	vst v63  }
0x3b: {  	s18 =	rddreg [dreg:$0xf]  }
0x3c: {  	[tilespmem:s26], [sflag:$0x2] =	stream.linear.gather [hbm4b:s18+s5], $0x80, $0x38;
	[tilespmem:$0x1ED80] =	vst v63  }
0x3d: {  	_ =	swait.ge [sflag:s28], $0x80  }
0x3e: {  	[sflag:s28] =	ssyncset.done $0x0  }
0x3f: {  	[sflag:s28] =	ssyncadd.s32 $0xFFFFFF80  }
0x40: {  	_ =	swait.ge [sflag:s28], $0x80  }
0x41: {  	[sflag:s28] =	ssyncset.done $0x0  }
0x42: {  	[sflag:s28] =	ssyncadd.s32 $0xFFFFFF80  }
0x43: {  	[tilespmem:s30], [sflag:$0x3] =	stream.indirect.gather [hbm4b:s1+s29], $0x80, s21, s29, $0xb8;
	[tilespmem:$0x1ED80] =	vst v63  }
0x44: {  	_ =	swait.ge [sflag:s31], $0x80  }
0x45: {  	[sflag:s31] =	ssyncset.done $0x0  }
0x46: {  	[sflag:s31] =	ssyncadd.s32 $0xFFFFFF80  }
0x47: {  	_ =	swait.ge [sflag:s31], $0x80  }
0x48: {  	[sflag:s31] =	ssyncset.done $0x0  }
0x49: {  	[sflag:s31] =	ssyncadd.s32 $0xFFFFFF80  }
0x4a: {  	[tilespmem:s0], [sflag:$0x4] =	stream.indirect.gather [hbm4b:s1+s29], $0x80, s25, s29, $0xb8;
	[tilespmem:$0x1ED80] =	vst v63  }
0x4b: {  	_ =	swait.ge [sflag:s2], $0x4000  }
0x4c: {  	[sflag:s2] =	ssyncset.done $0x0  }
0x4d: {  	[sflag:s2] =	ssyncadd.s32 $0xFFFFC000  }
0x4e: {  	[spmem:s3] =	stream.indirect.scatter.add.f32 [tilespmem:s30], [sflag:$0x5], $0x80, s23, s29, $0xb8;
	[tilespmem:$0x1ED80] =	vst v63  }
0x4f: {  	_ = 	snop  }
0x50: {  	[spmem:s4] =	stream.indirect.scatter.add.f32 [tilespmem:s6], [sflag:$0x7], $0x10, s23, s29, $0xb8;
	[tilespmem:$0x1ED80] =	vst v63  }
0x51: {  	_ =	swait.ge [sflag:s7], $0x4000  }
0x52: {  	[sflag:s7] =	ssyncset.done $0x0  }
0x53: {  	[sflag:s7] =	ssyncadd.s32 $0xFFFFC000  }
0x54: {  	[spmem:s3] =	stream.indirect.scatter.add.f32 [tilespmem:s0], [sflag:$0x6], $0x80, s26, s29, $0xb8;
	[tilespmem:$0x1ED80] =	vst v63  }
0x55: {  	_ = 	snop  }
0x56: {  	[spmem:s4] =	stream.indirect.scatter.add.f32 [tilespmem:s6], [sflag:$0x8], $0x10, s26, s29, $0xb8;
	[tilespmem:$0x1ED80] =	vst v63  }
0x57: {  	_ =	swait.ge [sflag:s9], $0x4000  }
0x58: {  	[sflag:s9] =	ssyncset.done $0x0  }
0x59: {  	[sflag:s9] =	ssyncadd.s32 $0xFFFFC000  }
0x5a: {  	_ =	swait.ge [sflag:s10], $0x800  }
0x5b: {  	[sflag:s10] =	ssyncset.done $0x0  }
0x5c: {  	s19 =	sadd.s32 $0xFFFFFFF0, s17;
	[sflag:s10] =	ssyncadd.s32 $0xFFFFF800  }
0x5d: {  	[tilespmem:s21], [sflag:$0x1] =	stream.linear.gather [hbm4b:s19+s5], $0x80, $0x38;
	[tilespmem:$0x1ED80] =	vst v63  }
0x5e: {  	s19 =	rddreg [dreg:$0x11]  }
0x5f: {  	[tilespmem:s23], [sflag:$0x1] =	stream.linear.gather [hbm4b:s19+s5], $0x80, $0x38;
	[tilespmem:$0x1ED80] =	vst v63  }
0x60: {  	_ =	swait.ge [sflag:s12], $0x4000  }
0x61: {  	[sflag:s12] =	ssyncset.done $0x0  }
0x62: {  	[sflag:s12] =	ssyncadd.s32 $0xFFFFC000  }
0x63: {  	_ =	swait.ge [sflag:s14], $0x800  }
0x64: {  	[sflag:s14] =	ssyncset.done $0x0  }
0x65: {  	[sflag:s14] =	ssyncadd.s32 $0xFFFFF800  }
0x66: {  	[tilespmem:s25], [sflag:$0x2] =	stream.linear.gather [hbm4b:s17+s5], $0x80, $0x38;
	[tilespmem:$0x1ED80] =	vst v63  }
0x67: {  	s18 =	rddreg [dreg:$0x10]  }
0x68: {  	[tilespmem:s26], [sflag:$0x2] =	stream.linear.gather [hbm4b:s18+s5], $0x80, $0x38;
	[tilespmem:$0x1ED80] =	vst v63  }
0x69: {  	_ =	swait.ge [sflag:s28], $0x80  }
0x6a: {  	[sflag:s28] =	ssyncset.done $0x0  }
0x6b: {  	[sflag:s28] =	ssyncadd.s32 $0xFFFFFF80  }
0x6c: {  	_ =	swait.ge [sflag:s28], $0x80  }
0x6d: {  	[sflag:s28] =	ssyncset.done $0x0  }
0x6e: {  	[sflag:s28] =	ssyncadd.s32 $0xFFFFFF80  }
0x6f: {  	[tilespmem:s30], [sflag:$0x3] =	stream.indirect.gather [hbm4b:s1+s29], $0x80, s21, s29, $0xb8;
	[tilespmem:$0x1ED80] =	vst v63  }
0x70: {  	_ =	swait.ge [sflag:s31], $0x80  }
0x71: {  	[sflag:s31] =	ssyncset.done $0x0  }
0x72: {  	[sflag:s31] =	ssyncadd.s32 $0xFFFFFF80  }
0x73: {  	_ =	swait.ge [sflag:s31], $0x80  }
0x74: {  	[sflag:s31] =	ssyncset.done $0x0  }
0x75: {  	[sflag:s31] =	ssyncadd.s32 $0xFFFFFF80  }
0x76: {  	[tilespmem:s0], [sflag:$0x4] =	stream.indirect.gather [hbm4b:s1+s29], $0x80, s25, s29, $0xb8;
	[tilespmem:$0x1ED80] =	vst v63  }
0x77: {  	_ =	swait.ge [sflag:s2], $0x4000  }
0x78: {  	[sflag:s2] =	ssyncset.done $0x0  }
0x79: {  	[sflag:s2] =	ssyncadd.s32 $0xFFFFC000  }
0x7a: {  	[spmem:s3] =	stream.indirect.scatter.add.f32 [tilespmem:s30], [sflag:$0x5], $0x80, s23, s29, $0xb8;
	[tilespmem:$0x1ED80] =	vst v63  }
0x7b: {  	_ = 	snop  }
0x7c: {  	[spmem:s4] =	stream.indirect.scatter.add.f32 [tilespmem:s6], [sflag:$0x7], $0x10, s23, s29, $0xb8;
	[tilespmem:$0x1ED80] =	vst v63  }
0x7d: {  	_ =	swait.ge [sflag:s7], $0x4000  }
0x7e: {  	s24 =	rddreg [dreg:$0xa]  }
0x7f: {  	p0 =	sne.s32 s24, $0x1  }
.Ltmp1:
0x80: {  	_ = 	snop;
	(pc) =	sbr.rel @!p0 .LBB2_5-.Ltmp1, $4  }
0x81: {  	_ = 	snop  }
0x82: {  	s11 =	sadd.s32 $0x20, s18;
	s18 =	sadd.s32 $0x20, s19;
	[sflag:s7] =	ssyncset.done $0x0  }
0x83: {  	[sflag:s7] =	ssyncadd.s32 $0xFFFFC000;
	s13 =	sadd.s32 $0xFFFFFFFF, s24;
	s24 =	sadd.s32 $0x20, s17  }
0x84: {  	[spmem:s3] =	stream.indirect.scatter.add.f32 [tilespmem:s0], [sflag:$0x6], $0x80, s26, s29, $0xb8;
	[tilespmem:$0x1ED80] =	vst v63  }
.LBB2_4:
0x85: {  	[spmem:s4] =	stream.indirect.scatter.add.f32 [tilespmem:s6], [sflag:$0x8], $0x10, s26, s29, $0xb8;
	[tilespmem:$0x1ED80] =	vst v63  }
0x86: {  	p0 =	sne.s32 s13, $0x1;
	s13 =	sadd.s32 $0xFFFFFFFF, s13;
	_ =	swait.ge [sflag:s9], $0x4000  }
0x87: {  	[sflag:s9] =	ssyncset.done $0x0  }
0x88: {  	[sflag:s9] =	ssyncadd.s32 $0xFFFFC000  }
0x89: {  	_ =	swait.ge [sflag:s10], $0x800  }
0x8a: {  	[sflag:s10] =	ssyncset.done $0x0  }
0x8b: {  	s19 =	sadd.s32 $0xFFFFFFF0, s24;
	[sflag:s10] =	ssyncadd.s32 $0xFFFFF800  }
0x8c: {  	[tilespmem:s21], [sflag:$0x1] =	stream.linear.gather [hbm4b:s19+s5], $0x80, $0x38;
	[tilespmem:$0x1ED80] =	vst v63  }
0x8d: {  	_ = 	snop  }
0x8e: {  	[tilespmem:s23], [sflag:$0x1] =	stream.linear.gather [hbm4b:s18+s5], $0x80, $0x38;
	[tilespmem:$0x1ED80] =	vst v63  }
0x8f: {  	_ =	swait.ge [sflag:s12], $0x4000  }
0x90: {  	[sflag:s12] =	ssyncset.done $0x0  }
0x91: {  	[sflag:s12] =	ssyncadd.s32 $0xFFFFC000  }
0x92: {  	_ =	swait.ge [sflag:s14], $0x800  }
0x93: {  	[sflag:s14] =	ssyncset.done $0x0  }
0x94: {  	[sflag:s14] =	ssyncadd.s32 $0xFFFFF800  }
0x95: {  	[tilespmem:s25], [sflag:$0x2] =	stream.linear.gather [hbm4b:s24+s5], $0x80, $0x38;
	[tilespmem:$0x1ED80] =	vst v63  }
0x96: {  	_ = 	snop  }
0x97: {  	[tilespmem:s26], [sflag:$0x2] =	stream.linear.gather [hbm4b:s11+s5], $0x80, $0x38;
	[tilespmem:$0x1ED80] =	vst v63  }
0x98: {  	_ =	swait.ge [sflag:s28], $0x80  }
0x99: {  	[sflag:s28] =	ssyncset.done $0x0  }
0x9a: {  	[sflag:s28] =	ssyncadd.s32 $0xFFFFFF80  }
0x9b: {  	_ =	swait.ge [sflag:s28], $0x80  }
0x9c: {  	[sflag:s28] =	ssyncset.done $0x0  }
0x9d: {  	[sflag:s28] =	ssyncadd.s32 $0xFFFFFF80  }
0x9e: {  	[tilespmem:s30], [sflag:$0x3] =	stream.indirect.gather [hbm4b:s1+s29], $0x80, s21, s29, $0xb8;
	[tilespmem:$0x1ED80] =	vst v63  }
0x9f: {  	_ =	swait.ge [sflag:s31], $0x80  }
0xa0: {  	[sflag:s31] =	ssyncset.done $0x0  }
0xa1: {  	[sflag:s31] =	ssyncadd.s32 $0xFFFFFF80  }
0xa2: {  	_ =	swait.ge [sflag:s31], $0x80  }
0xa3: {  	[sflag:s31] =	ssyncset.done $0x0  }
0xa4: {  	[sflag:s31] =	ssyncadd.s32 $0xFFFFFF80  }
0xa5: {  	[tilespmem:s0], [sflag:$0x4] =	stream.indirect.gather [hbm4b:s1+s29], $0x80, s25, s29, $0xb8;
	[tilespmem:$0x1ED80] =	vst v63  }
0xa6: {  	_ =	swait.ge [sflag:s2], $0x4000  }
0xa7: {  	[sflag:s2] =	ssyncset.done $0x0  }
0xa8: {  	[sflag:s2] =	ssyncadd.s32 $0xFFFFC000  }
0xa9: {  	[spmem:s3] =	stream.indirect.scatter.add.f32 [tilespmem:s30], [sflag:$0x5], $0x80, s23, s29, $0xb8;
	[tilespmem:$0x1ED80] =	vst v63  }
0xaa: {  	_ = 	snop  }
0xab: {  	[spmem:s4] =	stream.indirect.scatter.add.f32 [tilespmem:s6], [sflag:$0x7], $0x10, s23, s29, $0xb8;
	[tilespmem:$0x1ED80] =	vst v63  }
.Ltmp2:
0xac: {  	_ =	swait.ge [sflag:s7], $0x4000;
	(pc) =	sbr.rel @p0 .LBB2_4-.Ltmp2, $4  }
0xad: {  	[sflag:s7] =	ssyncset.done $0x0  }
0xae: {  	[sflag:s7] =	ssyncadd.s32 $0xFFFFC000  }
0xaf: {  	[spmem:s3] =	stream.indirect.scatter.add.f32 [tilespmem:s0], [sflag:$0x6], $0x80, s26, s29, $0xb8;
	[tilespmem:$0x1ED80] =	vst v63  }
0xb0: {  	s18 =	sadd.s32 $0x20, s18;
	s24 =	sadd.s32 $0x20, s24;
	s11 =	sadd.s32 $0x20, s11  }
.LBB2_5:
0xb1: {  	[spmem:s4] =	stream.indirect.scatter.add.f32 [tilespmem:s6], [sflag:$0x8], $0x10, s26, s29, $0xb8;
	[tilespmem:$0x1ED80] =	vst v63  }
0xb2: {  	_ =	swait.ge [sflag:s9], $0x4000  }
0xb3: {  	[sflag:s9] =	ssyncset.done $0x0  }
0xb4: {  	[sflag:s9] =	ssyncadd.s32 $0xFFFFC000  }
0xb5: {  	_ =	swait.ge [sflag:s10], $0x800  }
0xb6: {  	[sflag:s10] =	ssyncset.done $0x0  }
0xb7: {  	[sflag:s10] =	ssyncadd.s32 $0xFFFFF800  }
0xb8: {  	_ =	swait.ge [sflag:s12], $0x4000  }
0xb9: {  	[sflag:s12] =	ssyncset.done $0x0  }
0xba: {  	[sflag:s12] =	ssyncadd.s32 $0xFFFFC000  }
0xbb: {  	_ =	swait.ge [sflag:s14], $0x800  }
0xbc: {  	[sflag:s14] =	ssyncset.done $0x0  }
0xbd: {  	[sflag:s14] =	ssyncadd.s32 $0xFFFFF800  }
0xbe: {  	[bflag:$0x0] =	sbarrier.arrive $0xFFFF  }
0xbf: {  	s11 =	rddreg [dreg:$0x12]  }
0xc0: {  	[hbm:s11], [sflag:s8] =	dma.local [spmem:s16], $0x2780  }
0xc1: {  	_ =	swait.ge [sflag:s20], $0x2780  }
0xc2: {  	[sflag:s20] =	ssyncset.done $0x0  }
0xc3: {  	s19 =	rddreg [dreg:$0x13];
	[sflag:s20] =	ssyncadd.s32 $0xFFFFD880  }
0xc4: {  	[hbm:s19], [sflag:s8] =	dma.local [spmem:s22], $0x4F0  }
0xc5: {  	_ =	swait.ge [sflag:s20], $0x4F0  }
0xc6: {  	s15 =	sadd.s32 $0x1, s15;
	s24 =	rddreg [dreg:$0xb]  }
0xc7: {  	p0 =	sne.s32 s15, s24  }
.Ltmp3:
0xc8: {  	_ = 	snop;
	(pc) =	sbr.rel @p0 .LBB2_1-.Ltmp3, $3  }
0xc9: {  	_ =	sdelay $0x1  }
0xca: {  	[sflag:s20] =	ssyncset.done $0x0  }
0xcb: {  	[sflag:s20] =	ssyncadd.s32 $0xFFFFFB10  }
0xcc: {  	_ =	sfence.sel $0x180000  }
0xcd: {  	[bflag:$0x0] =	sbarrier.arrive $0xFFFF  }
0xce: {  	_ =	strace $0x90000047  }
0xcf: {  	s0 =	stileid.u32;
	[bflag:$0x2] =	sbarrier.arrive $0xFFFF  }
0xd0: {  	p0 =	sne.s32 s0, $0x0;
	s0 =	rddreg [dreg:$0x5]  }
0xd1: {  	s0 =	sadd.s32 @!p0 $0x100000, s0  }
0xd2: {  	[sflag:s0] =	ssyncadd.tile.s32 @!p0 $0x1;
	_ =	shalt  }
.Lfunc_end2:
_tile_overlayer_lowered:
.L_overlay_start_2:
0xd3: {  	(tag) =	ssettag $0x2  }
0xd4: {  	s0 =	rddreg [dreg:$0x0];
	s2 =	stileid.u32  }
0xd5: {  	s1 =	rddreg [dreg:$0x1];
	p0 =	sne.s32 s2, $0x0  }
0xd6: {  	s3 =	rddreg [dreg:$0x2];
	[bflag:$0x3] =	sbarrier.arrive $0xFFFF;
	s2 =	simm.s32 @!p0 $0x1C09  }
0xd7: {  	[timem:s3], [sflag:s2] =	dma.local @!p0 [hbm:s0], s1  }
0xd8: {  	s0 =	simm.s32 @!p0 $0x9  }
0xd9: {  	_ =	swait.ge @!p0 [sflag:s0], s1  }
0xda: {  	s1 =	ssub.s32 @!p0 $0x0, s1;
	[sflag:s0] =	ssyncset.done @!p0 $0x0  }
0xdb: {  	[sflag:s0] =	ssyncadd.s32 @!p0 s1  }
0xdc: {  	[bflag:$0x3] =	sbarrier.arrive $0xFFFF  }
0xdd: {  	_ =	shalt  }

// kernel: kernel.9.cloned.1.call-start
scs
__scs_entry_jumppad:
0x0: {  	(pc) =	sbr.rel $0x88, $3  }
0x1: {  	(tag) =	ssettag $0x0;
	lr =	simm.s32 $0x1  }
0x2: {  	[smem:$0x3F96] =	sst lr;
	_ =	strace $0xD0000000  }
0x3: {  	_ = 	snop  }
0x4: {  	_ = 	snop  }
0x5: {  	_ = 	snop  }
0x6: {  	_ = 	snop  }
0x7: {  	_ = 	snop  }
__scs_overlays_trampoline_lowered:
0x8: {  	[smem:$0x3FA5] =	sst s0  }
0x9: {  	[smem:$0x3FA6] =	sst s1  }
0xa: {  	[smem:$0x3FA7] =	sst s2  }
0xb: {  	[smem:$0x3FA8] =	sst s3  }
0xc: {  	[smem:$0x3FA9] =	sst s4  }
0xd: {  	[smem:$0x3FAA] =	sst s5  }
0xe: {  	[smem:$0x3FAB] =	sst s6  }
0xf: {  	[smem:$0x3FAC] =	sst s7  }
0x10: {  	[smem:$0x3FAD] =	sst s8  }
0x11: {  	[smem:$0x3FAE] =	sst s9;
	s0 =	simm.s32 @!p0 $0x0  }
0x12: {  	s1 =	sld [smem:$0x3F94];
	s0 =	simm.s32 @p0 $0x1  }
0x13: {  	[smem:$0x3FAF] =	sst s0;
	s0 =	simm.s32 @!p1 $0x0  }
0x14: {  	s2 =	sld [smem:$0x3F93];
	s0 =	simm.s32 @p1 $0x1  }
0x15: {  	[smem:$0x3FB0] =	sst s0;
	s0 =	simm.s32 @!p2 $0x0  }
0x16: {  	s3 =	sld [smem:$0x3FDB];
	s0 =	simm.s32 @p2 $0x1  }
0x17: {  	s4 =	simm.s32 $0x1BF5;
	[smem:$0x3FB2] =	sst s0  }
0x18: {  	s0 =	sld [smem:$0x3F95];
	_ =	swait.ge [sflag:s4], $0x0  }
0x19: {  	s7 =	sld [smem:$0x3F96]  }
0x1a: {  	s8 =	sadd.s32 $0xFFFFE003, lr  }
0x1b: {  	s9 =	sadd.s32 $0xFFFFFEF7, lr;
	s5 =	simm.s32 $0xFFFFFFFF;
	p2 =	slt.u32 s8, $0xFFFFF086  }
0x1c: {  	p1 =	slt.u32 s9, $0xF7A;
	s5 =	simm.s32 @!p2 $0x0  }
0x1d: {  	s5 =	simm.s32 @p1 $0x1;
	p0 =	seq.s32 s7, s2  }
0x1e: {  	s7 =	smul.u32 @!p0 $0xF7A, s2;
	p2 =	seq.s32 @!p0 s5, $0x0  }
0x1f: {  	s9 =	smul.u32 $0xF7A, s1;
	s8 =	simm.s32 @!p0 $0x1BF5;
	p2 =	por !p2, p0  }
0x20: {  	[sflag:s8] =	ssyncset.s32 @!p0 $0xFFFFF086;
	s6 =	sadd.s32 @!p0 s3, s7;
	s7 =	simm.s32 @!p0 $0x108  }
0x21: {  	s3 =	sadd.s32 s3, s9;
	s6 =	sadd.s32 @!p0 $0x88, s6;
	s7 =	simm.s32 @p2 $0x1082  }
0x22: {  	[simem:s7], [sflag:s8] =	dma.local @!p0 [hbm:s6], $0xF7A  }
0x23: {  	s9 =	sor.u32 $0xD0000000, s2;
	s6 =	simm.s32 $0x108;
	_ =	swait.ge @!p0 [sflag:s8], $0x0  }
0x24: {  	s3 =	sadd.s32 $0x88, s3;
	s6 =	simm.s32 @!p1 $0x1082;
	[sflag:s4] =	ssyncset.s32 $0xFFFFF086  }
0x25: {  	[simem:s6], [sflag:s4] =	dma.local [hbm:s3], $0xF7A  }
0x26: {  	[smem:$0x3F96] =	sst s1;
	(tag) =	ssettag s2;
	_ =	strace s9  }
0x27: {  	s1 =	sld [smem:$0x3FA6]  }
0x28: {  	s2 =	sld [smem:$0x3FA7]  }
0x29: {  	s4 =	sld [smem:$0x3FA9]  }
0x2a: {  	p0 =	seq.s32 s5, $0x0;
	s5 =	sld [smem:$0x3FAA]  }
0x2b: {  	s6 =	sld [smem:$0x3FAB]  }
0x2c: {  	s7 =	sld [smem:$0x3FAC]  }
0x2d: {  	s3 =	simm.s32 $0x108;
	s8 =	sld [smem:$0x3FAD]  }
0x2e: {  	s3 =	simm.s32 @!p0 $0x1082;
	s9 =	sld [smem:$0x3FAE]  }
0x2f: {  	lr =	sadd.s32 s0, s3;
	s0 =	sld [smem:$0x3FA5]  }
0x30: {  	s3 =	sld [smem:$0x3FA8]  }
0x31: {  	[smem:$0x3FB1] =	sst s10  }
0x32: {  	s10 =	sld [smem:$0x3FAF];
	_ =	sdelay $0x3  }
0x33: {  	p0 =	seq.s32 s10, $0x1;
	s10 =	sld [smem:$0x3FB1];
	_ =	sdelay $0x3  }
0x34: {  	[smem:$0x3FB1] =	sst s10  }
0x35: {  	s10 =	sld [smem:$0x3FB0];
	_ =	sdelay $0x3  }
0x36: {  	p1 =	seq.s32 s10, $0x1;
	s10 =	sld [smem:$0x3FB1];
	_ =	sdelay $0x3  }
0x37: {  	[smem:$0x3FB1] =	sst s10  }
0x38: {  	s10 =	sld [smem:$0x3FB2]  }
0x39: {  	_ = 	snop;
	(pc) =	sbr.ind lr, $3  }
0x3a: {  	_ = 	snop  }
0x3b: {  	_ = 	snop  }
0x3c: {  	p2 =	seq.s32 s10, $0x1;
	s10 =	sld [smem:$0x3FB1]  }
0x3d: {  	_ =	shalt  }
0x3e: {  	_ =	shalt  }
0x3f: {  	_ =	shalt  }
0x40: {  	_ =	shalt  }
0x41: {  	_ =	shalt  }
0x42: {  	_ =	shalt  }
0x43: {  	_ =	shalt  }
0x44: {  	_ =	shalt  }
0x45: {  	_ =	shalt  }
0x46: {  	_ =	shalt  }
0x47: {  	_ =	shalt  }
0x48: {  	_ =	shalt  }
0x49: {  	_ =	shalt  }
0x4a: {  	_ =	shalt  }
0x4b: {  	_ =	shalt  }
0x4c: {  	_ =	shalt  }
0x4d: {  	_ =	shalt  }
0x4e: {  	_ =	shalt  }
0x4f: {  	_ =	shalt  }
0x50: {  	_ =	shalt  }
0x51: {  	_ =	shalt  }
0x52: {  	_ =	shalt  }
0x53: {  	_ =	shalt  }
0x54: {  	_ =	shalt  }
0x55: {  	_ =	shalt  }
0x56: {  	_ =	shalt  }
0x57: {  	_ =	shalt  }
0x58: {  	_ =	shalt  }
0x59: {  	_ =	shalt  }
0x5a: {  	_ =	shalt  }
0x5b: {  	_ =	shalt  }
0x5c: {  	_ =	shalt  }
0x5d: {  	_ =	shalt  }
0x5e: {  	_ =	shalt  }
0x5f: {  	_ =	shalt  }
0x60: {  	_ =	shalt  }
0x61: {  	_ =	shalt  }
0x62: {  	_ =	shalt  }
0x63: {  	_ =	shalt  }
0x64: {  	_ =	shalt  }
0x65: {  	_ =	shalt  }
0x66: {  	_ =	shalt  }
0x67: {  	_ =	shalt  }
0x68: {  	_ =	shalt  }
0x69: {  	_ =	shalt  }
0x6a: {  	_ =	shalt  }
0x6b: {  	_ =	shalt  }
0x6c: {  	_ =	shalt  }
0x6d: {  	_ =	shalt  }
0x6e: {  	_ =	shalt  }
0x6f: {  	_ =	shalt  }
0x70: {  	_ =	shalt  }
0x71: {  	_ =	shalt  }
0x72: {  	_ =	shalt  }
0x73: {  	_ =	shalt  }
0x74: {  	_ =	shalt  }
0x75: {  	_ =	shalt  }
0x76: {  	_ =	shalt  }
0x77: {  	_ =	shalt  }
0x78: {  	_ =	shalt  }
0x79: {  	_ =	shalt  }
0x7a: {  	_ =	shalt  }
0x7b: {  	_ =	shalt  }
0x7c: {  	_ =	shalt  }
0x7d: {  	_ =	shalt  }
0x7e: {  	_ =	shalt  }
0x7f: {  	_ =	shalt  }
0x80: {  	_ =	shalt  }
0x81: {  	_ =	shalt  }
0x82: {  	_ =	shalt  }
0x83: {  	_ =	shalt  }
0x84: {  	_ =	shalt  }
0x85: {  	_ =	shalt  }
0x86: {  	_ =	shalt  }
0x87: {  	_ =	shalt  }
.Lfunc_end0:
.L_simem_size_0:
called_computation.1_lowered:
.L_overlay_start_0:
0x88: {  	s2 =	sld [smem:$0x3FD9]  }
0x89: {  	s3 =	sld [smem:$0x3FFE];
	_ =	sdelay $0x1  }
0x8a: {  	s1 =	srdreg.scid  }
0x8b: {  	s0 =	sand.u32 $0x1, s1  }
0x8c: {  	s17 =	sshll.u32 s0, $0xA;
	s2 =	sadd.s32 s3, s2  }
0x8d: {  	s2 =	sadd.s32 s2, s17  }
0x8e: {  	[smem:$0x3FBD] =	sst s2  }
0x8f: {  	_ = 	snop  }
0x90: {  	s2 =	sld [smem:$0x3FD0];
	(tm) =	ssettm $0x1  }
0x91: {  	s18 =	sld [smem:$0x3FFB];
	_ =	sdelay $0x3  }
0x92: {  	_ =	strace s18  }
0x93: {  	s3 =	sld [smem:$0x3FFC];
	_ =	sdelay $0x3  }
0x94: {  	_ =	strace s3  }
0x95: {  	s3 =	sld [smem:$0x3FFD];
	_ =	sdelay $0x3  }
0x96: {  	_ =	strace s3  }
0x97: {  	_ =	strace $0x8FFFFFFF  }
0x98: {  	s19 =	sld [smem:$0x3FDB];
	_ =	sdelay $0x1  }
0x99: {  	s4 =	simm.s32 $_scs_section_size  }
0x9a: {  	s5 =	simm.s32 $_size__tile_overlayer_lowered;
	s6 =	simm.s32 $_tile_overlayer_lowered  }
0x9b: {  	s22 =	simm.s32 $0x1BFF;
	s21 =	sshll.u32 s6, $0x1;
	s3 =	sadd.s32 s4, s19  }
0x9c: {  	s7 =	simm.s32 $0x0;
	s20 =	sshll.u32 s5, $0x1;
	s5 =	sadd.s32 s21, s3  }
0x9d: {  	[timem:s7], [sflag:s22] =	dma.local [hbm:s5], s20  }
0x9e: {  	_ =	swait.ge [sflag:s22], s20  }
0x9f: {  	s4 =	ssub.s32 $0x0, s20;
	[sflag:s22] =	ssyncset.done $0x0  }
0xa0: {  	[sflag:s22] =	ssyncadd.s32 s4;
	_ =	sdelay $0x1  }
0xa1: {  	s23 =	simm.s32 $0x1B8B  }
0xa2: {  	_ =	swait.ge [sflag:s23], $0x1  }
0xa3: {  	[sflag:s23] =	ssyncset.done $0x0  }
0xa4: {  	s25 =	simm.s32 $0x1B8E;
	s24 =	sld [smem:$0x3FFE];
	[sflag:s23] =	ssyncadd.s32 $0xFFFFFFFF  }
0xa5: {  	s26 =	simm.s32 $execute0_lowered;
	[smem:$0x3FD2] =	sst s25  }
0xa6: {  	s5 =	sshll.u32 s26, $0x1;
	_ =	strace $0x80000049;
	[dreg:$0x1] =	wrdreg $0xFFFFFFFF  }
0xa7: {  	s28 =	simm.s32 $_size_execute0_lowered;
	s3 =	sadd.s32 s3, s5;
	[dreg:$0x0] =	wrdreg $0x0  }
0xa8: {  	s5 =	sshll.u32 s28, $0x1;
	[dreg:$0x2] =	wrdreg s3  }
0xa9: {  	[dreg:$0x3] =	wrdreg s5  }
0xaa: {  	[dreg:$0x4] =	wrdreg $0xC0  }
0xab: {  	_ =	task [dreg:s7], $0x5FFFF  }
0xac: {  	[dreg:$0x1] =	wrdreg $0xFFFFFFFF  }
0xad: {  	[dreg:$0x0] =	wrdreg $0x60  }
0xae: {  	[dreg:$0x2] =	wrdreg s2  }
0xaf: {  	[dreg:$0x3] =	wrdreg s24  }
0xb0: {  	[dreg:$0x4] =	wrdreg $0x0  }
0xb1: {  	[dreg:$0x5] =	wrdreg $0x13C000  }
0xb2: {  	[dreg:$0x6] =	wrdreg $0x9  }
0xb3: {  	_ =	task.clear_ibuf [dreg:s7], $0x7FFFF;
	_ =	strace $0x90000049  }
0xb4: {  	s29 =	simm.s32 $0x9;
	_ =	strace $0x8000004B  }
0xb5: {  	_ =	swait.ge [sflag:s29], $0x1  }
0xb6: {  	[sflag:s29] =	ssyncadd.s32 $0xFFFFFFFF  }
0xb7: {  	_ =	strace $0x9000004B  }
0xb8: {  	_ =	sfence  }
0xb9: {  	s30 =	sld [smem:$0x0];
	_ =	sdelay $0x2  }
0xba: {  	s31 =	sshll.u32 s1, $0xD;
	s1 =	sshrl.u32 s1, $0x2  }
0xbb: {  	s3 =	sand.u32 $0x4000, s31;
	s1 =	sadd.s32 s1, s30  }
0xbc: {  	s0 =	sor.u32 s3, s0;
	s1 =	sshll.u32 s1, $0x11  }
0xbd: {  	s0 =	sor.u32 s1, s0  }
0xbe: {  	s0 =	sadd.s32 $0x8F2B, s0  }
0xbf: {  	[sflag:s0] =	ssyncadd.remote.s32 $0x1  }
0xc0: {  	_ =	sfence.sel $0xFFFF  }
0xc1: {  	[dreg:$0x0] =	wrdreg $0xFFFFFFFF;
	(pc) =	sbr.abs _section_cstart, $3  }
0xc2: {  	[dreg:$0x1] =	wrdreg $0xFFFFFFFF  }
0xc3: {  	_ =	task.clear_ibuf [dreg:s7], $0x2FFFF;
	_ =	strace $0x9FFFFFFF  }
0xc4: {  	(tm) =	ssettm $0x7FFFFFFF  }
0xc5: {  	_ =	shalt  }
tec
execute0_lowered:
.L_overlay_start_1:
0x0: {  	(tag) =	ssettag $0x1  }
0x1: {  	s1 =	rddreg [dreg:$0x0]  }
0x2: {  	s0 =	rddreg [dreg:$0x1]  }
0x3: {  	s3 =	rddreg [dreg:$0x2]  }
0x4: {  	s4 =	rddreg [dreg:$0x3]  }
0x5: {  	s5 =	simm.s32 $0x0;
	s18 =	stileid.u32;
	s7 =	srdreg.scid  }
0x6: {  	s28 =	simm.s32 $0x1;
	s29 =	simm.s32 $0x40;
	s30 =	simm.s32 $0x16480  }
0x7: {  	s31 =	simm.s32 $0x2;
	[smem:$0x7FF] =	sst s5;
	s2 =	smul.u32 $0x13C00, s18  }
0x8: {  	s6 =	sadd.s32 $0x3200, s0;
	s9 =	smul.u32 $0x2780, s18;
	s7 =	sand.u32 $0x1, s7  }
0x9: {  	s10 =	sadd.s32 $0x43400, s0;
	s19 =	sadd.s32 $0x438F0, s0;
	s11 =	smul.u32 $0x27800, s7  }
0xa: {  	_ =	strace $0x8000004A;
	[dreg:$0x5] =	wrdreg s10;
	s12 =	smul.u32 $0x4F00, s7  }
0xb: {  	s13 =	ssub.s32 $0x2, s7;
	s7 =	sshll.u32 s7, $0x4;
	[dreg:$0x9] =	wrdreg s19  }
0xc: {  	s19 =	simm.s32 $0x1AD00;
	s8 =	sshrl.u32 s2, $0x3;
	s15 =	sshrl.u32 s9, $0x3  }
0xd: {  	s16 =	sshrl.u32 s13, $0x1;
	s2 =	sadd.s32 s2, s3;
	s9 =	sadd.s32 s9, s4  }
0xe: {  	s7 =	sor.u32 s18, s7;
	s26 =	sadd.s32 s8, s0;
	s14 =	sadd.s32 s15, s0  }
0xf: {  	s11 =	sadd.s32 s11, s0;
	s17 =	sadd.s32 s12, s0;
	s16 =	ssub.s32 s13, s16  }
0x10: {  	s13 =	sshll.u32 s18, $0x6;
	s20 =	smul.u32 $0x4E, s7;
	s21 =	smin.u32 s7, $0x4  }
0x11: {  	p0 =	slt.u32 s7, $0x4;
	s12 =	simm.s32 $0x4F;
	s9 =	sshrl.u32 s9, $0x3  }
0x12: {  	s7 =	simm.s32 $0x1AC80;
	s10 =	sadd.s32 $0x1BC00, s26;
	s22 =	sor.u32 $0x1C09, s13  }
0x13: {  	s18 =	sadd.s32 $0x16C00, s14;
	s12 =	simm.s32 @!p0 $0x4E;
	s14 =	sadd.s32 $0x3208, s0  }
0x14: {  	s23 =	sadd.s32 $0x52200, s11;
	s24 =	sadd.s32 $0x48400, s17;
	[dreg:$0xc] =	wrdreg s9  }
0x15: {  	s25 =	smax.u32 s16, $0x1;
	s16 =	sshrl.u32 s2, $0x3;
	[dreg:$0x6] =	wrdreg s10  }
0x16: {  	s17 =	simm.s32 $0x9;
	s2 =	simm.s32 $0x3;
	[dreg:$0x8] =	wrdreg s18  }
0x17: {  	s11 =	simm.s32 $0x1ACC0;
	s13 =	sadd.s32 s21, s20;
	[dreg:$0xa] =	wrdreg s25  }
0x18: {  	s20 =	simm.s32 $0x1D480;
	s21 =	simm.s32 $0x16380;
	s0 =	sadd.s32 s8, s23  }
0x19: {  	s23 =	simm.s32 $0x16400;
	s26 =	sadd.s32 s15, s24;
	[dreg:$0x7] =	wrdreg s22  }
0x1a: {  	s25 =	simm.s32 $0x163C0;
	s10 =	simm.s32 $0x4;
	[dreg:$0xb] =	wrdreg s16  }
0x1b: {  	s15 =	simm.s32 $0x1A880;
	s18 =	simm.s32 $0x0;
	[dreg:$0xd] =	wrdreg s0  }
0x1c: {  	[dreg:$0xe] =	wrdreg s26;
	s26 =	simm.s32 $0x16440;
	s0 =	simm.s32 $0x18480  }
.LBB2_1:
0x1d: {  	[dreg:$0xf] =	wrdreg s18  }
0x1e: {  	s8 =	rddreg [dreg:$0x6]  }
0x1f: {  	[spmem:s16], [sflag:s22] =	dma.local [hbm:s8], $0x2780  }
0x20: {  	_ =	swait.ge [sflag:s17], $0x2780  }
0x21: {  	[sflag:s17] =	ssyncset.done $0x0  }
0x22: {  	s18 =	rddreg [dreg:$0x8];
	[sflag:s17] =	ssyncadd.s32 $0xFFFFD880  }
0x23: {  	[spmem:s9], [sflag:s22] =	dma.local [hbm:s18], $0x4F0  }
0x24: {  	_ =	swait.ge [sflag:s17], $0x4F0  }
0x25: {  	[sflag:s17] =	ssyncset.done $0x0  }
0x26: {  	s22 =	rddreg [dreg:$0x5];
	[sflag:s17] =	ssyncadd.s32 $0xFFFFFB10  }
0x27: {  	[tilespmem:s19], [sflag:$0x9] =	stream.linear.gather [hbm4b:s22+s5], $0x2780, $0x38;
	[tilespmem:$0x1FC00] =	vst v63  }
0x28: {  	_ =	swait.ge [sflag:s17], $0x2780  }
0x29: {  	[sflag:s17] =	ssyncset.done $0x0  }
0x2a: {  	s24 =	rddreg [dreg:$0x9];
	[sflag:s17] =	ssyncadd.s32 $0xFFFFD880  }
0x2b: {  	[tilespmem:s20], [sflag:$0x9] =	stream.linear.gather [hbm4b:s24+s5], $0x2780, $0x38;
	[tilespmem:$0x1FC00] =	vst v63  }
0x2c: {  	_ =	swait.ge [sflag:s17], $0x2780  }
0x2d: {  	[sflag:s17] =	ssyncset.done $0x0  }
0x2e: {  	[sflag:s17] =	ssyncadd.s32 $0xFFFFD880  }
0x2f: {  	s24 =	simm.s32 $0x0;
	[bflag:$0x0] =	sbarrier.arrive $0xFFFF  }
.LBB2_2:
0x30: {  	p0 =	seq.s32 s24, $0x0  }
0x31: {  	s9 =	simm.s32 @!p0 $0x5  }
0x32: {  	_ =	swait.ge @!p0 [sflag:s9], $0x2000  }
0x33: {  	[sflag:s9] =	ssyncset.done @!p0 $0x0  }
0x34: {  	s16 =	sadd.s32 s24, s13;
	[sflag:s9] =	ssyncadd.s32 @!p0 $0xFFFFE000;
	s9 =	simm.s32 @!p0 $0x7  }
0x35: {  	s16 =	sshll.u32 s16, $0x7;
	_ =	swait.ge @!p0 [sflag:s9], $0x400  }
0x36: {  	s16 =	sshrl.u32 s16, $0x3;
	[sflag:s9] =	ssyncset.done @!p0 $0x0  }
0x37: {  	s18 =	sadd.s32 s6, s16;
	[sflag:s9] =	ssyncadd.s32 @!p0 $0xFFFFFC00  }
0x38: {  	[tilespmem:s21], [sflag:$0x1] =	stream.linear.gather [hbm4b:s18+s5], $0x40, $0x38;
	[tilespmem:$0x1FC00] =	vst v63  }
0x39: {  	s17 =	sadd.s32 $0x9C40, s18;
	s9 =	simm.s32 @!p0 $0x6  }
0x3a: {  	[tilespmem:s23], [sflag:$0x1] =	stream.linear.gather [hbm4b:s17+s5], $0x40, $0x38;
	[tilespmem:$0x1FC00] =	vst v63  }
0x3b: {  	_ =	swait.ge @!p0 [sflag:s9], $0x2000  }
0x3c: {  	[sflag:s9] =	ssyncset.done @!p0 $0x0  }
0x3d: {  	[sflag:s9] =	ssyncadd.s32 @!p0 $0xFFFFE000;
	s9 =	simm.s32 @!p0 $0x8  }
0x3e: {  	_ =	swait.ge @!p0 [sflag:s9], $0x400  }
0x3f: {  	[sflag:s9] =	ssyncset.done @!p0 $0x0  }
0x40: {  	s22 =	simm.s32 $0x0;
	s16 =	sadd.s32 s16, s14;
	[sflag:s9] =	ssyncadd.s32 @!p0 $0xFFFFFC00  }
0x41: {  	[tilespmem:s25], [sflag:$0x2] =	stream.linear.gather [hbm4b:s16+s22], $0x40, $0x38;
	[tilespmem:$0x1FC00] =	vst v63  }
0x42: {  	s8 =	sadd.s32 $0x9C48, s18  }
0x43: {  	[tilespmem:s26], [sflag:$0x2] =	stream.linear.gather [hbm4b:s8+s22], $0x40, $0x38;
	[tilespmem:$0x1FC00] =	vst v63  }
0x44: {  	_ =	swait.ge [sflag:s28], $0x40  }
0x45: {  	[sflag:s28] =	ssyncset.done $0x0  }
0x46: {  	[sflag:s28] =	ssyncadd.s32 $0xFFFFFFC0  }
0x47: {  	_ =	swait.ge [sflag:s28], $0x40  }
0x48: {  	[sflag:s28] =	ssyncset.done $0x0  }
0x49: {  	[sflag:s28] =	ssyncadd.s32 $0xFFFFFFC0  }
0x4a: {  	[tilespmem:s30], [sflag:$0x3] =	stream.indirect.gather [hbm4b:s1+s29], $0x80, s21, s29, $0xb8;
	[tilespmem:$0x1FC00] =	vst v63  }
0x4b: {  	v0 =	vld [tilespmem:$0x16380]  }
0x4c: {  	v1 =	vld [tilespmem:$0x16400];
	_ =	sdelay $0x6  }
0x4d: {  	v0 =	vld.idx.msk [tilespmem:v0+s19+$0x0], $0xffff  }
0x4e: {  	v1 =	vld.idx.msk [tilespmem:v1+s20+$0x0], $0xffff;
	_ =	sdelay $0x4  }
0x4f: {  	v0 =	vadd.f32 v1, v0;
	_ =	sdelay $0x1  }
0x50: {  	v1 =	vmul.f32 $2.000000030e-01, v0;
	_ =	sdelay $0x1  }
0x51: {  	v0 =	vmax.f32 v0, v1  }
0x52: {  	v0 =	vmul.f32 $1.442695020e+00, v0;
	_ =	sdelay $0x1  }
0x53: {  	(erf) = vpow2.f32 v0;
	_ =	sdelay $0x2  }
0x54: {  	v0 =	vld [tilespmem:$0x16390]  }
0x55: {  	v1 =	vld [tilespmem:$0x16410];
	_ =	sdelay $0x4  }
0x56: {  	v2 =	vpop (erf)  }
0x57: {  	[tilespmem:$0x1AC80] =	vst v2  }
0x58: {  	v0 =	vld.idx.msk [tilespmem:v0+s19+$0x0], $0xffff  }
0x59: {  	v1 =	vld.idx.msk [tilespmem:v1+s20+$0x0], $0xffff;
	_ =	sdelay $0x4  }
0x5a: {  	v0 =	vadd.f32 v1, v0;
	_ =	sdelay $0x1  }
0x5b: {  	v1 =	vmul.f32 $2.000000030e-01, v0;
	_ =	sdelay $0x1  }
0x5c: {  	v0 =	vmax.f32 v0, v1  }
0x5d: {  	v0 =	vmul.f32 $1.442695020e+00, v0;
	_ =	sdelay $0x1  }
0x5e: {  	(erf) = vpow2.f32 v0;
	_ =	sdelay $0x2  }
0x5f: {  	v0 =	vld [tilespmem:$0x163A0]  }
0x60: {  	v1 =	vld [tilespmem:$0x16420];
	_ =	sdelay $0x4  }
0x61: {  	v2 =	vpop (erf)  }
0x62: {  	[tilespmem:$0x1AC90] =	vst v2  }
0x63: {  	v0 =	vld.idx.msk [tilespmem:v0+s19+$0x0], $0xffff  }
0x64: {  	v1 =	vld.idx.msk [tilespmem:v1+s20+$0x0], $0xffff;
	_ =	sdelay $0x4  }
0x65: {  	v0 =	vadd.f32 v1, v0;
	_ =	sdelay $0x1  }
0x66: {  	v1 =	vmul.f32 $2.000000030e-01, v0;
	_ =	sdelay $0x1  }
0x67: {  	v0 =	vmax.f32 v0, v1  }
0x68: {  	v0 =	vmul.f32 $1.442695020e+00, v0;
	_ =	sdelay $0x1  }
0x69: {  	(erf) = vpow2.f32 v0;
	_ =	sdelay $0x2  }
0x6a: {  	v0 =	vld [tilespmem:$0x163B0]  }
0x6b: {  	v1 =	vld [tilespmem:$0x16430];
	_ =	sdelay $0x4  }
0x6c: {  	v2 =	vpop (erf)  }
0x6d: {  	[tilespmem:$0x1ACA0] =	vst v2  }
0x6e: {  	v0 =	vld.idx.msk [tilespmem:v0+s19+$0x0], $0xffff  }
0x6f: {  	v1 =	vld.idx.msk [tilespmem:v1+s20+$0x0], $0xffff;
	_ =	sdelay $0x4  }
0x70: {  	v0 =	vadd.f32 v1, v0;
	_ =	sdelay $0x1  }
0x71: {  	v1 =	vmul.f32 $2.000000030e-01, v0;
	_ =	sdelay $0x1  }
0x72: {  	v0 =	vmax.f32 v0, v1  }
0x73: {  	v0 =	vmul.f32 $1.442695020e+00, v0;
	_ =	sdelay $0x1  }
0x74: {  	(erf) = vpow2.f32 v0;
	_ =	sdelay $0x8  }
0x75: {  	v0 =	vpop (erf)  }
0x76: {  	[tilespmem:$0x1ACB0] =	vst v0  }
0x77: {  	_ =	swait.ge [sflag:s31], $0x40  }
0x78: {  	[sflag:s31] =	ssyncset.done $0x0  }
0x79: {  	[sflag:s31] =	ssyncadd.s32 $0xFFFFFFC0  }
0x7a: {  	_ =	swait.ge [sflag:s31], $0x40  }
0x7b: {  	[sflag:s31] =	ssyncset.done $0x0  }
0x7c: {  	[sflag:s31] =	ssyncadd.s32 $0xFFFFFFC0  }
0x7d: {  	[tilespmem:s0], [sflag:$0x4] =	stream.indirect.gather [hbm4b:s1+s29], $0x80, s25, s29, $0xb8;
	[tilespmem:$0x1FC00] =	vst v63  }
0x7e: {  	v0 =	vld [tilespmem:$0x163C0]  }
0x7f: {  	v1 =	vld [tilespmem:$0x16440];
	_ =	sdelay $0x6  }
0x80: {  	v0 =	vld.idx.msk [tilespmem:v0+s19+$0x0], $0xffff  }
0x81: {  	v1 =	vld.idx.msk [tilespmem:v1+s20+$0x0], $0xffff;
	_ =	sdelay $0x4  }
0x82: {  	v0 =	vadd.f32 v1, v0;
	_ =	sdelay $0x1  }
0x83: {  	v1 =	vmul.f32 $2.000000030e-01, v0;
	_ =	sdelay $0x1  }
0x84: {  	v0 =	vmax.f32 v0, v1  }
0x85: {  	v0 =	vmul.f32 $1.442695020e+00, v0;
	_ =	sdelay $0x1  }
0x86: {  	(erf) = vpow2.f32 v0;
	_ =	sdelay $0x2  }
0x87: {  	v0 =	vld [tilespmem:$0x163D0]  }
0x88: {  	v1 =	vld [tilespmem:$0x16450];
	_ =	sdelay $0x4  }
0x89: {  	v2 =	vpop (erf)  }
0x8a: {  	[tilespmem:$0x1ACC0] =	vst v2  }
0x8b: {  	v0 =	vld.idx.msk [tilespmem:v0+s19+$0x0], $0xffff  }
0x8c: {  	v1 =	vld.idx.msk [tilespmem:v1+s20+$0x0], $0xffff;
	_ =	sdelay $0x4  }
0x8d: {  	v0 =	vadd.f32 v1, v0;
	_ =	sdelay $0x1  }
0x8e: {  	v1 =	vmul.f32 $2.000000030e-01, v0;
	_ =	sdelay $0x1  }
0x8f: {  	v0 =	vmax.f32 v0, v1  }
0x90: {  	v0 =	vmul.f32 $1.442695020e+00, v0;
	_ =	sdelay $0x1  }
0x91: {  	(erf) = vpow2.f32 v0;
	_ =	sdelay $0x2  }
0x92: {  	v0 =	vld [tilespmem:$0x163E0]  }
0x93: {  	v1 =	vld [tilespmem:$0x16460];
	_ =	sdelay $0x4  }
0x94: {  	v2 =	vpop (erf)  }
0x95: {  	[tilespmem:$0x1ACD0] =	vst v2  }
0x96: {  	v0 =	vld.idx.msk [tilespmem:v0+s19+$0x0], $0xffff  }
0x97: {  	v1 =	vld.idx.msk [tilespmem:v1+s20+$0x0], $0xffff;
	_ =	sdelay $0x4  }
0x98: {  	v0 =	vadd.f32 v1, v0;
	_ =	sdelay $0x1  }
0x99: {  	v1 =	vmul.f32 $2.000000030e-01, v0;
	_ =	sdelay $0x1  }
0x9a: {  	v0 =	vmax.f32 v0, v1  }
0x9b: {  	v0 =	vmul.f32 $1.442695020e+00, v0;
	_ =	sdelay $0x1  }
0x9c: {  	(erf) = vpow2.f32 v0;
	_ =	sdelay $0x2  }
0x9d: {  	v0 =	vld [tilespmem:$0x163F0]  }
0x9e: {  	v1 =	vld [tilespmem:$0x16470];
	_ =	sdelay $0x4  }
0x9f: {  	v2 =	vpop (erf)  }
0xa0: {  	[tilespmem:$0x1ACE0] =	vst v2  }
0xa1: {  	v0 =	vld.idx.msk [tilespmem:v0+s19+$0x0], $0xffff  }
0xa2: {  	v1 =	vld.idx.msk [tilespmem:v1+s20+$0x0], $0xffff;
	_ =	sdelay $0x4  }
0xa3: {  	v0 =	vadd.f32 v1, v0;
	_ =	sdelay $0x1  }
0xa4: {  	v1 =	vmul.f32 $2.000000030e-01, v0;
	_ =	sdelay $0x1  }
0xa5: {  	v0 =	vmax.f32 v0, v1  }
0xa6: {  	v0 =	vmul.f32 $1.442695020e+00, v0;
	_ =	sdelay $0x1  }
0xa7: {  	(erf) = vpow2.f32 v0;
	_ =	sdelay $0x5  }
0xa8: {  	s17 =	simm.s32 $0x2;
	v0 =	vmov s22  }
0xa9: {  	v1 =	vmov s17;
	v0 =	vand.u32 $0xFFFFFFFC, v0  }
0xaa: {  	v1 =	vand.u32 $0xFFFFFFFE, v1;
	v0 =	vbroadcast v0, $0x0  }
0xab: {  	v1 =	vbroadcast v1, $0x0;
	v2 =	vpop (erf)  }
0xac: {  	[tilespmem:$0x1ACF0] =	vst v2  }
0xad: {  	_ =	swait.ge [sflag:s2], $0x2000  }
0xae: {  	[sflag:s2] =	ssyncset.done $0x0  }
0xaf: {  	[sflag:s2] =	ssyncadd.s32 $0xFFFFE000  }
0xb0: {  	v10 =	vld.idx.msk [tilespmem:v0+s7+$0x0], $0xffff  }
0xb1: {  	s16 =	simm.s32 $0x16580;
	v1 =	vld.idx.msk [tilespmem:v1+s7+$0x0], $0xffff  }
0xb2: {  	v2 =	vld [tilespmem:s16+$0x0]  }
0xb3: {  	v3 =	vld [tilespmem:s16+$0x10]  }
0xb4: {  	v4 =	vld [tilespmem:s16+$0x20]  }
0xb5: {  	v5 =	vld [tilespmem:s16+$0x30]  }
0xb6: {  	s18 =	simm.s32 $0x1;
	v6 =	vld [tilespmem:s16+$0x40]  }
0xb7: {  	v0 =	vmov s18;
	v7 =	vld [tilespmem:s16+$0x50]  }
0xb8: {  	v8 =	vld [tilespmem:s16+$0x60];
	v0 =	vand.u32 $0xFFFFFFFD, v0  }
0xb9: {  	v9 =	vld [tilespmem:s16+$0xFFFFFF00];
	v0 =	vbroadcast v0, $0x0;
	v2 =	vmul.f32 v2, v1  }
0xba: {  	v11 =	vld [tilespmem:s16+$0xFFFFFF70];
	v4 =	vmul.f32 v4, v1  }
0xbb: {  	v12 =	vld [tilespmem:s16+$0xFFFFFFA0];
	[tilespmem:s16+$0x0] =	vst v2;
	v2 =	vmul.f32 v3, v1  }
0xbc: {  	v3 =	vld [tilespmem:s16+$0x70];
	[tilespmem:s16+$0x20] =	vst v4;
	v4 =	vmul.f32 v6, v1  }
0xbd: {  	v6 =	vld [tilespmem:s16+$0xFFFFFF20];
	[tilespmem:s16+$0x10] =	vst v2;
	v2 =	vmul.f32 v5, v1  }
0xbe: {  	v5 =	vld [tilespmem:s16+$0xFFFFFF10];
	[tilespmem:s16+$0x40] =	vst v4;
	v4 =	vmul.f32 v8, v1  }
0xbf: {  	v0 =	vld.idx.msk [tilespmem:v0+s7+$0x0], $0xffff;
	[tilespmem:s16+$0x30] =	vst v2;
	v2 =	vmul.f32 v7, v1  }
0xc0: {  	v9 =	vmul.f32 v9, v10;
	v7 =	vld [tilespmem:s16+$0xFFFFFF30];
	[tilespmem:s16+$0x60] =	vst v4  }
0xc1: {  	v4 =	vld [tilespmem:s16+$0xFFFFFF60];
	[tilespmem:s16+$0x50] =	vst v2;
	v2 =	vmul.f32 v3, v1  }
0xc2: {  	[tilespmem:s16+$0xFFFFFF00] =	vst v9;
	v8 =	vld [tilespmem:s16+$0xFFFFFF40]  }
0xc3: {  	s18 =	simm.s32 $0x1A4A0;
	v3 =	vld [tilespmem:s16+$0xFFFFFF50];
	[tilespmem:s16+$0x70] =	vst v2;
	v2 =	vmul.f32 v5, v10  }
0xc4: {  	v5 =	vmul.f32 v6, v10;
	[tilespmem:s18+$0x0] =	vst v1;
	v1 =	vld [tilespmem:s16+$0xFFFFFF80]  }
0xc5: {  	v6 =	vld [tilespmem:s16+$0xFFFFFF90];
	v7 =	vmul.f32 v7, v10;
	[tilespmem:s16+$0xFFFFFF10] =	vst v2  }
0xc6: {  	s22 =	simm.s32 $0x3;
	v4 =	vmul.f32 v4, v10;
	[tilespmem:s16+$0xFFFFFF20] =	vst v5;
	v5 =	vld [tilespmem:s16+$0xFFFFFFB0]  }
0xc7: {  	v9 =	vmov s22;
	v2 =	vmul.f32 v8, v10;
	v8 =	vld [tilespmem:s16+$0xFFFFFFD0];
	[tilespmem:s16+$0xFFFFFF30] =	vst v7  }
0xc8: {  	v3 =	vmul.f32 v3, v10;
	v7 =	vld [tilespmem:s16+$0xFFFFFFC0];
	[tilespmem:s16+$0xFFFFFF60] =	vst v4  }
0xc9: {  	v4 =	vld [tilespmem:s16+$0xFFFFFFF0];
	[tilespmem:s16+$0xFFFFFF40] =	vst v2;
	v1 =	vmul.f32 v1, v0  }
0xca: {  	[tilespmem:s16+$0xFFFFFF50] =	vst v3;
	v3 =	vld [tilespmem:s16+$0xFFFFFFE0];
	v6 =	vmul.f32 v6, v0  }
0xcb: {  	s8 =	simm.s32 $0x4;
	s17 =	simm.s32 $0x7;
	v63 =	vld [tilespmem:s16+$0x80];
	[tilespmem:s16+$0xFFFFFF80] =	vst v1;
	v1 =	vmul.f32 v12, v0  }
0xcc: {  	v13 =	vmov s17;
	s22 =	simm.s32 $0x5;
	v2 =	vld.idx.msk [tilespmem:v9+s7+$0x0], $0xffff;
	v9 =	vmov s8;
	[tilespmem:s16+$0xFFFFFF90] =	vst v6;
	v5 =	vmul.f32 v5, v0  }
0xcd: {  	v15 =	vld [tilespmem:s16+$0xB0];
	v6 =	vand.u32 $0xFFFFFFFC, v9;
	v9 =	vmov s22;
	[tilespmem:s16+$0xFFFFFFA0] =	vst v1;
	v1 =	vmul.f32 v7, v0  }
0xce: {  	v17 =	vld [tilespmem:s16+$0xC0];
	s22 =	simm.s32 $0x6;
	v14 =	vbroadcast v6, $0x0;
	v6 =	vand.u32 $0xFFFFFFFD, v9;
	[tilespmem:s16+$0xFFFFFFB0] =	vst v5;
	v5 =	vmul.f32 v8, v0  }
0xcf: {  	v7 =	vld [tilespmem:s16+$0x90];
	[tilespmem:s16+$0xFFFFFFC0] =	vst v1;
	v1 =	vmul.f32 v3, v0;
	v3 =	vmul.f32 v4, v0;
	v4 =	vmov s22  }
0xd0: {  	v8 =	vld [tilespmem:s16+$0xA0];
	v16 =	vbroadcast v6, $0x0;
	[tilespmem:s16+$0xFFFFFFD0] =	vst v5;
	v4 =	vand.u32 $0xFFFFFFFE, v4  }
0xd1: {  	v18 =	vld [tilespmem:s16+$0xD0];
	[tilespmem:s16+$0xFFFFFFE0] =	vst v1;
	v6 =	vbroadcast v4, $0x0  }
0xd2: {  	v5 =	vld [tilespmem:s16+$0xE0];
	v1 =	vmul.f32 v11, v10;
	[tilespmem:s16+$0xFFFFFFF0] =	vst v3  }
0xd3: {  	v4 =	vld [tilespmem:s16+$0xF0];
	v11 =	vmul.f32 v63, v2;
	[tilespmem:s18+$0xFFFFFFF0] =	vst v0  }
0xd4: {  	v3 =	vld.idx.msk [tilespmem:v13+s7+$0x0], $0xffff;
	v9 =	vmul.f32 v7, v2;
	[tilespmem:s16+$0xFFFFFF70] =	vst v1  }
0xd5: {  	v7 =	vmul.f32 v8, v2;
	v8 =	vmul.f32 v15, v2;
	v0 =	vld.idx.msk [tilespmem:v14+s7+$0x0], $0xffff;
	[tilespmem:s16+$0x80] =	vst v11  }
0xd6: {  	s9 =	simm.s32 $0x16580;
	s22 =	simm.s32 $0x8;
	v1 =	vld.idx.msk [tilespmem:v16+s7+$0x0], $0xffff;
	v11 =	vmul.f32 v18, v2;
	[tilespmem:s18+$0xFFFFFFE0] =	vst v10;
	v10 =	vmul.f32 v17, v2  }
.LBB2_3:
0xd7: {  	p0 =	slt.u32 s22, $0x3C;
	v6 =	vld.idx.msk [tilespmem:v6+s7+$0x0], $0xffff;
	[tilespmem:s16+$0x90] =	vst v9;
	v5 =	vmul.f32 v5, v2;
	s9 =	sadd.s32 $0x200, s9  }
0xd8: {  	v9 =	vld [tilespmem:s9+$0x0];
	[tilespmem:s16+$0xA0] =	vst v7;
	v4 =	vmul.f32 v4, v2  }
0xd9: {  	v7 =	vld [tilespmem:s9+$0x10];
	[tilespmem:s16+$0xB0] =	vst v8  }
0xda: {  	v8 =	vld [tilespmem:s9+$0x20];
	[tilespmem:s16+$0xC0] =	vst v10  }
0xdb: {  	v10 =	vld [tilespmem:s9+$0x30];
	[tilespmem:s16+$0xD0] =	vst v11  }
0xdc: {  	v11 =	vld [tilespmem:s9+$0x40];
	[tilespmem:s16+$0xE0] =	vst v5  }
0xdd: {  	v5 =	vmul.f32 v9, v6;
	v9 =	vld [tilespmem:s9+$0x50];
	[tilespmem:s16+$0xF0] =	vst v4;
	s16 =	smov.u32 s9  }
0xde: {  	v4 =	vmul.f32 v7, v6;
	v7 =	vld [tilespmem:s9+$0x60];
	[tilespmem:s18+$0x10] =	vst v2;
	v2 =	vmov v3  }
0xdf: {  	[tilespmem:s9+$0x0] =	vst v5;
	v3 =	vmul.f32 v8, v6;
	v5 =	vld [tilespmem:s9+$0x70]  }
0xe0: {  	v8 =	vld [tilespmem:s9+$0xFFFFFF00];
	[tilespmem:s9+$0x10] =	vst v4;
	v4 =	vmul.f32 v10, v6  }
0xe1: {  	v10 =	vld [tilespmem:s9+$0xFFFFFF10];
	[tilespmem:s9+$0x20] =	vst v3;
	v3 =	vmul.f32 v11, v6  }
0xe2: {  	v11 =	vld [tilespmem:s9+$0xFFFFFF20];
	[tilespmem:s9+$0x30] =	vst v4;
	v4 =	vmul.f32 v9, v6  }
0xe3: {  	v9 =	vld [tilespmem:s9+$0xFFFFFF30];
	[tilespmem:s9+$0x40] =	vst v3;
	v3 =	vmul.f32 v7, v6  }
0xe4: {  	v7 =	vld [tilespmem:s9+$0xFFFFFF40];
	[tilespmem:s9+$0x50] =	vst v4;
	v4 =	vmul.f32 v5, v6  }
0xe5: {  	v5 =	vmul.f32 v8, v0;
	v8 =	vld [tilespmem:s9+$0xFFFFFF50];
	[tilespmem:s9+$0x60] =	vst v3  }
0xe6: {  	s18 =	sadd.s32 $0x40, s18;
	v3 =	vmul.f32 v10, v0;
	v10 =	vld [tilespmem:s9+$0xFFFFFF60];
	[tilespmem:s9+$0x70] =	vst v4  }
0xe7: {  	v4 =	vmul.f32 v11, v0;
	v11 =	vld [tilespmem:s9+$0xFFFFFF70];
	[tilespmem:s18+$0x0] =	vst v6  }
0xe8: {  	[tilespmem:s9+$0xFFFFFF00] =	vst v5;
	v5 =	vmul.f32 v9, v0;
	v6 =	vld [tilespmem:s9+$0xFFFFFF80]  }
0xe9: {  	[tilespmem:s9+$0xFFFFFF10] =	vst v3;
	v3 =	vmul.f32 v7, v0;
	v7 =	vld [tilespmem:s9+$0xFFFFFF90]  }
0xea: {  	[tilespmem:s9+$0xFFFFFF20] =	vst v4;
	v4 =	vmul.f32 v8, v0;
	v8 =	vld [tilespmem:s9+$0xFFFFFFA0]  }
0xeb: {  	[tilespmem:s9+$0xFFFFFF30] =	vst v5;
	v5 =	vmul.f32 v10, v0;
	v9 =	vld [tilespmem:s9+$0xFFFFFFB0]  }
0xec: {  	[tilespmem:s9+$0xFFFFFF40] =	vst v3;
	v10 =	vmul.f32 v11, v0;
	v3 =	vld [tilespmem:s9+$0xFFFFFFC0]  }
0xed: {  	[tilespmem:s9+$0xFFFFFF50] =	vst v4;
	v4 =	vmul.f32 v6, v1;
	v6 =	vld [tilespmem:s9+$0xFFFFFFD0]  }
0xee: {  	[tilespmem:s9+$0xFFFFFF60] =	vst v5;
	v5 =	vmul.f32 v7, v1;
	v7 =	vld [tilespmem:s9+$0xFFFFFFE0]  }
0xef: {  	[tilespmem:s9+$0xFFFFFF80] =	vst v4;
	v4 =	vmul.f32 v8, v1;
	v8 =	vld [tilespmem:s9+$0xFFFFFFF0]  }
0xf0: {  	s17 =	sadd.s32 $0x3, s22;
	v11 =	vmov s22;
	[tilespmem:s9+$0xFFFFFF90] =	vst v5;
	v5 =	vmul.f32 v9, v1;
	v9 =	vld [tilespmem:s9+$0x80]  }
0xf1: {  	s8 =	sadd.s32 $0x1, s22;
	v12 =	vmov s17;
	v11 =	vand.u32 $0xFFFFFFFC, v11;
	[tilespmem:s9+$0xFFFFFFA0] =	vst v4;
	v3 =	vmul.f32 v3, v1;
	v4 =	vld [tilespmem:s9+$0x90]  }
0xf2: {  	v13 =	vmov s8;
	s8 =	sadd.s32 $0x2, s22;
	v11 =	vbroadcast v11, $0x0;
	[tilespmem:s9+$0xFFFFFFB0] =	vst v5;
	v5 =	vmul.f32 v6, v1;
	v14 =	vld [tilespmem:s9+$0xA0]  }
0xf3: {  	v6 =	vand.u32 $0xFFFFFFFD, v13;
	v13 =	vmov s8;
	[tilespmem:s9+$0xFFFFFFC0] =	vst v3;
	v3 =	vmul.f32 v7, v1;
	v15 =	vld [tilespmem:s9+$0xB0]  }
0xf4: {  	v16 =	vbroadcast v6, $0x0;
	v6 =	vand.u32 $0xFFFFFFFE, v13;
	[tilespmem:s9+$0xFFFFFFD0] =	vst v5;
	v5 =	vmul.f32 v8, v1;
	v13 =	vld [tilespmem:s9+$0xC0]  }
0xf5: {  	v6 =	vbroadcast v6, $0x0;
	[tilespmem:s9+$0xFFFFFFE0] =	vst v3;
	v17 =	vmul.f32 v9, v2;
	v18 =	vld [tilespmem:s9+$0xD0]  }
.Ltmp0:
0xf6: {  	[tilespmem:s9+$0xFFFFFFF0] =	vst v5;
	v9 =	vmul.f32 v4, v2;
	v5 =	vld [tilespmem:s9+$0xE0];
	(pc) =	sbr.rel @p0 .LBB2_3-.Ltmp0, $4  }
0xf7: {  	[tilespmem:s18+$0xFFFFFFF0] =	vst v1;
	v7 =	vmul.f32 v14, v2;
	v4 =	vld [tilespmem:s9+$0xF0]  }
0xf8: {  	v3 =	vld.idx.msk [tilespmem:v12+s7+$0x0], $0xffff;
	[tilespmem:s9+$0xFFFFFF70] =	vst v10;
	v8 =	vmul.f32 v15, v2  }
0xf9: {  	[tilespmem:s18+$0xFFFFFFE0] =	vst v0;
	v0 =	vld.idx.msk [tilespmem:v11+s7+$0x0], $0xffff;
	v10 =	vmul.f32 v13, v2  }
0xfa: {  	s22 =	sadd.s32 $0x4, s22;
	v1 =	vld.idx.msk [tilespmem:v16+s7+$0x0], $0xffff;
	[tilespmem:s9+$0x80] =	vst v17;
	v11 =	vmul.f32 v18, v2  }
0xfb: {  	_ =	sdelay $0x3  }
0xfc: {  	v6 =	vld.idx.msk [tilespmem:v6+s7+$0x0], $0xffff;
	[tilespmem:s16+$0x90] =	vst v9;
	s9 =	sadd.s32 $0x200, s9  }
0xfd: {  	[tilespmem:s16+$0xA0] =	vst v7;
	v9 =	vld [tilespmem:s9+$0x0]  }
0xfe: {  	[tilespmem:s16+$0xB0] =	vst v8;
	v7 =	vld [tilespmem:s9+$0x10]  }
0xff: {  	v5 =	vmul.f32 v5, v2;
	[tilespmem:s16+$0xC0] =	vst v10;
	v8 =	vld [tilespmem:s9+$0x20]  }
0x100: {  	v4 =	vmul.f32 v4, v2;
	v10 =	vld [tilespmem:s9+$0x30];
	[tilespmem:s16+$0xD0] =	vst v11  }
0x101: {  	v11 =	vld [tilespmem:s9+$0x40];
	[tilespmem:s16+$0xE0] =	vst v5  }
0x102: {  	[tilespmem:s16+$0xF0] =	vst v4;
	v5 =	vmul.f32 v9, v6;
	v9 =	vld [tilespmem:s9+$0x50]  }
0x103: {  	[tilespmem:s18+$0x10] =	vst v2;
	v4 =	vmul.f32 v7, v6;
	v7 =	vld [tilespmem:s9+$0x60]  }
0x104: {  	v2 =	vmul.f32 v8, v6;
	[tilespmem:s9+$0x0] =	vst v5;
	v5 =	vld [tilespmem:s9+$0x70]  }
0x105: {  	v8 =	vld [tilespmem:s9+$0xFFFFFF00];
	[tilespmem:s9+$0x10] =	vst v4;
	v4 =	vmul.f32 v10, v6  }
0x106: {  	[tilespmem:s9+$0x20] =	vst v2;
	v2 =	vmul.f32 v11, v6  }
0x107: {  	v10 =	vld [tilespmem:s9+$0xFFFFFF10];
	[tilespmem:s9+$0x30] =	vst v4;
	v4 =	vmul.f32 v9, v6  }
0x108: {  	[tilespmem:s9+$0x40] =	vst v2;
	v9 =	vld [tilespmem:s9+$0xFFFFFF20];
	v2 =	vmul.f32 v7, v6  }
0x109: {  	v7 =	vld [tilespmem:s9+$0xFFFFFF30];
	[tilespmem:s9+$0x50] =	vst v4;
	v4 =	vmul.f32 v5, v6  }
0x10a: {  	v5 =	vld [tilespmem:s9+$0xFFFFFF40];
	[tilespmem:s9+$0x60] =	vst v2;
	v2 =	vmul.f32 v8, v0  }
0x10b: {  	v8 =	vld [tilespmem:s9+$0xFFFFFF50];
	[tilespmem:s9+$0x70] =	vst v4  }
0x10c: {  	s17 =	sadd.s32 $0x40, s18;
	v4 =	vmul.f32 v10, v0;
	v10 =	vld [tilespmem:s9+$0xFFFFFF60];
	[tilespmem:s9+$0xFFFFFF00] =	vst v2  }
0x10d: {  	v2 =	vld [tilespmem:s9+$0xFFFFFF80];
	[tilespmem:s17+$0x0] =	vst v6;
	v6 =	vmul.f32 v9, v0  }
0x10e: {  	v7 =	vmul.f32 v7, v0;
	[tilespmem:s9+$0xFFFFFF10] =	vst v4;
	v4 =	vld [tilespmem:s9+$0xFFFFFF90]  }
0x10f: {  	v5 =	vmul.f32 v5, v0;
	[tilespmem:s9+$0xFFFFFF20] =	vst v6;
	v6 =	vld [tilespmem:s9+$0xFFFFFFA0]  }
0x110: {  	v8 =	vmul.f32 v8, v0;
	[tilespmem:s9+$0xFFFFFF30] =	vst v7;
	v7 =	vld [tilespmem:s9+$0xFFFFFFB0]  }
0x111: {  	v9 =	vmul.f32 v10, v0;
	[tilespmem:s9+$0xFFFFFF40] =	vst v5;
	v5 =	vld [tilespmem:s9+$0xFFFFFFC0]  }
0x112: {  	[tilespmem:s9+$0xFFFFFF50] =	vst v8;
	v2 =	vmul.f32 v2, v1;
	v8 =	vld [tilespmem:s9+$0xFFFFFFD0]  }
0x113: {  	[tilespmem:s9+$0xFFFFFF60] =	vst v9;
	v4 =	vmul.f32 v4, v1;
	v9 =	vld [tilespmem:s9+$0xFFFFFFE0]  }
0x114: {  	[tilespmem:s9+$0xFFFFFF80] =	vst v2;
	v2 =	vmul.f32 v6, v1;
	v6 =	vld [tilespmem:s9+$0xFFFFFFF0]  }
0x115: {  	[tilespmem:s9+$0xFFFFFF90] =	vst v4;
	v4 =	vmul.f32 v7, v1  }
0x116: {  	v7 =	vld [tilespmem:s9+$0xFFFFFF70];
	[tilespmem:s9+$0xFFFFFFA0] =	vst v2;
	v2 =	vmul.f32 v5, v1  }
0x117: {  	[tilespmem:s9+$0xFFFFFFB0] =	vst v4;
	v4 =	vmul.f32 v8, v1  }
0x118: {  	v5 =	vld [tilespmem:s9+$0x80];
	[tilespmem:s9+$0xFFFFFFC0] =	vst v2;
	v2 =	vmul.f32 v9, v1  }
0x119: {  	v8 =	vld [tilespmem:s9+$0x90];
	[tilespmem:s9+$0xFFFFFFD0] =	vst v4;
	v4 =	vmul.f32 v6, v1  }
0x11a: {  	v6 =	vld [tilespmem:s9+$0xA0];
	[tilespmem:s9+$0xFFFFFFE0] =	vst v2  }
0x11b: {  	v2 =	vmul.f32 v7, v0;
	v7 =	vld [tilespmem:s9+$0xB0];
	[tilespmem:s9+$0xFFFFFFF0] =	vst v4  }
0x11c: {  	v4 =	vld [tilespmem:s9+$0xC0];
	[tilespmem:s17+$0xFFFFFFF0] =	vst v1  }
0x11d: {  	v1 =	vmul.f32 v5, v3;
	v5 =	vld [tilespmem:s9+$0xD0];
	[tilespmem:s9+$0xFFFFFF70] =	vst v2  }
0x11e: {  	v2 =	vmul.f32 v8, v3;
	v8 =	vld [tilespmem:s9+$0xE0];
	[tilespmem:s17+$0xFFFFFFE0] =	vst v0  }
0x11f: {  	v0 =	vmul.f32 v6, v3;
	v6 =	vld [tilespmem:s9+$0xF0];
	[tilespmem:s9+$0x80] =	vst v1  }
0x120: {  	[tilespmem:s9+$0x90] =	vst v2;
	v1 =	vmul.f32 v7, v3  }
0x121: {  	v2 =	vmul.f32 v4, v3;
	[tilespmem:s9+$0xA0] =	vst v0  }
0x122: {  	v0 =	vmul.f32 v5, v3;
	[tilespmem:s9+$0xB0] =	vst v1  }
0x123: {  	v1 =	vmul.f32 v8, v3;
	[tilespmem:s9+$0xC0] =	vst v2  }
0x124: {  	v2 =	vmul.f32 v6, v3;
	[tilespmem:s9+$0xD0] =	vst v0  }
0x125: {  	s8 =	simm.s32 $0x0;
	[tilespmem:s9+$0xE0] =	vst v1  }
0x126: {  	s18 =	simm.s32 $0x2;
	v0 =	vmov s8;
	[tilespmem:s9+$0xF0] =	vst v2  }
0x127: {  	v1 =	vmov s18;
	v0 =	vand.u32 $0xFFFFFFFC, v0;
	[tilespmem:s17+$0x10] =	vst v3  }
0x128: {  	v1 =	vand.u32 $0xFFFFFFFE, v1;
	v0 =	vbroadcast v0, $0x0;
	[spmem:s3] =	stream.indirect.scatter.add.f32 [tilespmem:s30], [sflag:$0x5], $0x80, s23, s29, $0xb8;
	[tilespmem:$0x1FC00] =	vst v63  }
0x129: {  	s22 =	simm.s32 $0x1A480;
	v1 =	vbroadcast v1, $0x0  }
0x12a: {  	[spmem:s4] =	stream.indirect.scatter.add.f32 [tilespmem:s22], [sflag:$0x7], $0x10, s23, s29, $0xb8;
	[tilespmem:$0x1FC00] =	vst v63  }
0x12b: {  	_ =	swait.ge [sflag:s10], $0x2000  }
0x12c: {  	[sflag:s10] =	ssyncset.done $0x0  }
0x12d: {  	[sflag:s10] =	ssyncadd.s32 $0xFFFFE000  }
0x12e: {  	v10 =	vld.idx.msk [tilespmem:v0+s11+$0x0], $0xffff  }
0x12f: {  	s16 =	simm.s32 $0x18670;
	v1 =	vld.idx.msk [tilespmem:v1+s11+$0x0], $0xffff  }
0x130: {  	v2 =	vld [tilespmem:s16+$0xFFFFFF10]  }
0x131: {  	v3 =	vld [tilespmem:s16+$0xFFFFFF20]  }
0x132: {  	v4 =	vld [tilespmem:s16+$0xFFFFFF30]  }
0x133: {  	v5 =	vld [tilespmem:s16+$0xFFFFFF40]  }
0x134: {  	s9 =	simm.s32 $0x1;
	v6 =	vld [tilespmem:s16+$0xFFFFFF50]  }
0x135: {  	v0 =	vmov s9;
	v7 =	vld [tilespmem:s16+$0xFFFFFF60]  }
0x136: {  	v8 =	vld [tilespmem:s16+$0xFFFFFF70];
	v0 =	vand.u32 $0xFFFFFFFD, v0  }
0x137: {  	v9 =	vld [tilespmem:s16+$0xFFFFFE10];
	v0 =	vbroadcast v0, $0x0;
	v2 =	vmul.f32 v2, v1  }
0x138: {  	v11 =	vld [tilespmem:s16+$0xFFFFFE80];
	v4 =	vmul.f32 v4, v1  }
0x139: {  	v12 =	vld [tilespmem:s16+$0xFFFFFEB0];
	[tilespmem:s16+$0xFFFFFF10] =	vst v2;
	v2 =	vmul.f32 v3, v1  }
0x13a: {  	v3 =	vld [tilespmem:s16+$0xFFFFFF80];
	[tilespmem:s16+$0xFFFFFF30] =	vst v4;
	v4 =	vmul.f32 v6, v1  }
0x13b: {  	v6 =	vld [tilespmem:s16+$0xFFFFFE30];
	[tilespmem:s16+$0xFFFFFF20] =	vst v2;
	v2 =	vmul.f32 v5, v1  }
0x13c: {  	v5 =	vld [tilespmem:s16+$0xFFFFFE20];
	[tilespmem:s16+$0xFFFFFF50] =	vst v4;
	v4 =	vmul.f32 v8, v1  }
0x13d: {  	v0 =	vld.idx.msk [tilespmem:v0+s11+$0x0], $0xffff;
	[tilespmem:s16+$0xFFFFFF40] =	vst v2;
	v2 =	vmul.f32 v7, v1  }
0x13e: {  	v9 =	vmul.f32 v9, v10;
	v7 =	vld [tilespmem:s16+$0xFFFFFE40];
	[tilespmem:s16+$0xFFFFFF70] =	vst v4  }
0x13f: {  	v4 =	vld [tilespmem:s16+$0xFFFFFE70];
	[tilespmem:s16+$0xFFFFFF60] =	vst v2;
	v2 =	vmul.f32 v3, v1  }
0x140: {  	[tilespmem:s16+$0xFFFFFE10] =	vst v9;
	v8 =	vld [tilespmem:s16+$0xFFFFFE50]  }
0x141: {  	s18 =	simm.s32 $0x1A8B0;
	v3 =	vld [tilespmem:s16+$0xFFFFFE60];
	[tilespmem:s16+$0xFFFFFF80] =	vst v2;
	v2 =	vmul.f32 v5, v10  }
0x142: {  	v5 =	vmul.f32 v6, v10;
	[tilespmem:s18+$0xFFFFFFF0] =	vst v1;
	v1 =	vld [tilespmem:s16+$0xFFFFFE90]  }
0x143: {  	v6 =	vld [tilespmem:s16+$0xFFFFFEA0];
	v7 =	vmul.f32 v7, v10;
	[tilespmem:s16+$0xFFFFFE20] =	vst v2  }
0x144: {  	s17 =	simm.s32 $0x3;
	v4 =	vmul.f32 v4, v10;
	[tilespmem:s16+$0xFFFFFE30] =	vst v5;
	v5 =	vld [tilespmem:s16+$0xFFFFFEC0]  }
0x145: {  	v9 =	vmov s17;
	v2 =	vmul.f32 v8, v10;
	v8 =	vld [tilespmem:s16+$0xFFFFFEE0];
	[tilespmem:s16+$0xFFFFFE40] =	vst v7  }
0x146: {  	v3 =	vmul.f32 v3, v10;
	v7 =	vld [tilespmem:s16+$0xFFFFFED0];
	[tilespmem:s16+$0xFFFFFE70] =	vst v4  }
0x147: {  	v4 =	vld [tilespmem:s16+$0xFFFFFF00];
	[tilespmem:s16+$0xFFFFFE50] =	vst v2;
	v1 =	vmul.f32 v1, v0  }
0x148: {  	[tilespmem:s16+$0xFFFFFE60] =	vst v3;
	v3 =	vld [tilespmem:s16+$0xFFFFFEF0];
	v6 =	vmul.f32 v6, v0  }
0x149: {  	s22 =	simm.s32 $0x4;
	v63 =	vld [tilespmem:s16+$0xFFFFFF90];
	s9 =	simm.s32 $0x7;
	[tilespmem:s16+$0xFFFFFE90] =	vst v1;
	v1 =	vmul.f32 v12, v0  }
0x14a: {  	v13 =	vmov s9;
	s17 =	simm.s32 $0x5;
	v2 =	vld.idx.msk [tilespmem:v9+s11+$0x0], $0xffff;
	v9 =	vmov s22;
	[tilespmem:s16+$0xFFFFFEA0] =	vst v6;
	v5 =	vmul.f32 v5, v0  }
0x14b: {  	v15 =	vld [tilespmem:s16+$0xFFFFFFC0];
	v6 =	vand.u32 $0xFFFFFFFC, v9;
	v9 =	vmov s17;
	[tilespmem:s16+$0xFFFFFEB0] =	vst v1;
	v1 =	vmul.f32 v7, v0  }
0x14c: {  	v17 =	vld [tilespmem:s16+$0xFFFFFFD0];
	s22 =	simm.s32 $0x6;
	v14 =	vbroadcast v6, $0x0;
	v6 =	vand.u32 $0xFFFFFFFD, v9;
	[tilespmem:s16+$0xFFFFFEC0] =	vst v5;
	v5 =	vmul.f32 v8, v0  }
0x14d: {  	v7 =	vld [tilespmem:s16+$0xFFFFFFA0];
	[tilespmem:s16+$0xFFFFFED0] =	vst v1;
	v1 =	vmul.f32 v3, v0;
	v3 =	vmul.f32 v4, v0;
	v4 =	vmov s22  }
0x14e: {  	v8 =	vld [tilespmem:s16+$0xFFFFFFB0];
	v16 =	vbroadcast v6, $0x0;
	[tilespmem:s16+$0xFFFFFEE0] =	vst v5;
	v4 =	vand.u32 $0xFFFFFFFE, v4  }
0x14f: {  	v18 =	vld [tilespmem:s16+$0xFFFFFFE0];
	[tilespmem:s16+$0xFFFFFEF0] =	vst v1;
	v6 =	vbroadcast v4, $0x0  }
0x150: {  	v5 =	vld [tilespmem:s16+$0xFFFFFFF0];
	v1 =	vmul.f32 v11, v10;
	[tilespmem:s16+$0xFFFFFF00] =	vst v3  }
0x151: {  	v4 =	vld [tilespmem:s16+$0x0];
	v11 =	vmul.f32 v63, v2;
	[tilespmem:s18+$0xFFFFFFE0] =	vst v0  }
0x152: {  	v3 =	vld.idx.msk [tilespmem:v13+s11+$0x0], $0xffff;
	v9 =	vmul.f32 v7, v2;
	[tilespmem:s16+$0xFFFFFE80] =	vst v1  }
0x153: {  	v7 =	vmul.f32 v8, v2;
	v8 =	vmul.f32 v15, v2;
	v0 =	vld.idx.msk [tilespmem:v14+s11+$0x0], $0xffff;
	[tilespmem:s16+$0xFFFFFF90] =	vst v11  }
0x154: {  	s9 =	simm.s32 $0x18670;
	s22 =	simm.s32 $0x8;
	v1 =	vld.idx.msk [tilespmem:v16+s11+$0x0], $0xffff;
	v11 =	vmul.f32 v18, v2;
	[tilespmem:s18+$0xFFFFFFD0] =	vst v10;
	v10 =	vmul.f32 v17, v2  }
.LBB2_5:
0x155: {  	p0 =	slt.u32 s22, $0x3C;
	v6 =	vld.idx.msk [tilespmem:v6+s11+$0x0], $0xffff;
	[tilespmem:s16+$0xFFFFFFA0] =	vst v9;
	v5 =	vmul.f32 v5, v2;
	s9 =	sadd.s32 $0x200, s9  }
0x156: {  	v9 =	vld [tilespmem:s9+$0xFFFFFF10];
	[tilespmem:s16+$0xFFFFFFB0] =	vst v7;
	v4 =	vmul.f32 v4, v2  }
0x157: {  	v7 =	vld [tilespmem:s9+$0xFFFFFF20];
	[tilespmem:s16+$0xFFFFFFC0] =	vst v8  }
0x158: {  	v8 =	vld [tilespmem:s9+$0xFFFFFF30];
	[tilespmem:s16+$0xFFFFFFD0] =	vst v10  }
0x159: {  	v10 =	vld [tilespmem:s9+$0xFFFFFF40];
	[tilespmem:s16+$0xFFFFFFE0] =	vst v11  }
0x15a: {  	v11 =	vld [tilespmem:s9+$0xFFFFFF50];
	[tilespmem:s16+$0xFFFFFFF0] =	vst v5  }
0x15b: {  	v5 =	vmul.f32 v9, v6;
	v9 =	vld [tilespmem:s9+$0xFFFFFF60];
	[tilespmem:s16+$0x0] =	vst v4;
	s16 =	smov.u32 s9  }
0x15c: {  	v4 =	vmul.f32 v7, v6;
	v7 =	vld [tilespmem:s9+$0xFFFFFF70];
	[tilespmem:s18+$0x0] =	vst v2;
	v2 =	vmov v3  }
0x15d: {  	[tilespmem:s9+$0xFFFFFF10] =	vst v5;
	v3 =	vmul.f32 v8, v6;
	v5 =	vld [tilespmem:s9+$0xFFFFFF80]  }
0x15e: {  	v8 =	vld [tilespmem:s9+$0xFFFFFE10];
	[tilespmem:s9+$0xFFFFFF20] =	vst v4;
	v4 =	vmul.f32 v10, v6  }
0x15f: {  	v10 =	vld [tilespmem:s9+$0xFFFFFE20];
	[tilespmem:s9+$0xFFFFFF30] =	vst v3;
	v3 =	vmul.f32 v11, v6  }
0x160: {  	v11 =	vld [tilespmem:s9+$0xFFFFFE30];
	[tilespmem:s9+$0xFFFFFF40] =	vst v4;
	v4 =	vmul.f32 v9, v6  }
0x161: {  	v9 =	vld [tilespmem:s9+$0xFFFFFE40];
	[tilespmem:s9+$0xFFFFFF50] =	vst v3;
	v3 =	vmul.f32 v7, v6  }
0x162: {  	v7 =	vld [tilespmem:s9+$0xFFFFFE50];
	[tilespmem:s9+$0xFFFFFF60] =	vst v4;
	v4 =	vmul.f32 v5, v6  }
0x163: {  	v5 =	vmul.f32 v8, v0;
	v8 =	vld [tilespmem:s9+$0xFFFFFE60];
	[tilespmem:s9+$0xFFFFFF70] =	vst v3  }
0x164: {  	s18 =	sadd.s32 $0x40, s18;
	v3 =	vmul.f32 v10, v0;
	v10 =	vld [tilespmem:s9+$0xFFFFFE70];
	[tilespmem:s9+$0xFFFFFF80] =	vst v4  }
0x165: {  	v4 =	vmul.f32 v11, v0;
	v11 =	vld [tilespmem:s9+$0xFFFFFE80];
	[tilespmem:s18+$0xFFFFFFF0] =	vst v6  }
0x166: {  	[tilespmem:s9+$0xFFFFFE10] =	vst v5;
	v5 =	vmul.f32 v9, v0;
	v6 =	vld [tilespmem:s9+$0xFFFFFE90]  }
0x167: {  	[tilespmem:s9+$0xFFFFFE20] =	vst v3;
	v3 =	vmul.f32 v7, v0;
	v7 =	vld [tilespmem:s9+$0xFFFFFEA0]  }
0x168: {  	[tilespmem:s9+$0xFFFFFE30] =	vst v4;
	v4 =	vmul.f32 v8, v0;
	v8 =	vld [tilespmem:s9+$0xFFFFFEB0]  }
0x169: {  	[tilespmem:s9+$0xFFFFFE40] =	vst v5;
	v5 =	vmul.f32 v10, v0;
	v9 =	vld [tilespmem:s9+$0xFFFFFEC0]  }
0x16a: {  	[tilespmem:s9+$0xFFFFFE50] =	vst v3;
	v10 =	vmul.f32 v11, v0;
	v3 =	vld [tilespmem:s9+$0xFFFFFED0]  }
0x16b: {  	[tilespmem:s9+$0xFFFFFE60] =	vst v4;
	v4 =	vmul.f32 v6, v1;
	v6 =	vld [tilespmem:s9+$0xFFFFFEE0]  }
0x16c: {  	[tilespmem:s9+$0xFFFFFE70] =	vst v5;
	v5 =	vmul.f32 v7, v1;
	v7 =	vld [tilespmem:s9+$0xFFFFFEF0]  }
0x16d: {  	[tilespmem:s9+$0xFFFFFE90] =	vst v4;
	v4 =	vmul.f32 v8, v1;
	v8 =	vld [tilespmem:s9+$0xFFFFFF00]  }
0x16e: {  	s8 =	sadd.s32 $0x3, s22;
	v11 =	vmov s22;
	[tilespmem:s9+$0xFFFFFEA0] =	vst v5;
	v5 =	vmul.f32 v9, v1;
	v9 =	vld [tilespmem:s9+$0xFFFFFF90]  }
0x16f: {  	s17 =	sadd.s32 $0x1, s22;
	v12 =	vmov s8;
	v11 =	vand.u32 $0xFFFFFFFC, v11;
	[tilespmem:s9+$0xFFFFFEB0] =	vst v4;
	v3 =	vmul.f32 v3, v1;
	v4 =	vld [tilespmem:s9+$0xFFFFFFA0]  }
0x170: {  	v13 =	vmov s17;
	s8 =	sadd.s32 $0x2, s22;
	v11 =	vbroadcast v11, $0x0;
	[tilespmem:s9+$0xFFFFFEC0] =	vst v5;
	v5 =	vmul.f32 v6, v1;
	v14 =	vld [tilespmem:s9+$0xFFFFFFB0]  }
0x171: {  	v6 =	vand.u32 $0xFFFFFFFD, v13;
	v13 =	vmov s8;
	[tilespmem:s9+$0xFFFFFED0] =	vst v3;
	v3 =	vmul.f32 v7, v1;
	v15 =	vld [tilespmem:s9+$0xFFFFFFC0]  }
0x172: {  	v16 =	vbroadcast v6, $0x0;
	v6 =	vand.u32 $0xFFFFFFFE, v13;
	[tilespmem:s9+$0xFFFFFEE0] =	vst v5;
	v5 =	vmul.f32 v8, v1;
	v13 =	vld [tilespmem:s9+$0xFFFFFFD0]  }
0x173: {  	v6 =	vbroadcast v6, $0x0;
	[tilespmem:s9+$0xFFFFFEF0] =	vst v3;
	v17 =	vmul.f32 v9, v2;
	v18 =	vld [tilespmem:s9+$0xFFFFFFE0]  }
.Ltmp1:
0x174: {  	[tilespmem:s9+$0xFFFFFF00] =	vst v5;
	v9 =	vmul.f32 v4, v2;
	v5 =	vld [tilespmem:s9+$0xFFFFFFF0];
	(pc) =	sbr.rel @p0 .LBB2_5-.Ltmp1, $4  }
0x175: {  	[tilespmem:s18+$0xFFFFFFE0] =	vst v1;
	v7 =	vmul.f32 v14, v2;
	v4 =	vld [tilespmem:s9+$0x0]  }
0x176: {  	v3 =	vld.idx.msk [tilespmem:v12+s11+$0x0], $0xffff;
	[tilespmem:s9+$0xFFFFFE80] =	vst v10;
	v8 =	vmul.f32 v15, v2  }
0x177: {  	[tilespmem:s18+$0xFFFFFFD0] =	vst v0;
	v0 =	vld.idx.msk [tilespmem:v11+s11+$0x0], $0xffff;
	v10 =	vmul.f32 v13, v2  }
0x178: {  	s22 =	sadd.s32 $0x4, s22;
	v1 =	vld.idx.msk [tilespmem:v16+s11+$0x0], $0xffff;
	[tilespmem:s9+$0xFFFFFF90] =	vst v17;
	v11 =	vmul.f32 v18, v2  }
0x179: {  	_ =	sdelay $0x3  }
0x17a: {  	v6 =	vld.idx.msk [tilespmem:v6+s11+$0x0], $0xffff;
	[tilespmem:s16+$0xFFFFFFA0] =	vst v9;
	s9 =	sadd.s32 $0x200, s9  }
0x17b: {  	[tilespmem:s16+$0xFFFFFFB0] =	vst v7;
	v57 =	vld [tilespmem:s9+$0xFFFFFF10]  }
0x17c: {  	[tilespmem:s16+$0xFFFFFFC0] =	vst v8;
	v58 =	vld [tilespmem:s9+$0xFFFFFF20]  }
0x17d: {  	v5 =	vmul.f32 v5, v2;
	[tilespmem:s16+$0xFFFFFFD0] =	vst v10;
	v59 =	vld [tilespmem:s9+$0xFFFFFF30]  }
0x17e: {  	v4 =	vmul.f32 v4, v2;
	v60 =	vld [tilespmem:s9+$0xFFFFFF40];
	[tilespmem:s16+$0xFFFFFFE0] =	vst v11  }
0x17f: {  	v61 =	vld [tilespmem:s9+$0xFFFFFF50];
	[tilespmem:s16+$0xFFFFFFF0] =	vst v5  }
0x180: {  	v63 =	vld [tilespmem:s9+$0xFFFFFF60];
	[tilespmem:s16+$0x0] =	vst v4;
	v62 =	vmul.f32 v57, v6  }
0x181: {  	v13 =	vld [tilespmem:s9+$0xFFFFFF70];
	[tilespmem:s18+$0x0] =	vst v2;
	v12 =	vmul.f32 v58, v6  }
0x182: {  	v15 =	vld [tilespmem:s9+$0xFFFFFF80];
	v14 =	vmul.f32 v59, v6;
	[tilespmem:s9+$0xFFFFFF10] =	vst v62  }
0x183: {  	v17 =	vld [tilespmem:s9+$0xFFFFFE10];
	v16 =	vmul.f32 v60, v6;
	[tilespmem:s9+$0xFFFFFF20] =	vst v12  }
0x184: {  	v19 =	vld [tilespmem:s9+$0xFFFFFE20];
	v18 =	vmul.f32 v61, v6;
	[tilespmem:s9+$0xFFFFFF30] =	vst v14  }
0x185: {  	v21 =	vld [tilespmem:s9+$0xFFFFFE30];
	v20 =	vmul.f32 v63, v6;
	[tilespmem:s9+$0xFFFFFF40] =	vst v16  }
0x186: {  	v23 =	vld [tilespmem:s9+$0xFFFFFE40];
	v22 =	vmul.f32 v13, v6;
	[tilespmem:s9+$0xFFFFFF50] =	vst v18  }
0x187: {  	v25 =	vld [tilespmem:s9+$0xFFFFFE50];
	v24 =	vmul.f32 v15, v6;
	[tilespmem:s9+$0xFFFFFF60] =	vst v20  }
0x188: {  	v27 =	vld [tilespmem:s9+$0xFFFFFE60];
	v26 =	vmul.f32 v17, v0;
	[tilespmem:s9+$0xFFFFFF70] =	vst v22  }
0x189: {  	v29 =	vld [tilespmem:s9+$0xFFFFFE70];
	v28 =	vmul.f32 v19, v0;
	[tilespmem:s9+$0xFFFFFF80] =	vst v24  }
0x18a: {  	v31 =	vld [tilespmem:s9+$0xFFFFFE90];
	v30 =	vmul.f32 v21, v0;
	[tilespmem:s9+$0xFFFFFE10] =	vst v26  }
0x18b: {  	v32 =	vld [tilespmem:s9+$0xFFFFFEA0];
	v7 =	vmul.f32 v23, v0;
	[tilespmem:s9+$0xFFFFFE20] =	vst v28  }
0x18c: {  	v33 =	vld [tilespmem:s9+$0xFFFFFEB0];
	v5 =	vmul.f32 v25, v0;
	[tilespmem:s9+$0xFFFFFE30] =	vst v30  }
0x18d: {  	v34 =	vld [tilespmem:s9+$0xFFFFFEC0];
	v8 =	vmul.f32 v27, v0;
	[tilespmem:s9+$0xFFFFFE40] =	vst v7  }
0x18e: {  	v36 =	vld [tilespmem:s9+$0xFFFFFED0];
	v35 =	vmul.f32 v29, v0;
	[tilespmem:s9+$0xFFFFFE50] =	vst v5  }
0x18f: {  	v37 =	vld [tilespmem:s9+$0xFFFFFEE0];
	v2 =	vmul.f32 v31, v1;
	[tilespmem:s9+$0xFFFFFE60] =	vst v8  }
0x190: {  	v38 =	vld [tilespmem:s9+$0xFFFFFEF0];
	v4 =	vmul.f32 v32, v1;
	[tilespmem:s9+$0xFFFFFE70] =	vst v35  }
0x191: {  	v40 =	vld [tilespmem:s9+$0xFFFFFF00];
	v39 =	vmul.f32 v33, v1;
	[tilespmem:s9+$0xFFFFFE90] =	vst v2  }
0x192: {  	v42 =	vld [tilespmem:s9+$0xFFFFFE80];
	v41 =	vmul.f32 v34, v1;
	[tilespmem:s9+$0xFFFFFEA0] =	vst v4  }
0x193: {  	v45 =	vld [tilespmem:s9+$0xFFFFFF90];
	v43 =	vmul.f32 v36, v1;
	[tilespmem:s9+$0xFFFFFEB0] =	vst v39  }
0x194: {  	v47 =	vld [tilespmem:s9+$0xFFFFFFA0];
	v44 =	vmul.f32 v37, v1;
	[tilespmem:s9+$0xFFFFFEC0] =	vst v41  }
0x195: {  	v49 =	vld [tilespmem:s9+$0xFFFFFFB0];
	v46 =	vmul.f32 v38, v1;
	[tilespmem:s9+$0xFFFFFED0] =	vst v43  }
0x196: {  	v51 =	vld [tilespmem:s9+$0xFFFFFFC0];
	v48 =	vmul.f32 v40, v1;
	[tilespmem:s9+$0xFFFFFEE0] =	vst v44  }
0x197: {  	v52 =	vld [tilespmem:s9+$0xFFFFFFD0];
	v50 =	vmul.f32 v42, v0;
	[tilespmem:s9+$0xFFFFFEF0] =	vst v46  }
0x198: {  	v54 =	vld [tilespmem:s9+$0xFFFFFFE0];
	v53 =	vmul.f32 v45, v3;
	[tilespmem:s9+$0xFFFFFF00] =	vst v48  }
0x199: {  	v55 =	vmul.f32 v47, v3;
	[tilespmem:s9+$0xFFFFFE80] =	vst v50  }
0x19a: {  	v57 =	vmul.f32 v49, v3;
	[tilespmem:s9+$0xFFFFFF90] =	vst v53  }
0x19b: {  	v59 =	vmul.f32 v51, v3;
	[tilespmem:s9+$0xFFFFFFA0] =	vst v55  }
0x19c: {  	v56 =	vld [tilespmem:s9+$0xFFFFFFF0];
	v60 =	vmul.f32 v52, v3;
	[tilespmem:s9+$0xFFFFFFB0] =	vst v57  }
0x19d: {  	v58 =	vld [tilespmem:s9+$0x0];
	v61 =	vmul.f32 v54, v3;
	[tilespmem:s9+$0xFFFFFFC0] =	vst v59  }
0x19e: {  	[tilespmem:s9+$0xFFFFFFD0] =	vst v60  }
0x19f: {  	s22 =	sadd.s32 $0x40, s18;
	[tilespmem:s9+$0xFFFFFFE0] =	vst v61  }
0x1a0: {  	[tilespmem:s22+$0xFFFFFFF0] =	vst v6  }
0x1a1: {  	v62 =	vmul.f32 v56, v3;
	[tilespmem:s22+$0xFFFFFFE0] =	vst v1  }
0x1a2: {  	s24 =	sadd.s32 $0x1, s24;
	[tilespmem:s22+$0xFFFFFFD0] =	vst v0;
	v63 =	vmul.f32 v58, v3  }
0x1a3: {  	p0 =	sne.s32 s24, s12;
	[tilespmem:s9+$0xFFFFFFF0] =	vst v62  }
.Ltmp2:
0x1a4: {  	[tilespmem:s9+$0x0] =	vst v63;
	(pc) =	sbr.rel @p0 .LBB2_2-.Ltmp2, $4  }
0x1a5: {  	[tilespmem:s22+$0x0] =	vst v3  }
0x1a6: {  	[spmem:s3] =	stream.indirect.scatter.add.f32 [tilespmem:s0], [sflag:$0x6], $0x80, s26, s29, $0xb8;
	[tilespmem:$0x1FC00] =	vst v63  }
0x1a7: {  	_ = 	snop  }
0x1a8: {  	[spmem:s4] =	stream.indirect.scatter.add.f32 [tilespmem:s15], [sflag:$0x8], $0x10, s26, s29, $0xb8;
	[tilespmem:$0x1FC00] =	vst v63  }
0x1a9: {  	s8 =	simm.s32 $0x5  }
0x1aa: {  	_ =	swait.ge [sflag:s8], $0x2000  }
0x1ab: {  	[sflag:s8] =	ssyncset.done $0x0  }
0x1ac: {  	s24 =	simm.s32 $0x7;
	[sflag:s8] =	ssyncadd.s32 $0xFFFFE000  }
0x1ad: {  	_ =	swait.ge [sflag:s24], $0x400  }
0x1ae: {  	[sflag:s24] =	ssyncset.done $0x0  }
0x1af: {  	s9 =	simm.s32 $0x6;
	[sflag:s24] =	ssyncadd.s32 $0xFFFFFC00  }
0x1b0: {  	_ =	swait.ge [sflag:s9], $0x2000  }
0x1b1: {  	[sflag:s9] =	ssyncset.done $0x0  }
0x1b2: {  	s16 =	simm.s32 $0x8;
	[sflag:s9] =	ssyncadd.s32 $0xFFFFE000  }
0x1b3: {  	_ =	swait.ge [sflag:s16], $0x400  }
0x1b4: {  	[sflag:s16] =	ssyncset.done $0x0  }
0x1b5: {  	[sflag:s16] =	ssyncadd.s32 $0xFFFFFC00  }
0x1b6: {  	[bflag:$0x0] =	sbarrier.arrive $0xFFFF  }
0x1b7: {  	s22 =	rddreg [dreg:$0x7]  }
0x1b8: {  	s16 =	rddreg [dreg:$0xb]  }
0x1b9: {  	s17 =	rddreg [dreg:$0xd]  }
0x1ba: {  	[hbm:s17], [sflag:s22] =	dma.local [spmem:s16], $0x2780  }
0x1bb: {  	s17 =	simm.s32 $0x9  }
0x1bc: {  	_ =	swait.ge [sflag:s17], $0x2780  }
0x1bd: {  	[sflag:s17] =	ssyncset.done $0x0;
	s9 =	rddreg [dreg:$0xc]  }
0x1be: {  	s18 =	rddreg [dreg:$0xe];
	[sflag:s17] =	ssyncadd.s32 $0xFFFFD880  }
0x1bf: {  	[hbm:s18], [sflag:s22] =	dma.local [spmem:s9], $0x4F0  }
0x1c0: {  	_ =	swait.ge [sflag:s17], $0x4F0  }
0x1c1: {  	s18 =	rddreg [dreg:$0xf]  }
0x1c2: {  	s24 =	rddreg [dreg:$0xa];
	s18 =	sadd.s32 $0x1, s18  }
0x1c3: {  	p0 =	sne.s32 s18, s24  }
.Ltmp3:
0x1c4: {  	_ = 	snop;
	(pc) =	sbr.rel @p0 .LBB2_1-.Ltmp3, $3  }
0x1c5: {  	_ =	sdelay $0x1  }
0x1c6: {  	[sflag:s17] =	ssyncset.done $0x0  }
0x1c7: {  	[sflag:s17] =	ssyncadd.s32 $0xFFFFFB10  }
0x1c8: {  	_ =	sfence.sel $0x180000  }
0x1c9: {  	[bflag:$0x0] =	sbarrier.arrive $0xFFFF  }
0x1ca: {  	_ =	strace $0x9000004A  }
0x1cb: {  	s0 =	stileid.u32;
	[bflag:$0x2] =	sbarrier.arrive $0xFFFF  }
0x1cc: {  	p0 =	sne.s32 s0, $0x0;
	s0 =	rddreg [dreg:$0x4]  }
0x1cd: {  	s0 =	sadd.s32 @!p0 $0x100000, s0  }
0x1ce: {  	[sflag:s0] =	ssyncadd.tile.s32 @!p0 $0x1;
	_ =	shalt  }
.Lfunc_end2:
_tile_overlayer_lowered:
.L_overlay_start_2:
0x1cf: {  	(tag) =	ssettag $0x2  }
0x1d0: {  	s0 =	rddreg [dreg:$0x0];
	s2 =	stileid.u32  }
0x1d1: {  	s1 =	rddreg [dreg:$0x1];
	p0 =	sne.s32 s2, $0x0  }
0x1d2: {  	s3 =	rddreg [dreg:$0x2];
	[bflag:$0x3] =	sbarrier.arrive $0xFFFF;
	s2 =	simm.s32 @!p0 $0x1C09  }
0x1d3: {  	[timem:s3], [sflag:s2] =	dma.local @!p0 [hbm:s0], s1  }
0x1d4: {  	s0 =	simm.s32 @!p0 $0x9  }
0x1d5: {  	_ =	swait.ge @!p0 [sflag:s0], s1  }
0x1d6: {  	s1 =	ssub.s32 @!p0 $0x0, s1;
	[sflag:s0] =	ssyncset.done @!p0 $0x0  }
0x1d7: {  	[sflag:s0] =	ssyncadd.s32 @!p0 s1  }
0x1d8: {  	[bflag:$0x3] =	sbarrier.arrive $0xFFFF  }
0x1d9: {  	_ =	shalt  }

</sc_bundles>
